<compile_context>
chip_gen: v7x
topology: tpu7x:2x2x1
jax: 0.10.2.dev20260603
libtpu: 0.0.44.dev20260713+nightly
codegen_flags: <defaults>
</compile_context>

<pallas_src>
import functools

import jax
import jax.numpy as jnp
from jax import lax
from jax.experimental import pallas as pl
from jax.experimental.pallas import tpu as pltpu
from jax.experimental.pallas import tpu_sc as plsc

F32 = jnp.float32
BF16 = jnp.bfloat16
_PREC = lax.Precision.DEFAULT

_N_NODES = 10000
_N_EDGES = 320000
_EDGE_DIM = 16
_NODE_DIM = 128
_HID = 64
_N_GRAPHS = 16

_NSLICE = 5
_ESL = _N_EDGES // _NSLICE

_NC = 2
_NS = 16
_NW = _NC * _NS
_EPW = _ESL // _NW
_CHUNK = 80
_NCHUNK = _EPW // _CHUNK

_BE = 12800
_NBLK = _ESL // _BE
_NBLK_ALL = _N_EDGES // _BE


def _prep_body(nodes_ref, w1s_ref, w1d_ref, gg_ref, w1u_ref, b1_ref,
               ps_ref, pd_ref, g_ref):
    n = nodes_ref[...]
    ps_ref[...] = jnp.dot(n, w1s_ref[...], precision=_PREC,
                          preferred_element_type=F32)
    pd_ref[...] = jnp.dot(n, w1d_ref[...], precision=_PREC,
                          preferred_element_type=F32)
    g_ref[...] = jnp.dot(gg_ref[...], w1u_ref[...], precision=_PREC,
                         preferred_element_type=F32) + b1_ref[...]


def _gather_body(ps_hbm, pd_hbm, send_hbm, recv_hbm,
                 out_hbm, idxs, idxr, bufs, sems):
    wid = lax.axis_index("s") * _NC + lax.axis_index("c")
    base = wid * _EPW
    pltpu.sync_copy(send_hbm.at[pl.ds(base, _EPW)], idxs)
    pltpu.sync_copy(recv_hbm.at[pl.ds(base, _EPW)], idxr)

    def _gather_copies(b, c):
        r0, r1 = bufs[b]
        semg, _ = sems[b]
        sl = pl.ds(c * _CHUNK, _CHUNK)
        return (
            pltpu.make_async_copy(ps_hbm.at[idxs.at[sl]], r0, semg),
            pltpu.make_async_copy(pd_hbm.at[idxr.at[sl]], r1, semg),
        )

    def _write_copies(b, c):
        r0, r1 = bufs[b]
        _, semw = sems[b]
        off = base + c * _CHUNK
        return (
            pltpu.make_async_copy(
                r0, out_hbm.at[pl.ds(off, _CHUNK), pl.ds(0, _HID)], semw),
            pltpu.make_async_copy(
                r1, out_hbm.at[pl.ds(off, _CHUNK), pl.ds(_HID, _HID)], semw),
        )

    def fire(b, c):
        for cp in _gather_copies(b, c):
            cp.start()

    def waitg(b, c):
        for cp in _gather_copies(b, c):
            cp.wait()

    def firew(b, c):
        for cp in _write_copies(b, c):
            cp.start()

    def waitw(b, c):
        for cp in _write_copies(b, c):
            cp.wait()

    fire(0, 0)
    fire(1, 1)
    waitg(0, 0)
    firew(0, 0)
    waitg(1, 1)
    firew(1, 1)
    waitw(0, 0)
    fire(0, 2)

    @pl.loop(1, _NCHUNK // 2)
    def _pair(k):
        c0 = 2 * k
        waitw(1, c0 - 1)
        fire(1, c0 + 1)
        waitg(0, c0)
        firew(0, c0)
        waitg(1, c0 + 1)
        firew(1, c0 + 1)
        waitw(0, c0)
        fire(0, c0 + 2)

    last = _NCHUNK - 1
    waitg(0, last)
    firew(0, last)
    waitw(0, last)
    waitw(1, last - 1)


def _mlp_body(s2_ref, et_ref, b3_ref, g_ref, j_ref, w1e_ref, w2_ref, b2_ref,
              ot_ref):
    brow = jnp.broadcast_to(b3_ref[0], (_N_GRAPHS, _BE))
    onehot_t = (brow == lax.broadcasted_iota(jnp.int32, (_N_GRAPHS, _BE), 0)
                ).astype(BF16)
    x = (jnp.dot(s2_ref[...].astype(BF16), j_ref[...],
                 preferred_element_type=F32)
         + lax.dot_general(et_ref[...].astype(BF16), w1e_ref[...],
                           (((0,), (0,)), ((), ())),
                           preferred_element_type=F32)
         + lax.dot_general(onehot_t, g_ref[...],
                           (((0,), (0,)), ((), ())),
                           preferred_element_type=F32))
    h = jnp.maximum(x, 0.0)
    ot_ref[...] = lax.dot_general(w2_ref[...], h,
                                  (((0,), (1,)), ((), ())), precision=_PREC,
                                  preferred_element_type=F32) + b2_ref[...]


def kernel(nodes, edges, graph_globals, W1, b1, W2, b2, edge_index,
           batch_edges):
    W1e = W1[:_EDGE_DIM]
    W1s = W1[_EDGE_DIM:_EDGE_DIM + _NODE_DIM]
    W1d = W1[_EDGE_DIM + _NODE_DIM:_EDGE_DIM + 2 * _NODE_DIM]
    W1u = W1[_EDGE_DIM + 2 * _NODE_DIM:]
    send = edge_index[0]
    recv = edge_index[1]
    b1r = b1.reshape(1, _HID)
    b2c = b2.reshape(_EDGE_DIM, 1)
    jmat = jnp.concatenate([jnp.eye(_HID, dtype=BF16),
                            jnp.eye(_HID, dtype=BF16)], axis=0)
    w1e_bf = W1e.astype(BF16)
    edges_t = edges.T
    batch3 = batch_edges.reshape(_NBLK_ALL, 1, _BE)

    ps, pd, g = pl.pallas_call(
        _prep_body,
        out_shape=[
            jax.ShapeDtypeStruct((_N_NODES, _HID), F32),
            jax.ShapeDtypeStruct((_N_NODES, _HID), F32),
            jax.ShapeDtypeStruct((_N_GRAPHS, _HID), F32),
        ],
    )(nodes, W1s, W1d, graph_globals, W1u, b1r)

    mesh = plsc.VectorSubcoreMesh(core_axis_name="c", subcore_axis_name="s",
                                  num_cores=_NC, num_subcores=_NS)

    def _gather_entry(ps_hbm, pd_hbm, send_hbm, recv_hbm,
                      out_hbm, idxs, idxr,
                      r0a, r1a, r0b, r1b, sga, swa, sgb, swb):
        _gather_body(ps_hbm, pd_hbm, send_hbm, recv_hbm,
                     out_hbm, idxs, idxr,
                     [(r0a, r1a), (r0b, r1b)],
                     [(sga, swa), (sgb, swb)])

    gather = functools.partial(
        pl.kernel,
        mesh=mesh,
        compiler_params=pltpu.CompilerParams(use_tc_tiling_on_sc=False),
        out_type=jax.ShapeDtypeStruct((_ESL, 2 * _HID), F32),
        scratch_types=[
            pltpu.VMEM((_EPW,), jnp.int32),
            pltpu.VMEM((_EPW,), jnp.int32),
            pltpu.VMEM((_CHUNK, _HID), F32),
            pltpu.VMEM((_CHUNK, _HID), F32),
            pltpu.VMEM((_CHUNK, _HID), F32),
            pltpu.VMEM((_CHUNK, _HID), F32),
            pltpu.SemaphoreType.DMA,
            pltpu.SemaphoreType.DMA,
            pltpu.SemaphoreType.DMA,
            pltpu.SemaphoreType.DMA,
        ],
    )(_gather_entry)
    s2s = [gather(ps, pd, send[k * _ESL:(k + 1) * _ESL],
                  recv[k * _ESL:(k + 1) * _ESL]) for k in range(_NSLICE)]

    parts = []
    for k in range(_NSLICE):
        part = pl.pallas_call(
            _mlp_body,
            grid=(_NBLK,),
            in_specs=[
                pl.BlockSpec((_BE, 2 * _HID), lambda i: (i, 0)),
                pl.BlockSpec((_EDGE_DIM, _BE),
                             lambda i, k=k: (0, i + k * _NBLK)),
                pl.BlockSpec((1, 1, _BE),
                             lambda i, k=k: (i + k * _NBLK, 0, 0)),
                pl.BlockSpec((_N_GRAPHS, _HID), lambda i: (0, 0)),
                pl.BlockSpec((2 * _HID, _HID), lambda i: (0, 0)),
                pl.BlockSpec((_EDGE_DIM, _HID), lambda i: (0, 0)),
                pl.BlockSpec((_HID, _EDGE_DIM), lambda i: (0, 0)),
                pl.BlockSpec((_EDGE_DIM, 1), lambda i: (0, 0)),
            ],
            out_specs=pl.BlockSpec((_EDGE_DIM, _BE), lambda i: (0, i)),
            out_shape=jax.ShapeDtypeStruct((_EDGE_DIM, _ESL), F32),
        )(s2s[k], edges_t, batch3, g.astype(BF16), jmat, w1e_bf, W2, b2c)
        parts.append(part)
    out_t = jnp.concatenate(parts, axis=1)
    return out_t.T

# --- scband reference (transcript-rebuilt; emitter-appended) ---
"""Pipeline reference for scband-edge-block-1855425872039 (READ-ONLY COPY).

The authoritative reference and input builder live on the scoring server;
editing this copy changes nothing except your own understanding.
"""

import jax, jax.numpy as jnp
import numpy as np

NODE_DIM = 128
EDGE_DIM = 16
GLOBAL_DIM = 64
HIDDEN = 64
N_NODES = 10000
N_EDGES = 320000
N_GRAPHS = 16


def setup_inputs(seed: int = 0) -> dict:
    key = jax.random.key(seed)
    ks = jax.random.split(key, 10)
    nodes = jax.random.normal(ks[0], (N_NODES, NODE_DIM), dtype=jnp.float32)
    edge_index = jax.random.randint(ks[1], (2, N_EDGES), 0, N_NODES, dtype=jnp.int64 if jax.config.read('jax_enable_x64') else jnp.int32).astype(jnp.int32)
    edges = jax.random.normal(ks[2], (N_EDGES, EDGE_DIM), dtype=jnp.float32)
    graph_globals = jax.random.normal(ks[3], (N_GRAPHS, GLOBAL_DIM), dtype=jnp.float32)
    batch_edges = jnp.sort(jax.random.randint(ks[4], (N_EDGES,), 0, N_GRAPHS, dtype=jnp.int32))
    in_dim = NODE_DIM * 2 + EDGE_DIM + GLOBAL_DIM
    W1 = jax.random.normal(ks[5], (in_dim, HIDDEN), dtype=jnp.float32) * (1.0 / np.sqrt(in_dim))
    b1 = jnp.zeros((HIDDEN,), dtype=jnp.float32)
    W2 = jax.random.normal(ks[6], (HIDDEN, EDGE_DIM), dtype=jnp.float32) * (1.0 / np.sqrt(HIDDEN))
    b2 = jnp.zeros((EDGE_DIM,), dtype=jnp.float32)
    return {
        'nodes': nodes,
        'edges': edges,
        'graph_globals': graph_globals,
        'W1': W1,
        'b1': b1,
        'W2': W2,
        'b2': b2,
        'edge_index': edge_index,
        'batch_edges': batch_edges,
    }


def reference(nodes, edges, graph_globals, W1, b1, W2, b2, edge_index, batch_edges):
    send = edge_index[0]
    recv = edge_index[1]
    src = jnp.take(nodes, send, axis=0)
    dst = jnp.take(nodes, recv, axis=0)
    u = jnp.take(graph_globals, batch_edges, axis=0)
    x = jnp.concatenate([edges, src, dst, u], axis=1)
    h = jnp.maximum(x @ W1 + b1, 0.0)
    new_edges = h @ W2 + b2
    return new_edges

if __name__ == "__main__":
    import jax
    _d = setup_inputs()
    print(jax.jit(kernel)(*tuple(_d.values())))

</pallas_src>

<mosaic_0001>
#map = affine_map<(d0, d1) -> (0, 0)>
#map1 = affine_map<(d0, d1) -> (0)>
module attributes {stable_mosaic.version = 14 : i64} {
  func.func @_gather_entry(%arg0: i32, %arg1: i32, %arg2: memref<10000x64xf32, #tpu.memory_space<hbm>>, %arg3: memref<10000x64xf32, #tpu.memory_space<hbm>>, %arg4: memref<64000xi32, #tpu.memory_space<hbm>>, %arg5: memref<64000xi32, #tpu.memory_space<hbm>>, %arg6: memref<64000x128xf32, #tpu.memory_space<hbm>>, %arg7: memref<2000xi32, #tpu.memory_space<vmem>>, %arg8: memref<2000xi32, #tpu.memory_space<vmem>>, %arg9: memref<80x64xf32, #tpu.memory_space<vmem>>, %arg10: memref<80x64xf32, #tpu.memory_space<vmem>>, %arg11: memref<80x64xf32, #tpu.memory_space<vmem>>, %arg12: memref<80x64xf32, #tpu.memory_space<vmem>>, %arg13: memref<!tpu.dma_semaphore, #tpu.memory_space<semaphore_mem>>, %arg14: memref<!tpu.dma_semaphore, #tpu.memory_space<semaphore_mem>>, %arg15: memref<!tpu.dma_semaphore, #tpu.memory_space<semaphore_mem>>, %arg16: memref<!tpu.dma_semaphore, #tpu.memory_space<semaphore_mem>>) attributes {dimension_semantics = [#tpu.dimension_semantics<core_parallel>, #tpu.dimension_semantics<subcore_parallel>], iteration_bounds = array<i64: 2, 16>, scalar_prefetch = 0 : i64, scratch_operands = 10 : i64, tpu.core_type = #tpu.core_type<sc_vector_subcore>, window_params = [{transform_indices = #map}, {transform_indices = #map}, {transform_indices = #map1}, {transform_indices = #map1}, {transform_indices = #map}]} {
    %mul3A = arith.constant 2 : i32
    %mul3A_0 = arith.muli %arg1, %mul3A : i32
    %add3A = arith.addi %mul3A_0, %arg0 : i32
    %mul3A_1 = arith.constant 2000 : i32
    %mul3A_2 = arith.muli %add3A, %mul3A_1 : i32
    "tpu.region"() ({
      %run_scoped3A = tpu.sem_alloc : memref<!tpu.dma_semaphore, #tpu.memory_space<semaphore_mem>>
      %dma_start3A_125 = tpu.memref_slice %arg4[%mul3A_2] : memref<64000xi32, #tpu.memory_space<hbm>> -> memref<2000xi32, #tpu.memory_space<hbm>>
      %dma_start3A_126 = tpu.memref_slice %arg4[%mul3A_2] : memref<64000xi32, #tpu.memory_space<hbm>> -> memref<2000xi32, #tpu.memory_space<hbm>>
      tpu.enqueue_dma source(%dma_start3A_126 : memref<2000xi32, #tpu.memory_space<hbm>>) target(%arg7 : memref<2000xi32, #tpu.memory_space<vmem>>) target_semaphore(%run_scoped3A : memref<!tpu.dma_semaphore, #tpu.memory_space<semaphore_mem>>)
      %dma_wait3A_127 = tpu.memref_slice %arg4[%mul3A_2] : memref<64000xi32, #tpu.memory_space<hbm>> -> memref<2000xi32, #tpu.memory_space<hbm>>
      %dma_wait3A_128 = tpu.memref_slice %arg4[%mul3A_2] : memref<64000xi32, #tpu.memory_space<hbm>> -> memref<2000xi32, #tpu.memory_space<hbm>>
      tpu.wait_dma2 semaphore(%run_scoped3A : memref<!tpu.dma_semaphore, #tpu.memory_space<semaphore_mem>>) src(%dma_wait3A_128 : memref<2000xi32, #tpu.memory_space<hbm>>) dst(%arg7 : memref<2000xi32, #tpu.memory_space<vmem>>)
      tpu.yield
    }) : () -> ()
    "tpu.region"() ({
      %run_scoped3A = tpu.sem_alloc : memref<!tpu.dma_semaphore, #tpu.memory_space<semaphore_mem>>
      %dma_start3A_125 = tpu.memref_slice %arg5[%mul3A_2] : memref<64000xi32, #tpu.memory_space<hbm>> -> memref<2000xi32, #tpu.memory_space<hbm>>
      %dma_start3A_126 = tpu.memref_slice %arg5[%mul3A_2] : memref<64000xi32, #tpu.memory_space<hbm>> -> memref<2000xi32, #tpu.memory_space<hbm>>
      tpu.enqueue_dma source(%dma_start3A_126 : memref<2000xi32, #tpu.memory_space<hbm>>) target(%arg8 : memref<2000xi32, #tpu.memory_space<vmem>>) target_semaphore(%run_scoped3A : memref<!tpu.dma_semaphore, #tpu.memory_space<semaphore_mem>>)
      %dma_wait3A_127 = tpu.memref_slice %arg5[%mul3A_2] : memref<64000xi32, #tpu.memory_space<hbm>> -> memref<2000xi32, #tpu.memory_space<hbm>>
      %dma_wait3A_128 = tpu.memref_slice %arg5[%mul3A_2] : memref<64000xi32, #tpu.memory_space<hbm>> -> memref<2000xi32, #tpu.memory_space<hbm>>
      tpu.wait_dma2 semaphore(%run_scoped3A : memref<!tpu.dma_semaphore, #tpu.memory_space<semaphore_mem>>) src(%dma_wait3A_128 : memref<2000xi32, #tpu.memory_space<hbm>>) dst(%arg8 : memref<2000xi32, #tpu.memory_space<vmem>>)
      tpu.yield
    }) : () -> ()
    %dma_start3A = arith.constant 0 : i32
    %dma_start3A_3 = tpu.memref_slice %arg7[%dma_start3A] : memref<2000xi32, #tpu.memory_space<vmem>> -> memref<80xi32, #tpu.memory_space<vmem>>
    %dma_start3A_4 = arith.constant 0 : i32
    %dma_start3A_5 = arith.constant 0 : i32
    %dma_start3A_6 = tpu.memref_slice %arg2[%dma_start3A_4, %dma_start3A_5] : memref<10000x64xf32, #tpu.memory_space<hbm>> -> memref<10000x64xf32, #tpu.memory_space<hbm>>
    tpu.enqueue_indirect_dma source(%dma_start3A_6 : memref<10000x64xf32, #tpu.memory_space<hbm>>) target(%arg9 : memref<80x64xf32, #tpu.memory_space<vmem>>) offsets(%dma_start3A_3 : memref<80xi32, #tpu.memory_space<vmem>>) semaphore(%arg13 : memref<!tpu.dma_semaphore, #tpu.memory_space<semaphore_mem>>)
    %dma_start3A_7 = arith.constant 0 : i32
    %dma_start3A_8 = tpu.memref_slice %arg8[%dma_start3A_7] : memref<2000xi32, #tpu.memory_space<vmem>> -> memref<80xi32, #tpu.memory_space<vmem>>
    %dma_start3A_9 = arith.constant 0 : i32
    %dma_start3A_10 = arith.constant 0 : i32
    %dma_start3A_11 = tpu.memref_slice %arg3[%dma_start3A_9, %dma_start3A_10] : memref<10000x64xf32, #tpu.memory_space<hbm>> -> memref<10000x64xf32, #tpu.memory_space<hbm>>
    tpu.enqueue_indirect_dma source(%dma_start3A_11 : memref<10000x64xf32, #tpu.memory_space<hbm>>) target(%arg10 : memref<80x64xf32, #tpu.memory_space<vmem>>) offsets(%dma_start3A_8 : memref<80xi32, #tpu.memory_space<vmem>>) semaphore(%arg13 : memref<!tpu.dma_semaphore, #tpu.memory_space<semaphore_mem>>)
    %dma_start3A_12 = arith.constant 80 : i32
    %dma_start3A_13 = tpu.memref_slice %arg7[%dma_start3A_12] : memref<2000xi32, #tpu.memory_space<vmem>> -> memref<80xi32, #tpu.memory_space<vmem>>
    %dma_start3A_14 = arith.constant 0 : i32
    %dma_start3A_15 = arith.constant 0 : i32
    %dma_start3A_16 = tpu.memref_slice %arg2[%dma_start3A_14, %dma_start3A_15] : memref<10000x64xf32, #tpu.memory_space<hbm>> -> memref<10000x64xf32, #tpu.memory_space<hbm>>
    tpu.enqueue_indirect_dma source(%dma_start3A_16 : memref<10000x64xf32, #tpu.memory_space<hbm>>) target(%arg11 : memref<80x64xf32, #tpu.memory_space<vmem>>) offsets(%dma_start3A_13 : memref<80xi32, #tpu.memory_space<vmem>>) semaphore(%arg15 : memref<!tpu.dma_semaphore, #tpu.memory_space<semaphore_mem>>)
    %dma_start3A_17 = arith.constant 80 : i32
    %dma_start3A_18 = tpu.memref_slice %arg8[%dma_start3A_17] : memref<2000xi32, #tpu.memory_space<vmem>> -> memref<80xi32, #tpu.memory_space<vmem>>
    %dma_start3A_19 = arith.constant 0 : i32
    %dma_start3A_20 = arith.constant 0 : i32
    %dma_start3A_21 = tpu.memref_slice %arg3[%dma_start3A_19, %dma_start3A_20] : memref<10000x64xf32, #tpu.memory_space<hbm>> -> memref<10000x64xf32, #tpu.memory_space<hbm>>
    tpu.enqueue_indirect_dma source(%dma_start3A_21 : memref<10000x64xf32, #tpu.memory_space<hbm>>) target(%arg12 : memref<80x64xf32, #tpu.memory_space<vmem>>) offsets(%dma_start3A_18 : memref<80xi32, #tpu.memory_space<vmem>>) semaphore(%arg15 : memref<!tpu.dma_semaphore, #tpu.memory_space<semaphore_mem>>)
    %dma_wait3A = arith.constant 0 : i32
    %dma_wait3A_22 = tpu.memref_slice %arg7[%dma_wait3A] : memref<2000xi32, #tpu.memory_space<vmem>> -> memref<80xi32, #tpu.memory_space<vmem>>
    %dma_wait3A_23 = arith.constant 0 : i32
    %dma_wait3A_24 = arith.constant 0 : i32
    %dma_wait3A_25 = tpu.memref_slice %arg2[%dma_wait3A_23, %dma_wait3A_24] : memref<10000x64xf32, #tpu.memory_space<hbm>> -> memref<10000x64xf32, #tpu.memory_space<hbm>>
    tpu.wait_indirect_dma semaphore(%arg13 : memref<!tpu.dma_semaphore, #tpu.memory_space<semaphore_mem>>) src(%dma_wait3A_25 : memref<10000x64xf32, #tpu.memory_space<hbm>>) dst(%arg9 : memref<80x64xf32, #tpu.memory_space<vmem>>)
    %dma_wait3A_26 = arith.constant 0 : i32
    %dma_wait3A_27 = tpu.memref_slice %arg8[%dma_wait3A_26] : memref<2000xi32, #tpu.memory_space<vmem>> -> memref<80xi32, #tpu.memory_space<vmem>>
    %dma_wait3A_28 = arith.constant 0 : i32
    %dma_wait3A_29 = arith.constant 0 : i32
    %dma_wait3A_30 = tpu.memref_slice %arg3[%dma_wait3A_28, %dma_wait3A_29] : memref<10000x64xf32, #tpu.memory_space<hbm>> -> memref<10000x64xf32, #tpu.memory_space<hbm>>
    tpu.wait_indirect_dma semaphore(%arg13 : memref<!tpu.dma_semaphore, #tpu.memory_space<semaphore_mem>>) src(%dma_wait3A_30 : memref<10000x64xf32, #tpu.memory_space<hbm>>) dst(%arg10 : memref<80x64xf32, #tpu.memory_space<vmem>>)
    %add3A_31 = arith.constant 0 : i32
    %add3A_32 = arith.addi %mul3A_2, %add3A_31 : i32
    %dma_start3A_33 = arith.constant 0 : i32
    %dma_start3A_34 = tpu.memref_slice %arg6[%add3A_32, %dma_start3A_33] : memref<64000x128xf32, #tpu.memory_space<hbm>> -> memref<80x64xf32, #tpu.memory_space<hbm>>
    %dma_start3A_35 = arith.constant 0 : i32
    %dma_start3A_36 = tpu.memref_slice %arg6[%add3A_32, %dma_start3A_35] : memref<64000x128xf32, #tpu.memory_space<hbm>> -> memref<80x64xf32, #tpu.memory_space<hbm>>
    tpu.enqueue_dma source(%arg9 : memref<80x64xf32, #tpu.memory_space<vmem>>) target(%dma_start3A_36 : memref<80x64xf32, #tpu.memory_space<hbm>>) target_semaphore(%arg14 : memref<!tpu.dma_semaphore, #tpu.memory_space<semaphore_mem>>)
    %dma_start3A_37 = arith.constant 64 : i32
    %dma_start3A_38 = tpu.memref_slice %arg6[%add3A_32, %dma_start3A_37] : memref<64000x128xf32, #tpu.memory_space<hbm>> -> memref<80x64xf32, #tpu.memory_space<hbm>>
    %dma_start3A_39 = arith.constant 64 : i32
    %dma_start3A_40 = tpu.memref_slice %arg6[%add3A_32, %dma_start3A_39] : memref<64000x128xf32, #tpu.memory_space<hbm>> -> memref<80x64xf32, #tpu.memory_space<hbm>>
    tpu.enqueue_dma source(%arg10 : memref<80x64xf32, #tpu.memory_space<vmem>>) target(%dma_start3A_40 : memref<80x64xf32, #tpu.memory_space<hbm>>) target_semaphore(%arg14 : memref<!tpu.dma_semaphore, #tpu.memory_space<semaphore_mem>>)
    %dma_wait3A_41 = arith.constant 80 : i32
    %dma_wait3A_42 = tpu.memref_slice %arg7[%dma_wait3A_41] : memref<2000xi32, #tpu.memory_space<vmem>> -> memref<80xi32, #tpu.memory_space<vmem>>
    %dma_wait3A_43 = arith.constant 0 : i32
    %dma_wait3A_44 = arith.constant 0 : i32
    %dma_wait3A_45 = tpu.memref_slice %arg2[%dma_wait3A_43, %dma_wait3A_44] : memref<10000x64xf32, #tpu.memory_space<hbm>> -> memref<10000x64xf32, #tpu.memory_space<hbm>>
    tpu.wait_indirect_dma semaphore(%arg15 : memref<!tpu.dma_semaphore, #tpu.memory_space<semaphore_mem>>) src(%dma_wait3A_45 : memref<10000x64xf32, #tpu.memory_space<hbm>>) dst(%arg11 : memref<80x64xf32, #tpu.memory_space<vmem>>)
    %dma_wait3A_46 = arith.constant 80 : i32
    %dma_wait3A_47 = tpu.memref_slice %arg8[%dma_wait3A_46] : memref<2000xi32, #tpu.memory_space<vmem>> -> memref<80xi32, #tpu.memory_space<vmem>>
    %dma_wait3A_48 = arith.constant 0 : i32
    %dma_wait3A_49 = arith.constant 0 : i32
    %dma_wait3A_50 = tpu.memref_slice %arg3[%dma_wait3A_48, %dma_wait3A_49] : memref<10000x64xf32, #tpu.memory_space<hbm>> -> memref<10000x64xf32, #tpu.memory_space<hbm>>
    tpu.wait_indirect_dma semaphore(%arg15 : memref<!tpu.dma_semaphore, #tpu.memory_space<semaphore_mem>>) src(%dma_wait3A_50 : memref<10000x64xf32, #tpu.memory_space<hbm>>) dst(%arg12 : memref<80x64xf32, #tpu.memory_space<vmem>>)
    %add3A_51 = arith.constant 80 : i32
    %add3A_52 = arith.addi %mul3A_2, %add3A_51 : i32
    %dma_start3A_53 = arith.constant 0 : i32
    %dma_start3A_54 = tpu.memref_slice %arg6[%add3A_52, %dma_start3A_53] : memref<64000x128xf32, #tpu.memory_space<hbm>> -> memref<80x64xf32, #tpu.memory_space<hbm>>
    %dma_start3A_55 = arith.constant 0 : i32
    %dma_start3A_56 = tpu.memref_slice %arg6[%add3A_52, %dma_start3A_55] : memref<64000x128xf32, #tpu.memory_space<hbm>> -> memref<80x64xf32, #tpu.memory_space<hbm>>
    tpu.enqueue_dma source(%arg11 : memref<80x64xf32, #tpu.memory_space<vmem>>) target(%dma_start3A_56 : memref<80x64xf32, #tpu.memory_space<hbm>>) target_semaphore(%arg16 : memref<!tpu.dma_semaphore, #tpu.memory_space<semaphore_mem>>)
    %dma_start3A_57 = arith.constant 64 : i32
    %dma_start3A_58 = tpu.memref_slice %arg6[%add3A_52, %dma_start3A_57] : memref<64000x128xf32, #tpu.memory_space<hbm>> -> memref<80x64xf32, #tpu.memory_space<hbm>>
    %dma_start3A_59 = arith.constant 64 : i32
    %dma_start3A_60 = tpu.memref_slice %arg6[%add3A_52, %dma_start3A_59] : memref<64000x128xf32, #tpu.memory_space<hbm>> -> memref<80x64xf32, #tpu.memory_space<hbm>>
    tpu.enqueue_dma source(%arg12 : memref<80x64xf32, #tpu.memory_space<vmem>>) target(%dma_start3A_60 : memref<80x64xf32, #tpu.memory_space<hbm>>) target_semaphore(%arg16 : memref<!tpu.dma_semaphore, #tpu.memory_space<semaphore_mem>>)
    %add3A_61 = arith.constant 0 : i32
    %add3A_62 = arith.addi %mul3A_2, %add3A_61 : i32
    %dma_wait3A_63 = arith.constant 0 : i32
    %dma_wait3A_64 = tpu.memref_slice %arg6[%add3A_62, %dma_wait3A_63] : memref<64000x128xf32, #tpu.memory_space<hbm>> -> memref<80x64xf32, #tpu.memory_space<hbm>>
    %dma_wait3A_65 = arith.constant 0 : i32
    %dma_wait3A_66 = tpu.memref_slice %arg6[%add3A_62, %dma_wait3A_65] : memref<64000x128xf32, #tpu.memory_space<hbm>> -> memref<80x64xf32, #tpu.memory_space<hbm>>
    tpu.wait_dma2 semaphore(%arg14 : memref<!tpu.dma_semaphore, #tpu.memory_space<semaphore_mem>>) src(%arg9 : memref<80x64xf32, #tpu.memory_space<vmem>>) dst(%dma_wait3A_66 : memref<80x64xf32, #tpu.memory_space<hbm>>)
    %dma_wait3A_67 = arith.constant 64 : i32
    %dma_wait3A_68 = tpu.memref_slice %arg6[%add3A_62, %dma_wait3A_67] : memref<64000x128xf32, #tpu.memory_space<hbm>> -> memref<80x64xf32, #tpu.memory_space<hbm>>
    %dma_wait3A_69 = arith.constant 64 : i32
    %dma_wait3A_70 = tpu.memref_slice %arg6[%add3A_62, %dma_wait3A_69] : memref<64000x128xf32, #tpu.memory_space<hbm>> -> memref<80x64xf32, #tpu.memory_space<hbm>>
    tpu.wait_dma2 semaphore(%arg14 : memref<!tpu.dma_semaphore, #tpu.memory_space<semaphore_mem>>) src(%arg10 : memref<80x64xf32, #tpu.memory_space<vmem>>) dst(%dma_wait3A_70 : memref<80x64xf32, #tpu.memory_space<hbm>>)
    %dma_start3A_71 = arith.constant 160 : i32
    %dma_start3A_72 = tpu.memref_slice %arg7[%dma_start3A_71] : memref<2000xi32, #tpu.memory_space<vmem>> -> memref<80xi32, #tpu.memory_space<vmem>>
    %dma_start3A_73 = arith.constant 0 : i32
    %dma_start3A_74 = arith.constant 0 : i32
    %dma_start3A_75 = tpu.memref_slice %arg2[%dma_start3A_73, %dma_start3A_74] : memref<10000x64xf32, #tpu.memory_space<hbm>> -> memref<10000x64xf32, #tpu.memory_space<hbm>>
    tpu.enqueue_indirect_dma source(%dma_start3A_75 : memref<10000x64xf32, #tpu.memory_space<hbm>>) target(%arg9 : memref<80x64xf32, #tpu.memory_space<vmem>>) offsets(%dma_start3A_72 : memref<80xi32, #tpu.memory_space<vmem>>) semaphore(%arg13 : memref<!tpu.dma_semaphore, #tpu.memory_space<semaphore_mem>>)
    %dma_start3A_76 = arith.constant 160 : i32
    %dma_start3A_77 = tpu.memref_slice %arg8[%dma_start3A_76] : memref<2000xi32, #tpu.memory_space<vmem>> -> memref<80xi32, #tpu.memory_space<vmem>>
    %dma_start3A_78 = arith.constant 0 : i32
    %dma_start3A_79 = arith.constant 0 : i32
    %dma_start3A_80 = tpu.memref_slice %arg3[%dma_start3A_78, %dma_start3A_79] : memref<10000x64xf32, #tpu.memory_space<hbm>> -> memref<10000x64xf32, #tpu.memory_space<hbm>>
    tpu.enqueue_indirect_dma source(%dma_start3A_80 : memref<10000x64xf32, #tpu.memory_space<hbm>>) target(%arg10 : memref<80x64xf32, #tpu.memory_space<vmem>>) offsets(%dma_start3A_77 : memref<80xi32, #tpu.memory_space<vmem>>) semaphore(%arg13 : memref<!tpu.dma_semaphore, #tpu.memory_space<semaphore_mem>>)
    %scan3A = arith.constant 0 : i32
    %scan3A_81 = arith.constant 11 : i32
    %scan3A_82 = arith.addi %scan3A, %scan3A_81 : i32
    %scan3A_83 = arith.constant 1 : i32
    scf.for %scan3A_125 = %scan3A to %scan3A_82 step %scan3A_83  : i32 {
      %mul3A_126 = arith.constant 1 : i32
      %mul3A_127 = arith.muli %scan3A_125, %mul3A_126 : i32
      %add3A_128 = arith.constant 1 : i32
      %add3A_129 = arith.addi %add3A_128, %mul3A_127 : i32
      %mul3A_130 = arith.constant 2 : i32
      %mul3A_131 = arith.muli %mul3A_130, %add3A_129 : i32
      %sub3A = arith.constant 1 : i32
      %sub3A_132 = arith.subi %mul3A_131, %sub3A : i32
      %mul3A_133 = arith.constant 80 : i32
      %mul3A_134 = arith.muli %sub3A_132, %mul3A_133 : i32
      %add3A_135 = arith.addi %mul3A_2, %mul3A_134 : i32
      %dma_wait3A_136 = arith.constant 0 : i32
      %dma_wait3A_137 = tpu.memref_slice %arg6[%add3A_135, %dma_wait3A_136] : memref<64000x128xf32, #tpu.memory_space<hbm>> -> memref<80x64xf32, #tpu.memory_space<hbm>>
      %dma_wait3A_138 = arith.constant 0 : i32
      %dma_wait3A_139 = tpu.memref_slice %arg6[%add3A_135, %dma_wait3A_138] : memref<64000x128xf32, #tpu.memory_space<hbm>> -> memref<80x64xf32, #tpu.memory_space<hbm>>
      tpu.wait_dma2 semaphore(%arg16 : memref<!tpu.dma_semaphore, #tpu.memory_space<semaphore_mem>>) src(%arg11 : memref<80x64xf32, #tpu.memory_space<vmem>>) dst(%dma_wait3A_139 : memref<80x64xf32, #tpu.memory_space<hbm>>)
      %dma_wait3A_140 = arith.constant 64 : i32
      %dma_wait3A_141 = tpu.memref_slice %arg6[%add3A_135, %dma_wait3A_140] : memref<64000x128xf32, #tpu.memory_space<hbm>> -> memref<80x64xf32, #tpu.memory_space<hbm>>
      %dma_wait3A_142 = arith.constant 64 : i32
      %dma_wait3A_143 = tpu.memref_slice %arg6[%add3A_135, %dma_wait3A_142] : memref<64000x128xf32, #tpu.memory_space<hbm>> -> memref<80x64xf32, #tpu.memory_space<hbm>>
      tpu.wait_dma2 semaphore(%arg16 : memref<!tpu.dma_semaphore, #tpu.memory_space<semaphore_mem>>) src(%arg12 : memref<80x64xf32, #tpu.memory_space<vmem>>) dst(%dma_wait3A_143 : memref<80x64xf32, #tpu.memory_space<hbm>>)
      %add3A_144 = arith.constant 1 : i32
      %add3A_145 = arith.addi %mul3A_131, %add3A_144 : i32
      %mul3A_146 = arith.constant 80 : i32
      %mul3A_147 = arith.muli %add3A_145, %mul3A_146 : i32
      %dma_start3A_148 = tpu.memref_slice %arg7[%mul3A_147] : memref<2000xi32, #tpu.memory_space<vmem>> -> memref<80xi32, #tpu.memory_space<vmem>>
      %dma_start3A_149 = arith.constant 0 : i32
      %dma_start3A_150 = arith.constant 0 : i32
      %dma_start3A_151 = tpu.memref_slice %arg2[%dma_start3A_149, %dma_start3A_150] : memref<10000x64xf32, #tpu.memory_space<hbm>> -> memref<10000x64xf32, #tpu.memory_space<hbm>>
      tpu.enqueue_indirect_dma source(%dma_start3A_151 : memref<10000x64xf32, #tpu.memory_space<hbm>>) target(%arg11 : memref<80x64xf32, #tpu.memory_space<vmem>>) offsets(%dma_start3A_148 : memref<80xi32, #tpu.memory_space<vmem>>) semaphore(%arg15 : memref<!tpu.dma_semaphore, #tpu.memory_space<semaphore_mem>>)
      %dma_start3A_152 = tpu.memref_slice %arg8[%mul3A_147] : memref<2000xi32, #tpu.memory_space<vmem>> -> memref<80xi32, #tpu.memory_space<vmem>>
      %dma_start3A_153 = arith.constant 0 : i32
      %dma_start3A_154 = arith.constant 0 : i32
      %dma_start3A_155 = tpu.memref_slice %arg3[%dma_start3A_153, %dma_start3A_154] : memref<10000x64xf32, #tpu.memory_space<hbm>> -> memref<10000x64xf32, #tpu.memory_space<hbm>>
      tpu.enqueue_indirect_dma source(%dma_start3A_155 : memref<10000x64xf32, #tpu.memory_space<hbm>>) target(%arg12 : memref<80x64xf32, #tpu.memory_space<vmem>>) offsets(%dma_start3A_152 : memref<80xi32, #tpu.memory_space<vmem>>) semaphore(%arg15 : memref<!tpu.dma_semaphore, #tpu.memory_space<semaphore_mem>>)
      %mul3A_156 = arith.constant 80 : i32
      %mul3A_157 = arith.muli %mul3A_131, %mul3A_156 : i32
      %dma_wait3A_158 = tpu.memref_slice %arg7[%mul3A_157] : memref<2000xi32, #tpu.memory_space<vmem>> -> memref<80xi32, #tpu.memory_space<vmem>>
      %dma_wait3A_159 = arith.constant 0 : i32
      %dma_wait3A_160 = arith.constant 0 : i32
      %dma_wait3A_161 = tpu.memref_slice %arg2[%dma_wait3A_159, %dma_wait3A_160] : memref<10000x64xf32, #tpu.memory_space<hbm>> -> memref<10000x64xf32, #tpu.memory_space<hbm>>
      tpu.wait_indirect_dma semaphore(%arg13 : memref<!tpu.dma_semaphore, #tpu.memory_space<semaphore_mem>>) src(%dma_wait3A_161 : memref<10000x64xf32, #tpu.memory_space<hbm>>) dst(%arg9 : memref<80x64xf32, #tpu.memory_space<vmem>>)
      %dma_wait3A_162 = tpu.memref_slice %arg8[%mul3A_157] : memref<2000xi32, #tpu.memory_space<vmem>> -> memref<80xi32, #tpu.memory_space<vmem>>
      %dma_wait3A_163 = arith.constant 0 : i32
      %dma_wait3A_164 = arith.constant 0 : i32
      %dma_wait3A_165 = tpu.memref_slice %arg3[%dma_wait3A_163, %dma_wait3A_164] : memref<10000x64xf32, #tpu.memory_space<hbm>> -> memref<10000x64xf32, #tpu.memory_space<hbm>>
      tpu.wait_indirect_dma semaphore(%arg13 : memref<!tpu.dma_semaphore, #tpu.memory_space<semaphore_mem>>) src(%dma_wait3A_165 : memref<10000x64xf32, #tpu.memory_space<hbm>>) dst(%arg10 : memref<80x64xf32, #tpu.memory_space<vmem>>)
      %mul3A_166 = arith.constant 80 : i32
      %mul3A_167 = arith.muli %mul3A_131, %mul3A_166 : i32
      %add3A_168 = arith.addi %mul3A_2, %mul3A_167 : i32
      %dma_start3A_169 = arith.constant 0 : i32
      %dma_start3A_170 = tpu.memref_slice %arg6[%add3A_168, %dma_start3A_169] : memref<64000x128xf32, #tpu.memory_space<hbm>> -> memref<80x64xf32, #tpu.memory_space<hbm>>
      %dma_start3A_171 = arith.constant 0 : i32
      %dma_start3A_172 = tpu.memref_slice %arg6[%add3A_168, %dma_start3A_171] : memref<64000x128xf32, #tpu.memory_space<hbm>> -> memref<80x64xf32, #tpu.memory_space<hbm>>
      tpu.enqueue_dma source(%arg9 : memref<80x64xf32, #tpu.memory_space<vmem>>) target(%dma_start3A_172 : memref<80x64xf32, #tpu.memory_space<hbm>>) target_semaphore(%arg14 : memref<!tpu.dma_semaphore, #tpu.memory_space<semaphore_mem>>)
      %dma_start3A_173 = arith.constant 64 : i32
      %dma_start3A_174 = tpu.memref_slice %arg6[%add3A_168, %dma_start3A_173] : memref<64000x128xf32, #tpu.memory_space<hbm>> -> memref<80x64xf32, #tpu.memory_space<hbm>>
      %dma_start3A_175 = arith.constant 64 : i32
      %dma_start3A_176 = tpu.memref_slice %arg6[%add3A_168, %dma_start3A_175] : memref<64000x128xf32, #tpu.memory_space<hbm>> -> memref<80x64xf32, #tpu.memory_space<hbm>>
      tpu.enqueue_dma source(%arg10 : memref<80x64xf32, #tpu.memory_space<vmem>>) target(%dma_start3A_176 : memref<80x64xf32, #tpu.memory_space<hbm>>) target_semaphore(%arg14 : memref<!tpu.dma_semaphore, #tpu.memory_space<semaphore_mem>>)
      %add3A_177 = arith.constant 1 : i32
      %add3A_178 = arith.addi %mul3A_131, %add3A_177 : i32
      %mul3A_179 = arith.constant 80 : i32
      %mul3A_180 = arith.muli %add3A_178, %mul3A_179 : i32
      %dma_wait3A_181 = tpu.memref_slice %arg7[%mul3A_180] : memref<2000xi32, #tpu.memory_space<vmem>> -> memref<80xi32, #tpu.memory_space<vmem>>
      %dma_wait3A_182 = arith.constant 0 : i32
      %dma_wait3A_183 = arith.constant 0 : i32
      %dma_wait3A_184 = tpu.memref_slice %arg2[%dma_wait3A_182, %dma_wait3A_183] : memref<10000x64xf32, #tpu.memory_space<hbm>> -> memref<10000x64xf32, #tpu.memory_space<hbm>>
      tpu.wait_indirect_dma semaphore(%arg15 : memref<!tpu.dma_semaphore, #tpu.memory_space<semaphore_mem>>) src(%dma_wait3A_184 : memref<10000x64xf32, #tpu.memory_space<hbm>>) dst(%arg11 : memref<80x64xf32, #tpu.memory_space<vmem>>)
      %dma_wait3A_185 = tpu.memref_slice %arg8[%mul3A_180] : memref<2000xi32, #tpu.memory_space<vmem>> -> memref<80xi32, #tpu.memory_space<vmem>>
      %dma_wait3A_186 = arith.constant 0 : i32
      %dma_wait3A_187 = arith.constant 0 : i32
      %dma_wait3A_188 = tpu.memref_slice %arg3[%dma_wait3A_186, %dma_wait3A_187] : memref<10000x64xf32, #tpu.memory_space<hbm>> -> memref<10000x64xf32, #tpu.memory_space<hbm>>
      tpu.wait_indirect_dma semaphore(%arg15 : memref<!tpu.dma_semaphore, #tpu.memory_space<semaphore_mem>>) src(%dma_wait3A_188 : memref<10000x64xf32, #tpu.memory_space<hbm>>) dst(%arg12 : memref<80x64xf32, #tpu.memory_space<vmem>>)
      %add3A_189 = arith.constant 1 : i32
      %add3A_190 = arith.addi %mul3A_131, %add3A_189 : i32
      %mul3A_191 = arith.constant 80 : i32
      %mul3A_192 = arith.muli %add3A_190, %mul3A_191 : i32
      %add3A_193 = arith.addi %mul3A_2, %mul3A_192 : i32
      %dma_start3A_194 = arith.constant 0 : i32
      %dma_start3A_195 = tpu.memref_slice %arg6[%add3A_193, %dma_start3A_194] : memref<64000x128xf32, #tpu.memory_space<hbm>> -> memref<80x64xf32, #tpu.memory_space<hbm>>
      %dma_start3A_196 = arith.constant 0 : i32
      %dma_start3A_197 = tpu.memref_slice %arg6[%add3A_193, %dma_start3A_196] : memref<64000x128xf32, #tpu.memory_space<hbm>> -> memref<80x64xf32, #tpu.memory_space<hbm>>
      tpu.enqueue_dma source(%arg11 : memref<80x64xf32, #tpu.memory_space<vmem>>) target(%dma_start3A_197 : memref<80x64xf32, #tpu.memory_space<hbm>>) target_semaphore(%arg16 : memref<!tpu.dma_semaphore, #tpu.memory_space<semaphore_mem>>)
      %dma_start3A_198 = arith.constant 64 : i32
      %dma_start3A_199 = tpu.memref_slice %arg6[%add3A_193, %dma_start3A_198] : memref<64000x128xf32, #tpu.memory_space<hbm>> -> memref<80x64xf32, #tpu.memory_space<hbm>>
      %dma_start3A_200 = arith.constant 64 : i32
      %dma_start3A_201 = tpu.memref_slice %arg6[%add3A_193, %dma_start3A_200] : memref<64000x128xf32, #tpu.memory_space<hbm>> -> memref<80x64xf32, #tpu.memory_space<hbm>>
      tpu.enqueue_dma source(%arg12 : memref<80x64xf32, #tpu.memory_space<vmem>>) target(%dma_start3A_201 : memref<80x64xf32, #tpu.memory_space<hbm>>) target_semaphore(%arg16 : memref<!tpu.dma_semaphore, #tpu.memory_space<semaphore_mem>>)
      %mul3A_202 = arith.constant 80 : i32
      %mul3A_203 = arith.muli %mul3A_131, %mul3A_202 : i32
      %add3A_204 = arith.addi %mul3A_2, %mul3A_203 : i32
      %dma_wait3A_205 = arith.constant 0 : i32
      %dma_wait3A_206 = tpu.memref_slice %arg6[%add3A_204, %dma_wait3A_205] : memref<64000x128xf32, #tpu.memory_space<hbm>> -> memref<80x64xf32, #tpu.memory_space<hbm>>
      %dma_wait3A_207 = arith.constant 0 : i32
      %dma_wait3A_208 = tpu.memref_slice %arg6[%add3A_204, %dma_wait3A_207] : memref<64000x128xf32, #tpu.memory_space<hbm>> -> memref<80x64xf32, #tpu.memory_space<hbm>>
      tpu.wait_dma2 semaphore(%arg14 : memref<!tpu.dma_semaphore, #tpu.memory_space<semaphore_mem>>) src(%arg9 : memref<80x64xf32, #tpu.memory_space<vmem>>) dst(%dma_wait3A_208 : memref<80x64xf32, #tpu.memory_space<hbm>>)
      %dma_wait3A_209 = arith.constant 64 : i32
      %dma_wait3A_210 = tpu.memref_slice %arg6[%add3A_204, %dma_wait3A_209] : memref<64000x128xf32, #tpu.memory_space<hbm>> -> memref<80x64xf32, #tpu.memory_space<hbm>>
      %dma_wait3A_211 = arith.constant 64 : i32
      %dma_wait3A_212 = tpu.memref_slice %arg6[%add3A_204, %dma_wait3A_211] : memref<64000x128xf32, #tpu.memory_space<hbm>> -> memref<80x64xf32, #tpu.memory_space<hbm>>
      tpu.wait_dma2 semaphore(%arg14 : memref<!tpu.dma_semaphore, #tpu.memory_space<semaphore_mem>>) src(%arg10 : memref<80x64xf32, #tpu.memory_space<vmem>>) dst(%dma_wait3A_212 : memref<80x64xf32, #tpu.memory_space<hbm>>)
      %add3A_213 = arith.constant 2 : i32
      %add3A_214 = arith.addi %mul3A_131, %add3A_213 : i32
      %mul3A_215 = arith.constant 80 : i32
      %mul3A_216 = arith.muli %add3A_214, %mul3A_215 : i32
      %dma_start3A_217 = tpu.memref_slice %arg7[%mul3A_216] : memref<2000xi32, #tpu.memory_space<vmem>> -> memref<80xi32, #tpu.memory_space<vmem>>
      %dma_start3A_218 = arith.constant 0 : i32
      %dma_start3A_219 = arith.constant 0 : i32
      %dma_start3A_220 = tpu.memref_slice %arg2[%dma_start3A_218, %dma_start3A_219] : memref<10000x64xf32, #tpu.memory_space<hbm>> -> memref<10000x64xf32, #tpu.memory_space<hbm>>
      tpu.enqueue_indirect_dma source(%dma_start3A_220 : memref<10000x64xf32, #tpu.memory_space<hbm>>) target(%arg9 : memref<80x64xf32, #tpu.memory_space<vmem>>) offsets(%dma_start3A_217 : memref<80xi32, #tpu.memory_space<vmem>>) semaphore(%arg13 : memref<!tpu.dma_semaphore, #tpu.memory_space<semaphore_mem>>)
      %dma_start3A_221 = tpu.memref_slice %arg8[%mul3A_216] : memref<2000xi32, #tpu.memory_space<vmem>> -> memref<80xi32, #tpu.memory_space<vmem>>
      %dma_start3A_222 = arith.constant 0 : i32
      %dma_start3A_223 = arith.constant 0 : i32
      %dma_start3A_224 = tpu.memref_slice %arg3[%dma_start3A_222, %dma_start3A_223] : memref<10000x64xf32, #tpu.memory_space<hbm>> -> memref<10000x64xf32, #tpu.memory_space<hbm>>
      tpu.enqueue_indirect_dma source(%dma_start3A_224 : memref<10000x64xf32, #tpu.memory_space<hbm>>) target(%arg10 : memref<80x64xf32, #tpu.memory_space<vmem>>) offsets(%dma_start3A_221 : memref<80xi32, #tpu.memory_space<vmem>>) semaphore(%arg13 : memref<!tpu.dma_semaphore, #tpu.memory_space<semaphore_mem>>)
    }
    %scan3A_84 = arith.constant 11 : i32
    %dma_wait3A_85 = arith.constant 1920 : i32
    %dma_wait3A_86 = tpu.memref_slice %arg7[%dma_wait3A_85] : memref<2000xi32, #tpu.memory_space<vmem>> -> memref<80xi32, #tpu.memory_space<vmem>>
    %dma_wait3A_87 = arith.constant 0 : i32
    %dma_wait3A_88 = arith.constant 0 : i32
    %dma_wait3A_89 = tpu.memref_slice %arg2[%dma_wait3A_87, %dma_wait3A_88] : memref<10000x64xf32, #tpu.memory_space<hbm>> -> memref<10000x64xf32, #tpu.memory_space<hbm>>
    tpu.wait_indirect_dma semaphore(%arg13 : memref<!tpu.dma_semaphore, #tpu.memory_space<semaphore_mem>>) src(%dma_wait3A_89 : memref<10000x64xf32, #tpu.memory_space<hbm>>) dst(%arg9 : memref<80x64xf32, #tpu.memory_space<vmem>>)
    %dma_wait3A_90 = arith.constant 1920 : i32
    %dma_wait3A_91 = tpu.memref_slice %arg8[%dma_wait3A_90] : memref<2000xi32, #tpu.memory_space<vmem>> -> memref<80xi32, #tpu.memory_space<vmem>>
    %dma_wait3A_92 = arith.constant 0 : i32
    %dma_wait3A_93 = arith.constant 0 : i32
    %dma_wait3A_94 = tpu.memref_slice %arg3[%dma_wait3A_92, %dma_wait3A_93] : memref<10000x64xf32, #tpu.memory_space<hbm>> -> memref<10000x64xf32, #tpu.memory_space<hbm>>
    tpu.wait_indirect_dma semaphore(%arg13 : memref<!tpu.dma_semaphore, #tpu.memory_space<semaphore_mem>>) src(%dma_wait3A_94 : memref<10000x64xf32, #tpu.memory_space<hbm>>) dst(%arg10 : memref<80x64xf32, #tpu.memory_space<vmem>>)
    %add3A_95 = arith.constant 1920 : i32
    %add3A_96 = arith.addi %mul3A_2, %add3A_95 : i32
    %dma_start3A_97 = arith.constant 0 : i32
    %dma_start3A_98 = tpu.memref_slice %arg6[%add3A_96, %dma_start3A_97] : memref<64000x128xf32, #tpu.memory_space<hbm>> -> memref<80x64xf32, #tpu.memory_space<hbm>>
    %dma_start3A_99 = arith.constant 0 : i32
    %dma_start3A_100 = tpu.memref_slice %arg6[%add3A_96, %dma_start3A_99] : memref<64000x128xf32, #tpu.memory_space<hbm>> -> memref<80x64xf32, #tpu.memory_space<hbm>>
    tpu.enqueue_dma source(%arg9 : memref<80x64xf32, #tpu.memory_space<vmem>>) target(%dma_start3A_100 : memref<80x64xf32, #tpu.memory_space<hbm>>) target_semaphore(%arg14 : memref<!tpu.dma_semaphore, #tpu.memory_space<semaphore_mem>>)
    %dma_start3A_101 = arith.constant 64 : i32
    %dma_start3A_102 = tpu.memref_slice %arg6[%add3A_96, %dma_start3A_101] : memref<64000x128xf32, #tpu.memory_space<hbm>> -> memref<80x64xf32, #tpu.memory_space<hbm>>
    %dma_start3A_103 = arith.constant 64 : i32
    %dma_start3A_104 = tpu.memref_slice %arg6[%add3A_96, %dma_start3A_103] : memref<64000x128xf32, #tpu.memory_space<hbm>> -> memref<80x64xf32, #tpu.memory_space<hbm>>
    tpu.enqueue_dma source(%arg10 : memref<80x64xf32, #tpu.memory_space<vmem>>) target(%dma_start3A_104 : memref<80x64xf32, #tpu.memory_space<hbm>>) target_semaphore(%arg14 : memref<!tpu.dma_semaphore, #tpu.memory_space<semaphore_mem>>)
    %add3A_105 = arith.constant 1920 : i32
    %add3A_106 = arith.addi %mul3A_2, %add3A_105 : i32
    %dma_wait3A_107 = arith.constant 0 : i32
    %dma_wait3A_108 = tpu.memref_slice %arg6[%add3A_106, %dma_wait3A_107] : memref<64000x128xf32, #tpu.memory_space<hbm>> -> memref<80x64xf32, #tpu.memory_space<hbm>>
    %dma_wait3A_109 = arith.constant 0 : i32
    %dma_wait3A_110 = tpu.memref_slice %arg6[%add3A_106, %dma_wait3A_109] : memref<64000x128xf32, #tpu.memory_space<hbm>> -> memref<80x64xf32, #tpu.memory_space<hbm>>
    tpu.wait_dma2 semaphore(%arg14 : memref<!tpu.dma_semaphore, #tpu.memory_space<semaphore_mem>>) src(%arg9 : memref<80x64xf32, #tpu.memory_space<vmem>>) dst(%dma_wait3A_110 : memref<80x64xf32, #tpu.memory_space<hbm>>)
    %dma_wait3A_111 = arith.constant 64 : i32
    %dma_wait3A_112 = tpu.memref_slice %arg6[%add3A_106, %dma_wait3A_111] : memref<64000x128xf32, #tpu.memory_space<hbm>> -> memref<80x64xf32, #tpu.memory_space<hbm>>
    %dma_wait3A_113 = arith.constant 64 : i32
    %dma_wait3A_114 = tpu.memref_slice %arg6[%add3A_106, %dma_wait3A_113] : memref<64000x128xf32, #tpu.memory_space<hbm>> -> memref<80x64xf32, #tpu.memory_space<hbm>>
    tpu.wait_dma2 semaphore(%arg14 : memref<!tpu.dma_semaphore, #tpu.memory_space<semaphore_mem>>) src(%arg10 : memref<80x64xf32, #tpu.memory_space<vmem>>) dst(%dma_wait3A_114 : memref<80x64xf32, #tpu.memory_space<hbm>>)
    %add3A_115 = arith.constant 1840 : i32
    %add3A_116 = arith.addi %mul3A_2, %add3A_115 : i32
    %dma_wait3A_117 = arith.constant 0 : i32
    %dma_wait3A_118 = tpu.memref_slice %arg6[%add3A_116, %dma_wait3A_117] : memref<64000x128xf32, #tpu.memory_space<hbm>> -> memref<80x64xf32, #tpu.memory_space<hbm>>
    %dma_wait3A_119 = arith.constant 0 : i32
    %dma_wait3A_120 = tpu.memref_slice %arg6[%add3A_116, %dma_wait3A_119] : memref<64000x128xf32, #tpu.memory_space<hbm>> -> memref<80x64xf32, #tpu.memory_space<hbm>>
    tpu.wait_dma2 semaphore(%arg16 : memref<!tpu.dma_semaphore, #tpu.memory_space<semaphore_mem>>) src(%arg11 : memref<80x64xf32, #tpu.memory_space<vmem>>) dst(%dma_wait3A_120 : memref<80x64xf32, #tpu.memory_space<hbm>>)
    %dma_wait3A_121 = arith.constant 64 : i32
    %dma_wait3A_122 = tpu.memref_slice %arg6[%add3A_116, %dma_wait3A_121] : memref<64000x128xf32, #tpu.memory_space<hbm>> -> memref<80x64xf32, #tpu.memory_space<hbm>>
    %dma_wait3A_123 = arith.constant 64 : i32
    %dma_wait3A_124 = tpu.memref_slice %arg6[%add3A_116, %dma_wait3A_123] : memref<64000x128xf32, #tpu.memory_space<hbm>> -> memref<80x64xf32, #tpu.memory_space<hbm>>
    tpu.wait_dma2 semaphore(%arg16 : memref<!tpu.dma_semaphore, #tpu.memory_space<semaphore_mem>>) src(%arg12 : memref<80x64xf32, #tpu.memory_space<vmem>>) dst(%dma_wait3A_124 : memref<80x64xf32, #tpu.memory_space<hbm>>)
    return
  }
}

#map = affine_map<(d0, d1) -> (0, 0)>
#map1 = affine_map<(d0, d1) -> (0)>
module attributes {stable_mosaic.version = 14 : i64} {
  func.func @_gather_entry(%arg0: i32, %arg1: i32, %arg2: memref<10000x64xf32, #tpu.memory_space<hbm>>, %arg3: memref<10000x64xf32, #tpu.memory_space<hbm>>, %arg4: memref<64000xi32, #tpu.memory_space<hbm>>, %arg5: memref<64000xi32, #tpu.memory_space<hbm>>, %arg6: memref<64000x128xf32, #tpu.memory_space<hbm>>, %arg7: memref<2000xi32, #tpu.memory_space<vmem>>, %arg8: memref<2000xi32, #tpu.memory_space<vmem>>, %arg9: memref<80x64xf32, #tpu.memory_space<vmem>>, %arg10: memref<80x64xf32, #tpu.memory_space<vmem>>, %arg11: memref<80x64xf32, #tpu.memory_space<vmem>>, %arg12: memref<80x64xf32, #tpu.memory_space<vmem>>, %arg13: memref<!tpu.dma_semaphore, #tpu.memory_space<semaphore_mem>>, %arg14: memref<!tpu.dma_semaphore, #tpu.memory_space<semaphore_mem>>, %arg15: memref<!tpu.dma_semaphore, #tpu.memory_space<semaphore_mem>>, %arg16: memref<!tpu.dma_semaphore, #tpu.memory_space<semaphore_mem>>) attributes {dimension_semantics = [#tpu.dimension_semantics<core_parallel>, #tpu.dimension_semantics<subcore_parallel>], iteration_bounds = array<i64: 2, 16>, scalar_prefetch = 0 : i64, scratch_operands = 10 : i64, tpu.core_type = #tpu.core_type<sc_vector_subcore>, window_params = [{transform_indices = #map}, {transform_indices = #map}, {transform_indices = #map1}, {transform_indices = #map1}, {transform_indices = #map}]} {
    %mul3A = arith.constant 2 : i32
    %mul3A_0 = arith.muli %arg1, %mul3A : i32
    %add3A = arith.addi %mul3A_0, %arg0 : i32
    %mul3A_1 = arith.constant 2000 : i32
    %mul3A_2 = arith.muli %add3A, %mul3A_1 : i32
    "tpu.region"() ({
      %run_scoped3A = tpu.sem_alloc : memref<!tpu.dma_semaphore, #tpu.memory_space<semaphore_mem>>
      %dma_start3A_125 = tpu.memref_slice %arg4[%mul3A_2] : memref<64000xi32, #tpu.memory_space<hbm>> -> memref<2000xi32, #tpu.memory_space<hbm>>
      %dma_start3A_126 = tpu.memref_slice %arg4[%mul3A_2] : memref<64000xi32, #tpu.memory_space<hbm>> -> memref<2000xi32, #tpu.memory_space<hbm>>
      tpu.enqueue_dma source(%dma_start3A_126 : memref<2000xi32, #tpu.memory_space<hbm>>) target(%arg7 : memref<2000xi32, #tpu.memory_space<vmem>>) target_semaphore(%run_scoped3A : memref<!tpu.dma_semaphore, #tpu.memory_space<semaphore_mem>>)
      %dma_wait3A_127 = tpu.memref_slice %arg4[%mul3A_2] : memref<64000xi32, #tpu.memory_space<hbm>> -> memref<2000xi32, #tpu.memory_space<hbm>>
      %dma_wait3A_128 = tpu.memref_slice %arg4[%mul3A_2] : memref<64000xi32, #tpu.memory_space<hbm>> -> memref<2000xi32, #tpu.memory_space<hbm>>
      tpu.wait_dma2 semaphore(%run_scoped3A : memref<!tpu.dma_semaphore, #tpu.memory_space<semaphore_mem>>) src(%dma_wait3A_128 : memref<2000xi32, #tpu.memory_space<hbm>>) dst(%arg7 : memref<2000xi32, #tpu.memory_space<vmem>>)
      tpu.yield
    }) : () -> ()
    "tpu.region"() ({
      %run_scoped3A = tpu.sem_alloc : memref<!tpu.dma_semaphore, #tpu.memory_space<semaphore_mem>>
      %dma_start3A_125 = tpu.memref_slice %arg5[%mul3A_2] : memref<64000xi32, #tpu.memory_space<hbm>> -> memref<2000xi32, #tpu.memory_space<hbm>>
      %dma_start3A_126 = tpu.memref_slice %arg5[%mul3A_2] : memref<64000xi32, #tpu.memory_space<hbm>> -> memref<2000xi32, #tpu.memory_space<hbm>>
      tpu.enqueue_dma source(%dma_start3A_126 : memref<2000xi32, #tpu.memory_space<hbm>>) target(%arg8 : memref<2000xi32, #tpu.memory_space<vmem>>) target_semaphore(%run_scoped3A : memref<!tpu.dma_semaphore, #tpu.memory_space<semaphore_mem>>)
      %dma_wait3A_127 = tpu.memref_slice %arg5[%mul3A_2] : memref<64000xi32, #tpu.memory_space<hbm>> -> memref<2000xi32, #tpu.memory_space<hbm>>
      %dma_wait3A_128 = tpu.memref_slice %arg5[%mul3A_2] : memref<64000xi32, #tpu.memory_space<hbm>> -> memref<2000xi32, #tpu.memory_space<hbm>>
      tpu.wait_dma2 semaphore(%run_scoped3A : memref<!tpu.dma_semaphore, #tpu.memory_space<semaphore_mem>>) src(%dma_wait3A_128 : memref<2000xi32, #tpu.memory_space<hbm>>) dst(%arg8 : memref<2000xi32, #tpu.memory_space<vmem>>)
      tpu.yield
    }) : () -> ()
    %dma_start3A = arith.constant 0 : i32
    %dma_start3A_3 = tpu.memref_slice %arg7[%dma_start3A] : memref<2000xi32, #tpu.memory_space<vmem>> -> memref<80xi32, #tpu.memory_space<vmem>>
    %dma_start3A_4 = arith.constant 0 : i32
    %dma_start3A_5 = arith.constant 0 : i32
    %dma_start3A_6 = tpu.memref_slice %arg2[%dma_start3A_4, %dma_start3A_5] : memref<10000x64xf32, #tpu.memory_space<hbm>> -> memref<10000x64xf32, #tpu.memory_space<hbm>>
    tpu.enqueue_indirect_dma source(%dma_start3A_6 : memref<10000x64xf32, #tpu.memory_space<hbm>>) target(%arg9 : memref<80x64xf32, #tpu.memory_space<vmem>>) offsets(%dma_start3A_3 : memref<80xi32, #tpu.memory_space<vmem>>) semaphore(%arg13 : memref<!tpu.dma_semaphore, #tpu.memory_space<semaphore_mem>>)
    %dma_start3A_7 = arith.constant 0 : i32
    %dma_start3A_8 = tpu.memref_slice %arg8[%dma_start3A_7] : memref<2000xi32, #tpu.memory_space<vmem>> -> memref<80xi32, #tpu.memory_space<vmem>>
    %dma_start3A_9 = arith.constant 0 : i32
    %dma_start3A_10 = arith.constant 0 : i32
    %dma_start3A_11 = tpu.memref_slice %arg3[%dma_start3A_9, %dma_start3A_10] : memref<10000x64xf32, #tpu.memory_space<hbm>> -> memref<10000x64xf32, #tpu.memory_space<hbm>>
    tpu.enqueue_indirect_dma source(%dma_start3A_11 : memref<10000x64xf32, #tpu.memory_space<hbm>>) target(%arg10 : memref<80x64xf32, #tpu.memory_space<vmem>>) offsets(%dma_start3A_8 : memref<80xi32, #tpu.memory_space<vmem>>) semaphore(%arg13 : memref<!tpu.dma_semaphore, #tpu.memory_space<semaphore_mem>>)
    %dma_start3A_12 = arith.constant 80 : i32
    %dma_start3A_13 = tpu.memref_slice %arg7[%dma_start3A_12] : memref<2000xi32, #tpu.memory_space<vmem>> -> memref<80xi32, #tpu.memory_space<vmem>>
    %dma_start3A_14 = arith.constant 0 : i32
    %dma_start3A_15 = arith.constant 0 : i32
    %dma_start3A_16 = tpu.memref_slice %arg2[%dma_start3A_14, %dma_start3A_15] : memref<10000x64xf32, #tpu.memory_space<hbm>> -> memref<10000x64xf32, #tpu.memory_space<hbm>>
    tpu.enqueue_indirect_dma source(%dma_start3A_16 : memref<10000x64xf32, #tpu.memory_space<hbm>>) target(%arg11 : memref<80x64xf32, #tpu.memory_space<vmem>>) offsets(%dma_start3A_13 : memref<80xi32, #tpu.memory_space<vmem>>) semaphore(%arg15 : memref<!tpu.dma_semaphore, #tpu.memory_space<semaphore_mem>>)
    %dma_start3A_17 = arith.constant 80 : i32
    %dma_start3A_18 = tpu.memref_slice %arg8[%dma_start3A_17] : memref<2000xi32, #tpu.memory_space<vmem>> -> memref<80xi32, #tpu.memory_space<vmem>>
    %dma_start3A_19 = arith.constant 0 : i32
    %dma_start3A_20 = arith.constant 0 : i32
    %dma_start3A_21 = tpu.memref_slice %arg3[%dma_start3A_19, %dma_start3A_20] : memref<10000x64xf32, #tpu.memory_space<hbm>> -> memref<10000x64xf32, #tpu.memory_space<hbm>>
    tpu.enqueue_indirect_dma source(%dma_start3A_21 : memref<10000x64xf32, #tpu.memory_space<hbm>>) target(%arg12 : memref<80x64xf32, #tpu.memory_space<vmem>>) offsets(%dma_start3A_18 : memref<80xi32, #tpu.memory_space<vmem>>) semaphore(%arg15 : memref<!tpu.dma_semaphore, #tpu.memory_space<semaphore_mem>>)
    %dma_wait3A = arith.constant 0 : i32
    %dma_wait3A_22 = tpu.memref_slice %arg7[%dma_wait3A] : memref<2000xi32, #tpu.memory_space<vmem>> -> memref<80xi32, #tpu.memory_space<vmem>>
    %dma_wait3A_23 = arith.constant 0 : i32
    %dma_wait3A_24 = arith.constant 0 : i32
    %dma_wait3A_25 = tpu.memref_slice %arg2[%dma_wait3A_23, %dma_wait3A_24] : memref<10000x64xf32, #tpu.memory_space<hbm>> -> memref<10000x64xf32, #tpu.memory_space<hbm>>
    tpu.wait_indirect_dma semaphore(%arg13 : memref<!tpu.dma_semaphore, #tpu.memory_space<semaphore_mem>>) src(%dma_wait3A_25 : memref<10000x64xf32, #tpu.memory_space<hbm>>) dst(%arg9 : memref<80x64xf32, #tpu.memory_space<vmem>>)
    %dma_wait3A_26 = arith.constant 0 : i32
    %dma_wait3A_27 = tpu.memref_slice %arg8[%dma_wait3A_26] : memref<2000xi32, #tpu.memory_space<vmem>> -> memref<80xi32, #tpu.memory_space<vmem>>
    %dma_wait3A_28 = arith.constant 0 : i32
    %dma_wait3A_29 = arith.constant 0 : i32
    %dma_wait3A_30 = tpu.memref_slice %arg3[%dma_wait3A_28, %dma_wait3A_29] : memref<10000x64xf32, #tpu.memory_space<hbm>> -> memref<10000x64xf32, #tpu.memory_space<hbm>>
    tpu.wait_indirect_dma semaphore(%arg13 : memref<!tpu.dma_semaphore, #tpu.memory_space<semaphore_mem>>) src(%dma_wait3A_30 : memref<10000x64xf32, #tpu.memory_space<hbm>>) dst(%arg10 : memref<80x64xf32, #tpu.memory_space<vmem>>)
    %add3A_31 = arith.constant 0 : i32
    %add3A_32 = arith.addi %mul3A_2, %add3A_31 : i32
    %dma_start3A_33 = arith.constant 0 : i32
    %dma_start3A_34 = tpu.memref_slice %arg6[%add3A_32, %dma_start3A_33] : memref<64000x128xf32, #tpu.memory_space<hbm>> -> memref<80x64xf32, #tpu.memory_space<hbm>>
    %dma_start3A_35 = arith.constant 0 : i32
    %dma_start3A_36 = tpu.memref_slice %arg6[%add3A_32, %dma_start3A_35] : memref<64000x128xf32, #tpu.memory_space<hbm>> -> memref<80x64xf32, #tpu.memory_space<hbm>>
    tpu.enqueue_dma source(%arg9 : memref<80x64xf32, #tpu.memory_space<vmem>>) target(%dma_start3A_36 : memref<80x64xf32, #tpu.memory_space<hbm>>) target_semaphore(%arg14 : memref<!tpu.dma_semaphore, #tpu.memory_space<semaphore_mem>>)
    %dma_start3A_37 = arith.constant 64 : i32
    %dma_start3A_38 = tpu.memref_slice %arg6[%add3A_32, %dma_start3A_37] : memref<64000x128xf32, #tpu.memory_space<hbm>> -> memref<80x64xf32, #tpu.memory_space<hbm>>
    %dma_start3A_39 = arith.constant 64 : i32
    %dma_start3A_40 = tpu.memref_slice %arg6[%add3A_32, %dma_start3A_39] : memref<64000x128xf32, #tpu.memory_space<hbm>> -> memref<80x64xf32, #tpu.memory_space<hbm>>
    tpu.enqueue_dma source(%arg10 : memref<80x64xf32, #tpu.memory_space<vmem>>) target(%dma_start3A_40 : memref<80x64xf32, #tpu.memory_space<hbm>>) target_semaphore(%arg14 : memref<!tpu.dma_semaphore, #tpu.memory_space<semaphore_mem>>)
    %dma_wait3A_41 = arith.constant 80 : i32
    %dma_wait3A_42 = tpu.memref_slice %arg7[%dma_wait3A_41] : memref<2000xi32, #tpu.memory_space<vmem>> -> memref<80xi32, #tpu.memory_space<vmem>>
    %dma_wait3A_43 = arith.constant 0 : i32
    %dma_wait3A_44 = arith.constant 0 : i32
    %dma_wait3A_45 = tpu.memref_slice %arg2[%dma_wait3A_43, %dma_wait3A_44] : memref<10000x64xf32, #tpu.memory_space<hbm>> -> memref<10000x64xf32, #tpu.memory_space<hbm>>
    tpu.wait_indirect_dma semaphore(%arg15 : memref<!tpu.dma_semaphore, #tpu.memory_space<semaphore_mem>>) src(%dma_wait3A_45 : memref<10000x64xf32, #tpu.memory_space<hbm>>) dst(%arg11 : memref<80x64xf32, #tpu.memory_space<vmem>>)
    %dma_wait3A_46 = arith.constant 80 : i32
    %dma_wait3A_47 = tpu.memref_slice %arg8[%dma_wait3A_46] : memref<2000xi32, #tpu.memory_space<vmem>> -> memref<80xi32, #tpu.memory_space<vmem>>
    %dma_wait3A_48 = arith.constant 0 : i32
    %dma_wait3A_49 = arith.constant 0 : i32
    %dma_wait3A_50 = tpu.memref_slice %arg3[%dma_wait3A_48, %dma_wait3A_49] : memref<10000x64xf32, #tpu.memory_space<hbm>> -> memref<10000x64xf32, #tpu.memory_space<hbm>>
    tpu.wait_indirect_dma semaphore(%arg15 : memref<!tpu.dma_semaphore, #tpu.memory_space<semaphore_mem>>) src(%dma_wait3A_50 : memref<10000x64xf32, #tpu.memory_space<hbm>>) dst(%arg12 : memref<80x64xf32, #tpu.memory_space<vmem>>)
    %add3A_51 = arith.constant 80 : i32
    %add3A_52 = arith.addi %mul3A_2, %add3A_51 : i32
    %dma_start3A_53 = arith.constant 0 : i32
    %dma_start3A_54 = tpu.memref_slice %arg6[%add3A_52, %dma_start3A_53] : memref<64000x128xf32, #tpu.memory_space<hbm>> -> memref<80x64xf32, #tpu.memory_space<hbm>>
    %dma_start3A_55 = arith.constant 0 : i32
    %dma_start3A_56 = tpu.memref_slice %arg6[%add3A_52, %dma_start3A_55] : memref<64000x128xf32, #tpu.memory_space<hbm>> -> memref<80x64xf32, #tpu.memory_space<hbm>>
    tpu.enqueue_dma source(%arg11 : memref<80x64xf32, #tpu.memory_space<vmem>>) target(%dma_start3A_56 : memref<80x64xf32, #tpu.memory_space<hbm>>) target_semaphore(%arg16 : memref<!tpu.dma_semaphore, #tpu.memory_space<semaphore_mem>>)
    %dma_start3A_57 = arith.constant 64 : i32
    %dma_start3A_58 = tpu.memref_slice %arg6[%add3A_52, %dma_start3A_57] : memref<64000x128xf32, #tpu.memory_space<hbm>> -> memref<80x64xf32, #tpu.memory_space<hbm>>
    %dma_start3A_59 = arith.constant 64 : i32
    %dma_start3A_60 = tpu.memref_slice %arg6[%add3A_52, %dma_start3A_59] : memref<64000x128xf32, #tpu.memory_space<hbm>> -> memref<80x64xf32, #tpu.memory_space<hbm>>
    tpu.enqueue_dma source(%arg12 : memref<80x64xf32, #tpu.memory_space<vmem>>) target(%dma_start3A_60 : memref<80x64xf32, #tpu.memory_space<hbm>>) target_semaphore(%arg16 : memref<!tpu.dma_semaphore, #tpu.memory_space<semaphore_mem>>)
    %add3A_61 = arith.constant 0 : i32
    %add3A_62 = arith.addi %mul3A_2, %add3A_61 : i32
    %dma_wait3A_63 = arith.constant 0 : i32
    %dma_wait3A_64 = tpu.memref_slice %arg6[%add3A_62, %dma_wait3A_63] : memref<64000x128xf32, #tpu.memory_space<hbm>> -> memref<80x64xf32, #tpu.memory_space<hbm>>
    %dma_wait3A_65 = arith.constant 0 : i32
    %dma_wait3A_66 = tpu.memref_slice %arg6[%add3A_62, %dma_wait3A_65] : memref<64000x128xf32, #tpu.memory_space<hbm>> -> memref<80x64xf32, #tpu.memory_space<hbm>>
    tpu.wait_dma2 semaphore(%arg14 : memref<!tpu.dma_semaphore, #tpu.memory_space<semaphore_mem>>) src(%arg9 : memref<80x64xf32, #tpu.memory_space<vmem>>) dst(%dma_wait3A_66 : memref<80x64xf32, #tpu.memory_space<hbm>>)
    %dma_wait3A_67 = arith.constant 64 : i32
    %dma_wait3A_68 = tpu.memref_slice %arg6[%add3A_62, %dma_wait3A_67] : memref<64000x128xf32, #tpu.memory_space<hbm>> -> memref<80x64xf32, #tpu.memory_space<hbm>>
    %dma_wait3A_69 = arith.constant 64 : i32
    %dma_wait3A_70 = tpu.memref_slice %arg6[%add3A_62, %dma_wait3A_69] : memref<64000x128xf32, #tpu.memory_space<hbm>> -> memref<80x64xf32, #tpu.memory_space<hbm>>
    tpu.wait_dma2 semaphore(%arg14 : memref<!tpu.dma_semaphore, #tpu.memory_space<semaphore_mem>>) src(%arg10 : memref<80x64xf32, #tpu.memory_space<vmem>>) dst(%dma_wait3A_70 : memref<80x64xf32, #tpu.memory_space<hbm>>)
    %dma_start3A_71 = arith.constant 160 : i32
    %dma_start3A_72 = tpu.memref_slice %arg7[%dma_start3A_71] : memref<2000xi32, #tpu.memory_space<vmem>> -> memref<80xi32, #tpu.memory_space<vmem>>
    %dma_start3A_73 = arith.constant 0 : i32
    %dma_start3A_74 = arith.constant 0 : i32
    %dma_start3A_75 = tpu.memref_slice %arg2[%dma_start3A_73, %dma_start3A_74] : memref<10000x64xf32, #tpu.memory_space<hbm>> -> memref<10000x64xf32, #tpu.memory_space<hbm>>
    tpu.enqueue_indirect_dma source(%dma_start3A_75 : memref<10000x64xf32, #tpu.memory_space<hbm>>) target(%arg9 : memref<80x64xf32, #tpu.memory_space<vmem>>) offsets(%dma_start3A_72 : memref<80xi32, #tpu.memory_space<vmem>>) semaphore(%arg13 : memref<!tpu.dma_semaphore, #tpu.memory_space<semaphore_mem>>)
    %dma_start3A_76 = arith.constant 160 : i32
    %dma_start3A_77 = tpu.memref_slice %arg8[%dma_start3A_76] : memref<2000xi32, #tpu.memory_space<vmem>> -> memref<80xi32, #tpu.memory_space<vmem>>
    %dma_start3A_78 = arith.constant 0 : i32
    %dma_start3A_79 = arith.constant 0 : i32
    %dma_start3A_80 = tpu.memref_slice %arg3[%dma_start3A_78, %dma_start3A_79] : memref<10000x64xf32, #tpu.memory_space<hbm>> -> memref<10000x64xf32, #tpu.memory_space<hbm>>
    tpu.enqueue_indirect_dma source(%dma_start3A_80 : memref<10000x64xf32, #tpu.memory_space<hbm>>) target(%arg10 : memref<80x64xf32, #tpu.memory_space<vmem>>) offsets(%dma_start3A_77 : memref<80xi32, #tpu.memory_space<vmem>>) semaphore(%arg13 : memref<!tpu.dma_semaphore, #tpu.memory_space<semaphore_mem>>)
    %scan3A = arith.constant 0 : i32
    %scan3A_81 = arith.constant 11 : i32
    %scan3A_82 = arith.addi %scan3A, %scan3A_81 : i32
    %scan3A_83 = arith.constant 1 : i32
    scf.for %scan3A_125 = %scan3A to %scan3A_82 step %scan3A_83  : i32 {
      %mul3A_126 = arith.constant 1 : i32
      %mul3A_127 = arith.muli %scan3A_125, %mul3A_126 : i32
      %add3A_128 = arith.constant 1 : i32
      %add3A_129 = arith.addi %add3A_128, %mul3A_127 : i32
      %mul3A_130 = arith.constant 2 : i32
      %mul3A_131 = arith.muli %mul3A_130, %add3A_129 : i32
      %sub3A = arith.constant 1 : i32
      %sub3A_132 = arith.subi %mul3A_131, %sub3A : i32
      %mul3A_133 = arith.constant 80 : i32
      %mul3A_134 = arith.muli %sub3A_132, %mul3A_133 : i32
      %add3A_135 = arith.addi %mul3A_2, %mul3A_134 : i32
      %dma_wait3A_136 = arith.constant 0 : i32
      %dma_wait3A_137 = tpu.memref_slice %arg6[%add3A_135, %dma_wait3A_136] : memref<64000x128xf32, #tpu.memory_space<hbm>> -> memref<80x64xf32, #tpu.memory_space<hbm>>
      %dma_wait3A_138 = arith.constant 0 : i32
      %dma_wait3A_139 = tpu.memref_slice %arg6[%add3A_135, %dma_wait3A_138] : memref<64000x128xf32, #tpu.memory_space<hbm>> -> memref<80x64xf32, #tpu.memory_space<hbm>>
      tpu.wait_dma2 semaphore(%arg16 : memref<!tpu.dma_semaphore, #tpu.memory_space<semaphore_mem>>) src(%arg11 : memref<80x64xf32, #tpu.memory_space<vmem>>) dst(%dma_wait3A_139 : memref<80x64xf32, #tpu.memory_space<hbm>>)
      %dma_wait3A_140 = arith.constant 64 : i32
      %dma_wait3A_141 = tpu.memref_slice %arg6[%add3A_135, %dma_wait3A_140] : memref<64000x128xf32, #tpu.memory_space<hbm>> -> memref<80x64xf32, #tpu.memory_space<hbm>>
      %dma_wait3A_142 = arith.constant 64 : i32
      %dma_wait3A_143 = tpu.memref_slice %arg6[%add3A_135, %dma_wait3A_142] : memref<64000x128xf32, #tpu.memory_space<hbm>> -> memref<80x64xf32, #tpu.memory_space<hbm>>
      tpu.wait_dma2 semaphore(%arg16 : memref<!tpu.dma_semaphore, #tpu.memory_space<semaphore_mem>>) src(%arg12 : memref<80x64xf32, #tpu.memory_space<vmem>>) dst(%dma_wait3A_143 : memref<80x64xf32, #tpu.memory_space<hbm>>)
      %add3A_144 = arith.constant 1 : i32
      %add3A_145 = arith.addi %mul3A_131, %add3A_144 : i32
      %mul3A_146 = arith.constant 80 : i32
      %mul3A_147 = arith.muli %add3A_145, %mul3A_146 : i32
      %dma_start3A_148 = tpu.memref_slice %arg7[%mul3A_147] : memref<2000xi32, #tpu.memory_space<vmem>> -> memref<80xi32, #tpu.memory_space<vmem>>
      %dma_start3A_149 = arith.constant 0 : i32
      %dma_start3A_150 = arith.constant 0 : i32
      %dma_start3A_151 = tpu.memref_slice %arg2[%dma_start3A_149, %dma_start3A_150] : memref<10000x64xf32, #tpu.memory_space<hbm>> -> memref<10000x64xf32, #tpu.memory_space<hbm>>
      tpu.enqueue_indirect_dma source(%dma_start3A_151 : memref<10000x64xf32, #tpu.memory_space<hbm>>) target(%arg11 : memref<80x64xf32, #tpu.memory_space<vmem>>) offsets(%dma_start3A_148 : memref<80xi32, #tpu.memory_space<vmem>>) semaphore(%arg15 : memref<!tpu.dma_semaphore, #tpu.memory_space<semaphore_mem>>)
      %dma_start3A_152 = tpu.memref_slice %arg8[%mul3A_147] : memref<2000xi32, #tpu.memory_space<vmem>> -> memref<80xi32, #tpu.memory_space<vmem>>
      %dma_start3A_153 = arith.constant 0 : i32
      %dma_start3A_154 = arith.constant 0 : i32
      %dma_start3A_155 = tpu.memref_slice %arg3[%dma_start3A_153, %dma_start3A_154] : memref<10000x64xf32, #tpu.memory_space<hbm>> -> memref<10000x64xf32, #tpu.memory_space<hbm>>
      tpu.enqueue_indirect_dma source(%dma_start3A_155 : memref<10000x64xf32, #tpu.memory_space<hbm>>) target(%arg12 : memref<80x64xf32, #tpu.memory_space<vmem>>) offsets(%dma_start3A_152 : memref<80xi32, #tpu.memory_space<vmem>>) semaphore(%arg15 : memref<!tpu.dma_semaphore, #tpu.memory_space<semaphore_mem>>)
      %mul3A_156 = arith.constant 80 : i32
      %mul3A_157 = arith.muli %mul3A_131, %mul3A_156 : i32
      %dma_wait3A_158 = tpu.memref_slice %arg7[%mul3A_157] : memref<2000xi32, #tpu.memory_space<vmem>> -> memref<80xi32, #tpu.memory_space<vmem>>
      %dma_wait3A_159 = arith.constant 0 : i32
      %dma_wait3A_160 = arith.constant 0 : i32
      %dma_wait3A_161 = tpu.memref_slice %arg2[%dma_wait3A_159, %dma_wait3A_160] : memref<10000x64xf32, #tpu.memory_space<hbm>> -> memref<10000x64xf32, #tpu.memory_space<hbm>>
      tpu.wait_indirect_dma semaphore(%arg13 : memref<!tpu.dma_semaphore, #tpu.memory_space<semaphore_mem>>) src(%dma_wait3A_161 : memref<10000x64xf32, #tpu.memory_space<hbm>>) dst(%arg9 : memref<80x64xf32, #tpu.memory_space<vmem>>)
      %dma_wait3A_162 = tpu.memref_slice %arg8[%mul3A_157] : memref<2000xi32, #tpu.memory_space<vmem>> -> memref<80xi32, #tpu.memory_space<vmem>>
      %dma_wait3A_163 = arith.constant 0 : i32
      %dma_wait3A_164 = arith.constant 0 : i32
      %dma_wait3A_165 = tpu.memref_slice %arg3[%dma_wait3A_163, %dma_wait3A_164] : memref<10000x64xf32, #tpu.memory_space<hbm>> -> memref<10000x64xf32, #tpu.memory_space<hbm>>
      tpu.wait_indirect_dma semaphore(%arg13 : memref<!tpu.dma_semaphore, #tpu.memory_space<semaphore_mem>>) src(%dma_wait3A_165 : memref<10000x64xf32, #tpu.memory_space<hbm>>) dst(%arg10 : memref<80x64xf32, #tpu.memory_space<vmem>>)
      %mul3A_166 = arith.constant 80 : i32
      %mul3A_167 = arith.muli %mul3A_131, %mul3A_166 : i32
      %add3A_168 = arith.addi %mul3A_2, %mul3A_167 : i32
      %dma_start3A_169 = arith.constant 0 : i32
      %dma_start3A_170 = tpu.memref_slice %arg6[%add3A_168, %dma_start3A_169] : memref<64000x128xf32, #tpu.memory_space<hbm>> -> memref<80x64xf32, #tpu.memory_space<hbm>>
      %dma_start3A_171 = arith.constant 0 : i32
      %dma_start3A_172 = tpu.memref_slice %arg6[%add3A_168, %dma_start3A_171] : memref<64000x128xf32, #tpu.memory_space<hbm>> -> memref<80x64xf32, #tpu.memory_space<hbm>>
      tpu.enqueue_dma source(%arg9 : memref<80x64xf32, #tpu.memory_space<vmem>>) target(%dma_start3A_172 : memref<80x64xf32, #tpu.memory_space<hbm>>) target_semaphore(%arg14 : memref<!tpu.dma_semaphore, #tpu.memory_space<semaphore_mem>>)
      %dma_start3A_173 = arith.constant 64 : i32
      %dma_start3A_174 = tpu.memref_slice %arg6[%add3A_168, %dma_start3A_173] : memref<64000x128xf32, #tpu.memory_space<hbm>> -> memref<80x64xf32, #tpu.memory_space<hbm>>
      %dma_start3A_175 = arith.constant 64 : i32
      %dma_start3A_176 = tpu.memref_slice %arg6[%add3A_168, %dma_start3A_175] : memref<64000x128xf32, #tpu.memory_space<hbm>> -> memref<80x64xf32, #tpu.memory_space<hbm>>
      tpu.enqueue_dma source(%arg10 : memref<80x64xf32, #tpu.memory_space<vmem>>) target(%dma_start3A_176 : memref<80x64xf32, #tpu.memory_space<hbm>>) target_semaphore(%arg14 : memref<!tpu.dma_semaphore, #tpu.memory_space<semaphore_mem>>)
      %add3A_177 = arith.constant 1 : i32
      %add3A_178 = arith.addi %mul3A_131, %add3A_177 : i32
      %mul3A_179 = arith.constant 80 : i32
      %mul3A_180 = arith.muli %add3A_178, %mul3A_179 : i32
      %dma_wait3A_181 = tpu.memref_slice %arg7[%mul3A_180] : memref<2000xi32, #tpu.memory_space<vmem>> -> memref<80xi32, #tpu.memory_space<vmem>>
      %dma_wait3A_182 = arith.constant 0 : i32
      %dma_wait3A_183 = arith.constant 0 : i32
      %dma_wait3A_184 = tpu.memref_slice %arg2[%dma_wait3A_182, %dma_wait3A_183] : memref<10000x64xf32, #tpu.memory_space<hbm>> -> memref<10000x64xf32, #tpu.memory_space<hbm>>
      tpu.wait_indirect_dma semaphore(%arg15 : memref<!tpu.dma_semaphore, #tpu.memory_space<semaphore_mem>>) src(%dma_wait3A_184 : memref<10000x64xf32, #tpu.memory_space<hbm>>) dst(%arg11 : memref<80x64xf32, #tpu.memory_space<vmem>>)
      %dma_wait3A_185 = tpu.memref_slice %arg8[%mul3A_180] : memref<2000xi32, #tpu.memory_space<vmem>> -> memref<80xi32, #tpu.memory_space<vmem>>
      %dma_wait3A_186 = arith.constant 0 : i32
      %dma_wait3A_187 = arith.constant 0 : i32
      %dma_wait3A_188 = tpu.memref_slice %arg3[%dma_wait3A_186, %dma_wait3A_187] : memref<10000x64xf32, #tpu.memory_space<hbm>> -> memref<10000x64xf32, #tpu.memory_space<hbm>>
      tpu.wait_indirect_dma semaphore(%arg15 : memref<!tpu.dma_semaphore, #tpu.memory_space<semaphore_mem>>) src(%dma_wait3A_188 : memref<10000x64xf32, #tpu.memory_space<hbm>>) dst(%arg12 : memref<80x64xf32, #tpu.memory_space<vmem>>)
      %add3A_189 = arith.constant 1 : i32
      %add3A_190 = arith.addi %mul3A_131, %add3A_189 : i32
      %mul3A_191 = arith.constant 80 : i32
      %mul3A_192 = arith.muli %add3A_190, %mul3A_191 : i32
      %add3A_193 = arith.addi %mul3A_2, %mul3A_192 : i32
      %dma_start3A_194 = arith.constant 0 : i32
      %dma_start3A_195 = tpu.memref_slice %arg6[%add3A_193, %dma_start3A_194] : memref<64000x128xf32, #tpu.memory_space<hbm>> -> memref<80x64xf32, #tpu.memory_space<hbm>>
      %dma_start3A_196 = arith.constant 0 : i32
      %dma_start3A_197 = tpu.memref_slice %arg6[%add3A_193, %dma_start3A_196] : memref<64000x128xf32, #tpu.memory_space<hbm>> -> memref<80x64xf32, #tpu.memory_space<hbm>>
      tpu.enqueue_dma source(%arg11 : memref<80x64xf32, #tpu.memory_space<vmem>>) target(%dma_start3A_197 : memref<80x64xf32, #tpu.memory_space<hbm>>) target_semaphore(%arg16 : memref<!tpu.dma_semaphore, #tpu.memory_space<semaphore_mem>>)
      %dma_start3A_198 = arith.constant 64 : i32
      %dma_start3A_199 = tpu.memref_slice %arg6[%add3A_193, %dma_start3A_198] : memref<64000x128xf32, #tpu.memory_space<hbm>> -> memref<80x64xf32, #tpu.memory_space<hbm>>
      %dma_start3A_200 = arith.constant 64 : i32
      %dma_start3A_201 = tpu.memref_slice %arg6[%add3A_193, %dma_start3A_200] : memref<64000x128xf32, #tpu.memory_space<hbm>> -> memref<80x64xf32, #tpu.memory_space<hbm>>
      tpu.enqueue_dma source(%arg12 : memref<80x64xf32, #tpu.memory_space<vmem>>) target(%dma_start3A_201 : memref<80x64xf32, #tpu.memory_space<hbm>>) target_semaphore(%arg16 : memref<!tpu.dma_semaphore, #tpu.memory_space<semaphore_mem>>)
      %mul3A_202 = arith.constant 80 : i32
      %mul3A_203 = arith.muli %mul3A_131, %mul3A_202 : i32
      %add3A_204 = arith.addi %mul3A_2, %mul3A_203 : i32
      %dma_wait3A_205 = arith.constant 0 : i32
      %dma_wait3A_206 = tpu.memref_slice %arg6[%add3A_204, %dma_wait3A_205] : memref<64000x128xf32, #tpu.memory_space<hbm>> -> memref<80x64xf32, #tpu.memory_space<hbm>>
      %dma_wait3A_207 = arith.constant 0 : i32
      %dma_wait3A_208 = tpu.memref_slice %arg6[%add3A_204, %dma_wait3A_207] : memref<64000x128xf32, #tpu.memory_space<hbm>> -> memref<80x64xf32, #tpu.memory_space<hbm>>
      tpu.wait_dma2 semaphore(%arg14 : memref<!tpu.dma_semaphore, #tpu.memory_space<semaphore_mem>>) src(%arg9 : memref<80x64xf32, #tpu.memory_space<vmem>>) dst(%dma_wait3A_208 : memref<80x64xf32, #tpu.memory_space<hbm>>)
      %dma_wait3A_209 = arith.constant 64 : i32
      %dma_wait3A_210 = tpu.memref_slice %arg6[%add3A_204, %dma_wait3A_209] : memref<64000x128xf32, #tpu.memory_space<hbm>> -> memref<80x64xf32, #tpu.memory_space<hbm>>
      %dma_wait3A_211 = arith.constant 64 : i32
      %dma_wait3A_212 = tpu.memref_slice %arg6[%add3A_204, %dma_wait3A_211] : memref<64000x128xf32, #tpu.memory_space<hbm>> -> memref<80x64xf32, #tpu.memory_space<hbm>>
      tpu.wait_dma2 semaphore(%arg14 : memref<!tpu.dma_semaphore, #tpu.memory_space<semaphore_mem>>) src(%arg10 : memref<80x64xf32, #tpu.memory_space<vmem>>) dst(%dma_wait3A_212 : memref<80x64xf32, #tpu.memory_space<hbm>>)
      %add3A_213 = arith.constant 2 : i32
      %add3A_214 = arith.addi %mul3A_131, %add3A_213 : i32
      %mul3A_215 = arith.constant 80 : i32
      %mul3A_216 = arith.muli %add3A_214, %mul3A_215 : i32
      %dma_start3A_217 = tpu.memref_slice %arg7[%mul3A_216] : memref<2000xi32, #tpu.memory_space<vmem>> -> memref<80xi32, #tpu.memory_space<vmem>>
      %dma_start3A_218 = arith.constant 0 : i32
      %dma_start3A_219 = arith.constant 0 : i32
      %dma_start3A_220 = tpu.memref_slice %arg2[%dma_start3A_218, %dma_start3A_219] : memref<10000x64xf32, #tpu.memory_space<hbm>> -> memref<10000x64xf32, #tpu.memory_space<hbm>>
      tpu.enqueue_indirect_dma source(%dma_start3A_220 : memref<10000x64xf32, #tpu.memory_space<hbm>>) target(%arg9 : memref<80x64xf32, #tpu.memory_space<vmem>>) offsets(%dma_start3A_217 : memref<80xi32, #tpu.memory_space<vmem>>) semaphore(%arg13 : memref<!tpu.dma_semaphore, #tpu.memory_space<semaphore_mem>>)
      %dma_start3A_221 = tpu.memref_slice %arg8[%mul3A_216] : memref<2000xi32, #tpu.memory_space<vmem>> -> memref<80xi32, #tpu.memory_space<vmem>>
      %dma_start3A_222 = arith.constant 0 : i32
      %dma_start3A_223 = arith.constant 0 : i32
      %dma_start3A_224 = tpu.memref_slice %arg3[%dma_start3A_222, %dma_start3A_223] : memref<10000x64xf32, #tpu.memory_space<hbm>> -> memref<10000x64xf32, #tpu.memory_space<hbm>>
      tpu.enqueue_indirect_dma source(%dma_start3A_224 : memref<10000x64xf32, #tpu.memory_space<hbm>>) target(%arg10 : memref<80x64xf32, #tpu.memory_space<vmem>>) offsets(%dma_start3A_221 : memref<80xi32, #tpu.memory_space<vmem>>) semaphore(%arg13 : memref<!tpu.dma_semaphore, #tpu.memory_space<semaphore_mem>>)
    }
    %scan3A_84 = arith.constant 11 : i32
    %dma_wait3A_85 = arith.constant 1920 : i32
    %dma_wait3A_86 = tpu.memref_slice %arg7[%dma_wait3A_85] : memref<2000xi32, #tpu.memory_space<vmem>> -> memref<80xi32, #tpu.memory_space<vmem>>
    %dma_wait3A_87 = arith.constant 0 : i32
    %dma_wait3A_88 = arith.constant 0 : i32
    %dma_wait3A_89 = tpu.memref_slice %arg2[%dma_wait3A_87, %dma_wait3A_88] : memref<10000x64xf32, #tpu.memory_space<hbm>> -> memref<10000x64xf32, #tpu.memory_space<hbm>>
    tpu.wait_indirect_dma semaphore(%arg13 : memref<!tpu.dma_semaphore, #tpu.memory_space<semaphore_mem>>) src(%dma_wait3A_89 : memref<10000x64xf32, #tpu.memory_space<hbm>>) dst(%arg9 : memref<80x64xf32, #tpu.memory_space<vmem>>)
    %dma_wait3A_90 = arith.constant 1920 : i32
    %dma_wait3A_91 = tpu.memref_slice %arg8[%dma_wait3A_90] : memref<2000xi32, #tpu.memory_space<vmem>> -> memref<80xi32, #tpu.memory_space<vmem>>
    %dma_wait3A_92 = arith.constant 0 : i32
    %dma_wait3A_93 = arith.constant 0 : i32
    %dma_wait3A_94 = tpu.memref_slice %arg3[%dma_wait3A_92, %dma_wait3A_93] : memref<10000x64xf32, #tpu.memory_space<hbm>> -> memref<10000x64xf32, #tpu.memory_space<hbm>>
    tpu.wait_indirect_dma semaphore(%arg13 : memref<!tpu.dma_semaphore, #tpu.memory_space<semaphore_mem>>) src(%dma_wait3A_94 : memref<10000x64xf32, #tpu.memory_space<hbm>>) dst(%arg10 : memref<80x64xf32, #tpu.memory_space<vmem>>)
    %add3A_95 = arith.constant 1920 : i32
    %add3A_96 = arith.addi %mul3A_2, %add3A_95 : i32
    %dma_start3A_97 = arith.constant 0 : i32
    %dma_start3A_98 = tpu.memref_slice %arg6[%add3A_96, %dma_start3A_97] : memref<64000x128xf32, #tpu.memory_space<hbm>> -> memref<80x64xf32, #tpu.memory_space<hbm>>
    %dma_start3A_99 = arith.constant 0 : i32
    %dma_start3A_100 = tpu.memref_slice %arg6[%add3A_96, %dma_start3A_99] : memref<64000x128xf32, #tpu.memory_space<hbm>> -> memref<80x64xf32, #tpu.memory_space<hbm>>
    tpu.enqueue_dma source(%arg9 : memref<80x64xf32, #tpu.memory_space<vmem>>) target(%dma_start3A_100 : memref<80x64xf32, #tpu.memory_space<hbm>>) target_semaphore(%arg14 : memref<!tpu.dma_semaphore, #tpu.memory_space<semaphore_mem>>)
    %dma_start3A_101 = arith.constant 64 : i32
    %dma_start3A_102 = tpu.memref_slice %arg6[%add3A_96, %dma_start3A_101] : memref<64000x128xf32, #tpu.memory_space<hbm>> -> memref<80x64xf32, #tpu.memory_space<hbm>>
    %dma_start3A_103 = arith.constant 64 : i32
    %dma_start3A_104 = tpu.memref_slice %arg6[%add3A_96, %dma_start3A_103] : memref<64000x128xf32, #tpu.memory_space<hbm>> -> memref<80x64xf32, #tpu.memory_space<hbm>>
    tpu.enqueue_dma source(%arg10 : memref<80x64xf32, #tpu.memory_space<vmem>>) target(%dma_start3A_104 : memref<80x64xf32, #tpu.memory_space<hbm>>) target_semaphore(%arg14 : memref<!tpu.dma_semaphore, #tpu.memory_space<semaphore_mem>>)
    %add3A_105 = arith.constant 1920 : i32
    %add3A_106 = arith.addi %mul3A_2, %add3A_105 : i32
    %dma_wait3A_107 = arith.constant 0 : i32
    %dma_wait3A_108 = tpu.memref_slice %arg6[%add3A_106, %dma_wait3A_107] : memref<64000x128xf32, #tpu.memory_space<hbm>> -> memref<80x64xf32, #tpu.memory_space<hbm>>
    %dma_wait3A_109 = arith.constant 0 : i32
    %dma_wait3A_110 = tpu.memref_slice %arg6[%add3A_106, %dma_wait3A_109] : memref<64000x128xf32, #tpu.memory_space<hbm>> -> memref<80x64xf32, #tpu.memory_space<hbm>>
    tpu.wait_dma2 semaphore(%arg14 : memref<!tpu.dma_semaphore, #tpu.memory_space<semaphore_mem>>) src(%arg9 : memref<80x64xf32, #tpu.memory_space<vmem>>) dst(%dma_wait3A_110 : memref<80x64xf32, #tpu.memory_space<hbm>>)
    %dma_wait3A_111 = arith.constant 64 : i32
    %dma_wait3A_112 = tpu.memref_slice %arg6[%add3A_106, %dma_wait3A_111] : memref<64000x128xf32, #tpu.memory_space<hbm>> -> memref<80x64xf32, #tpu.memory_space<hbm>>
    %dma_wait3A_113 = arith.constant 64 : i32
    %dma_wait3A_114 = tpu.memref_slice %arg6[%add3A_106, %dma_wait3A_113] : memref<64000x128xf32, #tpu.memory_space<hbm>> -> memref<80x64xf32, #tpu.memory_space<hbm>>
    tpu.wait_dma2 semaphore(%arg14 : memref<!tpu.dma_semaphore, #tpu.memory_space<semaphore_mem>>) src(%arg10 : memref<80x64xf32, #tpu.memory_space<vmem>>) dst(%dma_wait3A_114 : memref<80x64xf32, #tpu.memory_space<hbm>>)
    %add3A_115 = arith.constant 1840 : i32
    %add3A_116 = arith.addi %mul3A_2, %add3A_115 : i32
    %dma_wait3A_117 = arith.constant 0 : i32
    %dma_wait3A_118 = tpu.memref_slice %arg6[%add3A_116, %dma_wait3A_117] : memref<64000x128xf32, #tpu.memory_space<hbm>> -> memref<80x64xf32, #tpu.memory_space<hbm>>
    %dma_wait3A_119 = arith.constant 0 : i32
    %dma_wait3A_120 = tpu.memref_slice %arg6[%add3A_116, %dma_wait3A_119] : memref<64000x128xf32, #tpu.memory_space<hbm>> -> memref<80x64xf32, #tpu.memory_space<hbm>>
    tpu.wait_dma2 semaphore(%arg16 : memref<!tpu.dma_semaphore, #tpu.memory_space<semaphore_mem>>) src(%arg11 : memref<80x64xf32, #tpu.memory_space<vmem>>) dst(%dma_wait3A_120 : memref<80x64xf32, #tpu.memory_space<hbm>>)
    %dma_wait3A_121 = arith.constant 64 : i32
    %dma_wait3A_122 = tpu.memref_slice %arg6[%add3A_116, %dma_wait3A_121] : memref<64000x128xf32, #tpu.memory_space<hbm>> -> memref<80x64xf32, #tpu.memory_space<hbm>>
    %dma_wait3A_123 = arith.constant 64 : i32
    %dma_wait3A_124 = tpu.memref_slice %arg6[%add3A_116, %dma_wait3A_123] : memref<64000x128xf32, #tpu.memory_space<hbm>> -> memref<80x64xf32, #tpu.memory_space<hbm>>
    tpu.wait_dma2 semaphore(%arg16 : memref<!tpu.dma_semaphore, #tpu.memory_space<semaphore_mem>>) src(%arg12 : memref<80x64xf32, #tpu.memory_space<vmem>>) dst(%dma_wait3A_124 : memref<80x64xf32, #tpu.memory_space<hbm>>)
    return
  }
}

#map = affine_map<(d0, d1) -> (0, 0)>
#map1 = affine_map<(d0, d1) -> (0)>
module attributes {stable_mosaic.version = 14 : i64} {
  func.func @_gather_entry(%arg0: i32, %arg1: i32, %arg2: memref<10000x64xf32, #tpu.memory_space<hbm>>, %arg3: memref<10000x64xf32, #tpu.memory_space<hbm>>, %arg4: memref<64000xi32, #tpu.memory_space<hbm>>, %arg5: memref<64000xi32, #tpu.memory_space<hbm>>, %arg6: memref<64000x128xf32, #tpu.memory_space<hbm>>, %arg7: memref<2000xi32, #tpu.memory_space<vmem>>, %arg8: memref<2000xi32, #tpu.memory_space<vmem>>, %arg9: memref<80x64xf32, #tpu.memory_space<vmem>>, %arg10: memref<80x64xf32, #tpu.memory_space<vmem>>, %arg11: memref<80x64xf32, #tpu.memory_space<vmem>>, %arg12: memref<80x64xf32, #tpu.memory_space<vmem>>, %arg13: memref<!tpu.dma_semaphore, #tpu.memory_space<semaphore_mem>>, %arg14: memref<!tpu.dma_semaphore, #tpu.memory_space<semaphore_mem>>, %arg15: memref<!tpu.dma_semaphore, #tpu.memory_space<semaphore_mem>>, %arg16: memref<!tpu.dma_semaphore, #tpu.memory_space<semaphore_mem>>) attributes {dimension_semantics = [#tpu.dimension_semantics<core_parallel>, #tpu.dimension_semantics<subcore_parallel>], iteration_bounds = array<i64: 2, 16>, scalar_prefetch = 0 : i64, scratch_operands = 10 : i64, tpu.core_type = #tpu.core_type<sc_vector_subcore>, window_params = [{transform_indices = #map}, {transform_indices = #map}, {transform_indices = #map1}, {transform_indices = #map1}, {transform_indices = #map}]} {
    %mul3A = arith.constant 2 : i32
    %mul3A_0 = arith.muli %arg1, %mul3A : i32
    %add3A = arith.addi %mul3A_0, %arg0 : i32
    %mul3A_1 = arith.constant 2000 : i32
    %mul3A_2 = arith.muli %add3A, %mul3A_1 : i32
    "tpu.region"() ({
      %run_scoped3A = tpu.sem_alloc : memref<!tpu.dma_semaphore, #tpu.memory_space<semaphore_mem>>
      %dma_start3A_125 = tpu.memref_slice %arg4[%mul3A_2] : memref<64000xi32, #tpu.memory_space<hbm>> -> memref<2000xi32, #tpu.memory_space<hbm>>
      %dma_start3A_126 = tpu.memref_slice %arg4[%mul3A_2] : memref<64000xi32, #tpu.memory_space<hbm>> -> memref<2000xi32, #tpu.memory_space<hbm>>
      tpu.enqueue_dma source(%dma_start3A_126 : memref<2000xi32, #tpu.memory_space<hbm>>) target(%arg7 : memref<2000xi32, #tpu.memory_space<vmem>>) target_semaphore(%run_scoped3A : memref<!tpu.dma_semaphore, #tpu.memory_space<semaphore_mem>>)
      %dma_wait3A_127 = tpu.memref_slice %arg4[%mul3A_2] : memref<64000xi32, #tpu.memory_space<hbm>> -> memref<2000xi32, #tpu.memory_space<hbm>>
      %dma_wait3A_128 = tpu.memref_slice %arg4[%mul3A_2] : memref<64000xi32, #tpu.memory_space<hbm>> -> memref<2000xi32, #tpu.memory_space<hbm>>
      tpu.wait_dma2 semaphore(%run_scoped3A : memref<!tpu.dma_semaphore, #tpu.memory_space<semaphore_mem>>) src(%dma_wait3A_128 : memref<2000xi32, #tpu.memory_space<hbm>>) dst(%arg7 : memref<2000xi32, #tpu.memory_space<vmem>>)
      tpu.yield
    }) : () -> ()
    "tpu.region"() ({
      %run_scoped3A = tpu.sem_alloc : memref<!tpu.dma_semaphore, #tpu.memory_space<semaphore_mem>>
      %dma_start3A_125 = tpu.memref_slice %arg5[%mul3A_2] : memref<64000xi32, #tpu.memory_space<hbm>> -> memref<2000xi32, #tpu.memory_space<hbm>>
      %dma_start3A_126 = tpu.memref_slice %arg5[%mul3A_2] : memref<64000xi32, #tpu.memory_space<hbm>> -> memref<2000xi32, #tpu.memory_space<hbm>>
      tpu.enqueue_dma source(%dma_start3A_126 : memref<2000xi32, #tpu.memory_space<hbm>>) target(%arg8 : memref<2000xi32, #tpu.memory_space<vmem>>) target_semaphore(%run_scoped3A : memref<!tpu.dma_semaphore, #tpu.memory_space<semaphore_mem>>)
      %dma_wait3A_127 = tpu.memref_slice %arg5[%mul3A_2] : memref<64000xi32, #tpu.memory_space<hbm>> -> memref<2000xi32, #tpu.memory_space<hbm>>
      %dma_wait3A_128 = tpu.memref_slice %arg5[%mul3A_2] : memref<64000xi32, #tpu.memory_space<hbm>> -> memref<2000xi32, #tpu.memory_space<hbm>>
      tpu.wait_dma2 semaphore(%run_scoped3A : memref<!tpu.dma_semaphore, #tpu.memory_space<semaphore_mem>>) src(%dma_wait3A_128 : memref<2000xi32, #tpu.memory_space<hbm>>) dst(%arg8 : memref<2000xi32, #tpu.memory_space<vmem>>)
      tpu.yield
    }) : () -> ()
    %dma_start3A = arith.constant 0 : i32
    %dma_start3A_3 = tpu.memref_slice %arg7[%dma_start3A] : memref<2000xi32, #tpu.memory_space<vmem>> -> memref<80xi32, #tpu.memory_space<vmem>>
    %dma_start3A_4 = arith.constant 0 : i32
    %dma_start3A_5 = arith.constant 0 : i32
    %dma_start3A_6 = tpu.memref_slice %arg2[%dma_start3A_4, %dma_start3A_5] : memref<10000x64xf32, #tpu.memory_space<hbm>> -> memref<10000x64xf32, #tpu.memory_space<hbm>>
    tpu.enqueue_indirect_dma source(%dma_start3A_6 : memref<10000x64xf32, #tpu.memory_space<hbm>>) target(%arg9 : memref<80x64xf32, #tpu.memory_space<vmem>>) offsets(%dma_start3A_3 : memref<80xi32, #tpu.memory_space<vmem>>) semaphore(%arg13 : memref<!tpu.dma_semaphore, #tpu.memory_space<semaphore_mem>>)
    %dma_start3A_7 = arith.constant 0 : i32
    %dma_start3A_8 = tpu.memref_slice %arg8[%dma_start3A_7] : memref<2000xi32, #tpu.memory_space<vmem>> -> memref<80xi32, #tpu.memory_space<vmem>>
    %dma_start3A_9 = arith.constant 0 : i32
    %dma_start3A_10 = arith.constant 0 : i32
    %dma_start3A_11 = tpu.memref_slice %arg3[%dma_start3A_9, %dma_start3A_10] : memref<10000x64xf32, #tpu.memory_space<hbm>> -> memref<10000x64xf32, #tpu.memory_space<hbm>>
    tpu.enqueue_indirect_dma source(%dma_start3A_11 : memref<10000x64xf32, #tpu.memory_space<hbm>>) target(%arg10 : memref<80x64xf32, #tpu.memory_space<vmem>>) offsets(%dma_start3A_8 : memref<80xi32, #tpu.memory_space<vmem>>) semaphore(%arg13 : memref<!tpu.dma_semaphore, #tpu.memory_space<semaphore_mem>>)
    %dma_start3A_12 = arith.constant 80 : i32
    %dma_start3A_13 = tpu.memref_slice %arg7[%dma_start3A_12] : memref<2000xi32, #tpu.memory_space<vmem>> -> memref<80xi32, #tpu.memory_space<vmem>>
    %dma_start3A_14 = arith.constant 0 : i32
    %dma_start3A_15 = arith.constant 0 : i32
    %dma_start3A_16 = tpu.memref_slice %arg2[%dma_start3A_14, %dma_start3A_15] : memref<10000x64xf32, #tpu.memory_space<hbm>> -> memref<10000x64xf32, #tpu.memory_space<hbm>>
    tpu.enqueue_indirect_dma source(%dma_start3A_16 : memref<10000x64xf32, #tpu.memory_space<hbm>>) target(%arg11 : memref<80x64xf32, #tpu.memory_space<vmem>>) offsets(%dma_start3A_13 : memref<80xi32, #tpu.memory_space<vmem>>) semaphore(%arg15 : memref<!tpu.dma_semaphore, #tpu.memory_space<semaphore_mem>>)
    %dma_start3A_17 = arith.constant 80 : i32
    %dma_start3A_18 = tpu.memref_slice %arg8[%dma_start3A_17] : memref<2000xi32, #tpu.memory_space<vmem>> -> memref<80xi32, #tpu.memory_space<vmem>>
    %dma_start3A_19 = arith.constant 0 : i32
    %dma_start3A_20 = arith.constant 0 : i32
    %dma_start3A_21 = tpu.memref_slice %arg3[%dma_start3A_19, %dma_start3A_20] : memref<10000x64xf32, #tpu.memory_space<hbm>> -> memref<10000x64xf32, #tpu.memory_space<hbm>>
    tpu.enqueue_indirect_dma source(%dma_start3A_21 : memref<10000x64xf32, #tpu.memory_space<hbm>>) target(%arg12 : memref<80x64xf32, #tpu.memory_space<vmem>>) offsets(%dma_start3A_18 : memref<80xi32, #tpu.memory_space<vmem>>) semaphore(%arg15 : memref<!tpu.dma_semaphore, #tpu.memory_space<semaphore_mem>>)
    %dma_wait3A = arith.constant 0 : i32
    %dma_wait3A_22 = tpu.memref_slice %arg7[%dma_wait3A] : memref<2000xi32, #tpu.memory_space<vmem>> -> memref<80xi32, #tpu.memory_space<vmem>>
    %dma_wait3A_23 = arith.constant 0 : i32
    %dma_wait3A_24 = arith.constant 0 : i32
    %dma_wait3A_25 = tpu.memref_slice %arg2[%dma_wait3A_23, %dma_wait3A_24] : memref<10000x64xf32, #tpu.memory_space<hbm>> -> memref<10000x64xf32, #tpu.memory_space<hbm>>
    tpu.wait_indirect_dma semaphore(%arg13 : memref<!tpu.dma_semaphore, #tpu.memory_space<semaphore_mem>>) src(%dma_wait3A_25 : memref<10000x64xf32, #tpu.memory_space<hbm>>) dst(%arg9 : memref<80x64xf32, #tpu.memory_space<vmem>>)
    %dma_wait3A_26 = arith.constant 0 : i32
    %dma_wait3A_27 = tpu.memref_slice %arg8[%dma_wait3A_26] : memref<2000xi32, #tpu.memory_space<vmem>> -> memref<80xi32, #tpu.memory_space<vmem>>
    %dma_wait3A_28 = arith.constant 0 : i32
    %dma_wait3A_29 = arith.constant 0 : i32
    %dma_wait3A_30 = tpu.memref_slice %arg3[%dma_wait3A_28, %dma_wait3A_29] : memref<10000x64xf32, #tpu.memory_space<hbm>> -> memref<10000x64xf32, #tpu.memory_space<hbm>>
    tpu.wait_indirect_dma semaphore(%arg13 : memref<!tpu.dma_semaphore, #tpu.memory_space<semaphore_mem>>) src(%dma_wait3A_30 : memref<10000x64xf32, #tpu.memory_space<hbm>>) dst(%arg10 : memref<80x64xf32, #tpu.memory_space<vmem>>)
    %add3A_31 = arith.constant 0 : i32
    %add3A_32 = arith.addi %mul3A_2, %add3A_31 : i32
    %dma_start3A_33 = arith.constant 0 : i32
    %dma_start3A_34 = tpu.memref_slice %arg6[%add3A_32, %dma_start3A_33] : memref<64000x128xf32, #tpu.memory_space<hbm>> -> memref<80x64xf32, #tpu.memory_space<hbm>>
    %dma_start3A_35 = arith.constant 0 : i32
    %dma_start3A_36 = tpu.memref_slice %arg6[%add3A_32, %dma_start3A_35] : memref<64000x128xf32, #tpu.memory_space<hbm>> -> memref<80x64xf32, #tpu.memory_space<hbm>>
    tpu.enqueue_dma source(%arg9 : memref<80x64xf32, #tpu.memory_space<vmem>>) target(%dma_start3A_36 : memref<80x64xf32, #tpu.memory_space<hbm>>) target_semaphore(%arg14 : memref<!tpu.dma_semaphore, #tpu.memory_space<semaphore_mem>>)
    %dma_start3A_37 = arith.constant 64 : i32
    %dma_start3A_38 = tpu.memref_slice %arg6[%add3A_32, %dma_start3A_37] : memref<64000x128xf32, #tpu.memory_space<hbm>> -> memref<80x64xf32, #tpu.memory_space<hbm>>
    %dma_start3A_39 = arith.constant 64 : i32
    %dma_start3A_40 = tpu.memref_slice %arg6[%add3A_32, %dma_start3A_39] : memref<64000x128xf32, #tpu.memory_space<hbm>> -> memref<80x64xf32, #tpu.memory_space<hbm>>
    tpu.enqueue_dma source(%arg10 : memref<80x64xf32, #tpu.memory_space<vmem>>) target(%dma_start3A_40 : memref<80x64xf32, #tpu.memory_space<hbm>>) target_semaphore(%arg14 : memref<!tpu.dma_semaphore, #tpu.memory_space<semaphore_mem>>)
    %dma_wait3A_41 = arith.constant 80 : i32
    %dma_wait3A_42 = tpu.memref_slice %arg7[%dma_wait3A_41] : memref<2000xi32, #tpu.memory_space<vmem>> -> memref<80xi32, #tpu.memory_space<vmem>>
    %dma_wait3A_43 = arith.constant 0 : i32
    %dma_wait3A_44 = arith.constant 0 : i32
    %dma_wait3A_45 = tpu.memref_slice %arg2[%dma_wait3A_43, %dma_wait3A_44] : memref<10000x64xf32, #tpu.memory_space<hbm>> -> memref<10000x64xf32, #tpu.memory_space<hbm>>
    tpu.wait_indirect_dma semaphore(%arg15 : memref<!tpu.dma_semaphore, #tpu.memory_space<semaphore_mem>>) src(%dma_wait3A_45 : memref<10000x64xf32, #tpu.memory_space<hbm>>) dst(%arg11 : memref<80x64xf32, #tpu.memory_space<vmem>>)
    %dma_wait3A_46 = arith.constant 80 : i32
    %dma_wait3A_47 = tpu.memref_slice %arg8[%dma_wait3A_46] : memref<2000xi32, #tpu.memory_space<vmem>> -> memref<80xi32, #tpu.memory_space<vmem>>
    %dma_wait3A_48 = arith.constant 0 : i32
    %dma_wait3A_49 = arith.constant 0 : i32
    %dma_wait3A_50 = tpu.memref_slice %arg3[%dma_wait3A_48, %dma_wait3A_49] : memref<10000x64xf32, #tpu.memory_space<hbm>> -> memref<10000x64xf32, #tpu.memory_space<hbm>>
    tpu.wait_indirect_dma semaphore(%arg15 : memref<!tpu.dma_semaphore, #tpu.memory_space<semaphore_mem>>) src(%dma_wait3A_50 : memref<10000x64xf32, #tpu.memory_space<hbm>>) dst(%arg12 : memref<80x64xf32, #tpu.memory_space<vmem>>)
    %add3A_51 = arith.constant 80 : i32
    %add3A_52 = arith.addi %mul3A_2, %add3A_51 : i32
    %dma_start3A_53 = arith.constant 0 : i32
    %dma_start3A_54 = tpu.memref_slice %arg6[%add3A_52, %dma_start3A_53] : memref<64000x128xf32, #tpu.memory_space<hbm>> -> memref<80x64xf32, #tpu.memory_space<hbm>>
    %dma_start3A_55 = arith.constant 0 : i32
    %dma_start3A_56 = tpu.memref_slice %arg6[%add3A_52, %dma_start3A_55] : memref<64000x128xf32, #tpu.memory_space<hbm>> -> memref<80x64xf32, #tpu.memory_space<hbm>>
    tpu.enqueue_dma source(%arg11 : memref<80x64xf32, #tpu.memory_space<vmem>>) target(%dma_start3A_56 : memref<80x64xf32, #tpu.memory_space<hbm>>) target_semaphore(%arg16 : memref<!tpu.dma_semaphore, #tpu.memory_space<semaphore_mem>>)
    %dma_start3A_57 = arith.constant 64 : i32
    %dma_start3A_58 = tpu.memref_slice %arg6[%add3A_52, %dma_start3A_57] : memref<64000x128xf32, #tpu.memory_space<hbm>> -> memref<80x64xf32, #tpu.memory_space<hbm>>
    %dma_start3A_59 = arith.constant 64 : i32
    %dma_start3A_60 = tpu.memref_slice %arg6[%add3A_52, %dma_start3A_59] : memref<64000x128xf32, #tpu.memory_space<hbm>> -> memref<80x64xf32, #tpu.memory_space<hbm>>
    tpu.enqueue_dma source(%arg12 : memref<80x64xf32, #tpu.memory_space<vmem>>) target(%dma_start3A_60 : memref<80x64xf32, #tpu.memory_space<hbm>>) target_semaphore(%arg16 : memref<!tpu.dma_semaphore, #tpu.memory_space<semaphore_mem>>)
    %add3A_61 = arith.constant 0 : i32
    %add3A_62 = arith.addi %mul3A_2, %add3A_61 : i32
    %dma_wait3A_63 = arith.constant 0 : i32
    %dma_wait3A_64 = tpu.memref_slice %arg6[%add3A_62, %dma_wait3A_63] : memref<64000x128xf32, #tpu.memory_space<hbm>> -> memref<80x64xf32, #tpu.memory_space<hbm>>
    %dma_wait3A_65 = arith.constant 0 : i32
    %dma_wait3A_66 = tpu.memref_slice %arg6[%add3A_62, %dma_wait3A_65] : memref<64000x128xf32, #tpu.memory_space<hbm>> -> memref<80x64xf32, #tpu.memory_space<hbm>>
    tpu.wait_dma2 semaphore(%arg14 : memref<!tpu.dma_semaphore, #tpu.memory_space<semaphore_mem>>) src(%arg9 : memref<80x64xf32, #tpu.memory_space<vmem>>) dst(%dma_wait3A_66 : memref<80x64xf32, #tpu.memory_space<hbm>>)
    %dma_wait3A_67 = arith.constant 64 : i32
    %dma_wait3A_68 = tpu.memref_slice %arg6[%add3A_62, %dma_wait3A_67] : memref<64000x128xf32, #tpu.memory_space<hbm>> -> memref<80x64xf32, #tpu.memory_space<hbm>>
    %dma_wait3A_69 = arith.constant 64 : i32
    %dma_wait3A_70 = tpu.memref_slice %arg6[%add3A_62, %dma_wait3A_69] : memref<64000x128xf32, #tpu.memory_space<hbm>> -> memref<80x64xf32, #tpu.memory_space<hbm>>
    tpu.wait_dma2 semaphore(%arg14 : memref<!tpu.dma_semaphore, #tpu.memory_space<semaphore_mem>>) src(%arg10 : memref<80x64xf32, #tpu.memory_space<vmem>>) dst(%dma_wait3A_70 : memref<80x64xf32, #tpu.memory_space<hbm>>)
    %dma_start3A_71 = arith.constant 160 : i32
    %dma_start3A_72 = tpu.memref_slice %arg7[%dma_start3A_71] : memref<2000xi32, #tpu.memory_space<vmem>> -> memref<80xi32, #tpu.memory_space<vmem>>
    %dma_start3A_73 = arith.constant 0 : i32
    %dma_start3A_74 = arith.constant 0 : i32
    %dma_start3A_75 = tpu.memref_slice %arg2[%dma_start3A_73, %dma_start3A_74] : memref<10000x64xf32, #tpu.memory_space<hbm>> -> memref<10000x64xf32, #tpu.memory_space<hbm>>
    tpu.enqueue_indirect_dma source(%dma_start3A_75 : memref<10000x64xf32, #tpu.memory_space<hbm>>) target(%arg9 : memref<80x64xf32, #tpu.memory_space<vmem>>) offsets(%dma_start3A_72 : memref<80xi32, #tpu.memory_space<vmem>>) semaphore(%arg13 : memref<!tpu.dma_semaphore, #tpu.memory_space<semaphore_mem>>)
    %dma_start3A_76 = arith.constant 160 : i32
    %dma_start3A_77 = tpu.memref_slice %arg8[%dma_start3A_76] : memref<2000xi32, #tpu.memory_space<vmem>> -> memref<80xi32, #tpu.memory_space<vmem>>
    %dma_start3A_78 = arith.constant 0 : i32
    %dma_start3A_79 = arith.constant 0 : i32
    %dma_start3A_80 = tpu.memref_slice %arg3[%dma_start3A_78, %dma_start3A_79] : memref<10000x64xf32, #tpu.memory_space<hbm>> -> memref<10000x64xf32, #tpu.memory_space<hbm>>
    tpu.enqueue_indirect_dma source(%dma_start3A_80 : memref<10000x64xf32, #tpu.memory_space<hbm>>) target(%arg10 : memref<80x64xf32, #tpu.memory_space<vmem>>) offsets(%dma_start3A_77 : memref<80xi32, #tpu.memory_space<vmem>>) semaphore(%arg13 : memref<!tpu.dma_semaphore, #tpu.memory_space<semaphore_mem>>)
    %scan3A = arith.constant 0 : i32
    %scan3A_81 = arith.constant 11 : i32
    %scan3A_82 = arith.addi %scan3A, %scan3A_81 : i32
    %scan3A_83 = arith.constant 1 : i32
    scf.for %scan3A_125 = %scan3A to %scan3A_82 step %scan3A_83  : i32 {
      %mul3A_126 = arith.constant 1 : i32
      %mul3A_127 = arith.muli %scan3A_125, %mul3A_126 : i32
      %add3A_128 = arith.constant 1 : i32
      %add3A_129 = arith.addi %add3A_128, %mul3A_127 : i32
      %mul3A_130 = arith.constant 2 : i32
      %mul3A_131 = arith.muli %mul3A_130, %add3A_129 : i32
      %sub3A = arith.constant 1 : i32
      %sub3A_132 = arith.subi %mul3A_131, %sub3A : i32
      %mul3A_133 = arith.constant 80 : i32
      %mul3A_134 = arith.muli %sub3A_132, %mul3A_133 : i32
      %add3A_135 = arith.addi %mul3A_2, %mul3A_134 : i32
      %dma_wait3A_136 = arith.constant 0 : i32
      %dma_wait3A_137 = tpu.memref_slice %arg6[%add3A_135, %dma_wait3A_136] : memref<64000x128xf32, #tpu.memory_space<hbm>> -> memref<80x64xf32, #tpu.memory_space<hbm>>
      %dma_wait3A_138 = arith.constant 0 : i32
      %dma_wait3A_139 = tpu.memref_slice %arg6[%add3A_135, %dma_wait3A_138] : memref<64000x128xf32, #tpu.memory_space<hbm>> -> memref<80x64xf32, #tpu.memory_space<hbm>>
      tpu.wait_dma2 semaphore(%arg16 : memref<!tpu.dma_semaphore, #tpu.memory_space<semaphore_mem>>) src(%arg11 : memref<80x64xf32, #tpu.memory_space<vmem>>) dst(%dma_wait3A_139 : memref<80x64xf32, #tpu.memory_space<hbm>>)
      %dma_wait3A_140 = arith.constant 64 : i32
      %dma_wait3A_141 = tpu.memref_slice %arg6[%add3A_135, %dma_wait3A_140] : memref<64000x128xf32, #tpu.memory_space<hbm>> -> memref<80x64xf32, #tpu.memory_space<hbm>>
      %dma_wait3A_142 = arith.constant 64 : i32
      %dma_wait3A_143 = tpu.memref_slice %arg6[%add3A_135, %dma_wait3A_142] : memref<64000x128xf32, #tpu.memory_space<hbm>> -> memref<80x64xf32, #tpu.memory_space<hbm>>
      tpu.wait_dma2 semaphore(%arg16 : memref<!tpu.dma_semaphore, #tpu.memory_space<semaphore_mem>>) src(%arg12 : memref<80x64xf32, #tpu.memory_space<vmem>>) dst(%dma_wait3A_143 : memref<80x64xf32, #tpu.memory_space<hbm>>)
      %add3A_144 = arith.constant 1 : i32
      %add3A_145 = arith.addi %mul3A_131, %add3A_144 : i32
      %mul3A_146 = arith.constant 80 : i32
      %mul3A_147 = arith.muli %add3A_145, %mul3A_146 : i32
      %dma_start3A_148 = tpu.memref_slice %arg7[%mul3A_147] : memref<2000xi32, #tpu.memory_space<vmem>> -> memref<80xi32, #tpu.memory_space<vmem>>
      %dma_start3A_149 = arith.constant 0 : i32
      %dma_start3A_150 = arith.constant 0 : i32
      %dma_start3A_151 = tpu.memref_slice %arg2[%dma_start3A_149, %dma_start3A_150] : memref<10000x64xf32, #tpu.memory_space<hbm>> -> memref<10000x64xf32, #tpu.memory_space<hbm>>
      tpu.enqueue_indirect_dma source(%dma_start3A_151 : memref<10000x64xf32, #tpu.memory_space<hbm>>) target(%arg11 : memref<80x64xf32, #tpu.memory_space<vmem>>) offsets(%dma_start3A_148 : memref<80xi32, #tpu.memory_space<vmem>>) semaphore(%arg15 : memref<!tpu.dma_semaphore, #tpu.memory_space<semaphore_mem>>)
      %dma_start3A_152 = tpu.memref_slice %arg8[%mul3A_147] : memref<2000xi32, #tpu.memory_space<vmem>> -> memref<80xi32, #tpu.memory_space<vmem>>
      %dma_start3A_153 = arith.constant 0 : i32
      %dma_start3A_154 = arith.constant 0 : i32
      %dma_start3A_155 = tpu.memref_slice %arg3[%dma_start3A_153, %dma_start3A_154] : memref<10000x64xf32, #tpu.memory_space<hbm>> -> memref<10000x64xf32, #tpu.memory_space<hbm>>
      tpu.enqueue_indirect_dma source(%dma_start3A_155 : memref<10000x64xf32, #tpu.memory_space<hbm>>) target(%arg12 : memref<80x64xf32, #tpu.memory_space<vmem>>) offsets(%dma_start3A_152 : memref<80xi32, #tpu.memory_space<vmem>>) semaphore(%arg15 : memref<!tpu.dma_semaphore, #tpu.memory_space<semaphore_mem>>)
      %mul3A_156 = arith.constant 80 : i32
      %mul3A_157 = arith.muli %mul3A_131, %mul3A_156 : i32
      %dma_wait3A_158 = tpu.memref_slice %arg7[%mul3A_157] : memref<2000xi32, #tpu.memory_space<vmem>> -> memref<80xi32, #tpu.memory_space<vmem>>
      %dma_wait3A_159 = arith.constant 0 : i32
      %dma_wait3A_160 = arith.constant 0 : i32
      %dma_wait3A_161 = tpu.memref_slice %arg2[%dma_wait3A_159, %dma_wait3A_160] : memref<10000x64xf32, #tpu.memory_space<hbm>> -> memref<10000x64xf32, #tpu.memory_space<hbm>>
      tpu.wait_indirect_dma semaphore(%arg13 : memref<!tpu.dma_semaphore, #tpu.memory_space<semaphore_mem>>) src(%dma_wait3A_161 : memref<10000x64xf32, #tpu.memory_space<hbm>>) dst(%arg9 : memref<80x64xf32, #tpu.memory_space<vmem>>)
      %dma_wait3A_162 = tpu.memref_slice %arg8[%mul3A_157] : memref<2000xi32, #tpu.memory_space<vmem>> -> memref<80xi32, #tpu.memory_space<vmem>>
      %dma_wait3A_163 = arith.constant 0 : i32
      %dma_wait3A_164 = arith.constant 0 : i32
      %dma_wait3A_165 = tpu.memref_slice %arg3[%dma_wait3A_163, %dma_wait3A_164] : memref<10000x64xf32, #tpu.memory_space<hbm>> -> memref<10000x64xf32, #tpu.memory_space<hbm>>
      tpu.wait_indirect_dma semaphore(%arg13 : memref<!tpu.dma_semaphore, #tpu.memory_space<semaphore_mem>>) src(%dma_wait3A_165 : memref<10000x64xf32, #tpu.memory_space<hbm>>) dst(%arg10 : memref<80x64xf32, #tpu.memory_space<vmem>>)
      %mul3A_166 = arith.constant 80 : i32
      %mul3A_167 = arith.muli %mul3A_131, %mul3A_166 : i32
      %add3A_168 = arith.addi %mul3A_2, %mul3A_167 : i32
      %dma_start3A_169 = arith.constant 0 : i32
      %dma_start3A_170 = tpu.memref_slice %arg6[%add3A_168, %dma_start3A_169] : memref<64000x128xf32, #tpu.memory_space<hbm>> -> memref<80x64xf32, #tpu.memory_space<hbm>>
      %dma_start3A_171 = arith.constant 0 : i32
      %dma_start3A_172 = tpu.memref_slice %arg6[%add3A_168, %dma_start3A_171] : memref<64000x128xf32, #tpu.memory_space<hbm>> -> memref<80x64xf32, #tpu.memory_space<hbm>>
      tpu.enqueue_dma source(%arg9 : memref<80x64xf32, #tpu.memory_space<vmem>>) target(%dma_start3A_172 : memref<80x64xf32, #tpu.memory_space<hbm>>) target_semaphore(%arg14 : memref<!tpu.dma_semaphore, #tpu.memory_space<semaphore_mem>>)
      %dma_start3A_173 = arith.constant 64 : i32
      %dma_start3A_174 = tpu.memref_slice %arg6[%add3A_168, %dma_start3A_173] : memref<64000x128xf32, #tpu.memory_space<hbm>> -> memref<80x64xf32, #tpu.memory_space<hbm>>
      %dma_start3A_175 = arith.constant 64 : i32
      %dma_start3A_176 = tpu.memref_slice %arg6[%add3A_168, %dma_start3A_175] : memref<64000x128xf32, #tpu.memory_space<hbm>> -> memref<80x64xf32, #tpu.memory_space<hbm>>
      tpu.enqueue_dma source(%arg10 : memref<80x64xf32, #tpu.memory_space<vmem>>) target(%dma_start3A_176 : memref<80x64xf32, #tpu.memory_space<hbm>>) target_semaphore(%arg14 : memref<!tpu.dma_semaphore, #tpu.memory_space<semaphore_mem>>)
      %add3A_177 = arith.constant 1 : i32
      %add3A_178 = arith.addi %mul3A_131, %add3A_177 : i32
      %mul3A_179 = arith.constant 80 : i32
      %mul3A_180 = arith.muli %add3A_178, %mul3A_179 : i32
      %dma_wait3A_181 = tpu.memref_slice %arg7[%mul3A_180] : memref<2000xi32, #tpu.memory_space<vmem>> -> memref<80xi32, #tpu.memory_space<vmem>>
      %dma_wait3A_182 = arith.constant 0 : i32
      %dma_wait3A_183 = arith.constant 0 : i32
      %dma_wait3A_184 = tpu.memref_slice %arg2[%dma_wait3A_182, %dma_wait3A_183] : memref<10000x64xf32, #tpu.memory_space<hbm>> -> memref<10000x64xf32, #tpu.memory_space<hbm>>
      tpu.wait_indirect_dma semaphore(%arg15 : memref<!tpu.dma_semaphore, #tpu.memory_space<semaphore_mem>>) src(%dma_wait3A_184 : memref<10000x64xf32, #tpu.memory_space<hbm>>) dst(%arg11 : memref<80x64xf32, #tpu.memory_space<vmem>>)
      %dma_wait3A_185 = tpu.memref_slice %arg8[%mul3A_180] : memref<2000xi32, #tpu.memory_space<vmem>> -> memref<80xi32, #tpu.memory_space<vmem>>
      %dma_wait3A_186 = arith.constant 0 : i32
      %dma_wait3A_187 = arith.constant 0 : i32
      %dma_wait3A_188 = tpu.memref_slice %arg3[%dma_wait3A_186, %dma_wait3A_187] : memref<10000x64xf32, #tpu.memory_space<hbm>> -> memref<10000x64xf32, #tpu.memory_space<hbm>>
      tpu.wait_indirect_dma semaphore(%arg15 : memref<!tpu.dma_semaphore, #tpu.memory_space<semaphore_mem>>) src(%dma_wait3A_188 : memref<10000x64xf32, #tpu.memory_space<hbm>>) dst(%arg12 : memref<80x64xf32, #tpu.memory_space<vmem>>)
      %add3A_189 = arith.constant 1 : i32
      %add3A_190 = arith.addi %mul3A_131, %add3A_189 : i32
      %mul3A_191 = arith.constant 80 : i32
      %mul3A_192 = arith.muli %add3A_190, %mul3A_191 : i32
      %add3A_193 = arith.addi %mul3A_2, %mul3A_192 : i32
      %dma_start3A_194 = arith.constant 0 : i32
      %dma_start3A_195 = tpu.memref_slice %arg6[%add3A_193, %dma_start3A_194] : memref<64000x128xf32, #tpu.memory_space<hbm>> -> memref<80x64xf32, #tpu.memory_space<hbm>>
      %dma_start3A_196 = arith.constant 0 : i32
      %dma_start3A_197 = tpu.memref_slice %arg6[%add3A_193, %dma_start3A_196] : memref<64000x128xf32, #tpu.memory_space<hbm>> -> memref<80x64xf32, #tpu.memory_space<hbm>>
      tpu.enqueue_dma source(%arg11 : memref<80x64xf32, #tpu.memory_space<vmem>>) target(%dma_start3A_197 : memref<80x64xf32, #tpu.memory_space<hbm>>) target_semaphore(%arg16 : memref<!tpu.dma_semaphore, #tpu.memory_space<semaphore_mem>>)
      %dma_start3A_198 = arith.constant 64 : i32
      %dma_start3A_199 = tpu.memref_slice %arg6[%add3A_193, %dma_start3A_198] : memref<64000x128xf32, #tpu.memory_space<hbm>> -> memref<80x64xf32, #tpu.memory_space<hbm>>
      %dma_start3A_200 = arith.constant 64 : i32
      %dma_start3A_201 = tpu.memref_slice %arg6[%add3A_193, %dma_start3A_200] : memref<64000x128xf32, #tpu.memory_space<hbm>> -> memref<80x64xf32, #tpu.memory_space<hbm>>
      tpu.enqueue_dma source(%arg12 : memref<80x64xf32, #tpu.memory_space<vmem>>) target(%dma_start3A_201 : memref<80x64xf32, #tpu.memory_space<hbm>>) target_semaphore(%arg16 : memref<!tpu.dma_semaphore, #tpu.memory_space<semaphore_mem>>)
      %mul3A_202 = arith.constant 80 : i32
      %mul3A_203 = arith.muli %mul3A_131, %mul3A_202 : i32
      %add3A_204 = arith.addi %mul3A_2, %mul3A_203 : i32
      %dma_wait3A_205 = arith.constant 0 : i32
      %dma_wait3A_206 = tpu.memref_slice %arg6[%add3A_204, %dma_wait3A_205] : memref<64000x128xf32, #tpu.memory_space<hbm>> -> memref<80x64xf32, #tpu.memory_space<hbm>>
      %dma_wait3A_207 = arith.constant 0 : i32
      %dma_wait3A_208 = tpu.memref_slice %arg6[%add3A_204, %dma_wait3A_207] : memref<64000x128xf32, #tpu.memory_space<hbm>> -> memref<80x64xf32, #tpu.memory_space<hbm>>
      tpu.wait_dma2 semaphore(%arg14 : memref<!tpu.dma_semaphore, #tpu.memory_space<semaphore_mem>>) src(%arg9 : memref<80x64xf32, #tpu.memory_space<vmem>>) dst(%dma_wait3A_208 : memref<80x64xf32, #tpu.memory_space<hbm>>)
      %dma_wait3A_209 = arith.constant 64 : i32
      %dma_wait3A_210 = tpu.memref_slice %arg6[%add3A_204, %dma_wait3A_209] : memref<64000x128xf32, #tpu.memory_space<hbm>> -> memref<80x64xf32, #tpu.memory_space<hbm>>
      %dma_wait3A_211 = arith.constant 64 : i32
      %dma_wait3A_212 = tpu.memref_slice %arg6[%add3A_204, %dma_wait3A_211] : memref<64000x128xf32, #tpu.memory_space<hbm>> -> memref<80x64xf32, #tpu.memory_space<hbm>>
      tpu.wait_dma2 semaphore(%arg14 : memref<!tpu.dma_semaphore, #tpu.memory_space<semaphore_mem>>) src(%arg10 : memref<80x64xf32, #tpu.memory_space<vmem>>) dst(%dma_wait3A_212 : memref<80x64xf32, #tpu.memory_space<hbm>>)
      %add3A_213 = arith.constant 2 : i32
      %add3A_214 = arith.addi %mul3A_131, %add3A_213 : i32
      %mul3A_215 = arith.constant 80 : i32
      %mul3A_216 = arith.muli %add3A_214, %mul3A_215 : i32
      %dma_start3A_217 = tpu.memref_slice %arg7[%mul3A_216] : memref<2000xi32, #tpu.memory_space<vmem>> -> memref<80xi32, #tpu.memory_space<vmem>>
      %dma_start3A_218 = arith.constant 0 : i32
      %dma_start3A_219 = arith.constant 0 : i32
      %dma_start3A_220 = tpu.memref_slice %arg2[%dma_start3A_218, %dma_start3A_219] : memref<10000x64xf32, #tpu.memory_space<hbm>> -> memref<10000x64xf32, #tpu.memory_space<hbm>>
      tpu.enqueue_indirect_dma source(%dma_start3A_220 : memref<10000x64xf32, #tpu.memory_space<hbm>>) target(%arg9 : memref<80x64xf32, #tpu.memory_space<vmem>>) offsets(%dma_start3A_217 : memref<80xi32, #tpu.memory_space<vmem>>) semaphore(%arg13 : memref<!tpu.dma_semaphore, #tpu.memory_space<semaphore_mem>>)
      %dma_start3A_221 = tpu.memref_slice %arg8[%mul3A_216] : memref<2000xi32, #tpu.memory_space<vmem>> -> memref<80xi32, #tpu.memory_space<vmem>>
      %dma_start3A_222 = arith.constant 0 : i32
      %dma_start3A_223 = arith.constant 0 : i32
      %dma_start3A_224 = tpu.memref_slice %arg3[%dma_start3A_222, %dma_start3A_223] : memref<10000x64xf32, #tpu.memory_space<hbm>> -> memref<10000x64xf32, #tpu.memory_space<hbm>>
      tpu.enqueue_indirect_dma source(%dma_start3A_224 : memref<10000x64xf32, #tpu.memory_space<hbm>>) target(%arg10 : memref<80x64xf32, #tpu.memory_space<vmem>>) offsets(%dma_start3A_221 : memref<80xi32, #tpu.memory_space<vmem>>) semaphore(%arg13 : memref<!tpu.dma_semaphore, #tpu.memory_space<semaphore_mem>>)
    }
    %scan3A_84 = arith.constant 11 : i32
    %dma_wait3A_85 = arith.constant 1920 : i32
    %dma_wait3A_86 = tpu.memref_slice %arg7[%dma_wait3A_85] : memref<2000xi32, #tpu.memory_space<vmem>> -> memref<80xi32, #tpu.memory_space<vmem>>
    %dma_wait3A_87 = arith.constant 0 : i32
    %dma_wait3A_88 = arith.constant 0 : i32
    %dma_wait3A_89 = tpu.memref_slice %arg2[%dma_wait3A_87, %dma_wait3A_88] : memref<10000x64xf32, #tpu.memory_space<hbm>> -> memref<10000x64xf32, #tpu.memory_space<hbm>>
    tpu.wait_indirect_dma semaphore(%arg13 : memref<!tpu.dma_semaphore, #tpu.memory_space<semaphore_mem>>) src(%dma_wait3A_89 : memref<10000x64xf32, #tpu.memory_space<hbm>>) dst(%arg9 : memref<80x64xf32, #tpu.memory_space<vmem>>)
    %dma_wait3A_90 = arith.constant 1920 : i32
    %dma_wait3A_91 = tpu.memref_slice %arg8[%dma_wait3A_90] : memref<2000xi32, #tpu.memory_space<vmem>> -> memref<80xi32, #tpu.memory_space<vmem>>
    %dma_wait3A_92 = arith.constant 0 : i32
    %dma_wait3A_93 = arith.constant 0 : i32
    %dma_wait3A_94 = tpu.memref_slice %arg3[%dma_wait3A_92, %dma_wait3A_93] : memref<10000x64xf32, #tpu.memory_space<hbm>> -> memref<10000x64xf32, #tpu.memory_space<hbm>>
    tpu.wait_indirect_dma semaphore(%arg13 : memref<!tpu.dma_semaphore, #tpu.memory_space<semaphore_mem>>) src(%dma_wait3A_94 : memref<10000x64xf32, #tpu.memory_space<hbm>>) dst(%arg10 : memref<80x64xf32, #tpu.memory_space<vmem>>)
    %add3A_95 = arith.constant 1920 : i32
    %add3A_96 = arith.addi %mul3A_2, %add3A_95 : i32
    %dma_start3A_97 = arith.constant 0 : i32
    %dma_start3A_98 = tpu.memref_slice %arg6[%add3A_96, %dma_start3A_97] : memref<64000x128xf32, #tpu.memory_space<hbm>> -> memref<80x64xf32, #tpu.memory_space<hbm>>
    %dma_start3A_99 = arith.constant 0 : i32
    %dma_start3A_100 = tpu.memref_slice %arg6[%add3A_96, %dma_start3A_99] : memref<64000x128xf32, #tpu.memory_space<hbm>> -> memref<80x64xf32, #tpu.memory_space<hbm>>
    tpu.enqueue_dma source(%arg9 : memref<80x64xf32, #tpu.memory_space<vmem>>) target(%dma_start3A_100 : memref<80x64xf32, #tpu.memory_space<hbm>>) target_semaphore(%arg14 : memref<!tpu.dma_semaphore, #tpu.memory_space<semaphore_mem>>)
    %dma_start3A_101 = arith.constant 64 : i32
    %dma_start3A_102 = tpu.memref_slice %arg6[%add3A_96, %dma_start3A_101] : memref<64000x128xf32, #tpu.memory_space<hbm>> -> memref<80x64xf32, #tpu.memory_space<hbm>>
    %dma_start3A_103 = arith.constant 64 : i32
    %dma_start3A_104 = tpu.memref_slice %arg6[%add3A_96, %dma_start3A_103] : memref<64000x128xf32, #tpu.memory_space<hbm>> -> memref<80x64xf32, #tpu.memory_space<hbm>>
    tpu.enqueue_dma source(%arg10 : memref<80x64xf32, #tpu.memory_space<vmem>>) target(%dma_start3A_104 : memref<80x64xf32, #tpu.memory_space<hbm>>) target_semaphore(%arg14 : memref<!tpu.dma_semaphore, #tpu.memory_space<semaphore_mem>>)
    %add3A_105 = arith.constant 1920 : i32
    %add3A_106 = arith.addi %mul3A_2, %add3A_105 : i32
    %dma_wait3A_107 = arith.constant 0 : i32
    %dma_wait3A_108 = tpu.memref_slice %arg6[%add3A_106, %dma_wait3A_107] : memref<64000x128xf32, #tpu.memory_space<hbm>> -> memref<80x64xf32, #tpu.memory_space<hbm>>
    %dma_wait3A_109 = arith.constant 0 : i32
    %dma_wait3A_110 = tpu.memref_slice %arg6[%add3A_106, %dma_wait3A_109] : memref<64000x128xf32, #tpu.memory_space<hbm>> -> memref<80x64xf32, #tpu.memory_space<hbm>>
    tpu.wait_dma2 semaphore(%arg14 : memref<!tpu.dma_semaphore, #tpu.memory_space<semaphore_mem>>) src(%arg9 : memref<80x64xf32, #tpu.memory_space<vmem>>) dst(%dma_wait3A_110 : memref<80x64xf32, #tpu.memory_space<hbm>>)
    %dma_wait3A_111 = arith.constant 64 : i32
    %dma_wait3A_112 = tpu.memref_slice %arg6[%add3A_106, %dma_wait3A_111] : memref<64000x128xf32, #tpu.memory_space<hbm>> -> memref<80x64xf32, #tpu.memory_space<hbm>>
    %dma_wait3A_113 = arith.constant 64 : i32
    %dma_wait3A_114 = tpu.memref_slice %arg6[%add3A_106, %dma_wait3A_113] : memref<64000x128xf32, #tpu.memory_space<hbm>> -> memref<80x64xf32, #tpu.memory_space<hbm>>
    tpu.wait_dma2 semaphore(%arg14 : memref<!tpu.dma_semaphore, #tpu.memory_space<semaphore_mem>>) src(%arg10 : memref<80x64xf32, #tpu.memory_space<vmem>>) dst(%dma_wait3A_114 : memref<80x64xf32, #tpu.memory_space<hbm>>)
    %add3A_115 = arith.constant 1840 : i32
    %add3A_116 = arith.addi %mul3A_2, %add3A_115 : i32
    %dma_wait3A_117 = arith.constant 0 : i32
    %dma_wait3A_118 = tpu.memref_slice %arg6[%add3A_116, %dma_wait3A_117] : memref<64000x128xf32, #tpu.memory_space<hbm>> -> memref<80x64xf32, #tpu.memory_space<hbm>>
    %dma_wait3A_119 = arith.constant 0 : i32
    %dma_wait3A_120 = tpu.memref_slice %arg6[%add3A_116, %dma_wait3A_119] : memref<64000x128xf32, #tpu.memory_space<hbm>> -> memref<80x64xf32, #tpu.memory_space<hbm>>
    tpu.wait_dma2 semaphore(%arg16 : memref<!tpu.dma_semaphore, #tpu.memory_space<semaphore_mem>>) src(%arg11 : memref<80x64xf32, #tpu.memory_space<vmem>>) dst(%dma_wait3A_120 : memref<80x64xf32, #tpu.memory_space<hbm>>)
    %dma_wait3A_121 = arith.constant 64 : i32
    %dma_wait3A_122 = tpu.memref_slice %arg6[%add3A_116, %dma_wait3A_121] : memref<64000x128xf32, #tpu.memory_space<hbm>> -> memref<80x64xf32, #tpu.memory_space<hbm>>
    %dma_wait3A_123 = arith.constant 64 : i32
    %dma_wait3A_124 = tpu.memref_slice %arg6[%add3A_116, %dma_wait3A_123] : memref<64000x128xf32, #tpu.memory_space<hbm>> -> memref<80x64xf32, #tpu.memory_space<hbm>>
    tpu.wait_dma2 semaphore(%arg16 : memref<!tpu.dma_semaphore, #tpu.memory_space<semaphore_mem>>) src(%arg12 : memref<80x64xf32, #tpu.memory_space<vmem>>) dst(%dma_wait3A_124 : memref<80x64xf32, #tpu.memory_space<hbm>>)
    return
  }
}

#map = affine_map<(d0, d1) -> (0, 0)>
#map1 = affine_map<(d0, d1) -> (0)>
module attributes {stable_mosaic.version = 14 : i64} {
  func.func @_gather_entry(%arg0: i32, %arg1: i32, %arg2: memref<10000x64xf32, #tpu.memory_space<hbm>>, %arg3: memref<10000x64xf32, #tpu.memory_space<hbm>>, %arg4: memref<64000xi32, #tpu.memory_space<hbm>>, %arg5: memref<64000xi32, #tpu.memory_space<hbm>>, %arg6: memref<64000x128xf32, #tpu.memory_space<hbm>>, %arg7: memref<2000xi32, #tpu.memory_space<vmem>>, %arg8: memref<2000xi32, #tpu.memory_space<vmem>>, %arg9: memref<80x64xf32, #tpu.memory_space<vmem>>, %arg10: memref<80x64xf32, #tpu.memory_space<vmem>>, %arg11: memref<80x64xf32, #tpu.memory_space<vmem>>, %arg12: memref<80x64xf32, #tpu.memory_space<vmem>>, %arg13: memref<!tpu.dma_semaphore, #tpu.memory_space<semaphore_mem>>, %arg14: memref<!tpu.dma_semaphore, #tpu.memory_space<semaphore_mem>>, %arg15: memref<!tpu.dma_semaphore, #tpu.memory_space<semaphore_mem>>, %arg16: memref<!tpu.dma_semaphore, #tpu.memory_space<semaphore_mem>>) attributes {dimension_semantics = [#tpu.dimension_semantics<core_parallel>, #tpu.dimension_semantics<subcore_parallel>], iteration_bounds = array<i64: 2, 16>, scalar_prefetch = 0 : i64, scratch_operands = 10 : i64, tpu.core_type = #tpu.core_type<sc_vector_subcore>, window_params = [{transform_indices = #map}, {transform_indices = #map}, {transform_indices = #map1}, {transform_indices = #map1}, {transform_indices = #map}]} {
    %mul3A = arith.constant 2 : i32
    %mul3A_0 = arith.muli %arg1, %mul3A : i32
    %add3A = arith.addi %mul3A_0, %arg0 : i32
    %mul3A_1 = arith.constant 2000 : i32
    %mul3A_2 = arith.muli %add3A, %mul3A_1 : i32
    "tpu.region"() ({
      %run_scoped3A = tpu.sem_alloc : memref<!tpu.dma_semaphore, #tpu.memory_space<semaphore_mem>>
      %dma_start3A_125 = tpu.memref_slice %arg4[%mul3A_2] : memref<64000xi32, #tpu.memory_space<hbm>> -> memref<2000xi32, #tpu.memory_space<hbm>>
      %dma_start3A_126 = tpu.memref_slice %arg4[%mul3A_2] : memref<64000xi32, #tpu.memory_space<hbm>> -> memref<2000xi32, #tpu.memory_space<hbm>>
      tpu.enqueue_dma source(%dma_start3A_126 : memref<2000xi32, #tpu.memory_space<hbm>>) target(%arg7 : memref<2000xi32, #tpu.memory_space<vmem>>) target_semaphore(%run_scoped3A : memref<!tpu.dma_semaphore, #tpu.memory_space<semaphore_mem>>)
      %dma_wait3A_127 = tpu.memref_slice %arg4[%mul3A_2] : memref<64000xi32, #tpu.memory_space<hbm>> -> memref<2000xi32, #tpu.memory_space<hbm>>
      %dma_wait3A_128 = tpu.memref_slice %arg4[%mul3A_2] : memref<64000xi32, #tpu.memory_space<hbm>> -> memref<2000xi32, #tpu.memory_space<hbm>>
      tpu.wait_dma2 semaphore(%run_scoped3A : memref<!tpu.dma_semaphore, #tpu.memory_space<semaphore_mem>>) src(%dma_wait3A_128 : memref<2000xi32, #tpu.memory_space<hbm>>) dst(%arg7 : memref<2000xi32, #tpu.memory_space<vmem>>)
      tpu.yield
    }) : () -> ()
    "tpu.region"() ({
      %run_scoped3A = tpu.sem_alloc : memref<!tpu.dma_semaphore, #tpu.memory_space<semaphore_mem>>
      %dma_start3A_125 = tpu.memref_slice %arg5[%mul3A_2] : memref<64000xi32, #tpu.memory_space<hbm>> -> memref<2000xi32, #tpu.memory_space<hbm>>
      %dma_start3A_126 = tpu.memref_slice %arg5[%mul3A_2] : memref<64000xi32, #tpu.memory_space<hbm>> -> memref<2000xi32, #tpu.memory_space<hbm>>
      tpu.enqueue_dma source(%dma_start3A_126 : memref<2000xi32, #tpu.memory_space<hbm>>) target(%arg8 : memref<2000xi32, #tpu.memory_space<vmem>>) target_semaphore(%run_scoped3A : memref<!tpu.dma_semaphore, #tpu.memory_space<semaphore_mem>>)
      %dma_wait3A_127 = tpu.memref_slice %arg5[%mul3A_2] : memref<64000xi32, #tpu.memory_space<hbm>> -> memref<2000xi32, #tpu.memory_space<hbm>>
      %dma_wait3A_128 = tpu.memref_slice %arg5[%mul3A_2] : memref<64000xi32, #tpu.memory_space<hbm>> -> memref<2000xi32, #tpu.memory_space<hbm>>
      tpu.wait_dma2 semaphore(%run_scoped3A : memref<!tpu.dma_semaphore, #tpu.memory_space<semaphore_mem>>) src(%dma_wait3A_128 : memref<2000xi32, #tpu.memory_space<hbm>>) dst(%arg8 : memref<2000xi32, #tpu.memory_space<vmem>>)
      tpu.yield
    }) : () -> ()
    %dma_start3A = arith.constant 0 : i32
    %dma_start3A_3 = tpu.memref_slice %arg7[%dma_start3A] : memref<2000xi32, #tpu.memory_space<vmem>> -> memref<80xi32, #tpu.memory_space<vmem>>
    %dma_start3A_4 = arith.constant 0 : i32
    %dma_start3A_5 = arith.constant 0 : i32
    %dma_start3A_6 = tpu.memref_slice %arg2[%dma_start3A_4, %dma_start3A_5] : memref<10000x64xf32, #tpu.memory_space<hbm>> -> memref<10000x64xf32, #tpu.memory_space<hbm>>
    tpu.enqueue_indirect_dma source(%dma_start3A_6 : memref<10000x64xf32, #tpu.memory_space<hbm>>) target(%arg9 : memref<80x64xf32, #tpu.memory_space<vmem>>) offsets(%dma_start3A_3 : memref<80xi32, #tpu.memory_space<vmem>>) semaphore(%arg13 : memref<!tpu.dma_semaphore, #tpu.memory_space<semaphore_mem>>)
    %dma_start3A_7 = arith.constant 0 : i32
    %dma_start3A_8 = tpu.memref_slice %arg8[%dma_start3A_7] : memref<2000xi32, #tpu.memory_space<vmem>> -> memref<80xi32, #tpu.memory_space<vmem>>
    %dma_start3A_9 = arith.constant 0 : i32
    %dma_start3A_10 = arith.constant 0 : i32
    %dma_start3A_11 = tpu.memref_slice %arg3[%dma_start3A_9, %dma_start3A_10] : memref<10000x64xf32, #tpu.memory_space<hbm>> -> memref<10000x64xf32, #tpu.memory_space<hbm>>
    tpu.enqueue_indirect_dma source(%dma_start3A_11 : memref<10000x64xf32, #tpu.memory_space<hbm>>) target(%arg10 : memref<80x64xf32, #tpu.memory_space<vmem>>) offsets(%dma_start3A_8 : memref<80xi32, #tpu.memory_space<vmem>>) semaphore(%arg13 : memref<!tpu.dma_semaphore, #tpu.memory_space<semaphore_mem>>)
    %dma_start3A_12 = arith.constant 80 : i32
    %dma_start3A_13 = tpu.memref_slice %arg7[%dma_start3A_12] : memref<2000xi32, #tpu.memory_space<vmem>> -> memref<80xi32, #tpu.memory_space<vmem>>
    %dma_start3A_14 = arith.constant 0 : i32
    %dma_start3A_15 = arith.constant 0 : i32
    %dma_start3A_16 = tpu.memref_slice %arg2[%dma_start3A_14, %dma_start3A_15] : memref<10000x64xf32, #tpu.memory_space<hbm>> -> memref<10000x64xf32, #tpu.memory_space<hbm>>
    tpu.enqueue_indirect_dma source(%dma_start3A_16 : memref<10000x64xf32, #tpu.memory_space<hbm>>) target(%arg11 : memref<80x64xf32, #tpu.memory_space<vmem>>) offsets(%dma_start3A_13 : memref<80xi32, #tpu.memory_space<vmem>>) semaphore(%arg15 : memref<!tpu.dma_semaphore, #tpu.memory_space<semaphore_mem>>)
    %dma_start3A_17 = arith.constant 80 : i32
    %dma_start3A_18 = tpu.memref_slice %arg8[%dma_start3A_17] : memref<2000xi32, #tpu.memory_space<vmem>> -> memref<80xi32, #tpu.memory_space<vmem>>
    %dma_start3A_19 = arith.constant 0 : i32
    %dma_start3A_20 = arith.constant 0 : i32
    %dma_start3A_21 = tpu.memref_slice %arg3[%dma_start3A_19, %dma_start3A_20] : memref<10000x64xf32, #tpu.memory_space<hbm>> -> memref<10000x64xf32, #tpu.memory_space<hbm>>
    tpu.enqueue_indirect_dma source(%dma_start3A_21 : memref<10000x64xf32, #tpu.memory_space<hbm>>) target(%arg12 : memref<80x64xf32, #tpu.memory_space<vmem>>) offsets(%dma_start3A_18 : memref<80xi32, #tpu.memory_space<vmem>>) semaphore(%arg15 : memref<!tpu.dma_semaphore, #tpu.memory_space<semaphore_mem>>)
    %dma_wait3A = arith.constant 0 : i32
    %dma_wait3A_22 = tpu.memref_slice %arg7[%dma_wait3A] : memref<2000xi32, #tpu.memory_space<vmem>> -> memref<80xi32, #tpu.memory_space<vmem>>
    %dma_wait3A_23 = arith.constant 0 : i32
    %dma_wait3A_24 = arith.constant 0 : i32
    %dma_wait3A_25 = tpu.memref_slice %arg2[%dma_wait3A_23, %dma_wait3A_24] : memref<10000x64xf32, #tpu.memory_space<hbm>> -> memref<10000x64xf32, #tpu.memory_space<hbm>>
    tpu.wait_indirect_dma semaphore(%arg13 : memref<!tpu.dma_semaphore, #tpu.memory_space<semaphore_mem>>) src(%dma_wait3A_25 : memref<10000x64xf32, #tpu.memory_space<hbm>>) dst(%arg9 : memref<80x64xf32, #tpu.memory_space<vmem>>)
    %dma_wait3A_26 = arith.constant 0 : i32
    %dma_wait3A_27 = tpu.memref_slice %arg8[%dma_wait3A_26] : memref<2000xi32, #tpu.memory_space<vmem>> -> memref<80xi32, #tpu.memory_space<vmem>>
    %dma_wait3A_28 = arith.constant 0 : i32
    %dma_wait3A_29 = arith.constant 0 : i32
    %dma_wait3A_30 = tpu.memref_slice %arg3[%dma_wait3A_28, %dma_wait3A_29] : memref<10000x64xf32, #tpu.memory_space<hbm>> -> memref<10000x64xf32, #tpu.memory_space<hbm>>
    tpu.wait_indirect_dma semaphore(%arg13 : memref<!tpu.dma_semaphore, #tpu.memory_space<semaphore_mem>>) src(%dma_wait3A_30 : memref<10000x64xf32, #tpu.memory_space<hbm>>) dst(%arg10 : memref<80x64xf32, #tpu.memory_space<vmem>>)
    %add3A_31 = arith.constant 0 : i32
    %add3A_32 = arith.addi %mul3A_2, %add3A_31 : i32
    %dma_start3A_33 = arith.constant 0 : i32
    %dma_start3A_34 = tpu.memref_slice %arg6[%add3A_32, %dma_start3A_33] : memref<64000x128xf32, #tpu.memory_space<hbm>> -> memref<80x64xf32, #tpu.memory_space<hbm>>
    %dma_start3A_35 = arith.constant 0 : i32
    %dma_start3A_36 = tpu.memref_slice %arg6[%add3A_32, %dma_start3A_35] : memref<64000x128xf32, #tpu.memory_space<hbm>> -> memref<80x64xf32, #tpu.memory_space<hbm>>
    tpu.enqueue_dma source(%arg9 : memref<80x64xf32, #tpu.memory_space<vmem>>) target(%dma_start3A_36 : memref<80x64xf32, #tpu.memory_space<hbm>>) target_semaphore(%arg14 : memref<!tpu.dma_semaphore, #tpu.memory_space<semaphore_mem>>)
    %dma_start3A_37 = arith.constant 64 : i32
    %dma_start3A_38 = tpu.memref_slice %arg6[%add3A_32, %dma_start3A_37] : memref<64000x128xf32, #tpu.memory_space<hbm>> -> memref<80x64xf32, #tpu.memory_space<hbm>>
    %dma_start3A_39 = arith.constant 64 : i32
    %dma_start3A_40 = tpu.memref_slice %arg6[%add3A_32, %dma_start3A_39] : memref<64000x128xf32, #tpu.memory_space<hbm>> -> memref<80x64xf32, #tpu.memory_space<hbm>>
    tpu.enqueue_dma source(%arg10 : memref<80x64xf32, #tpu.memory_space<vmem>>) target(%dma_start3A_40 : memref<80x64xf32, #tpu.memory_space<hbm>>) target_semaphore(%arg14 : memref<!tpu.dma_semaphore, #tpu.memory_space<semaphore_mem>>)
    %dma_wait3A_41 = arith.constant 80 : i32
    %dma_wait3A_42 = tpu.memref_slice %arg7[%dma_wait3A_41] : memref<2000xi32, #tpu.memory_space<vmem>> -> memref<80xi32, #tpu.memory_space<vmem>>
    %dma_wait3A_43 = arith.constant 0 : i32
    %dma_wait3A_44 = arith.constant 0 : i32
    %dma_wait3A_45 = tpu.memref_slice %arg2[%dma_wait3A_43, %dma_wait3A_44] : memref<10000x64xf32, #tpu.memory_space<hbm>> -> memref<10000x64xf32, #tpu.memory_space<hbm>>
    tpu.wait_indirect_dma semaphore(%arg15 : memref<!tpu.dma_semaphore, #tpu.memory_space<semaphore_mem>>) src(%dma_wait3A_45 : memref<10000x64xf32, #tpu.memory_space<hbm>>) dst(%arg11 : memref<80x64xf32, #tpu.memory_space<vmem>>)
    %dma_wait3A_46 = arith.constant 80 : i32
    %dma_wait3A_47 = tpu.memref_slice %arg8[%dma_wait3A_46] : memref<2000xi32, #tpu.memory_space<vmem>> -> memref<80xi32, #tpu.memory_space<vmem>>
    %dma_wait3A_48 = arith.constant 0 : i32
    %dma_wait3A_49 = arith.constant 0 : i32
    %dma_wait3A_50 = tpu.memref_slice %arg3[%dma_wait3A_48, %dma_wait3A_49] : memref<10000x64xf32, #tpu.memory_space<hbm>> -> memref<10000x64xf32, #tpu.memory_space<hbm>>
    tpu.wait_indirect_dma semaphore(%arg15 : memref<!tpu.dma_semaphore, #tpu.memory_space<semaphore_mem>>) src(%dma_wait3A_50 : memref<10000x64xf32, #tpu.memory_space<hbm>>) dst(%arg12 : memref<80x64xf32, #tpu.memory_space<vmem>>)
    %add3A_51 = arith.constant 80 : i32
    %add3A_52 = arith.addi %mul3A_2, %add3A_51 : i32
    %dma_start3A_53 = arith.constant 0 : i32
    %dma_start3A_54 = tpu.memref_slice %arg6[%add3A_52, %dma_start3A_53] : memref<64000x128xf32, #tpu.memory_space<hbm>> -> memref<80x64xf32, #tpu.memory_space<hbm>>
    %dma_start3A_55 = arith.constant 0 : i32
    %dma_start3A_56 = tpu.memref_slice %arg6[%add3A_52, %dma_start3A_55] : memref<64000x128xf32, #tpu.memory_space<hbm>> -> memref<80x64xf32, #tpu.memory_space<hbm>>
    tpu.enqueue_dma source(%arg11 : memref<80x64xf32, #tpu.memory_space<vmem>>) target(%dma_start3A_56 : memref<80x64xf32, #tpu.memory_space<hbm>>) target_semaphore(%arg16 : memref<!tpu.dma_semaphore, #tpu.memory_space<semaphore_mem>>)
    %dma_start3A_57 = arith.constant 64 : i32
    %dma_start3A_58 = tpu.memref_slice %arg6[%add3A_52, %dma_start3A_57] : memref<64000x128xf32, #tpu.memory_space<hbm>> -> memref<80x64xf32, #tpu.memory_space<hbm>>
    %dma_start3A_59 = arith.constant 64 : i32
    %dma_start3A_60 = tpu.memref_slice %arg6[%add3A_52, %dma_start3A_59] : memref<64000x128xf32, #tpu.memory_space<hbm>> -> memref<80x64xf32, #tpu.memory_space<hbm>>
    tpu.enqueue_dma source(%arg12 : memref<80x64xf32, #tpu.memory_space<vmem>>) target(%dma_start3A_60 : memref<80x64xf32, #tpu.memory_space<hbm>>) target_semaphore(%arg16 : memref<!tpu.dma_semaphore, #tpu.memory_space<semaphore_mem>>)
    %add3A_61 = arith.constant 0 : i32
    %add3A_62 = arith.addi %mul3A_2, %add3A_61 : i32
    %dma_wait3A_63 = arith.constant 0 : i32
    %dma_wait3A_64 = tpu.memref_slice %arg6[%add3A_62, %dma_wait3A_63] : memref<64000x128xf32, #tpu.memory_space<hbm>> -> memref<80x64xf32, #tpu.memory_space<hbm>>
    %dma_wait3A_65 = arith.constant 0 : i32
    %dma_wait3A_66 = tpu.memref_slice %arg6[%add3A_62, %dma_wait3A_65] : memref<64000x128xf32, #tpu.memory_space<hbm>> -> memref<80x64xf32, #tpu.memory_space<hbm>>
    tpu.wait_dma2 semaphore(%arg14 : memref<!tpu.dma_semaphore, #tpu.memory_space<semaphore_mem>>) src(%arg9 : memref<80x64xf32, #tpu.memory_space<vmem>>) dst(%dma_wait3A_66 : memref<80x64xf32, #tpu.memory_space<hbm>>)
    %dma_wait3A_67 = arith.constant 64 : i32
    %dma_wait3A_68 = tpu.memref_slice %arg6[%add3A_62, %dma_wait3A_67] : memref<64000x128xf32, #tpu.memory_space<hbm>> -> memref<80x64xf32, #tpu.memory_space<hbm>>
    %dma_wait3A_69 = arith.constant 64 : i32
    %dma_wait3A_70 = tpu.memref_slice %arg6[%add3A_62, %dma_wait3A_69] : memref<64000x128xf32, #tpu.memory_space<hbm>> -> memref<80x64xf32, #tpu.memory_space<hbm>>
    tpu.wait_dma2 semaphore(%arg14 : memref<!tpu.dma_semaphore, #tpu.memory_space<semaphore_mem>>) src(%arg10 : memref<80x64xf32, #tpu.memory_space<vmem>>) dst(%dma_wait3A_70 : memref<80x64xf32, #tpu.memory_space<hbm>>)
    %dma_start3A_71 = arith.constant 160 : i32
    %dma_start3A_72 = tpu.memref_slice %arg7[%dma_start3A_71] : memref<2000xi32, #tpu.memory_space<vmem>> -> memref<80xi32, #tpu.memory_space<vmem>>
    %dma_start3A_73 = arith.constant 0 : i32
    %dma_start3A_74 = arith.constant 0 : i32
    %dma_start3A_75 = tpu.memref_slice %arg2[%dma_start3A_73, %dma_start3A_74] : memref<10000x64xf32, #tpu.memory_space<hbm>> -> memref<10000x64xf32, #tpu.memory_space<hbm>>
    tpu.enqueue_indirect_dma source(%dma_start3A_75 : memref<10000x64xf32, #tpu.memory_space<hbm>>) target(%arg9 : memref<80x64xf32, #tpu.memory_space<vmem>>) offsets(%dma_start3A_72 : memref<80xi32, #tpu.memory_space<vmem>>) semaphore(%arg13 : memref<!tpu.dma_semaphore, #tpu.memory_space<semaphore_mem>>)
    %dma_start3A_76 = arith.constant 160 : i32
    %dma_start3A_77 = tpu.memref_slice %arg8[%dma_start3A_76] : memref<2000xi32, #tpu.memory_space<vmem>> -> memref<80xi32, #tpu.memory_space<vmem>>
    %dma_start3A_78 = arith.constant 0 : i32
    %dma_start3A_79 = arith.constant 0 : i32
    %dma_start3A_80 = tpu.memref_slice %arg3[%dma_start3A_78, %dma_start3A_79] : memref<10000x64xf32, #tpu.memory_space<hbm>> -> memref<10000x64xf32, #tpu.memory_space<hbm>>
    tpu.enqueue_indirect_dma source(%dma_start3A_80 : memref<10000x64xf32, #tpu.memory_space<hbm>>) target(%arg10 : memref<80x64xf32, #tpu.memory_space<vmem>>) offsets(%dma_start3A_77 : memref<80xi32, #tpu.memory_space<vmem>>) semaphore(%arg13 : memref<!tpu.dma_semaphore, #tpu.memory_space<semaphore_mem>>)
    %scan3A = arith.constant 0 : i32
    %scan3A_81 = arith.constant 11 : i32
    %scan3A_82 = arith.addi %scan3A, %scan3A_81 : i32
    %scan3A_83 = arith.constant 1 : i32
    scf.for %scan3A_125 = %scan3A to %scan3A_82 step %scan3A_83  : i32 {
      %mul3A_126 = arith.constant 1 : i32
      %mul3A_127 = arith.muli %scan3A_125, %mul3A_126 : i32
      %add3A_128 = arith.constant 1 : i32
      %add3A_129 = arith.addi %add3A_128, %mul3A_127 : i32
      %mul3A_130 = arith.constant 2 : i32
      %mul3A_131 = arith.muli %mul3A_130, %add3A_129 : i32
      %sub3A = arith.constant 1 : i32
      %sub3A_132 = arith.subi %mul3A_131, %sub3A : i32
      %mul3A_133 = arith.constant 80 : i32
      %mul3A_134 = arith.muli %sub3A_132, %mul3A_133 : i32
      %add3A_135 = arith.addi %mul3A_2, %mul3A_134 : i32
      %dma_wait3A_136 = arith.constant 0 : i32
      %dma_wait3A_137 = tpu.memref_slice %arg6[%add3A_135, %dma_wait3A_136] : memref<64000x128xf32, #tpu.memory_space<hbm>> -> memref<80x64xf32, #tpu.memory_space<hbm>>
      %dma_wait3A_138 = arith.constant 0 : i32
      %dma_wait3A_139 = tpu.memref_slice %arg6[%add3A_135, %dma_wait3A_138] : memref<64000x128xf32, #tpu.memory_space<hbm>> -> memref<80x64xf32, #tpu.memory_space<hbm>>
      tpu.wait_dma2 semaphore(%arg16 : memref<!tpu.dma_semaphore, #tpu.memory_space<semaphore_mem>>) src(%arg11 : memref<80x64xf32, #tpu.memory_space<vmem>>) dst(%dma_wait3A_139 : memref<80x64xf32, #tpu.memory_space<hbm>>)
      %dma_wait3A_140 = arith.constant 64 : i32
      %dma_wait3A_141 = tpu.memref_slice %arg6[%add3A_135, %dma_wait3A_140] : memref<64000x128xf32, #tpu.memory_space<hbm>> -> memref<80x64xf32, #tpu.memory_space<hbm>>
      %dma_wait3A_142 = arith.constant 64 : i32
      %dma_wait3A_143 = tpu.memref_slice %arg6[%add3A_135, %dma_wait3A_142] : memref<64000x128xf32, #tpu.memory_space<hbm>> -> memref<80x64xf32, #tpu.memory_space<hbm>>
      tpu.wait_dma2 semaphore(%arg16 : memref<!tpu.dma_semaphore, #tpu.memory_space<semaphore_mem>>) src(%arg12 : memref<80x64xf32, #tpu.memory_space<vmem>>) dst(%dma_wait3A_143 : memref<80x64xf32, #tpu.memory_space<hbm>>)
      %add3A_144 = arith.constant 1 : i32
      %add3A_145 = arith.addi %mul3A_131, %add3A_144 : i32
      %mul3A_146 = arith.constant 80 : i32
      %mul3A_147 = arith.muli %add3A_145, %mul3A_146 : i32
      %dma_start3A_148 = tpu.memref_slice %arg7[%mul3A_147] : memref<2000xi32, #tpu.memory_space<vmem>> -> memref<80xi32, #tpu.memory_space<vmem>>
      %dma_start3A_149 = arith.constant 0 : i32
      %dma_start3A_150 = arith.constant 0 : i32
      %dma_start3A_151 = tpu.memref_slice %arg2[%dma_start3A_149, %dma_start3A_150] : memref<10000x64xf32, #tpu.memory_space<hbm>> -> memref<10000x64xf32, #tpu.memory_space<hbm>>
      tpu.enqueue_indirect_dma source(%dma_start3A_151 : memref<10000x64xf32, #tpu.memory_space<hbm>>) target(%arg11 : memref<80x64xf32, #tpu.memory_space<vmem>>) offsets(%dma_start3A_148 : memref<80xi32, #tpu.memory_space<vmem>>) semaphore(%arg15 : memref<!tpu.dma_semaphore, #tpu.memory_space<semaphore_mem>>)
      %dma_start3A_152 = tpu.memref_slice %arg8[%mul3A_147] : memref<2000xi32, #tpu.memory_space<vmem>> -> memref<80xi32, #tpu.memory_space<vmem>>
      %dma_start3A_153 = arith.constant 0 : i32
      %dma_start3A_154 = arith.constant 0 : i32
      %dma_start3A_155 = tpu.memref_slice %arg3[%dma_start3A_153, %dma_start3A_154] : memref<10000x64xf32, #tpu.memory_space<hbm>> -> memref<10000x64xf32, #tpu.memory_space<hbm>>
      tpu.enqueue_indirect_dma source(%dma_start3A_155 : memref<10000x64xf32, #tpu.memory_space<hbm>>) target(%arg12 : memref<80x64xf32, #tpu.memory_space<vmem>>) offsets(%dma_start3A_152 : memref<80xi32, #tpu.memory_space<vmem>>) semaphore(%arg15 : memref<!tpu.dma_semaphore, #tpu.memory_space<semaphore_mem>>)
      %mul3A_156 = arith.constant 80 : i32
      %mul3A_157 = arith.muli %mul3A_131, %mul3A_156 : i32
      %dma_wait3A_158 = tpu.memref_slice %arg7[%mul3A_157] : memref<2000xi32, #tpu.memory_space<vmem>> -> memref<80xi32, #tpu.memory_space<vmem>>
      %dma_wait3A_159 = arith.constant 0 : i32
      %dma_wait3A_160 = arith.constant 0 : i32
      %dma_wait3A_161 = tpu.memref_slice %arg2[%dma_wait3A_159, %dma_wait3A_160] : memref<10000x64xf32, #tpu.memory_space<hbm>> -> memref<10000x64xf32, #tpu.memory_space<hbm>>
      tpu.wait_indirect_dma semaphore(%arg13 : memref<!tpu.dma_semaphore, #tpu.memory_space<semaphore_mem>>) src(%dma_wait3A_161 : memref<10000x64xf32, #tpu.memory_space<hbm>>) dst(%arg9 : memref<80x64xf32, #tpu.memory_space<vmem>>)
      %dma_wait3A_162 = tpu.memref_slice %arg8[%mul3A_157] : memref<2000xi32, #tpu.memory_space<vmem>> -> memref<80xi32, #tpu.memory_space<vmem>>
      %dma_wait3A_163 = arith.constant 0 : i32
      %dma_wait3A_164 = arith.constant 0 : i32
      %dma_wait3A_165 = tpu.memref_slice %arg3[%dma_wait3A_163, %dma_wait3A_164] : memref<10000x64xf32, #tpu.memory_space<hbm>> -> memref<10000x64xf32, #tpu.memory_space<hbm>>
      tpu.wait_indirect_dma semaphore(%arg13 : memref<!tpu.dma_semaphore, #tpu.memory_space<semaphore_mem>>) src(%dma_wait3A_165 : memref<10000x64xf32, #tpu.memory_space<hbm>>) dst(%arg10 : memref<80x64xf32, #tpu.memory_space<vmem>>)
      %mul3A_166 = arith.constant 80 : i32
      %mul3A_167 = arith.muli %mul3A_131, %mul3A_166 : i32
      %add3A_168 = arith.addi %mul3A_2, %mul3A_167 : i32
      %dma_start3A_169 = arith.constant 0 : i32
      %dma_start3A_170 = tpu.memref_slice %arg6[%add3A_168, %dma_start3A_169] : memref<64000x128xf32, #tpu.memory_space<hbm>> -> memref<80x64xf32, #tpu.memory_space<hbm>>
      %dma_start3A_171 = arith.constant 0 : i32
      %dma_start3A_172 = tpu.memref_slice %arg6[%add3A_168, %dma_start3A_171] : memref<64000x128xf32, #tpu.memory_space<hbm>> -> memref<80x64xf32, #tpu.memory_space<hbm>>
      tpu.enqueue_dma source(%arg9 : memref<80x64xf32, #tpu.memory_space<vmem>>) target(%dma_start3A_172 : memref<80x64xf32, #tpu.memory_space<hbm>>) target_semaphore(%arg14 : memref<!tpu.dma_semaphore, #tpu.memory_space<semaphore_mem>>)
      %dma_start3A_173 = arith.constant 64 : i32
      %dma_start3A_174 = tpu.memref_slice %arg6[%add3A_168, %dma_start3A_173] : memref<64000x128xf32, #tpu.memory_space<hbm>> -> memref<80x64xf32, #tpu.memory_space<hbm>>
      %dma_start3A_175 = arith.constant 64 : i32
      %dma_start3A_176 = tpu.memref_slice %arg6[%add3A_168, %dma_start3A_175] : memref<64000x128xf32, #tpu.memory_space<hbm>> -> memref<80x64xf32, #tpu.memory_space<hbm>>
      tpu.enqueue_dma source(%arg10 : memref<80x64xf32, #tpu.memory_space<vmem>>) target(%dma_start3A_176 : memref<80x64xf32, #tpu.memory_space<hbm>>) target_semaphore(%arg14 : memref<!tpu.dma_semaphore, #tpu.memory_space<semaphore_mem>>)
      %add3A_177 = arith.constant 1 : i32
      %add3A_178 = arith.addi %mul3A_131, %add3A_177 : i32
      %mul3A_179 = arith.constant 80 : i32
      %mul3A_180 = arith.muli %add3A_178, %mul3A_179 : i32
      %dma_wait3A_181 = tpu.memref_slice %arg7[%mul3A_180] : memref<2000xi32, #tpu.memory_space<vmem>> -> memref<80xi32, #tpu.memory_space<vmem>>
      %dma_wait3A_182 = arith.constant 0 : i32
      %dma_wait3A_183 = arith.constant 0 : i32
      %dma_wait3A_184 = tpu.memref_slice %arg2[%dma_wait3A_182, %dma_wait3A_183] : memref<10000x64xf32, #tpu.memory_space<hbm>> -> memref<10000x64xf32, #tpu.memory_space<hbm>>
      tpu.wait_indirect_dma semaphore(%arg15 : memref<!tpu.dma_semaphore, #tpu.memory_space<semaphore_mem>>) src(%dma_wait3A_184 : memref<10000x64xf32, #tpu.memory_space<hbm>>) dst(%arg11 : memref<80x64xf32, #tpu.memory_space<vmem>>)
      %dma_wait3A_185 = tpu.memref_slice %arg8[%mul3A_180] : memref<2000xi32, #tpu.memory_space<vmem>> -> memref<80xi32, #tpu.memory_space<vmem>>
      %dma_wait3A_186 = arith.constant 0 : i32
      %dma_wait3A_187 = arith.constant 0 : i32
      %dma_wait3A_188 = tpu.memref_slice %arg3[%dma_wait3A_186, %dma_wait3A_187] : memref<10000x64xf32, #tpu.memory_space<hbm>> -> memref<10000x64xf32, #tpu.memory_space<hbm>>
      tpu.wait_indirect_dma semaphore(%arg15 : memref<!tpu.dma_semaphore, #tpu.memory_space<semaphore_mem>>) src(%dma_wait3A_188 : memref<10000x64xf32, #tpu.memory_space<hbm>>) dst(%arg12 : memref<80x64xf32, #tpu.memory_space<vmem>>)
      %add3A_189 = arith.constant 1 : i32
      %add3A_190 = arith.addi %mul3A_131, %add3A_189 : i32
      %mul3A_191 = arith.constant 80 : i32
      %mul3A_192 = arith.muli %add3A_190, %mul3A_191 : i32
      %add3A_193 = arith.addi %mul3A_2, %mul3A_192 : i32
      %dma_start3A_194 = arith.constant 0 : i32
      %dma_start3A_195 = tpu.memref_slice %arg6[%add3A_193, %dma_start3A_194] : memref<64000x128xf32, #tpu.memory_space<hbm>> -> memref<80x64xf32, #tpu.memory_space<hbm>>
      %dma_start3A_196 = arith.constant 0 : i32
      %dma_start3A_197 = tpu.memref_slice %arg6[%add3A_193, %dma_start3A_196] : memref<64000x128xf32, #tpu.memory_space<hbm>> -> memref<80x64xf32, #tpu.memory_space<hbm>>
      tpu.enqueue_dma source(%arg11 : memref<80x64xf32, #tpu.memory_space<vmem>>) target(%dma_start3A_197 : memref<80x64xf32, #tpu.memory_space<hbm>>) target_semaphore(%arg16 : memref<!tpu.dma_semaphore, #tpu.memory_space<semaphore_mem>>)
      %dma_start3A_198 = arith.constant 64 : i32
      %dma_start3A_199 = tpu.memref_slice %arg6[%add3A_193, %dma_start3A_198] : memref<64000x128xf32, #tpu.memory_space<hbm>> -> memref<80x64xf32, #tpu.memory_space<hbm>>
      %dma_start3A_200 = arith.constant 64 : i32
      %dma_start3A_201 = tpu.memref_slice %arg6[%add3A_193, %dma_start3A_200] : memref<64000x128xf32, #tpu.memory_space<hbm>> -> memref<80x64xf32, #tpu.memory_space<hbm>>
      tpu.enqueue_dma source(%arg12 : memref<80x64xf32, #tpu.memory_space<vmem>>) target(%dma_start3A_201 : memref<80x64xf32, #tpu.memory_space<hbm>>) target_semaphore(%arg16 : memref<!tpu.dma_semaphore, #tpu.memory_space<semaphore_mem>>)
      %mul3A_202 = arith.constant 80 : i32
      %mul3A_203 = arith.muli %mul3A_131, %mul3A_202 : i32
      %add3A_204 = arith.addi %mul3A_2, %mul3A_203 : i32
      %dma_wait3A_205 = arith.constant 0 : i32
      %dma_wait3A_206 = tpu.memref_slice %arg6[%add3A_204, %dma_wait3A_205] : memref<64000x128xf32, #tpu.memory_space<hbm>> -> memref<80x64xf32, #tpu.memory_space<hbm>>
      %dma_wait3A_207 = arith.constant 0 : i32
      %dma_wait3A_208 = tpu.memref_slice %arg6[%add3A_204, %dma_wait3A_207] : memref<64000x128xf32, #tpu.memory_space<hbm>> -> memref<80x64xf32, #tpu.memory_space<hbm>>
      tpu.wait_dma2 semaphore(%arg14 : memref<!tpu.dma_semaphore, #tpu.memory_space<semaphore_mem>>) src(%arg9 : memref<80x64xf32, #tpu.memory_space<vmem>>) dst(%dma_wait3A_208 : memref<80x64xf32, #tpu.memory_space<hbm>>)
      %dma_wait3A_209 = arith.constant 64 : i32
      %dma_wait3A_210 = tpu.memref_slice %arg6[%add3A_204, %dma_wait3A_209] : memref<64000x128xf32, #tpu.memory_space<hbm>> -> memref<80x64xf32, #tpu.memory_space<hbm>>
      %dma_wait3A_211 = arith.constant 64 : i32
      %dma_wait3A_212 = tpu.memref_slice %arg6[%add3A_204, %dma_wait3A_211] : memref<64000x128xf32, #tpu.memory_space<hbm>> -> memref<80x64xf32, #tpu.memory_space<hbm>>
      tpu.wait_dma2 semaphore(%arg14 : memref<!tpu.dma_semaphore, #tpu.memory_space<semaphore_mem>>) src(%arg10 : memref<80x64xf32, #tpu.memory_space<vmem>>) dst(%dma_wait3A_212 : memref<80x64xf32, #tpu.memory_space<hbm>>)
      %add3A_213 = arith.constant 2 : i32
      %add3A_214 = arith.addi %mul3A_131, %add3A_213 : i32
      %mul3A_215 = arith.constant 80 : i32
      %mul3A_216 = arith.muli %add3A_214, %mul3A_215 : i32
      %dma_start3A_217 = tpu.memref_slice %arg7[%mul3A_216] : memref<2000xi32, #tpu.memory_space<vmem>> -> memref<80xi32, #tpu.memory_space<vmem>>
      %dma_start3A_218 = arith.constant 0 : i32
      %dma_start3A_219 = arith.constant 0 : i32
      %dma_start3A_220 = tpu.memref_slice %arg2[%dma_start3A_218, %dma_start3A_219] : memref<10000x64xf32, #tpu.memory_space<hbm>> -> memref<10000x64xf32, #tpu.memory_space<hbm>>
      tpu.enqueue_indirect_dma source(%dma_start3A_220 : memref<10000x64xf32, #tpu.memory_space<hbm>>) target(%arg9 : memref<80x64xf32, #tpu.memory_space<vmem>>) offsets(%dma_start3A_217 : memref<80xi32, #tpu.memory_space<vmem>>) semaphore(%arg13 : memref<!tpu.dma_semaphore, #tpu.memory_space<semaphore_mem>>)
      %dma_start3A_221 = tpu.memref_slice %arg8[%mul3A_216] : memref<2000xi32, #tpu.memory_space<vmem>> -> memref<80xi32, #tpu.memory_space<vmem>>
      %dma_start3A_222 = arith.constant 0 : i32
      %dma_start3A_223 = arith.constant 0 : i32
      %dma_start3A_224 = tpu.memref_slice %arg3[%dma_start3A_222, %dma_start3A_223] : memref<10000x64xf32, #tpu.memory_space<hbm>> -> memref<10000x64xf32, #tpu.memory_space<hbm>>
      tpu.enqueue_indirect_dma source(%dma_start3A_224 : memref<10000x64xf32, #tpu.memory_space<hbm>>) target(%arg10 : memref<80x64xf32, #tpu.memory_space<vmem>>) offsets(%dma_start3A_221 : memref<80xi32, #tpu.memory_space<vmem>>) semaphore(%arg13 : memref<!tpu.dma_semaphore, #tpu.memory_space<semaphore_mem>>)
    }
    %scan3A_84 = arith.constant 11 : i32
    %dma_wait3A_85 = arith.constant 1920 : i32
    %dma_wait3A_86 = tpu.memref_slice %arg7[%dma_wait3A_85] : memref<2000xi32, #tpu.memory_space<vmem>> -> memref<80xi32, #tpu.memory_space<vmem>>
    %dma_wait3A_87 = arith.constant 0 : i32
    %dma_wait3A_88 = arith.constant 0 : i32
    %dma_wait3A_89 = tpu.memref_slice %arg2[%dma_wait3A_87, %dma_wait3A_88] : memref<10000x64xf32, #tpu.memory_space<hbm>> -> memref<10000x64xf32, #tpu.memory_space<hbm>>
    tpu.wait_indirect_dma semaphore(%arg13 : memref<!tpu.dma_semaphore, #tpu.memory_space<semaphore_mem>>) src(%dma_wait3A_89 : memref<10000x64xf32, #tpu.memory_space<hbm>>) dst(%arg9 : memref<80x64xf32, #tpu.memory_space<vmem>>)
    %dma_wait3A_90 = arith.constant 1920 : i32
    %dma_wait3A_91 = tpu.memref_slice %arg8[%dma_wait3A_90] : memref<2000xi32, #tpu.memory_space<vmem>> -> memref<80xi32, #tpu.memory_space<vmem>>
    %dma_wait3A_92 = arith.constant 0 : i32
    %dma_wait3A_93 = arith.constant 0 : i32
    %dma_wait3A_94 = tpu.memref_slice %arg3[%dma_wait3A_92, %dma_wait3A_93] : memref<10000x64xf32, #tpu.memory_space<hbm>> -> memref<10000x64xf32, #tpu.memory_space<hbm>>
    tpu.wait_indirect_dma semaphore(%arg13 : memref<!tpu.dma_semaphore, #tpu.memory_space<semaphore_mem>>) src(%dma_wait3A_94 : memref<10000x64xf32, #tpu.memory_space<hbm>>) dst(%arg10 : memref<80x64xf32, #tpu.memory_space<vmem>>)
    %add3A_95 = arith.constant 1920 : i32
    %add3A_96 = arith.addi %mul3A_2, %add3A_95 : i32
    %dma_start3A_97 = arith.constant 0 : i32
    %dma_start3A_98 = tpu.memref_slice %arg6[%add3A_96, %dma_start3A_97] : memref<64000x128xf32, #tpu.memory_space<hbm>> -> memref<80x64xf32, #tpu.memory_space<hbm>>
    %dma_start3A_99 = arith.constant 0 : i32
    %dma_start3A_100 = tpu.memref_slice %arg6[%add3A_96, %dma_start3A_99] : memref<64000x128xf32, #tpu.memory_space<hbm>> -> memref<80x64xf32, #tpu.memory_space<hbm>>
    tpu.enqueue_dma source(%arg9 : memref<80x64xf32, #tpu.memory_space<vmem>>) target(%dma_start3A_100 : memref<80x64xf32, #tpu.memory_space<hbm>>) target_semaphore(%arg14 : memref<!tpu.dma_semaphore, #tpu.memory_space<semaphore_mem>>)
    %dma_start3A_101 = arith.constant 64 : i32
    %dma_start3A_102 = tpu.memref_slice %arg6[%add3A_96, %dma_start3A_101] : memref<64000x128xf32, #tpu.memory_space<hbm>> -> memref<80x64xf32, #tpu.memory_space<hbm>>
    %dma_start3A_103 = arith.constant 64 : i32
    %dma_start3A_104 = tpu.memref_slice %arg6[%add3A_96, %dma_start3A_103] : memref<64000x128xf32, #tpu.memory_space<hbm>> -> memref<80x64xf32, #tpu.memory_space<hbm>>
    tpu.enqueue_dma source(%arg10 : memref<80x64xf32, #tpu.memory_space<vmem>>) target(%dma_start3A_104 : memref<80x64xf32, #tpu.memory_space<hbm>>) target_semaphore(%arg14 : memref<!tpu.dma_semaphore, #tpu.memory_space<semaphore_mem>>)
    %add3A_105 = arith.constant 1920 : i32
    %add3A_106 = arith.addi %mul3A_2, %add3A_105 : i32
    %dma_wait3A_107 = arith.constant 0 : i32
    %dma_wait3A_108 = tpu.memref_slice %arg6[%add3A_106, %dma_wait3A_107] : memref<64000x128xf32, #tpu.memory_space<hbm>> -> memref<80x64xf32, #tpu.memory_space<hbm>>
    %dma_wait3A_109 = arith.constant 0 : i32
    %dma_wait3A_110 = tpu.memref_slice %arg6[%add3A_106, %dma_wait3A_109] : memref<64000x128xf32, #tpu.memory_space<hbm>> -> memref<80x64xf32, #tpu.memory_space<hbm>>
    tpu.wait_dma2 semaphore(%arg14 : memref<!tpu.dma_semaphore, #tpu.memory_space<semaphore_mem>>) src(%arg9 : memref<80x64xf32, #tpu.memory_space<vmem>>) dst(%dma_wait3A_110 : memref<80x64xf32, #tpu.memory_space<hbm>>)
    %dma_wait3A_111 = arith.constant 64 : i32
    %dma_wait3A_112 = tpu.memref_slice %arg6[%add3A_106, %dma_wait3A_111] : memref<64000x128xf32, #tpu.memory_space<hbm>> -> memref<80x64xf32, #tpu.memory_space<hbm>>
    %dma_wait3A_113 = arith.constant 64 : i32
    %dma_wait3A_114 = tpu.memref_slice %arg6[%add3A_106, %dma_wait3A_113] : memref<64000x128xf32, #tpu.memory_space<hbm>> -> memref<80x64xf32, #tpu.memory_space<hbm>>
    tpu.wait_dma2 semaphore(%arg14 : memref<!tpu.dma_semaphore, #tpu.memory_space<semaphore_mem>>) src(%arg10 : memref<80x64xf32, #tpu.memory_space<vmem>>) dst(%dma_wait3A_114 : memref<80x64xf32, #tpu.memory_space<hbm>>)
    %add3A_115 = arith.constant 1840 : i32
    %add3A_116 = arith.addi %mul3A_2, %add3A_115 : i32
    %dma_wait3A_117 = arith.constant 0 : i32
    %dma_wait3A_118 = tpu.memref_slice %arg6[%add3A_116, %dma_wait3A_117] : memref<64000x128xf32, #tpu.memory_space<hbm>> -> memref<80x64xf32, #tpu.memory_space<hbm>>
    %dma_wait3A_119 = arith.constant 0 : i32
    %dma_wait3A_120 = tpu.memref_slice %arg6[%add3A_116, %dma_wait3A_119] : memref<64000x128xf32, #tpu.memory_space<hbm>> -> memref<80x64xf32, #tpu.memory_space<hbm>>
    tpu.wait_dma2 semaphore(%arg16 : memref<!tpu.dma_semaphore, #tpu.memory_space<semaphore_mem>>) src(%arg11 : memref<80x64xf32, #tpu.memory_space<vmem>>) dst(%dma_wait3A_120 : memref<80x64xf32, #tpu.memory_space<hbm>>)
    %dma_wait3A_121 = arith.constant 64 : i32
    %dma_wait3A_122 = tpu.memref_slice %arg6[%add3A_116, %dma_wait3A_121] : memref<64000x128xf32, #tpu.memory_space<hbm>> -> memref<80x64xf32, #tpu.memory_space<hbm>>
    %dma_wait3A_123 = arith.constant 64 : i32
    %dma_wait3A_124 = tpu.memref_slice %arg6[%add3A_116, %dma_wait3A_123] : memref<64000x128xf32, #tpu.memory_space<hbm>> -> memref<80x64xf32, #tpu.memory_space<hbm>>
    tpu.wait_dma2 semaphore(%arg16 : memref<!tpu.dma_semaphore, #tpu.memory_space<semaphore_mem>>) src(%arg12 : memref<80x64xf32, #tpu.memory_space<vmem>>) dst(%dma_wait3A_124 : memref<80x64xf32, #tpu.memory_space<hbm>>)
    return
  }
}

#map = affine_map<(d0, d1) -> (0, 0)>
#map1 = affine_map<(d0, d1) -> (0)>
module attributes {stable_mosaic.version = 14 : i64} {
  func.func @_gather_entry(%arg0: i32, %arg1: i32, %arg2: memref<10000x64xf32, #tpu.memory_space<hbm>>, %arg3: memref<10000x64xf32, #tpu.memory_space<hbm>>, %arg4: memref<64000xi32, #tpu.memory_space<hbm>>, %arg5: memref<64000xi32, #tpu.memory_space<hbm>>, %arg6: memref<64000x128xf32, #tpu.memory_space<hbm>>, %arg7: memref<2000xi32, #tpu.memory_space<vmem>>, %arg8: memref<2000xi32, #tpu.memory_space<vmem>>, %arg9: memref<80x64xf32, #tpu.memory_space<vmem>>, %arg10: memref<80x64xf32, #tpu.memory_space<vmem>>, %arg11: memref<80x64xf32, #tpu.memory_space<vmem>>, %arg12: memref<80x64xf32, #tpu.memory_space<vmem>>, %arg13: memref<!tpu.dma_semaphore, #tpu.memory_space<semaphore_mem>>, %arg14: memref<!tpu.dma_semaphore, #tpu.memory_space<semaphore_mem>>, %arg15: memref<!tpu.dma_semaphore, #tpu.memory_space<semaphore_mem>>, %arg16: memref<!tpu.dma_semaphore, #tpu.memory_space<semaphore_mem>>) attributes {dimension_semantics = [#tpu.dimension_semantics<core_parallel>, #tpu.dimension_semantics<subcore_parallel>], iteration_bounds = array<i64: 2, 16>, scalar_prefetch = 0 : i64, scratch_operands = 10 : i64, tpu.core_type = #tpu.core_type<sc_vector_subcore>, window_params = [{transform_indices = #map}, {transform_indices = #map}, {transform_indices = #map1}, {transform_indices = #map1}, {transform_indices = #map}]} {
    %mul3A = arith.constant 2 : i32
    %mul3A_0 = arith.muli %arg1, %mul3A : i32
    %add3A = arith.addi %mul3A_0, %arg0 : i32
    %mul3A_1 = arith.constant 2000 : i32
    %mul3A_2 = arith.muli %add3A, %mul3A_1 : i32
    "tpu.region"() ({
      %run_scoped3A = tpu.sem_alloc : memref<!tpu.dma_semaphore, #tpu.memory_space<semaphore_mem>>
      %dma_start3A_125 = tpu.memref_slice %arg4[%mul3A_2] : memref<64000xi32, #tpu.memory_space<hbm>> -> memref<2000xi32, #tpu.memory_space<hbm>>
      %dma_start3A_126 = tpu.memref_slice %arg4[%mul3A_2] : memref<64000xi32, #tpu.memory_space<hbm>> -> memref<2000xi32, #tpu.memory_space<hbm>>
      tpu.enqueue_dma source(%dma_start3A_126 : memref<2000xi32, #tpu.memory_space<hbm>>) target(%arg7 : memref<2000xi32, #tpu.memory_space<vmem>>) target_semaphore(%run_scoped3A : memref<!tpu.dma_semaphore, #tpu.memory_space<semaphore_mem>>)
      %dma_wait3A_127 = tpu.memref_slice %arg4[%mul3A_2] : memref<64000xi32, #tpu.memory_space<hbm>> -> memref<2000xi32, #tpu.memory_space<hbm>>
      %dma_wait3A_128 = tpu.memref_slice %arg4[%mul3A_2] : memref<64000xi32, #tpu.memory_space<hbm>> -> memref<2000xi32, #tpu.memory_space<hbm>>
      tpu.wait_dma2 semaphore(%run_scoped3A : memref<!tpu.dma_semaphore, #tpu.memory_space<semaphore_mem>>) src(%dma_wait3A_128 : memref<2000xi32, #tpu.memory_space<hbm>>) dst(%arg7 : memref<2000xi32, #tpu.memory_space<vmem>>)
      tpu.yield
    }) : () -> ()
    "tpu.region"() ({
      %run_scoped3A = tpu.sem_alloc : memref<!tpu.dma_semaphore, #tpu.memory_space<semaphore_mem>>
      %dma_start3A_125 = tpu.memref_slice %arg5[%mul3A_2] : memref<64000xi32, #tpu.memory_space<hbm>> -> memref<2000xi32, #tpu.memory_space<hbm>>
      %dma_start3A_126 = tpu.memref_slice %arg5[%mul3A_2] : memref<64000xi32, #tpu.memory_space<hbm>> -> memref<2000xi32, #tpu.memory_space<hbm>>
      tpu.enqueue_dma source(%dma_start3A_126 : memref<2000xi32, #tpu.memory_space<hbm>>) target(%arg8 : memref<2000xi32, #tpu.memory_space<vmem>>) target_semaphore(%run_scoped3A : memref<!tpu.dma_semaphore, #tpu.memory_space<semaphore_mem>>)
      %dma_wait3A_127 = tpu.memref_slice %arg5[%mul3A_2] : memref<64000xi32, #tpu.memory_space<hbm>> -> memref<2000xi32, #tpu.memory_space<hbm>>
      %dma_wait3A_128 = tpu.memref_slice %arg5[%mul3A_2] : memref<64000xi32, #tpu.memory_space<hbm>> -> memref<2000xi32, #tpu.memory_space<hbm>>
      tpu.wait_dma2 semaphore(%run_scoped3A : memref<!tpu.dma_semaphore, #tpu.memory_space<semaphore_mem>>) src(%dma_wait3A_128 : memref<2000xi32, #tpu.memory_space<hbm>>) dst(%arg8 : memref<2000xi32, #tpu.memory_space<vmem>>)
      tpu.yield
    }) : () -> ()
    %dma_start3A = arith.constant 0 : i32
    %dma_start3A_3 = tpu.memref_slice %arg7[%dma_start3A] : memref<2000xi32, #tpu.memory_space<vmem>> -> memref<80xi32, #tpu.memory_space<vmem>>
    %dma_start3A_4 = arith.constant 0 : i32
    %dma_start3A_5 = arith.constant 0 : i32
    %dma_start3A_6 = tpu.memref_slice %arg2[%dma_start3A_4, %dma_start3A_5] : memref<10000x64xf32, #tpu.memory_space<hbm>> -> memref<10000x64xf32, #tpu.memory_space<hbm>>
    tpu.enqueue_indirect_dma source(%dma_start3A_6 : memref<10000x64xf32, #tpu.memory_space<hbm>>) target(%arg9 : memref<80x64xf32, #tpu.memory_space<vmem>>) offsets(%dma_start3A_3 : memref<80xi32, #tpu.memory_space<vmem>>) semaphore(%arg13 : memref<!tpu.dma_semaphore, #tpu.memory_space<semaphore_mem>>)
    %dma_start3A_7 = arith.constant 0 : i32
    %dma_start3A_8 = tpu.memref_slice %arg8[%dma_start3A_7] : memref<2000xi32, #tpu.memory_space<vmem>> -> memref<80xi32, #tpu.memory_space<vmem>>
    %dma_start3A_9 = arith.constant 0 : i32
    %dma_start3A_10 = arith.constant 0 : i32
    %dma_start3A_11 = tpu.memref_slice %arg3[%dma_start3A_9, %dma_start3A_10] : memref<10000x64xf32, #tpu.memory_space<hbm>> -> memref<10000x64xf32, #tpu.memory_space<hbm>>
    tpu.enqueue_indirect_dma source(%dma_start3A_11 : memref<10000x64xf32, #tpu.memory_space<hbm>>) target(%arg10 : memref<80x64xf32, #tpu.memory_space<vmem>>) offsets(%dma_start3A_8 : memref<80xi32, #tpu.memory_space<vmem>>) semaphore(%arg13 : memref<!tpu.dma_semaphore, #tpu.memory_space<semaphore_mem>>)
    %dma_start3A_12 = arith.constant 80 : i32
    %dma_start3A_13 = tpu.memref_slice %arg7[%dma_start3A_12] : memref<2000xi32, #tpu.memory_space<vmem>> -> memref<80xi32, #tpu.memory_space<vmem>>
    %dma_start3A_14 = arith.constant 0 : i32
    %dma_start3A_15 = arith.constant 0 : i32
    %dma_start3A_16 = tpu.memref_slice %arg2[%dma_start3A_14, %dma_start3A_15] : memref<10000x64xf32, #tpu.memory_space<hbm>> -> memref<10000x64xf32, #tpu.memory_space<hbm>>
    tpu.enqueue_indirect_dma source(%dma_start3A_16 : memref<10000x64xf32, #tpu.memory_space<hbm>>) target(%arg11 : memref<80x64xf32, #tpu.memory_space<vmem>>) offsets(%dma_start3A_13 : memref<80xi32, #tpu.memory_space<vmem>>) semaphore(%arg15 : memref<!tpu.dma_semaphore, #tpu.memory_space<semaphore_mem>>)
    %dma_start3A_17 = arith.constant 80 : i32
    %dma_start3A_18 = tpu.memref_slice %arg8[%dma_start3A_17] : memref<2000xi32, #tpu.memory_space<vmem>> -> memref<80xi32, #tpu.memory_space<vmem>>
    %dma_start3A_19 = arith.constant 0 : i32
    %dma_start3A_20 = arith.constant 0 : i32
    %dma_start3A_21 = tpu.memref_slice %arg3[%dma_start3A_19, %dma_start3A_20] : memref<10000x64xf32, #tpu.memory_space<hbm>> -> memref<10000x64xf32, #tpu.memory_space<hbm>>
    tpu.enqueue_indirect_dma source(%dma_start3A_21 : memref<10000x64xf32, #tpu.memory_space<hbm>>) target(%arg12 : memref<80x64xf32, #tpu.memory_space<vmem>>) offsets(%dma_start3A_18 : memref<80xi32, #tpu.memory_space<vmem>>) semaphore(%arg15 : memref<!tpu.dma_semaphore, #tpu.memory_space<semaphore_mem>>)
    %dma_wait3A = arith.constant 0 : i32
    %dma_wait3A_22 = tpu.memref_slice %arg7[%dma_wait3A] : memref<2000xi32, #tpu.memory_space<vmem>> -> memref<80xi32, #tpu.memory_space<vmem>>
    %dma_wait3A_23 = arith.constant 0 : i32
    %dma_wait3A_24 = arith.constant 0 : i32
    %dma_wait3A_25 = tpu.memref_slice %arg2[%dma_wait3A_23, %dma_wait3A_24] : memref<10000x64xf32, #tpu.memory_space<hbm>> -> memref<10000x64xf32, #tpu.memory_space<hbm>>
    tpu.wait_indirect_dma semaphore(%arg13 : memref<!tpu.dma_semaphore, #tpu.memory_space<semaphore_mem>>) src(%dma_wait3A_25 : memref<10000x64xf32, #tpu.memory_space<hbm>>) dst(%arg9 : memref<80x64xf32, #tpu.memory_space<vmem>>)
    %dma_wait3A_26 = arith.constant 0 : i32
    %dma_wait3A_27 = tpu.memref_slice %arg8[%dma_wait3A_26] : memref<2000xi32, #tpu.memory_space<vmem>> -> memref<80xi32, #tpu.memory_space<vmem>>
    %dma_wait3A_28 = arith.constant 0 : i32
    %dma_wait3A_29 = arith.constant 0 : i32
    %dma_wait3A_30 = tpu.memref_slice %arg3[%dma_wait3A_28, %dma_wait3A_29] : memref<10000x64xf32, #tpu.memory_space<hbm>> -> memref<10000x64xf32, #tpu.memory_space<hbm>>
    tpu.wait_indirect_dma semaphore(%arg13 : memref<!tpu.dma_semaphore, #tpu.memory_space<semaphore_mem>>) src(%dma_wait3A_30 : memref<10000x64xf32, #tpu.memory_space<hbm>>) dst(%arg10 : memref<80x64xf32, #tpu.memory_space<vmem>>)
    %add3A_31 = arith.constant 0 : i32
    %add3A_32 = arith.addi %mul3A_2, %add3A_31 : i32
    %dma_start3A_33 = arith.constant 0 : i32
    %dma_start3A_34 = tpu.memref_slice %arg6[%add3A_32, %dma_start3A_33] : memref<64000x128xf32, #tpu.memory_space<hbm>> -> memref<80x64xf32, #tpu.memory_space<hbm>>
    %dma_start3A_35 = arith.constant 0 : i32
    %dma_start3A_36 = tpu.memref_slice %arg6[%add3A_32, %dma_start3A_35] : memref<64000x128xf32, #tpu.memory_space<hbm>> -> memref<80x64xf32, #tpu.memory_space<hbm>>
    tpu.enqueue_dma source(%arg9 : memref<80x64xf32, #tpu.memory_space<vmem>>) target(%dma_start3A_36 : memref<80x64xf32, #tpu.memory_space<hbm>>) target_semaphore(%arg14 : memref<!tpu.dma_semaphore, #tpu.memory_space<semaphore_mem>>)
    %dma_start3A_37 = arith.constant 64 : i32
    %dma_start3A_38 = tpu.memref_slice %arg6[%add3A_32, %dma_start3A_37] : memref<64000x128xf32, #tpu.memory_space<hbm>> -> memref<80x64xf32, #tpu.memory_space<hbm>>
    %dma_start3A_39 = arith.constant 64 : i32
    %dma_start3A_40 = tpu.memref_slice %arg6[%add3A_32, %dma_start3A_39] : memref<64000x128xf32, #tpu.memory_space<hbm>> -> memref<80x64xf32, #tpu.memory_space<hbm>>
    tpu.enqueue_dma source(%arg10 : memref<80x64xf32, #tpu.memory_space<vmem>>) target(%dma_start3A_40 : memref<80x64xf32, #tpu.memory_space<hbm>>) target_semaphore(%arg14 : memref<!tpu.dma_semaphore, #tpu.memory_space<semaphore_mem>>)
    %dma_wait3A_41 = arith.constant 80 : i32
    %dma_wait3A_42 = tpu.memref_slice %arg7[%dma_wait3A_41] : memref<2000xi32, #tpu.memory_space<vmem>> -> memref<80xi32, #tpu.memory_space<vmem>>
    %dma_wait3A_43 = arith.constant 0 : i32
    %dma_wait3A_44 = arith.constant 0 : i32
    %dma_wait3A_45 = tpu.memref_slice %arg2[%dma_wait3A_43, %dma_wait3A_44] : memref<10000x64xf32, #tpu.memory_space<hbm>> -> memref<10000x64xf32, #tpu.memory_space<hbm>>
    tpu.wait_indirect_dma semaphore(%arg15 : memref<!tpu.dma_semaphore, #tpu.memory_space<semaphore_mem>>) src(%dma_wait3A_45 : memref<10000x64xf32, #tpu.memory_space<hbm>>) dst(%arg11 : memref<80x64xf32, #tpu.memory_space<vmem>>)
    %dma_wait3A_46 = arith.constant 80 : i32
    %dma_wait3A_47 = tpu.memref_slice %arg8[%dma_wait3A_46] : memref<2000xi32, #tpu.memory_space<vmem>> -> memref<80xi32, #tpu.memory_space<vmem>>
    %dma_wait3A_48 = arith.constant 0 : i32
    %dma_wait3A_49 = arith.constant 0 : i32
    %dma_wait3A_50 = tpu.memref_slice %arg3[%dma_wait3A_48, %dma_wait3A_49] : memref<10000x64xf32, #tpu.memory_space<hbm>> -> memref<10000x64xf32, #tpu.memory_space<hbm>>
    tpu.wait_indirect_dma semaphore(%arg15 : memref<!tpu.dma_semaphore, #tpu.memory_space<semaphore_mem>>) src(%dma_wait3A_50 : memref<10000x64xf32, #tpu.memory_space<hbm>>) dst(%arg12 : memref<80x64xf32, #tpu.memory_space<vmem>>)
    %add3A_51 = arith.constant 80 : i32
    %add3A_52 = arith.addi %mul3A_2, %add3A_51 : i32
    %dma_start3A_53 = arith.constant 0 : i32
    %dma_start3A_54 = tpu.memref_slice %arg6[%add3A_52, %dma_start3A_53] : memref<64000x128xf32, #tpu.memory_space<hbm>> -> memref<80x64xf32, #tpu.memory_space<hbm>>
    %dma_start3A_55 = arith.constant 0 : i32
    %dma_start3A_56 = tpu.memref_slice %arg6[%add3A_52, %dma_start3A_55] : memref<64000x128xf32, #tpu.memory_space<hbm>> -> memref<80x64xf32, #tpu.memory_space<hbm>>
    tpu.enqueue_dma source(%arg11 : memref<80x64xf32, #tpu.memory_space<vmem>>) target(%dma_start3A_56 : memref<80x64xf32, #tpu.memory_space<hbm>>) target_semaphore(%arg16 : memref<!tpu.dma_semaphore, #tpu.memory_space<semaphore_mem>>)
    %dma_start3A_57 = arith.constant 64 : i32
    %dma_start3A_58 = tpu.memref_slice %arg6[%add3A_52, %dma_start3A_57] : memref<64000x128xf32, #tpu.memory_space<hbm>> -> memref<80x64xf32, #tpu.memory_space<hbm>>
    %dma_start3A_59 = arith.constant 64 : i32
    %dma_start3A_60 = tpu.memref_slice %arg6[%add3A_52, %dma_start3A_59] : memref<64000x128xf32, #tpu.memory_space<hbm>> -> memref<80x64xf32, #tpu.memory_space<hbm>>
    tpu.enqueue_dma source(%arg12 : memref<80x64xf32, #tpu.memory_space<vmem>>) target(%dma_start3A_60 : memref<80x64xf32, #tpu.memory_space<hbm>>) target_semaphore(%arg16 : memref<!tpu.dma_semaphore, #tpu.memory_space<semaphore_mem>>)
    %add3A_61 = arith.constant 0 : i32
    %add3A_62 = arith.addi %mul3A_2, %add3A_61 : i32
    %dma_wait3A_63 = arith.constant 0 : i32
    %dma_wait3A_64 = tpu.memref_slice %arg6[%add3A_62, %dma_wait3A_63] : memref<64000x128xf32, #tpu.memory_space<hbm>> -> memref<80x64xf32, #tpu.memory_space<hbm>>
    %dma_wait3A_65 = arith.constant 0 : i32
    %dma_wait3A_66 = tpu.memref_slice %arg6[%add3A_62, %dma_wait3A_65] : memref<64000x128xf32, #tpu.memory_space<hbm>> -> memref<80x64xf32, #tpu.memory_space<hbm>>
    tpu.wait_dma2 semaphore(%arg14 : memref<!tpu.dma_semaphore, #tpu.memory_space<semaphore_mem>>) src(%arg9 : memref<80x64xf32, #tpu.memory_space<vmem>>) dst(%dma_wait3A_66 : memref<80x64xf32, #tpu.memory_space<hbm>>)
    %dma_wait3A_67 = arith.constant 64 : i32
    %dma_wait3A_68 = tpu.memref_slice %arg6[%add3A_62, %dma_wait3A_67] : memref<64000x128xf32, #tpu.memory_space<hbm>> -> memref<80x64xf32, #tpu.memory_space<hbm>>
    %dma_wait3A_69 = arith.constant 64 : i32
    %dma_wait3A_70 = tpu.memref_slice %arg6[%add3A_62, %dma_wait3A_69] : memref<64000x128xf32, #tpu.memory_space<hbm>> -> memref<80x64xf32, #tpu.memory_space<hbm>>
    tpu.wait_dma2 semaphore(%arg14 : memref<!tpu.dma_semaphore, #tpu.memory_space<semaphore_mem>>) src(%arg10 : memref<80x64xf32, #tpu.memory_space<vmem>>) dst(%dma_wait3A_70 : memref<80x64xf32, #tpu.memory_space<hbm>>)
    %dma_start3A_71 = arith.constant 160 : i32
    %dma_start3A_72 = tpu.memref_slice %arg7[%dma_start3A_71] : memref<2000xi32, #tpu.memory_space<vmem>> -> memref<80xi32, #tpu.memory_space<vmem>>
    %dma_start3A_73 = arith.constant 0 : i32
    %dma_start3A_74 = arith.constant 0 : i32
    %dma_start3A_75 = tpu.memref_slice %arg2[%dma_start3A_73, %dma_start3A_74] : memref<10000x64xf32, #tpu.memory_space<hbm>> -> memref<10000x64xf32, #tpu.memory_space<hbm>>
    tpu.enqueue_indirect_dma source(%dma_start3A_75 : memref<10000x64xf32, #tpu.memory_space<hbm>>) target(%arg9 : memref<80x64xf32, #tpu.memory_space<vmem>>) offsets(%dma_start3A_72 : memref<80xi32, #tpu.memory_space<vmem>>) semaphore(%arg13 : memref<!tpu.dma_semaphore, #tpu.memory_space<semaphore_mem>>)
    %dma_start3A_76 = arith.constant 160 : i32
    %dma_start3A_77 = tpu.memref_slice %arg8[%dma_start3A_76] : memref<2000xi32, #tpu.memory_space<vmem>> -> memref<80xi32, #tpu.memory_space<vmem>>
    %dma_start3A_78 = arith.constant 0 : i32
    %dma_start3A_79 = arith.constant 0 : i32
    %dma_start3A_80 = tpu.memref_slice %arg3[%dma_start3A_78, %dma_start3A_79] : memref<10000x64xf32, #tpu.memory_space<hbm>> -> memref<10000x64xf32, #tpu.memory_space<hbm>>
    tpu.enqueue_indirect_dma source(%dma_start3A_80 : memref<10000x64xf32, #tpu.memory_space<hbm>>) target(%arg10 : memref<80x64xf32, #tpu.memory_space<vmem>>) offsets(%dma_start3A_77 : memref<80xi32, #tpu.memory_space<vmem>>) semaphore(%arg13 : memref<!tpu.dma_semaphore, #tpu.memory_space<semaphore_mem>>)
    %scan3A = arith.constant 0 : i32
    %scan3A_81 = arith.constant 11 : i32
    %scan3A_82 = arith.addi %scan3A, %scan3A_81 : i32
    %scan3A_83 = arith.constant 1 : i32
    scf.for %scan3A_125 = %scan3A to %scan3A_82 step %scan3A_83  : i32 {
      %mul3A_126 = arith.constant 1 : i32
      %mul3A_127 = arith.muli %scan3A_125, %mul3A_126 : i32
      %add3A_128 = arith.constant 1 : i32
      %add3A_129 = arith.addi %add3A_128, %mul3A_127 : i32
      %mul3A_130 = arith.constant 2 : i32
      %mul3A_131 = arith.muli %mul3A_130, %add3A_129 : i32
      %sub3A = arith.constant 1 : i32
      %sub3A_132 = arith.subi %mul3A_131, %sub3A : i32
      %mul3A_133 = arith.constant 80 : i32
      %mul3A_134 = arith.muli %sub3A_132, %mul3A_133 : i32
      %add3A_135 = arith.addi %mul3A_2, %mul3A_134 : i32
      %dma_wait3A_136 = arith.constant 0 : i32
      %dma_wait3A_137 = tpu.memref_slice %arg6[%add3A_135, %dma_wait3A_136] : memref<64000x128xf32, #tpu.memory_space<hbm>> -> memref<80x64xf32, #tpu.memory_space<hbm>>
      %dma_wait3A_138 = arith.constant 0 : i32
      %dma_wait3A_139 = tpu.memref_slice %arg6[%add3A_135, %dma_wait3A_138] : memref<64000x128xf32, #tpu.memory_space<hbm>> -> memref<80x64xf32, #tpu.memory_space<hbm>>
      tpu.wait_dma2 semaphore(%arg16 : memref<!tpu.dma_semaphore, #tpu.memory_space<semaphore_mem>>) src(%arg11 : memref<80x64xf32, #tpu.memory_space<vmem>>) dst(%dma_wait3A_139 : memref<80x64xf32, #tpu.memory_space<hbm>>)
      %dma_wait3A_140 = arith.constant 64 : i32
      %dma_wait3A_141 = tpu.memref_slice %arg6[%add3A_135, %dma_wait3A_140] : memref<64000x128xf32, #tpu.memory_space<hbm>> -> memref<80x64xf32, #tpu.memory_space<hbm>>
      %dma_wait3A_142 = arith.constant 64 : i32
      %dma_wait3A_143 = tpu.memref_slice %arg6[%add3A_135, %dma_wait3A_142] : memref<64000x128xf32, #tpu.memory_space<hbm>> -> memref<80x64xf32, #tpu.memory_space<hbm>>
      tpu.wait_dma2 semaphore(%arg16 : memref<!tpu.dma_semaphore, #tpu.memory_space<semaphore_mem>>) src(%arg12 : memref<80x64xf32, #tpu.memory_space<vmem>>) dst(%dma_wait3A_143 : memref<80x64xf32, #tpu.memory_space<hbm>>)
      %add3A_144 = arith.constant 1 : i32
      %add3A_145 = arith.addi %mul3A_131, %add3A_144 : i32
      %mul3A_146 = arith.constant 80 : i32
      %mul3A_147 = arith.muli %add3A_145, %mul3A_146 : i32
      %dma_start3A_148 = tpu.memref_slice %arg7[%mul3A_147] : memref<2000xi32, #tpu.memory_space<vmem>> -> memref<80xi32, #tpu.memory_space<vmem>>
      %dma_start3A_149 = arith.constant 0 : i32
      %dma_start3A_150 = arith.constant 0 : i32
      %dma_start3A_151 = tpu.memref_slice %arg2[%dma_start3A_149, %dma_start3A_150] : memref<10000x64xf32, #tpu.memory_space<hbm>> -> memref<10000x64xf32, #tpu.memory_space<hbm>>
      tpu.enqueue_indirect_dma source(%dma_start3A_151 : memref<10000x64xf32, #tpu.memory_space<hbm>>) target(%arg11 : memref<80x64xf32, #tpu.memory_space<vmem>>) offsets(%dma_start3A_148 : memref<80xi32, #tpu.memory_space<vmem>>) semaphore(%arg15 : memref<!tpu.dma_semaphore, #tpu.memory_space<semaphore_mem>>)
      %dma_start3A_152 = tpu.memref_slice %arg8[%mul3A_147] : memref<2000xi32, #tpu.memory_space<vmem>> -> memref<80xi32, #tpu.memory_space<vmem>>
      %dma_start3A_153 = arith.constant 0 : i32
      %dma_start3A_154 = arith.constant 0 : i32
      %dma_start3A_155 = tpu.memref_slice %arg3[%dma_start3A_153, %dma_start3A_154] : memref<10000x64xf32, #tpu.memory_space<hbm>> -> memref<10000x64xf32, #tpu.memory_space<hbm>>
      tpu.enqueue_indirect_dma source(%dma_start3A_155 : memref<10000x64xf32, #tpu.memory_space<hbm>>) target(%arg12 : memref<80x64xf32, #tpu.memory_space<vmem>>) offsets(%dma_start3A_152 : memref<80xi32, #tpu.memory_space<vmem>>) semaphore(%arg15 : memref<!tpu.dma_semaphore, #tpu.memory_space<semaphore_mem>>)
      %mul3A_156 = arith.constant 80 : i32
      %mul3A_157 = arith.muli %mul3A_131, %mul3A_156 : i32
      %dma_wait3A_158 = tpu.memref_slice %arg7[%mul3A_157] : memref<2000xi32, #tpu.memory_space<vmem>> -> memref<80xi32, #tpu.memory_space<vmem>>
      %dma_wait3A_159 = arith.constant 0 : i32
      %dma_wait3A_160 = arith.constant 0 : i32
      %dma_wait3A_161 = tpu.memref_slice %arg2[%dma_wait3A_159, %dma_wait3A_160] : memref<10000x64xf32, #tpu.memory_space<hbm>> -> memref<10000x64xf32, #tpu.memory_space<hbm>>
      tpu.wait_indirect_dma semaphore(%arg13 : memref<!tpu.dma_semaphore, #tpu.memory_space<semaphore_mem>>) src(%dma_wait3A_161 : memref<10000x64xf32, #tpu.memory_space<hbm>>) dst(%arg9 : memref<80x64xf32, #tpu.memory_space<vmem>>)
      %dma_wait3A_162 = tpu.memref_slice %arg8[%mul3A_157] : memref<2000xi32, #tpu.memory_space<vmem>> -> memref<80xi32, #tpu.memory_space<vmem>>
      %dma_wait3A_163 = arith.constant 0 : i32
      %dma_wait3A_164 = arith.constant 0 : i32
      %dma_wait3A_165 = tpu.memref_slice %arg3[%dma_wait3A_163, %dma_wait3A_164] : memref<10000x64xf32, #tpu.memory_space<hbm>> -> memref<10000x64xf32, #tpu.memory_space<hbm>>
      tpu.wait_indirect_dma semaphore(%arg13 : memref<!tpu.dma_semaphore, #tpu.memory_space<semaphore_mem>>) src(%dma_wait3A_165 : memref<10000x64xf32, #tpu.memory_space<hbm>>) dst(%arg10 : memref<80x64xf32, #tpu.memory_space<vmem>>)
      %mul3A_166 = arith.constant 80 : i32
      %mul3A_167 = arith.muli %mul3A_131, %mul3A_166 : i32
      %add3A_168 = arith.addi %mul3A_2, %mul3A_167 : i32
      %dma_start3A_169 = arith.constant 0 : i32
      %dma_start3A_170 = tpu.memref_slice %arg6[%add3A_168, %dma_start3A_169] : memref<64000x128xf32, #tpu.memory_space<hbm>> -> memref<80x64xf32, #tpu.memory_space<hbm>>
      %dma_start3A_171 = arith.constant 0 : i32
      %dma_start3A_172 = tpu.memref_slice %arg6[%add3A_168, %dma_start3A_171] : memref<64000x128xf32, #tpu.memory_space<hbm>> -> memref<80x64xf32, #tpu.memory_space<hbm>>
      tpu.enqueue_dma source(%arg9 : memref<80x64xf32, #tpu.memory_space<vmem>>) target(%dma_start3A_172 : memref<80x64xf32, #tpu.memory_space<hbm>>) target_semaphore(%arg14 : memref<!tpu.dma_semaphore, #tpu.memory_space<semaphore_mem>>)
      %dma_start3A_173 = arith.constant 64 : i32
      %dma_start3A_174 = tpu.memref_slice %arg6[%add3A_168, %dma_start3A_173] : memref<64000x128xf32, #tpu.memory_space<hbm>> -> memref<80x64xf32, #tpu.memory_space<hbm>>
      %dma_start3A_175 = arith.constant 64 : i32
      %dma_start3A_176 = tpu.memref_slice %arg6[%add3A_168, %dma_start3A_175] : memref<64000x128xf32, #tpu.memory_space<hbm>> -> memref<80x64xf32, #tpu.memory_space<hbm>>
      tpu.enqueue_dma source(%arg10 : memref<80x64xf32, #tpu.memory_space<vmem>>) target(%dma_start3A_176 : memref<80x64xf32, #tpu.memory_space<hbm>>) target_semaphore(%arg14 : memref<!tpu.dma_semaphore, #tpu.memory_space<semaphore_mem>>)
      %add3A_177 = arith.constant 1 : i32
      %add3A_178 = arith.addi %mul3A_131, %add3A_177 : i32
      %mul3A_179 = arith.constant 80 : i32
      %mul3A_180 = arith.muli %add3A_178, %mul3A_179 : i32
      %dma_wait3A_181 = tpu.memref_slice %arg7[%mul3A_180] : memref<2000xi32, #tpu.memory_space<vmem>> -> memref<80xi32, #tpu.memory_space<vmem>>
      %dma_wait3A_182 = arith.constant 0 : i32
      %dma_wait3A_183 = arith.constant 0 : i32
      %dma_wait3A_184 = tpu.memref_slice %arg2[%dma_wait3A_182, %dma_wait3A_183] : memref<10000x64xf32, #tpu.memory_space<hbm>> -> memref<10000x64xf32, #tpu.memory_space<hbm>>
      tpu.wait_indirect_dma semaphore(%arg15 : memref<!tpu.dma_semaphore, #tpu.memory_space<semaphore_mem>>) src(%dma_wait3A_184 : memref<10000x64xf32, #tpu.memory_space<hbm>>) dst(%arg11 : memref<80x64xf32, #tpu.memory_space<vmem>>)
      %dma_wait3A_185 = tpu.memref_slice %arg8[%mul3A_180] : memref<2000xi32, #tpu.memory_space<vmem>> -> memref<80xi32, #tpu.memory_space<vmem>>
      %dma_wait3A_186 = arith.constant 0 : i32
      %dma_wait3A_187 = arith.constant 0 : i32
      %dma_wait3A_188 = tpu.memref_slice %arg3[%dma_wait3A_186, %dma_wait3A_187] : memref<10000x64xf32, #tpu.memory_space<hbm>> -> memref<10000x64xf32, #tpu.memory_space<hbm>>
      tpu.wait_indirect_dma semaphore(%arg15 : memref<!tpu.dma_semaphore, #tpu.memory_space<semaphore_mem>>) src(%dma_wait3A_188 : memref<10000x64xf32, #tpu.memory_space<hbm>>) dst(%arg12 : memref<80x64xf32, #tpu.memory_space<vmem>>)
      %add3A_189 = arith.constant 1 : i32
      %add3A_190 = arith.addi %mul3A_131, %add3A_189 : i32
      %mul3A_191 = arith.constant 80 : i32
      %mul3A_192 = arith.muli %add3A_190, %mul3A_191 : i32
      %add3A_193 = arith.addi %mul3A_2, %mul3A_192 : i32
      %dma_start3A_194 = arith.constant 0 : i32
      %dma_start3A_195 = tpu.memref_slice %arg6[%add3A_193, %dma_start3A_194] : memref<64000x128xf32, #tpu.memory_space<hbm>> -> memref<80x64xf32, #tpu.memory_space<hbm>>
      %dma_start3A_196 = arith.constant 0 : i32
      %dma_start3A_197 = tpu.memref_slice %arg6[%add3A_193, %dma_start3A_196] : memref<64000x128xf32, #tpu.memory_space<hbm>> -> memref<80x64xf32, #tpu.memory_space<hbm>>
      tpu.enqueue_dma source(%arg11 : memref<80x64xf32, #tpu.memory_space<vmem>>) target(%dma_start3A_197 : memref<80x64xf32, #tpu.memory_space<hbm>>) target_semaphore(%arg16 : memref<!tpu.dma_semaphore, #tpu.memory_space<semaphore_mem>>)
      %dma_start3A_198 = arith.constant 64 : i32
      %dma_start3A_199 = tpu.memref_slice %arg6[%add3A_193, %dma_start3A_198] : memref<64000x128xf32, #tpu.memory_space<hbm>> -> memref<80x64xf32, #tpu.memory_space<hbm>>
      %dma_start3A_200 = arith.constant 64 : i32
      %dma_start3A_201 = tpu.memref_slice %arg6[%add3A_193, %dma_start3A_200] : memref<64000x128xf32, #tpu.memory_space<hbm>> -> memref<80x64xf32, #tpu.memory_space<hbm>>
      tpu.enqueue_dma source(%arg12 : memref<80x64xf32, #tpu.memory_space<vmem>>) target(%dma_start3A_201 : memref<80x64xf32, #tpu.memory_space<hbm>>) target_semaphore(%arg16 : memref<!tpu.dma_semaphore, #tpu.memory_space<semaphore_mem>>)
      %mul3A_202 = arith.constant 80 : i32
      %mul3A_203 = arith.muli %mul3A_131, %mul3A_202 : i32
      %add3A_204 = arith.addi %mul3A_2, %mul3A_203 : i32
      %dma_wait3A_205 = arith.constant 0 : i32
      %dma_wait3A_206 = tpu.memref_slice %arg6[%add3A_204, %dma_wait3A_205] : memref<64000x128xf32, #tpu.memory_space<hbm>> -> memref<80x64xf32, #tpu.memory_space<hbm>>
      %dma_wait3A_207 = arith.constant 0 : i32
      %dma_wait3A_208 = tpu.memref_slice %arg6[%add3A_204, %dma_wait3A_207] : memref<64000x128xf32, #tpu.memory_space<hbm>> -> memref<80x64xf32, #tpu.memory_space<hbm>>
      tpu.wait_dma2 semaphore(%arg14 : memref<!tpu.dma_semaphore, #tpu.memory_space<semaphore_mem>>) src(%arg9 : memref<80x64xf32, #tpu.memory_space<vmem>>) dst(%dma_wait3A_208 : memref<80x64xf32, #tpu.memory_space<hbm>>)
      %dma_wait3A_209 = arith.constant 64 : i32
      %dma_wait3A_210 = tpu.memref_slice %arg6[%add3A_204, %dma_wait3A_209] : memref<64000x128xf32, #tpu.memory_space<hbm>> -> memref<80x64xf32, #tpu.memory_space<hbm>>
      %dma_wait3A_211 = arith.constant 64 : i32
      %dma_wait3A_212 = tpu.memref_slice %arg6[%add3A_204, %dma_wait3A_211] : memref<64000x128xf32, #tpu.memory_space<hbm>> -> memref<80x64xf32, #tpu.memory_space<hbm>>
      tpu.wait_dma2 semaphore(%arg14 : memref<!tpu.dma_semaphore, #tpu.memory_space<semaphore_mem>>) src(%arg10 : memref<80x64xf32, #tpu.memory_space<vmem>>) dst(%dma_wait3A_212 : memref<80x64xf32, #tpu.memory_space<hbm>>)
      %add3A_213 = arith.constant 2 : i32
      %add3A_214 = arith.addi %mul3A_131, %add3A_213 : i32
      %mul3A_215 = arith.constant 80 : i32
      %mul3A_216 = arith.muli %add3A_214, %mul3A_215 : i32
      %dma_start3A_217 = tpu.memref_slice %arg7[%mul3A_216] : memref<2000xi32, #tpu.memory_space<vmem>> -> memref<80xi32, #tpu.memory_space<vmem>>
      %dma_start3A_218 = arith.constant 0 : i32
      %dma_start3A_219 = arith.constant 0 : i32
      %dma_start3A_220 = tpu.memref_slice %arg2[%dma_start3A_218, %dma_start3A_219] : memref<10000x64xf32, #tpu.memory_space<hbm>> -> memref<10000x64xf32, #tpu.memory_space<hbm>>
      tpu.enqueue_indirect_dma source(%dma_start3A_220 : memref<10000x64xf32, #tpu.memory_space<hbm>>) target(%arg9 : memref<80x64xf32, #tpu.memory_space<vmem>>) offsets(%dma_start3A_217 : memref<80xi32, #tpu.memory_space<vmem>>) semaphore(%arg13 : memref<!tpu.dma_semaphore, #tpu.memory_space<semaphore_mem>>)
      %dma_start3A_221 = tpu.memref_slice %arg8[%mul3A_216] : memref<2000xi32, #tpu.memory_space<vmem>> -> memref<80xi32, #tpu.memory_space<vmem>>
      %dma_start3A_222 = arith.constant 0 : i32
      %dma_start3A_223 = arith.constant 0 : i32
      %dma_start3A_224 = tpu.memref_slice %arg3[%dma_start3A_222, %dma_start3A_223] : memref<10000x64xf32, #tpu.memory_space<hbm>> -> memref<10000x64xf32, #tpu.memory_space<hbm>>
      tpu.enqueue_indirect_dma source(%dma_start3A_224 : memref<10000x64xf32, #tpu.memory_space<hbm>>) target(%arg10 : memref<80x64xf32, #tpu.memory_space<vmem>>) offsets(%dma_start3A_221 : memref<80xi32, #tpu.memory_space<vmem>>) semaphore(%arg13 : memref<!tpu.dma_semaphore, #tpu.memory_space<semaphore_mem>>)
    }
    %scan3A_84 = arith.constant 11 : i32
    %dma_wait3A_85 = arith.constant 1920 : i32
    %dma_wait3A_86 = tpu.memref_slice %arg7[%dma_wait3A_85] : memref<2000xi32, #tpu.memory_space<vmem>> -> memref<80xi32, #tpu.memory_space<vmem>>
    %dma_wait3A_87 = arith.constant 0 : i32
    %dma_wait3A_88 = arith.constant 0 : i32
    %dma_wait3A_89 = tpu.memref_slice %arg2[%dma_wait3A_87, %dma_wait3A_88] : memref<10000x64xf32, #tpu.memory_space<hbm>> -> memref<10000x64xf32, #tpu.memory_space<hbm>>
    tpu.wait_indirect_dma semaphore(%arg13 : memref<!tpu.dma_semaphore, #tpu.memory_space<semaphore_mem>>) src(%dma_wait3A_89 : memref<10000x64xf32, #tpu.memory_space<hbm>>) dst(%arg9 : memref<80x64xf32, #tpu.memory_space<vmem>>)
    %dma_wait3A_90 = arith.constant 1920 : i32
    %dma_wait3A_91 = tpu.memref_slice %arg8[%dma_wait3A_90] : memref<2000xi32, #tpu.memory_space<vmem>> -> memref<80xi32, #tpu.memory_space<vmem>>
    %dma_wait3A_92 = arith.constant 0 : i32
    %dma_wait3A_93 = arith.constant 0 : i32
    %dma_wait3A_94 = tpu.memref_slice %arg3[%dma_wait3A_92, %dma_wait3A_93] : memref<10000x64xf32, #tpu.memory_space<hbm>> -> memref<10000x64xf32, #tpu.memory_space<hbm>>
    tpu.wait_indirect_dma semaphore(%arg13 : memref<!tpu.dma_semaphore, #tpu.memory_space<semaphore_mem>>) src(%dma_wait3A_94 : memref<10000x64xf32, #tpu.memory_space<hbm>>) dst(%arg10 : memref<80x64xf32, #tpu.memory_space<vmem>>)
    %add3A_95 = arith.constant 1920 : i32
    %add3A_96 = arith.addi %mul3A_2, %add3A_95 : i32
    %dma_start3A_97 = arith.constant 0 : i32
    %dma_start3A_98 = tpu.memref_slice %arg6[%add3A_96, %dma_start3A_97] : memref<64000x128xf32, #tpu.memory_space<hbm>> -> memref<80x64xf32, #tpu.memory_space<hbm>>
    %dma_start3A_99 = arith.constant 0 : i32
    %dma_start3A_100 = tpu.memref_slice %arg6[%add3A_96, %dma_start3A_99] : memref<64000x128xf32, #tpu.memory_space<hbm>> -> memref<80x64xf32, #tpu.memory_space<hbm>>
    tpu.enqueue_dma source(%arg9 : memref<80x64xf32, #tpu.memory_space<vmem>>) target(%dma_start3A_100 : memref<80x64xf32, #tpu.memory_space<hbm>>) target_semaphore(%arg14 : memref<!tpu.dma_semaphore, #tpu.memory_space<semaphore_mem>>)
    %dma_start3A_101 = arith.constant 64 : i32
    %dma_start3A_102 = tpu.memref_slice %arg6[%add3A_96, %dma_start3A_101] : memref<64000x128xf32, #tpu.memory_space<hbm>> -> memref<80x64xf32, #tpu.memory_space<hbm>>
    %dma_start3A_103 = arith.constant 64 : i32
    %dma_start3A_104 = tpu.memref_slice %arg6[%add3A_96, %dma_start3A_103] : memref<64000x128xf32, #tpu.memory_space<hbm>> -> memref<80x64xf32, #tpu.memory_space<hbm>>
    tpu.enqueue_dma source(%arg10 : memref<80x64xf32, #tpu.memory_space<vmem>>) target(%dma_start3A_104 : memref<80x64xf32, #tpu.memory_space<hbm>>) target_semaphore(%arg14 : memref<!tpu.dma_semaphore, #tpu.memory_space<semaphore_mem>>)
    %add3A_105 = arith.constant 1920 : i32
    %add3A_106 = arith.addi %mul3A_2, %add3A_105 : i32
    %dma_wait3A_107 = arith.constant 0 : i32
    %dma_wait3A_108 = tpu.memref_slice %arg6[%add3A_106, %dma_wait3A_107] : memref<64000x128xf32, #tpu.memory_space<hbm>> -> memref<80x64xf32, #tpu.memory_space<hbm>>
    %dma_wait3A_109 = arith.constant 0 : i32
    %dma_wait3A_110 = tpu.memref_slice %arg6[%add3A_106, %dma_wait3A_109] : memref<64000x128xf32, #tpu.memory_space<hbm>> -> memref<80x64xf32, #tpu.memory_space<hbm>>
    tpu.wait_dma2 semaphore(%arg14 : memref<!tpu.dma_semaphore, #tpu.memory_space<semaphore_mem>>) src(%arg9 : memref<80x64xf32, #tpu.memory_space<vmem>>) dst(%dma_wait3A_110 : memref<80x64xf32, #tpu.memory_space<hbm>>)
    %dma_wait3A_111 = arith.constant 64 : i32
    %dma_wait3A_112 = tpu.memref_slice %arg6[%add3A_106, %dma_wait3A_111] : memref<64000x128xf32, #tpu.memory_space<hbm>> -> memref<80x64xf32, #tpu.memory_space<hbm>>
    %dma_wait3A_113 = arith.constant 64 : i32
    %dma_wait3A_114 = tpu.memref_slice %arg6[%add3A_106, %dma_wait3A_113] : memref<64000x128xf32, #tpu.memory_space<hbm>> -> memref<80x64xf32, #tpu.memory_space<hbm>>
    tpu.wait_dma2 semaphore(%arg14 : memref<!tpu.dma_semaphore, #tpu.memory_space<semaphore_mem>>) src(%arg10 : memref<80x64xf32, #tpu.memory_space<vmem>>) dst(%dma_wait3A_114 : memref<80x64xf32, #tpu.memory_space<hbm>>)
    %add3A_115 = arith.constant 1840 : i32
    %add3A_116 = arith.addi %mul3A_2, %add3A_115 : i32
    %dma_wait3A_117 = arith.constant 0 : i32
    %dma_wait3A_118 = tpu.memref_slice %arg6[%add3A_116, %dma_wait3A_117] : memref<64000x128xf32, #tpu.memory_space<hbm>> -> memref<80x64xf32, #tpu.memory_space<hbm>>
    %dma_wait3A_119 = arith.constant 0 : i32
    %dma_wait3A_120 = tpu.memref_slice %arg6[%add3A_116, %dma_wait3A_119] : memref<64000x128xf32, #tpu.memory_space<hbm>> -> memref<80x64xf32, #tpu.memory_space<hbm>>
    tpu.wait_dma2 semaphore(%arg16 : memref<!tpu.dma_semaphore, #tpu.memory_space<semaphore_mem>>) src(%arg11 : memref<80x64xf32, #tpu.memory_space<vmem>>) dst(%dma_wait3A_120 : memref<80x64xf32, #tpu.memory_space<hbm>>)
    %dma_wait3A_121 = arith.constant 64 : i32
    %dma_wait3A_122 = tpu.memref_slice %arg6[%add3A_116, %dma_wait3A_121] : memref<64000x128xf32, #tpu.memory_space<hbm>> -> memref<80x64xf32, #tpu.memory_space<hbm>>
    %dma_wait3A_123 = arith.constant 64 : i32
    %dma_wait3A_124 = tpu.memref_slice %arg6[%add3A_116, %dma_wait3A_123] : memref<64000x128xf32, #tpu.memory_space<hbm>> -> memref<80x64xf32, #tpu.memory_space<hbm>>
    tpu.wait_dma2 semaphore(%arg16 : memref<!tpu.dma_semaphore, #tpu.memory_space<semaphore_mem>>) src(%arg12 : memref<80x64xf32, #tpu.memory_space<vmem>>) dst(%dma_wait3A_124 : memref<80x64xf32, #tpu.memory_space<hbm>>)
    return
  }
}

module attributes {stable_mosaic.version = 14 : i64} {
  func.func @_prep_body(%arg0: memref<10000x128xf32, #tpu.memory_space<vmem>>, %arg1: memref<128x64xf32, #tpu.memory_space<vmem>>, %arg2: memref<128x64xf32, #tpu.memory_space<vmem>>, %arg3: memref<16x64xf32, #tpu.memory_space<vmem>>, %arg4: memref<64x64xf32, #tpu.memory_space<vmem>>, %arg5: memref<1x64xf32, #tpu.memory_space<vmem>>, %arg6: memref<10000x64xf32, #tpu.memory_space<vmem>>, %arg7: memref<10000x64xf32, #tpu.memory_space<vmem>>, %arg8: memref<16x64xf32, #tpu.memory_space<vmem>>) attributes {dimension_semantics = [], scalar_prefetch = 0 : i64, scratch_operands = 0 : i64, tpu.core_type = #tpu.core_type<tc>} {
    %get3A = arith.constant 0 : index
    %get3A_0 = arith.constant 0 : index
    %get3A_1 = vector.load %arg0[%get3A, %get3A_0] : memref<10000x128xf32, #tpu.memory_space<vmem>>, vector<10000x128xf32>
    %get3A_2 = arith.constant 0 : index
    %get3A_3 = arith.constant 0 : index
    %get3A_4 = vector.load %arg1[%get3A_2, %get3A_3] : memref<128x64xf32, #tpu.memory_space<vmem>>, vector<128x64xf32>
    %dot_general3A = arith.constant dense<0.000000e+00> : vector<10000x64xf32>
    %dot_general3A_5 = tpu.matmul %get3A_1, %get3A_4, %dot_general3A {dimension_numbers = #tpu.dot_dimension_numbers<[1], [0], [0], [1], [0, 0, 1, 1], [], []>, transpose_lhs_hint = false} : vector<10000x128xf32>, vector<128x64xf32>, vector<10000x64xf32> -> vector<10000x64xf32>
    %swap3A = arith.constant 0 : index
    %swap3A_6 = arith.constant 0 : index
    %swap3A_7 = vector.load %arg6[%swap3A, %swap3A_6] : memref<10000x64xf32, #tpu.memory_space<vmem>>, vector<10000x64xf32>
    tpu.vector_store %arg6[%swap3A, %swap3A_6], %dot_general3A_5 {strides = array<i32>} : memref<10000x64xf32, #tpu.memory_space<vmem>>, vector<10000x64xf32>,
    %get3A_8 = arith.constant 0 : index
    %get3A_9 = arith.constant 0 : index
    %get3A_10 = vector.load %arg2[%get3A_8, %get3A_9] : memref<128x64xf32, #tpu.memory_space<vmem>>, vector<128x64xf32>
    %dot_general3A_11 = arith.constant dense<0.000000e+00> : vector<10000x64xf32>
    %dot_general3A_12 = tpu.matmul %get3A_1, %get3A_10, %dot_general3A_11 {dimension_numbers = #tpu.dot_dimension_numbers<[1], [0], [0], [1], [0, 0, 1, 1], [], []>, transpose_lhs_hint = false} : vector<10000x128xf32>, vector<128x64xf32>, vector<10000x64xf32> -> vector<10000x64xf32>
    %swap3A_13 = arith.constant 0 : index
    %swap3A_14 = arith.constant 0 : index
    %swap3A_15 = vector.load %arg7[%swap3A_13, %swap3A_14] : memref<10000x64xf32, #tpu.memory_space<vmem>>, vector<10000x64xf32>
    tpu.vector_store %arg7[%swap3A_13, %swap3A_14], %dot_general3A_12 {strides = array<i32>} : memref<10000x64xf32, #tpu.memory_space<vmem>>, vector<10000x64xf32>,
    %get3A_16 = arith.constant 0 : index
    %get3A_17 = arith.constant 0 : index
    %get3A_18 = vector.load %arg3[%get3A_16, %get3A_17] : memref<16x64xf32, #tpu.memory_space<vmem>>, vector<16x64xf32>
    %get3A_19 = arith.constant 0 : index
    %get3A_20 = arith.constant 0 : index
    %get3A_21 = vector.load %arg4[%get3A_19, %get3A_20] : memref<64x64xf32, #tpu.memory_space<vmem>>, vector<64x64xf32>
    %dot_general3A_22 = arith.constant dense<0.000000e+00> : vector<16x64xf32>
    %dot_general3A_23 = tpu.matmul %get3A_18, %get3A_21, %dot_general3A_22 {dimension_numbers = #tpu.dot_dimension_numbers<[1], [0], [0], [1], [0, 0, 1, 1], [], []>, transpose_lhs_hint = false} : vector<16x64xf32>, vector<64x64xf32>, vector<16x64xf32> -> vector<16x64xf32>
    %get3A_24 = arith.constant 0 : index
    %get3A_25 = arith.constant 0 : index
    %get3A_26 = vector.load %arg5[%get3A_24, %get3A_25] : memref<1x64xf32, #tpu.memory_space<vmem>>, vector<1x64xf32>
    %add3A = vector.broadcast %get3A_26 : vector<1x64xf32> to vector<16x64xf32>
    %add3A_27 = arith.addf %dot_general3A_23, %add3A : vector<16x64xf32>
    %swap3A_28 = arith.constant 0 : index
    %swap3A_29 = arith.constant 0 : index
    %swap3A_30 = vector.load %arg8[%swap3A_28, %swap3A_29] : memref<16x64xf32, #tpu.memory_space<vmem>>, vector<16x64xf32>
    tpu.vector_store %arg8[%swap3A_28, %swap3A_29], %add3A_27 {strides = array<i32>} : memref<16x64xf32, #tpu.memory_space<vmem>>, vector<16x64xf32>,
    return
  }
}

module attributes {stable_mosaic.version = 14 : i64} {
  func.func @_mlp_body(%arg0: i32, %arg1: memref<12800x128xf32, #tpu.memory_space<vmem>>, %arg2: memref<16x12800xf32, #tpu.memory_space<vmem>>, %arg3: memref<1x1x12800xi32, #tpu.memory_space<vmem>>, %arg4: memref<16x64xbf16, #tpu.memory_space<vmem>>, %arg5: memref<128x64xbf16, #tpu.memory_space<vmem>>, %arg6: memref<16x64xbf16, #tpu.memory_space<vmem>>, %arg7: memref<64x16xf32, #tpu.memory_space<vmem>>, %arg8: memref<16x1xf32, #tpu.memory_space<vmem>>, %arg9: memref<16x12800xf32, #tpu.memory_space<vmem>>) attributes {dimension_semantics = [#tpu.dimension_semantics<arbitrary>], iteration_bounds = array<i64: 5>, scalar_prefetch = 0 : i64, scratch_operands = 0 : i64, tpu.core_type = #tpu.core_type<tc>, window_params = [{transform_indices = @transform_0, window_bounds = array<i64: 12800, 128>}, {transform_indices = @transform_1, window_bounds = array<i64: 16, 12800>}, {transform_indices = @transform_2, window_bounds = array<i64: 1, 1, 12800>}, {pipeline_mode = #tpu.pipeline_mode<synchronous>, transform_indices = @transform_3, window_bounds = array<i64: 16, 64>}, {pipeline_mode = #tpu.pipeline_mode<synchronous>, transform_indices = @transform_4, window_bounds = array<i64: 128, 64>}, {pipeline_mode = #tpu.pipeline_mode<synchronous>, transform_indices = @transform_5, window_bounds = array<i64: 16, 64>}, {pipeline_mode = #tpu.pipeline_mode<synchronous>, transform_indices = @transform_6, window_bounds = array<i64: 64, 16>}, {pipeline_mode = #tpu.pipeline_mode<synchronous>, transform_indices = @transform_7, window_bounds = array<i64: 16, 1>}, {transform_indices = @transform_8, window_bounds = array<i64: 16, 12800>}]} {
    %get3A = arith.constant 0 : index
    %get3A_0 = arith.constant 0 : index
    %get3A_1 = arith.constant 0 : index
    %get3A_2 = vector.load %arg3[%get3A, %get3A_0, %get3A_1] : memref<1x1x12800xi32, #tpu.memory_space<vmem>>, vector<1x1x12800xi32>
    %get3A_3 = vector.shape_cast %get3A_2 : vector<1x1x12800xi32> to vector<1x12800xi32>
    %broadcast_in_dim3A = vector.shape_cast %get3A_3 : vector<1x12800xi32> to vector<1x12800xi32>
    %broadcast_in_dim3A_4 = vector.broadcast %broadcast_in_dim3A : vector<1x12800xi32> to vector<16x12800xi32>
    %iota3A = tpu.iota {dimensions = array<i32: 0>} : vector<16x12800xi32>
    %eq3A = arith.cmpi eq, %broadcast_in_dim3A_4, %iota3A : vector<16x12800xi32>
    %convert_element_type3A = arith.extui %eq3A : vector<16x12800xi1> to vector<16x12800xi32>
    %convert_element_type3A_5 = arith.sitofp %convert_element_type3A : vector<16x12800xi32> to vector<16x12800xf32>
    %convert_element_type3A_6 = arith.truncf %convert_element_type3A_5 : vector<16x12800xf32> to vector<16x12800xbf16>
    %get3A_7 = arith.constant 0 : index
    %get3A_8 = arith.constant 0 : index
    %get3A_9 = vector.load %arg1[%get3A_7, %get3A_8] : memref<12800x128xf32, #tpu.memory_space<vmem>>, vector<12800x128xf32>
    %convert_element_type3A_10 = arith.truncf %get3A_9 : vector<12800x128xf32> to vector<12800x128xbf16>
    %get3A_11 = arith.constant 0 : index
    %get3A_12 = arith.constant 0 : index
    %get3A_13 = vector.load %arg5[%get3A_11, %get3A_12] : memref<128x64xbf16, #tpu.memory_space<vmem>>, vector<128x64xbf16>
    %dot_general3A = arith.constant dense<0.000000e+00> : vector<12800x64xf32>
    %dot_general3A_14 = tpu.matmul %convert_element_type3A_10, %get3A_13, %dot_general3A {dimension_numbers = #tpu.dot_dimension_numbers<[1], [0], [0], [1], [0, 0, 1, 1], [], []>, transpose_lhs_hint = false} : vector<12800x128xbf16>, vector<128x64xbf16>, vector<12800x64xf32> -> vector<12800x64xf32>
    %get3A_15 = arith.constant 0 : index
    %get3A_16 = arith.constant 0 : index
    %get3A_17 = vector.load %arg2[%get3A_15, %get3A_16] : memref<16x12800xf32, #tpu.memory_space<vmem>>, vector<16x12800xf32>
    %convert_element_type3A_18 = arith.truncf %get3A_17 : vector<16x12800xf32> to vector<16x12800xbf16>
    %get3A_19 = arith.constant 0 : index
    %get3A_20 = arith.constant 0 : index
    %get3A_21 = vector.load %arg6[%get3A_19, %get3A_20] : memref<16x64xbf16, #tpu.memory_space<vmem>>, vector<16x64xbf16>
    %dot_general3A_22 = arith.constant dense<0.000000e+00> : vector<12800x64xf32>
    %dot_general3A_23 = tpu.matmul %convert_element_type3A_18, %get3A_21, %dot_general3A_22 {dimension_numbers = #tpu.dot_dimension_numbers<[0], [0], [1], [1], [0, 1, 1, 1], [], []>, transpose_lhs_hint = false} : vector<16x12800xbf16>, vector<16x64xbf16>, vector<12800x64xf32> -> vector<12800x64xf32>
    %add3A = arith.addf %dot_general3A_14, %dot_general3A_23 : vector<12800x64xf32>
    %get3A_24 = arith.constant 0 : index
    %get3A_25 = arith.constant 0 : index
    %get3A_26 = vector.load %arg4[%get3A_24, %get3A_25] : memref<16x64xbf16, #tpu.memory_space<vmem>>, vector<16x64xbf16>
    %dot_general3A_27 = arith.constant dense<0.000000e+00> : vector<12800x64xf32>
    %dot_general3A_28 = tpu.matmul %convert_element_type3A_6, %get3A_26, %dot_general3A_27 {dimension_numbers = #tpu.dot_dimension_numbers<[0], [0], [1], [1], [0, 1, 1, 1], [], []>, transpose_lhs_hint = false} : vector<16x12800xbf16>, vector<16x64xbf16>, vector<12800x64xf32> -> vector<12800x64xf32>
    %add3A_29 = arith.addf %add3A, %dot_general3A_28 : vector<12800x64xf32>
    %max3A = arith.constant 0.000000e+00 : f32
    %max3A_30 = vector.broadcast %max3A : f32 to vector<12800x64xf32>
    %max3A_31 = arith.maximumf %add3A_29, %max3A_30 : vector<12800x64xf32>
    %get3A_32 = arith.constant 0 : index
    %get3A_33 = arith.constant 0 : index
    %get3A_34 = vector.load %arg7[%get3A_32, %get3A_33] : memref<64x16xf32, #tpu.memory_space<vmem>>, vector<64x16xf32>
    %dot_general3A_35 = arith.constant dense<0.000000e+00> : vector<16x12800xf32>
    %dot_general3A_36 = tpu.matmul %get3A_34, %max3A_31, %dot_general3A_35 {dimension_numbers = #tpu.dot_dimension_numbers<[0], [1], [1], [0], [0, 1, 1, 0], [], []>, transpose_lhs_hint = false} : vector<64x16xf32>, vector<12800x64xf32>, vector<16x12800xf32> -> vector<16x12800xf32>
    %get3A_37 = arith.constant 0 : index
    %get3A_38 = arith.constant 0 : index
    %get3A_39 = vector.load %arg8[%get3A_37, %get3A_38] : memref<16x1xf32, #tpu.memory_space<vmem>>, vector<16x1xf32>
    %add3A_40 = vector.broadcast %get3A_39 : vector<16x1xf32> to vector<16x12800xf32>
    %add3A_41 = arith.addf %dot_general3A_36, %add3A_40 : vector<16x12800xf32>
    %swap3A = arith.constant 0 : index
    %swap3A_42 = arith.constant 0 : index
    %swap3A_43 = vector.load %arg9[%swap3A, %swap3A_42] : memref<16x12800xf32, #tpu.memory_space<vmem>>, vector<16x12800xf32>
    tpu.vector_store %arg9[%swap3A, %swap3A_42], %add3A_41 {strides = array<i32>} : memref<16x12800xf32, #tpu.memory_space<vmem>>, vector<16x12800xf32>,
    return
  }
  func.func @transform_0(%arg0: i32) -> (i32, i32) {
    %c0_i32 = arith.constant 0 : i32
    %c0_i32_0 = arith.constant 0 : i32
    return %arg0, %c0_i32 : i32, i32
  }
  func.func @transform_1(%arg0: i32) -> (i32, i32) {
    %add3A = arith.constant 20 : i32
    %add3A_0 = arith.addi %arg0, %add3A : i32
    %c0_i32 = arith.constant 0 : i32
    %c0_i32_1 = arith.constant 0 : i32
    return %c0_i32, %add3A_0 : i32, i32
  }
  func.func @transform_2(%arg0: i32) -> (i32, i32, i32) {
    %add3A = arith.constant 20 : i32
    %add3A_0 = arith.addi %arg0, %add3A : i32
    %c0_i32 = arith.constant 0 : i32
    %c0_i32_1 = arith.constant 0 : i32
    %c0_i32_2 = arith.constant 0 : i32
    return %add3A_0, %c0_i32, %c0_i32_1 : i32, i32, i32
  }
  func.func @transform_3(%arg0: i32) -> (i32, i32) {
    %c0_i32 = arith.constant 0 : i32
    %c0_i32_0 = arith.constant 0 : i32
    %c0_i32_1 = arith.constant 0 : i32
    return %c0_i32, %c0_i32_0 : i32, i32
  }
  func.func @transform_4(%arg0: i32) -> (i32, i32) {
    %c0_i32 = arith.constant 0 : i32
    %c0_i32_0 = arith.constant 0 : i32
    %c0_i32_1 = arith.constant 0 : i32
    return %c0_i32, %c0_i32_0 : i32, i32
  }
  func.func @transform_5(%arg0: i32) -> (i32, i32) {
    %c0_i32 = arith.constant 0 : i32
    %c0_i32_0 = arith.constant 0 : i32
    %c0_i32_1 = arith.constant 0 : i32
    return %c0_i32, %c0_i32_0 : i32, i32
  }
  func.func @transform_6(%arg0: i32) -> (i32, i32) {
    %c0_i32 = arith.constant 0 : i32
    %c0_i32_0 = arith.constant 0 : i32
    %c0_i32_1 = arith.constant 0 : i32
    return %c0_i32, %c0_i32_0 : i32, i32
  }
  func.func @transform_7(%arg0: i32) -> (i32, i32) {
    %c0_i32 = arith.constant 0 : i32
    %c0_i32_0 = arith.constant 0 : i32
    %c0_i32_1 = arith.constant 0 : i32
    return %c0_i32, %c0_i32_0 : i32, i32
  }
  func.func @transform_8(%arg0: i32) -> (i32, i32) {
    %c0_i32 = arith.constant 0 : i32
    %c0_i32_0 = arith.constant 0 : i32
    return %c0_i32, %arg0 : i32, i32
  }
}

module attributes {stable_mosaic.version = 14 : i64} {
  func.func @_mlp_body(%arg0: i32, %arg1: memref<12800x128xf32, #tpu.memory_space<vmem>>, %arg2: memref<16x12800xf32, #tpu.memory_space<vmem>>, %arg3: memref<1x1x12800xi32, #tpu.memory_space<vmem>>, %arg4: memref<16x64xbf16, #tpu.memory_space<vmem>>, %arg5: memref<128x64xbf16, #tpu.memory_space<vmem>>, %arg6: memref<16x64xbf16, #tpu.memory_space<vmem>>, %arg7: memref<64x16xf32, #tpu.memory_space<vmem>>, %arg8: memref<16x1xf32, #tpu.memory_space<vmem>>, %arg9: memref<16x12800xf32, #tpu.memory_space<vmem>>) attributes {dimension_semantics = [#tpu.dimension_semantics<arbitrary>], iteration_bounds = array<i64: 5>, scalar_prefetch = 0 : i64, scratch_operands = 0 : i64, tpu.core_type = #tpu.core_type<tc>, window_params = [{transform_indices = @transform_0, window_bounds = array<i64: 12800, 128>}, {transform_indices = @transform_1, window_bounds = array<i64: 16, 12800>}, {transform_indices = @transform_2, window_bounds = array<i64: 1, 1, 12800>}, {pipeline_mode = #tpu.pipeline_mode<synchronous>, transform_indices = @transform_3, window_bounds = array<i64: 16, 64>}, {pipeline_mode = #tpu.pipeline_mode<synchronous>, transform_indices = @transform_4, window_bounds = array<i64: 128, 64>}, {pipeline_mode = #tpu.pipeline_mode<synchronous>, transform_indices = @transform_5, window_bounds = array<i64: 16, 64>}, {pipeline_mode = #tpu.pipeline_mode<synchronous>, transform_indices = @transform_6, window_bounds = array<i64: 64, 16>}, {pipeline_mode = #tpu.pipeline_mode<synchronous>, transform_indices = @transform_7, window_bounds = array<i64: 16, 1>}, {transform_indices = @transform_8, window_bounds = array<i64: 16, 12800>}]} {
    %get3A = arith.constant 0 : index
    %get3A_0 = arith.constant 0 : index
    %get3A_1 = arith.constant 0 : index
    %get3A_2 = vector.load %arg3[%get3A, %get3A_0, %get3A_1] : memref<1x1x12800xi32, #tpu.memory_space<vmem>>, vector<1x1x12800xi32>
    %get3A_3 = vector.shape_cast %get3A_2 : vector<1x1x12800xi32> to vector<1x12800xi32>
    %broadcast_in_dim3A = vector.shape_cast %get3A_3 : vector<1x12800xi32> to vector<1x12800xi32>
    %broadcast_in_dim3A_4 = vector.broadcast %broadcast_in_dim3A : vector<1x12800xi32> to vector<16x12800xi32>
    %iota3A = tpu.iota {dimensions = array<i32: 0>} : vector<16x12800xi32>
    %eq3A = arith.cmpi eq, %broadcast_in_dim3A_4, %iota3A : vector<16x12800xi32>
    %convert_element_type3A = arith.extui %eq3A : vector<16x12800xi1> to vector<16x12800xi32>
    %convert_element_type3A_5 = arith.sitofp %convert_element_type3A : vector<16x12800xi32> to vector<16x12800xf32>
    %convert_element_type3A_6 = arith.truncf %convert_element_type3A_5 : vector<16x12800xf32> to vector<16x12800xbf16>
    %get3A_7 = arith.constant 0 : index
    %get3A_8 = arith.constant 0 : index
    %get3A_9 = vector.load %arg1[%get3A_7, %get3A_8] : memref<12800x128xf32, #tpu.memory_space<vmem>>, vector<12800x128xf32>
    %convert_element_type3A_10 = arith.truncf %get3A_9 : vector<12800x128xf32> to vector<12800x128xbf16>
    %get3A_11 = arith.constant 0 : index
    %get3A_12 = arith.constant 0 : index
    %get3A_13 = vector.load %arg5[%get3A_11, %get3A_12] : memref<128x64xbf16, #tpu.memory_space<vmem>>, vector<128x64xbf16>
    %dot_general3A = arith.constant dense<0.000000e+00> : vector<12800x64xf32>
    %dot_general3A_14 = tpu.matmul %convert_element_type3A_10, %get3A_13, %dot_general3A {dimension_numbers = #tpu.dot_dimension_numbers<[1], [0], [0], [1], [0, 0, 1, 1], [], []>, transpose_lhs_hint = false} : vector<12800x128xbf16>, vector<128x64xbf16>, vector<12800x64xf32> -> vector<12800x64xf32>
    %get3A_15 = arith.constant 0 : index
    %get3A_16 = arith.constant 0 : index
    %get3A_17 = vector.load %arg2[%get3A_15, %get3A_16] : memref<16x12800xf32, #tpu.memory_space<vmem>>, vector<16x12800xf32>
    %convert_element_type3A_18 = arith.truncf %get3A_17 : vector<16x12800xf32> to vector<16x12800xbf16>
    %get3A_19 = arith.constant 0 : index
    %get3A_20 = arith.constant 0 : index
    %get3A_21 = vector.load %arg6[%get3A_19, %get3A_20] : memref<16x64xbf16, #tpu.memory_space<vmem>>, vector<16x64xbf16>
    %dot_general3A_22 = arith.constant dense<0.000000e+00> : vector<12800x64xf32>
    %dot_general3A_23 = tpu.matmul %convert_element_type3A_18, %get3A_21, %dot_general3A_22 {dimension_numbers = #tpu.dot_dimension_numbers<[0], [0], [1], [1], [0, 1, 1, 1], [], []>, transpose_lhs_hint = false} : vector<16x12800xbf16>, vector<16x64xbf16>, vector<12800x64xf32> -> vector<12800x64xf32>
    %add3A = arith.addf %dot_general3A_14, %dot_general3A_23 : vector<12800x64xf32>
    %get3A_24 = arith.constant 0 : index
    %get3A_25 = arith.constant 0 : index
    %get3A_26 = vector.load %arg4[%get3A_24, %get3A_25] : memref<16x64xbf16, #tpu.memory_space<vmem>>, vector<16x64xbf16>
    %dot_general3A_27 = arith.constant dense<0.000000e+00> : vector<12800x64xf32>
    %dot_general3A_28 = tpu.matmul %convert_element_type3A_6, %get3A_26, %dot_general3A_27 {dimension_numbers = #tpu.dot_dimension_numbers<[0], [0], [1], [1], [0, 1, 1, 1], [], []>, transpose_lhs_hint = false} : vector<16x12800xbf16>, vector<16x64xbf16>, vector<12800x64xf32> -> vector<12800x64xf32>
    %add3A_29 = arith.addf %add3A, %dot_general3A_28 : vector<12800x64xf32>
    %max3A = arith.constant 0.000000e+00 : f32
    %max3A_30 = vector.broadcast %max3A : f32 to vector<12800x64xf32>
    %max3A_31 = arith.maximumf %add3A_29, %max3A_30 : vector<12800x64xf32>
    %get3A_32 = arith.constant 0 : index
    %get3A_33 = arith.constant 0 : index
    %get3A_34 = vector.load %arg7[%get3A_32, %get3A_33] : memref<64x16xf32, #tpu.memory_space<vmem>>, vector<64x16xf32>
    %dot_general3A_35 = arith.constant dense<0.000000e+00> : vector<16x12800xf32>
    %dot_general3A_36 = tpu.matmul %get3A_34, %max3A_31, %dot_general3A_35 {dimension_numbers = #tpu.dot_dimension_numbers<[0], [1], [1], [0], [0, 1, 1, 0], [], []>, transpose_lhs_hint = false} : vector<64x16xf32>, vector<12800x64xf32>, vector<16x12800xf32> -> vector<16x12800xf32>
    %get3A_37 = arith.constant 0 : index
    %get3A_38 = arith.constant 0 : index
    %get3A_39 = vector.load %arg8[%get3A_37, %get3A_38] : memref<16x1xf32, #tpu.memory_space<vmem>>, vector<16x1xf32>
    %add3A_40 = vector.broadcast %get3A_39 : vector<16x1xf32> to vector<16x12800xf32>
    %add3A_41 = arith.addf %dot_general3A_36, %add3A_40 : vector<16x12800xf32>
    %swap3A = arith.constant 0 : index
    %swap3A_42 = arith.constant 0 : index
    %swap3A_43 = vector.load %arg9[%swap3A, %swap3A_42] : memref<16x12800xf32, #tpu.memory_space<vmem>>, vector<16x12800xf32>
    tpu.vector_store %arg9[%swap3A, %swap3A_42], %add3A_41 {strides = array<i32>} : memref<16x12800xf32, #tpu.memory_space<vmem>>, vector<16x12800xf32>,
    return
  }
  func.func @transform_0(%arg0: i32) -> (i32, i32) {
    %c0_i32 = arith.constant 0 : i32
    %c0_i32_0 = arith.constant 0 : i32
    return %arg0, %c0_i32 : i32, i32
  }
  func.func @transform_1(%arg0: i32) -> (i32, i32) {
    %add3A = arith.constant 15 : i32
    %add3A_0 = arith.addi %arg0, %add3A : i32
    %c0_i32 = arith.constant 0 : i32
    %c0_i32_1 = arith.constant 0 : i32
    return %c0_i32, %add3A_0 : i32, i32
  }
  func.func @transform_2(%arg0: i32) -> (i32, i32, i32) {
    %add3A = arith.constant 15 : i32
    %add3A_0 = arith.addi %arg0, %add3A : i32
    %c0_i32 = arith.constant 0 : i32
    %c0_i32_1 = arith.constant 0 : i32
    %c0_i32_2 = arith.constant 0 : i32
    return %add3A_0, %c0_i32, %c0_i32_1 : i32, i32, i32
  }
  func.func @transform_3(%arg0: i32) -> (i32, i32) {
    %c0_i32 = arith.constant 0 : i32
    %c0_i32_0 = arith.constant 0 : i32
    %c0_i32_1 = arith.constant 0 : i32
    return %c0_i32, %c0_i32_0 : i32, i32
  }
  func.func @transform_4(%arg0: i32) -> (i32, i32) {
    %c0_i32 = arith.constant 0 : i32
    %c0_i32_0 = arith.constant 0 : i32
    %c0_i32_1 = arith.constant 0 : i32
    return %c0_i32, %c0_i32_0 : i32, i32
  }
  func.func @transform_5(%arg0: i32) -> (i32, i32) {
    %c0_i32 = arith.constant 0 : i32
    %c0_i32_0 = arith.constant 0 : i32
    %c0_i32_1 = arith.constant 0 : i32
    return %c0_i32, %c0_i32_0 : i32, i32
  }
  func.func @transform_6(%arg0: i32) -> (i32, i32) {
    %c0_i32 = arith.constant 0 : i32
    %c0_i32_0 = arith.constant 0 : i32
    %c0_i32_1 = arith.constant 0 : i32
    return %c0_i32, %c0_i32_0 : i32, i32
  }
  func.func @transform_7(%arg0: i32) -> (i32, i32) {
    %c0_i32 = arith.constant 0 : i32
    %c0_i32_0 = arith.constant 0 : i32
    %c0_i32_1 = arith.constant 0 : i32
    return %c0_i32, %c0_i32_0 : i32, i32
  }
  func.func @transform_8(%arg0: i32) -> (i32, i32) {
    %c0_i32 = arith.constant 0 : i32
    %c0_i32_0 = arith.constant 0 : i32
    return %c0_i32, %arg0 : i32, i32
  }
}

module attributes {stable_mosaic.version = 14 : i64} {
  func.func @_mlp_body(%arg0: i32, %arg1: memref<12800x128xf32, #tpu.memory_space<vmem>>, %arg2: memref<16x12800xf32, #tpu.memory_space<vmem>>, %arg3: memref<1x1x12800xi32, #tpu.memory_space<vmem>>, %arg4: memref<16x64xbf16, #tpu.memory_space<vmem>>, %arg5: memref<128x64xbf16, #tpu.memory_space<vmem>>, %arg6: memref<16x64xbf16, #tpu.memory_space<vmem>>, %arg7: memref<64x16xf32, #tpu.memory_space<vmem>>, %arg8: memref<16x1xf32, #tpu.memory_space<vmem>>, %arg9: memref<16x12800xf32, #tpu.memory_space<vmem>>) attributes {dimension_semantics = [#tpu.dimension_semantics<arbitrary>], iteration_bounds = array<i64: 5>, scalar_prefetch = 0 : i64, scratch_operands = 0 : i64, tpu.core_type = #tpu.core_type<tc>, window_params = [{transform_indices = @transform_0, window_bounds = array<i64: 12800, 128>}, {transform_indices = @transform_1, window_bounds = array<i64: 16, 12800>}, {transform_indices = @transform_2, window_bounds = array<i64: 1, 1, 12800>}, {pipeline_mode = #tpu.pipeline_mode<synchronous>, transform_indices = @transform_3, window_bounds = array<i64: 16, 64>}, {pipeline_mode = #tpu.pipeline_mode<synchronous>, transform_indices = @transform_4, window_bounds = array<i64: 128, 64>}, {pipeline_mode = #tpu.pipeline_mode<synchronous>, transform_indices = @transform_5, window_bounds = array<i64: 16, 64>}, {pipeline_mode = #tpu.pipeline_mode<synchronous>, transform_indices = @transform_6, window_bounds = array<i64: 64, 16>}, {pipeline_mode = #tpu.pipeline_mode<synchronous>, transform_indices = @transform_7, window_bounds = array<i64: 16, 1>}, {transform_indices = @transform_8, window_bounds = array<i64: 16, 12800>}]} {
    %get3A = arith.constant 0 : index
    %get3A_0 = arith.constant 0 : index
    %get3A_1 = arith.constant 0 : index
    %get3A_2 = vector.load %arg3[%get3A, %get3A_0, %get3A_1] : memref<1x1x12800xi32, #tpu.memory_space<vmem>>, vector<1x1x12800xi32>
    %get3A_3 = vector.shape_cast %get3A_2 : vector<1x1x12800xi32> to vector<1x12800xi32>
    %broadcast_in_dim3A = vector.shape_cast %get3A_3 : vector<1x12800xi32> to vector<1x12800xi32>
    %broadcast_in_dim3A_4 = vector.broadcast %broadcast_in_dim3A : vector<1x12800xi32> to vector<16x12800xi32>
    %iota3A = tpu.iota {dimensions = array<i32: 0>} : vector<16x12800xi32>
    %eq3A = arith.cmpi eq, %broadcast_in_dim3A_4, %iota3A : vector<16x12800xi32>
    %convert_element_type3A = arith.extui %eq3A : vector<16x12800xi1> to vector<16x12800xi32>
    %convert_element_type3A_5 = arith.sitofp %convert_element_type3A : vector<16x12800xi32> to vector<16x12800xf32>
    %convert_element_type3A_6 = arith.truncf %convert_element_type3A_5 : vector<16x12800xf32> to vector<16x12800xbf16>
    %get3A_7 = arith.constant 0 : index
    %get3A_8 = arith.constant 0 : index
    %get3A_9 = vector.load %arg1[%get3A_7, %get3A_8] : memref<12800x128xf32, #tpu.memory_space<vmem>>, vector<12800x128xf32>
    %convert_element_type3A_10 = arith.truncf %get3A_9 : vector<12800x128xf32> to vector<12800x128xbf16>
    %get3A_11 = arith.constant 0 : index
    %get3A_12 = arith.constant 0 : index
    %get3A_13 = vector.load %arg5[%get3A_11, %get3A_12] : memref<128x64xbf16, #tpu.memory_space<vmem>>, vector<128x64xbf16>
    %dot_general3A = arith.constant dense<0.000000e+00> : vector<12800x64xf32>
    %dot_general3A_14 = tpu.matmul %convert_element_type3A_10, %get3A_13, %dot_general3A {dimension_numbers = #tpu.dot_dimension_numbers<[1], [0], [0], [1], [0, 0, 1, 1], [], []>, transpose_lhs_hint = false} : vector<12800x128xbf16>, vector<128x64xbf16>, vector<12800x64xf32> -> vector<12800x64xf32>
    %get3A_15 = arith.constant 0 : index
    %get3A_16 = arith.constant 0 : index
    %get3A_17 = vector.load %arg2[%get3A_15, %get3A_16] : memref<16x12800xf32, #tpu.memory_space<vmem>>, vector<16x12800xf32>
    %convert_element_type3A_18 = arith.truncf %get3A_17 : vector<16x12800xf32> to vector<16x12800xbf16>
    %get3A_19 = arith.constant 0 : index
    %get3A_20 = arith.constant 0 : index
    %get3A_21 = vector.load %arg6[%get3A_19, %get3A_20] : memref<16x64xbf16, #tpu.memory_space<vmem>>, vector<16x64xbf16>
    %dot_general3A_22 = arith.constant dense<0.000000e+00> : vector<12800x64xf32>
    %dot_general3A_23 = tpu.matmul %convert_element_type3A_18, %get3A_21, %dot_general3A_22 {dimension_numbers = #tpu.dot_dimension_numbers<[0], [0], [1], [1], [0, 1, 1, 1], [], []>, transpose_lhs_hint = false} : vector<16x12800xbf16>, vector<16x64xbf16>, vector<12800x64xf32> -> vector<12800x64xf32>
    %add3A = arith.addf %dot_general3A_14, %dot_general3A_23 : vector<12800x64xf32>
    %get3A_24 = arith.constant 0 : index
    %get3A_25 = arith.constant 0 : index
    %get3A_26 = vector.load %arg4[%get3A_24, %get3A_25] : memref<16x64xbf16, #tpu.memory_space<vmem>>, vector<16x64xbf16>
    %dot_general3A_27 = arith.constant dense<0.000000e+00> : vector<12800x64xf32>
    %dot_general3A_28 = tpu.matmul %convert_element_type3A_6, %get3A_26, %dot_general3A_27 {dimension_numbers = #tpu.dot_dimension_numbers<[0], [0], [1], [1], [0, 1, 1, 1], [], []>, transpose_lhs_hint = false} : vector<16x12800xbf16>, vector<16x64xbf16>, vector<12800x64xf32> -> vector<12800x64xf32>
    %add3A_29 = arith.addf %add3A, %dot_general3A_28 : vector<12800x64xf32>
    %max3A = arith.constant 0.000000e+00 : f32
    %max3A_30 = vector.broadcast %max3A : f32 to vector<12800x64xf32>
    %max3A_31 = arith.maximumf %add3A_29, %max3A_30 : vector<12800x64xf32>
    %get3A_32 = arith.constant 0 : index
    %get3A_33 = arith.constant 0 : index
    %get3A_34 = vector.load %arg7[%get3A_32, %get3A_33] : memref<64x16xf32, #tpu.memory_space<vmem>>, vector<64x16xf32>
    %dot_general3A_35 = arith.constant dense<0.000000e+00> : vector<16x12800xf32>
    %dot_general3A_36 = tpu.matmul %get3A_34, %max3A_31, %dot_general3A_35 {dimension_numbers = #tpu.dot_dimension_numbers<[0], [1], [1], [0], [0, 1, 1, 0], [], []>, transpose_lhs_hint = false} : vector<64x16xf32>, vector<12800x64xf32>, vector<16x12800xf32> -> vector<16x12800xf32>
    %get3A_37 = arith.constant 0 : index
    %get3A_38 = arith.constant 0 : index
    %get3A_39 = vector.load %arg8[%get3A_37, %get3A_38] : memref<16x1xf32, #tpu.memory_space<vmem>>, vector<16x1xf32>
    %add3A_40 = vector.broadcast %get3A_39 : vector<16x1xf32> to vector<16x12800xf32>
    %add3A_41 = arith.addf %dot_general3A_36, %add3A_40 : vector<16x12800xf32>
    %swap3A = arith.constant 0 : index
    %swap3A_42 = arith.constant 0 : index
    %swap3A_43 = vector.load %arg9[%swap3A, %swap3A_42] : memref<16x12800xf32, #tpu.memory_space<vmem>>, vector<16x12800xf32>
    tpu.vector_store %arg9[%swap3A, %swap3A_42], %add3A_41 {strides = array<i32>} : memref<16x12800xf32, #tpu.memory_space<vmem>>, vector<16x12800xf32>,
    return
  }
  func.func @transform_0(%arg0: i32) -> (i32, i32) {
    %c0_i32 = arith.constant 0 : i32
    %c0_i32_0 = arith.constant 0 : i32
    return %arg0, %c0_i32 : i32, i32
  }
  func.func @transform_1(%arg0: i32) -> (i32, i32) {
    %add3A = arith.constant 10 : i32
    %add3A_0 = arith.addi %arg0, %add3A : i32
    %c0_i32 = arith.constant 0 : i32
    %c0_i32_1 = arith.constant 0 : i32
    return %c0_i32, %add3A_0 : i32, i32
  }
  func.func @transform_2(%arg0: i32) -> (i32, i32, i32) {
    %add3A = arith.constant 10 : i32
    %add3A_0 = arith.addi %arg0, %add3A : i32
    %c0_i32 = arith.constant 0 : i32
    %c0_i32_1 = arith.constant 0 : i32
    %c0_i32_2 = arith.constant 0 : i32
    return %add3A_0, %c0_i32, %c0_i32_1 : i32, i32, i32
  }
  func.func @transform_3(%arg0: i32) -> (i32, i32) {
    %c0_i32 = arith.constant 0 : i32
    %c0_i32_0 = arith.constant 0 : i32
    %c0_i32_1 = arith.constant 0 : i32
    return %c0_i32, %c0_i32_0 : i32, i32
  }
  func.func @transform_4(%arg0: i32) -> (i32, i32) {
    %c0_i32 = arith.constant 0 : i32
    %c0_i32_0 = arith.constant 0 : i32
    %c0_i32_1 = arith.constant 0 : i32
    return %c0_i32, %c0_i32_0 : i32, i32
  }
  func.func @transform_5(%arg0: i32) -> (i32, i32) {
    %c0_i32 = arith.constant 0 : i32
    %c0_i32_0 = arith.constant 0 : i32
    %c0_i32_1 = arith.constant 0 : i32
    return %c0_i32, %c0_i32_0 : i32, i32
  }
  func.func @transform_6(%arg0: i32) -> (i32, i32) {
    %c0_i32 = arith.constant 0 : i32
    %c0_i32_0 = arith.constant 0 : i32
    %c0_i32_1 = arith.constant 0 : i32
    return %c0_i32, %c0_i32_0 : i32, i32
  }
  func.func @transform_7(%arg0: i32) -> (i32, i32) {
    %c0_i32 = arith.constant 0 : i32
    %c0_i32_0 = arith.constant 0 : i32
    %c0_i32_1 = arith.constant 0 : i32
    return %c0_i32, %c0_i32_0 : i32, i32
  }
  func.func @transform_8(%arg0: i32) -> (i32, i32) {
    %c0_i32 = arith.constant 0 : i32
    %c0_i32_0 = arith.constant 0 : i32
    return %c0_i32, %arg0 : i32, i32
  }
}

module attributes {stable_mosaic.version = 14 : i64} {
  func.func @_mlp_body(%arg0: i32, %arg1: memref<12800x128xf32, #tpu.memory_space<vmem>>, %arg2: memref<16x12800xf32, #tpu.memory_space<vmem>>, %arg3: memref<1x1x12800xi32, #tpu.memory_space<vmem>>, %arg4: memref<16x64xbf16, #tpu.memory_space<vmem>>, %arg5: memref<128x64xbf16, #tpu.memory_space<vmem>>, %arg6: memref<16x64xbf16, #tpu.memory_space<vmem>>, %arg7: memref<64x16xf32, #tpu.memory_space<vmem>>, %arg8: memref<16x1xf32, #tpu.memory_space<vmem>>, %arg9: memref<16x12800xf32, #tpu.memory_space<vmem>>) attributes {dimension_semantics = [#tpu.dimension_semantics<arbitrary>], iteration_bounds = array<i64: 5>, scalar_prefetch = 0 : i64, scratch_operands = 0 : i64, tpu.core_type = #tpu.core_type<tc>, window_params = [{transform_indices = @transform_0, window_bounds = array<i64: 12800, 128>}, {transform_indices = @transform_1, window_bounds = array<i64: 16, 12800>}, {transform_indices = @transform_2, window_bounds = array<i64: 1, 1, 12800>}, {pipeline_mode = #tpu.pipeline_mode<synchronous>, transform_indices = @transform_3, window_bounds = array<i64: 16, 64>}, {pipeline_mode = #tpu.pipeline_mode<synchronous>, transform_indices = @transform_4, window_bounds = array<i64: 128, 64>}, {pipeline_mode = #tpu.pipeline_mode<synchronous>, transform_indices = @transform_5, window_bounds = array<i64: 16, 64>}, {pipeline_mode = #tpu.pipeline_mode<synchronous>, transform_indices = @transform_6, window_bounds = array<i64: 64, 16>}, {pipeline_mode = #tpu.pipeline_mode<synchronous>, transform_indices = @transform_7, window_bounds = array<i64: 16, 1>}, {transform_indices = @transform_8, window_bounds = array<i64: 16, 12800>}]} {
    %get3A = arith.constant 0 : index
    %get3A_0 = arith.constant 0 : index
    %get3A_1 = arith.constant 0 : index
    %get3A_2 = vector.load %arg3[%get3A, %get3A_0, %get3A_1] : memref<1x1x12800xi32, #tpu.memory_space<vmem>>, vector<1x1x12800xi32>
    %get3A_3 = vector.shape_cast %get3A_2 : vector<1x1x12800xi32> to vector<1x12800xi32>
    %broadcast_in_dim3A = vector.shape_cast %get3A_3 : vector<1x12800xi32> to vector<1x12800xi32>
    %broadcast_in_dim3A_4 = vector.broadcast %broadcast_in_dim3A : vector<1x12800xi32> to vector<16x12800xi32>
    %iota3A = tpu.iota {dimensions = array<i32: 0>} : vector<16x12800xi32>
    %eq3A = arith.cmpi eq, %broadcast_in_dim3A_4, %iota3A : vector<16x12800xi32>
    %convert_element_type3A = arith.extui %eq3A : vector<16x12800xi1> to vector<16x12800xi32>
    %convert_element_type3A_5 = arith.sitofp %convert_element_type3A : vector<16x12800xi32> to vector<16x12800xf32>
    %convert_element_type3A_6 = arith.truncf %convert_element_type3A_5 : vector<16x12800xf32> to vector<16x12800xbf16>
    %get3A_7 = arith.constant 0 : index
    %get3A_8 = arith.constant 0 : index
    %get3A_9 = vector.load %arg1[%get3A_7, %get3A_8] : memref<12800x128xf32, #tpu.memory_space<vmem>>, vector<12800x128xf32>
    %convert_element_type3A_10 = arith.truncf %get3A_9 : vector<12800x128xf32> to vector<12800x128xbf16>
    %get3A_11 = arith.constant 0 : index
    %get3A_12 = arith.constant 0 : index
    %get3A_13 = vector.load %arg5[%get3A_11, %get3A_12] : memref<128x64xbf16, #tpu.memory_space<vmem>>, vector<128x64xbf16>
    %dot_general3A = arith.constant dense<0.000000e+00> : vector<12800x64xf32>
    %dot_general3A_14 = tpu.matmul %convert_element_type3A_10, %get3A_13, %dot_general3A {dimension_numbers = #tpu.dot_dimension_numbers<[1], [0], [0], [1], [0, 0, 1, 1], [], []>, transpose_lhs_hint = false} : vector<12800x128xbf16>, vector<128x64xbf16>, vector<12800x64xf32> -> vector<12800x64xf32>
    %get3A_15 = arith.constant 0 : index
    %get3A_16 = arith.constant 0 : index
    %get3A_17 = vector.load %arg2[%get3A_15, %get3A_16] : memref<16x12800xf32, #tpu.memory_space<vmem>>, vector<16x12800xf32>
    %convert_element_type3A_18 = arith.truncf %get3A_17 : vector<16x12800xf32> to vector<16x12800xbf16>
    %get3A_19 = arith.constant 0 : index
    %get3A_20 = arith.constant 0 : index
    %get3A_21 = vector.load %arg6[%get3A_19, %get3A_20] : memref<16x64xbf16, #tpu.memory_space<vmem>>, vector<16x64xbf16>
    %dot_general3A_22 = arith.constant dense<0.000000e+00> : vector<12800x64xf32>
    %dot_general3A_23 = tpu.matmul %convert_element_type3A_18, %get3A_21, %dot_general3A_22 {dimension_numbers = #tpu.dot_dimension_numbers<[0], [0], [1], [1], [0, 1, 1, 1], [], []>, transpose_lhs_hint = false} : vector<16x12800xbf16>, vector<16x64xbf16>, vector<12800x64xf32> -> vector<12800x64xf32>
    %add3A = arith.addf %dot_general3A_14, %dot_general3A_23 : vector<12800x64xf32>
    %get3A_24 = arith.constant 0 : index
    %get3A_25 = arith.constant 0 : index
    %get3A_26 = vector.load %arg4[%get3A_24, %get3A_25] : memref<16x64xbf16, #tpu.memory_space<vmem>>, vector<16x64xbf16>
    %dot_general3A_27 = arith.constant dense<0.000000e+00> : vector<12800x64xf32>
    %dot_general3A_28 = tpu.matmul %convert_element_type3A_6, %get3A_26, %dot_general3A_27 {dimension_numbers = #tpu.dot_dimension_numbers<[0], [0], [1], [1], [0, 1, 1, 1], [], []>, transpose_lhs_hint = false} : vector<16x12800xbf16>, vector<16x64xbf16>, vector<12800x64xf32> -> vector<12800x64xf32>
    %add3A_29 = arith.addf %add3A, %dot_general3A_28 : vector<12800x64xf32>
    %max3A = arith.constant 0.000000e+00 : f32
    %max3A_30 = vector.broadcast %max3A : f32 to vector<12800x64xf32>
    %max3A_31 = arith.maximumf %add3A_29, %max3A_30 : vector<12800x64xf32>
    %get3A_32 = arith.constant 0 : index
    %get3A_33 = arith.constant 0 : index
    %get3A_34 = vector.load %arg7[%get3A_32, %get3A_33] : memref<64x16xf32, #tpu.memory_space<vmem>>, vector<64x16xf32>
    %dot_general3A_35 = arith.constant dense<0.000000e+00> : vector<16x12800xf32>
    %dot_general3A_36 = tpu.matmul %get3A_34, %max3A_31, %dot_general3A_35 {dimension_numbers = #tpu.dot_dimension_numbers<[0], [1], [1], [0], [0, 1, 1, 0], [], []>, transpose_lhs_hint = false} : vector<64x16xf32>, vector<12800x64xf32>, vector<16x12800xf32> -> vector<16x12800xf32>
    %get3A_37 = arith.constant 0 : index
    %get3A_38 = arith.constant 0 : index
    %get3A_39 = vector.load %arg8[%get3A_37, %get3A_38] : memref<16x1xf32, #tpu.memory_space<vmem>>, vector<16x1xf32>
    %add3A_40 = vector.broadcast %get3A_39 : vector<16x1xf32> to vector<16x12800xf32>
    %add3A_41 = arith.addf %dot_general3A_36, %add3A_40 : vector<16x12800xf32>
    %swap3A = arith.constant 0 : index
    %swap3A_42 = arith.constant 0 : index
    %swap3A_43 = vector.load %arg9[%swap3A, %swap3A_42] : memref<16x12800xf32, #tpu.memory_space<vmem>>, vector<16x12800xf32>
    tpu.vector_store %arg9[%swap3A, %swap3A_42], %add3A_41 {strides = array<i32>} : memref<16x12800xf32, #tpu.memory_space<vmem>>, vector<16x12800xf32>,
    return
  }
  func.func @transform_0(%arg0: i32) -> (i32, i32) {
    %c0_i32 = arith.constant 0 : i32
    %c0_i32_0 = arith.constant 0 : i32
    return %arg0, %c0_i32 : i32, i32
  }
  func.func @transform_1(%arg0: i32) -> (i32, i32) {
    %add3A = arith.constant 5 : i32
    %add3A_0 = arith.addi %arg0, %add3A : i32
    %c0_i32 = arith.constant 0 : i32
    %c0_i32_1 = arith.constant 0 : i32
    return %c0_i32, %add3A_0 : i32, i32
  }
  func.func @transform_2(%arg0: i32) -> (i32, i32, i32) {
    %add3A = arith.constant 5 : i32
    %add3A_0 = arith.addi %arg0, %add3A : i32
    %c0_i32 = arith.constant 0 : i32
    %c0_i32_1 = arith.constant 0 : i32
    %c0_i32_2 = arith.constant 0 : i32
    return %add3A_0, %c0_i32, %c0_i32_1 : i32, i32, i32
  }
  func.func @transform_3(%arg0: i32) -> (i32, i32) {
    %c0_i32 = arith.constant 0 : i32
    %c0_i32_0 = arith.constant 0 : i32
    %c0_i32_1 = arith.constant 0 : i32
    return %c0_i32, %c0_i32_0 : i32, i32
  }
  func.func @transform_4(%arg0: i32) -> (i32, i32) {
    %c0_i32 = arith.constant 0 : i32
    %c0_i32_0 = arith.constant 0 : i32
    %c0_i32_1 = arith.constant 0 : i32
    return %c0_i32, %c0_i32_0 : i32, i32
  }
  func.func @transform_5(%arg0: i32) -> (i32, i32) {
    %c0_i32 = arith.constant 0 : i32
    %c0_i32_0 = arith.constant 0 : i32
    %c0_i32_1 = arith.constant 0 : i32
    return %c0_i32, %c0_i32_0 : i32, i32
  }
  func.func @transform_6(%arg0: i32) -> (i32, i32) {
    %c0_i32 = arith.constant 0 : i32
    %c0_i32_0 = arith.constant 0 : i32
    %c0_i32_1 = arith.constant 0 : i32
    return %c0_i32, %c0_i32_0 : i32, i32
  }
  func.func @transform_7(%arg0: i32) -> (i32, i32) {
    %c0_i32 = arith.constant 0 : i32
    %c0_i32_0 = arith.constant 0 : i32
    %c0_i32_1 = arith.constant 0 : i32
    return %c0_i32, %c0_i32_0 : i32, i32
  }
  func.func @transform_8(%arg0: i32) -> (i32, i32) {
    %c0_i32 = arith.constant 0 : i32
    %c0_i32_0 = arith.constant 0 : i32
    return %c0_i32, %arg0 : i32, i32
  }
}

module attributes {stable_mosaic.version = 14 : i64} {
  func.func @_mlp_body(%arg0: i32, %arg1: memref<12800x128xf32, #tpu.memory_space<vmem>>, %arg2: memref<16x12800xf32, #tpu.memory_space<vmem>>, %arg3: memref<1x1x12800xi32, #tpu.memory_space<vmem>>, %arg4: memref<16x64xbf16, #tpu.memory_space<vmem>>, %arg5: memref<128x64xbf16, #tpu.memory_space<vmem>>, %arg6: memref<16x64xbf16, #tpu.memory_space<vmem>>, %arg7: memref<64x16xf32, #tpu.memory_space<vmem>>, %arg8: memref<16x1xf32, #tpu.memory_space<vmem>>, %arg9: memref<16x12800xf32, #tpu.memory_space<vmem>>) attributes {dimension_semantics = [#tpu.dimension_semantics<arbitrary>], iteration_bounds = array<i64: 5>, scalar_prefetch = 0 : i64, scratch_operands = 0 : i64, tpu.core_type = #tpu.core_type<tc>, window_params = [{transform_indices = @transform_0, window_bounds = array<i64: 12800, 128>}, {transform_indices = @transform_1, window_bounds = array<i64: 16, 12800>}, {transform_indices = @transform_2, window_bounds = array<i64: 1, 1, 12800>}, {pipeline_mode = #tpu.pipeline_mode<synchronous>, transform_indices = @transform_3, window_bounds = array<i64: 16, 64>}, {pipeline_mode = #tpu.pipeline_mode<synchronous>, transform_indices = @transform_4, window_bounds = array<i64: 128, 64>}, {pipeline_mode = #tpu.pipeline_mode<synchronous>, transform_indices = @transform_5, window_bounds = array<i64: 16, 64>}, {pipeline_mode = #tpu.pipeline_mode<synchronous>, transform_indices = @transform_6, window_bounds = array<i64: 64, 16>}, {pipeline_mode = #tpu.pipeline_mode<synchronous>, transform_indices = @transform_7, window_bounds = array<i64: 16, 1>}, {transform_indices = @transform_8, window_bounds = array<i64: 16, 12800>}]} {
    %get3A = arith.constant 0 : index
    %get3A_0 = arith.constant 0 : index
    %get3A_1 = arith.constant 0 : index
    %get3A_2 = vector.load %arg3[%get3A, %get3A_0, %get3A_1] : memref<1x1x12800xi32, #tpu.memory_space<vmem>>, vector<1x1x12800xi32>
    %get3A_3 = vector.shape_cast %get3A_2 : vector<1x1x12800xi32> to vector<1x12800xi32>
    %broadcast_in_dim3A = vector.shape_cast %get3A_3 : vector<1x12800xi32> to vector<1x12800xi32>
    %broadcast_in_dim3A_4 = vector.broadcast %broadcast_in_dim3A : vector<1x12800xi32> to vector<16x12800xi32>
    %iota3A = tpu.iota {dimensions = array<i32: 0>} : vector<16x12800xi32>
    %eq3A = arith.cmpi eq, %broadcast_in_dim3A_4, %iota3A : vector<16x12800xi32>
    %convert_element_type3A = arith.extui %eq3A : vector<16x12800xi1> to vector<16x12800xi32>
    %convert_element_type3A_5 = arith.sitofp %convert_element_type3A : vector<16x12800xi32> to vector<16x12800xf32>
    %convert_element_type3A_6 = arith.truncf %convert_element_type3A_5 : vector<16x12800xf32> to vector<16x12800xbf16>
    %get3A_7 = arith.constant 0 : index
    %get3A_8 = arith.constant 0 : index
    %get3A_9 = vector.load %arg1[%get3A_7, %get3A_8] : memref<12800x128xf32, #tpu.memory_space<vmem>>, vector<12800x128xf32>
    %convert_element_type3A_10 = arith.truncf %get3A_9 : vector<12800x128xf32> to vector<12800x128xbf16>
    %get3A_11 = arith.constant 0 : index
    %get3A_12 = arith.constant 0 : index
    %get3A_13 = vector.load %arg5[%get3A_11, %get3A_12] : memref<128x64xbf16, #tpu.memory_space<vmem>>, vector<128x64xbf16>
    %dot_general3A = arith.constant dense<0.000000e+00> : vector<12800x64xf32>
    %dot_general3A_14 = tpu.matmul %convert_element_type3A_10, %get3A_13, %dot_general3A {dimension_numbers = #tpu.dot_dimension_numbers<[1], [0], [0], [1], [0, 0, 1, 1], [], []>, transpose_lhs_hint = false} : vector<12800x128xbf16>, vector<128x64xbf16>, vector<12800x64xf32> -> vector<12800x64xf32>
    %get3A_15 = arith.constant 0 : index
    %get3A_16 = arith.constant 0 : index
    %get3A_17 = vector.load %arg2[%get3A_15, %get3A_16] : memref<16x12800xf32, #tpu.memory_space<vmem>>, vector<16x12800xf32>
    %convert_element_type3A_18 = arith.truncf %get3A_17 : vector<16x12800xf32> to vector<16x12800xbf16>
    %get3A_19 = arith.constant 0 : index
    %get3A_20 = arith.constant 0 : index
    %get3A_21 = vector.load %arg6[%get3A_19, %get3A_20] : memref<16x64xbf16, #tpu.memory_space<vmem>>, vector<16x64xbf16>
    %dot_general3A_22 = arith.constant dense<0.000000e+00> : vector<12800x64xf32>
    %dot_general3A_23 = tpu.matmul %convert_element_type3A_18, %get3A_21, %dot_general3A_22 {dimension_numbers = #tpu.dot_dimension_numbers<[0], [0], [1], [1], [0, 1, 1, 1], [], []>, transpose_lhs_hint = false} : vector<16x12800xbf16>, vector<16x64xbf16>, vector<12800x64xf32> -> vector<12800x64xf32>
    %add3A = arith.addf %dot_general3A_14, %dot_general3A_23 : vector<12800x64xf32>
    %get3A_24 = arith.constant 0 : index
    %get3A_25 = arith.constant 0 : index
    %get3A_26 = vector.load %arg4[%get3A_24, %get3A_25] : memref<16x64xbf16, #tpu.memory_space<vmem>>, vector<16x64xbf16>
    %dot_general3A_27 = arith.constant dense<0.000000e+00> : vector<12800x64xf32>
    %dot_general3A_28 = tpu.matmul %convert_element_type3A_6, %get3A_26, %dot_general3A_27 {dimension_numbers = #tpu.dot_dimension_numbers<[0], [0], [1], [1], [0, 1, 1, 1], [], []>, transpose_lhs_hint = false} : vector<16x12800xbf16>, vector<16x64xbf16>, vector<12800x64xf32> -> vector<12800x64xf32>
    %add3A_29 = arith.addf %add3A, %dot_general3A_28 : vector<12800x64xf32>
    %max3A = arith.constant 0.000000e+00 : f32
    %max3A_30 = vector.broadcast %max3A : f32 to vector<12800x64xf32>
    %max3A_31 = arith.maximumf %add3A_29, %max3A_30 : vector<12800x64xf32>
    %get3A_32 = arith.constant 0 : index
    %get3A_33 = arith.constant 0 : index
    %get3A_34 = vector.load %arg7[%get3A_32, %get3A_33] : memref<64x16xf32, #tpu.memory_space<vmem>>, vector<64x16xf32>
    %dot_general3A_35 = arith.constant dense<0.000000e+00> : vector<16x12800xf32>
    %dot_general3A_36 = tpu.matmul %get3A_34, %max3A_31, %dot_general3A_35 {dimension_numbers = #tpu.dot_dimension_numbers<[0], [1], [1], [0], [0, 1, 1, 0], [], []>, transpose_lhs_hint = false} : vector<64x16xf32>, vector<12800x64xf32>, vector<16x12800xf32> -> vector<16x12800xf32>
    %get3A_37 = arith.constant 0 : index
    %get3A_38 = arith.constant 0 : index
    %get3A_39 = vector.load %arg8[%get3A_37, %get3A_38] : memref<16x1xf32, #tpu.memory_space<vmem>>, vector<16x1xf32>
    %add3A_40 = vector.broadcast %get3A_39 : vector<16x1xf32> to vector<16x12800xf32>
    %add3A_41 = arith.addf %dot_general3A_36, %add3A_40 : vector<16x12800xf32>
    %swap3A = arith.constant 0 : index
    %swap3A_42 = arith.constant 0 : index
    %swap3A_43 = vector.load %arg9[%swap3A, %swap3A_42] : memref<16x12800xf32, #tpu.memory_space<vmem>>, vector<16x12800xf32>
    tpu.vector_store %arg9[%swap3A, %swap3A_42], %add3A_41 {strides = array<i32>} : memref<16x12800xf32, #tpu.memory_space<vmem>>, vector<16x12800xf32>,
    return
  }
  func.func @transform_0(%arg0: i32) -> (i32, i32) {
    %c0_i32 = arith.constant 0 : i32
    %c0_i32_0 = arith.constant 0 : i32
    return %arg0, %c0_i32 : i32, i32
  }
  func.func @transform_1(%arg0: i32) -> (i32, i32) {
    %add3A = arith.constant 0 : i32
    %add3A_0 = arith.addi %arg0, %add3A : i32
    %c0_i32 = arith.constant 0 : i32
    %c0_i32_1 = arith.constant 0 : i32
    return %c0_i32, %add3A_0 : i32, i32
  }
  func.func @transform_2(%arg0: i32) -> (i32, i32, i32) {
    %add3A = arith.constant 0 : i32
    %add3A_0 = arith.addi %arg0, %add3A : i32
    %c0_i32 = arith.constant 0 : i32
    %c0_i32_1 = arith.constant 0 : i32
    %c0_i32_2 = arith.constant 0 : i32
    return %add3A_0, %c0_i32, %c0_i32_1 : i32, i32, i32
  }
  func.func @transform_3(%arg0: i32) -> (i32, i32) {
    %c0_i32 = arith.constant 0 : i32
    %c0_i32_0 = arith.constant 0 : i32
    %c0_i32_1 = arith.constant 0 : i32
    return %c0_i32, %c0_i32_0 : i32, i32
  }
  func.func @transform_4(%arg0: i32) -> (i32, i32) {
    %c0_i32 = arith.constant 0 : i32
    %c0_i32_0 = arith.constant 0 : i32
    %c0_i32_1 = arith.constant 0 : i32
    return %c0_i32, %c0_i32_0 : i32, i32
  }
  func.func @transform_5(%arg0: i32) -> (i32, i32) {
    %c0_i32 = arith.constant 0 : i32
    %c0_i32_0 = arith.constant 0 : i32
    %c0_i32_1 = arith.constant 0 : i32
    return %c0_i32, %c0_i32_0 : i32, i32
  }
  func.func @transform_6(%arg0: i32) -> (i32, i32) {
    %c0_i32 = arith.constant 0 : i32
    %c0_i32_0 = arith.constant 0 : i32
    %c0_i32_1 = arith.constant 0 : i32
    return %c0_i32, %c0_i32_0 : i32, i32
  }
  func.func @transform_7(%arg0: i32) -> (i32, i32) {
    %c0_i32 = arith.constant 0 : i32
    %c0_i32_0 = arith.constant 0 : i32
    %c0_i32_1 = arith.constant 0 : i32
    return %c0_i32, %c0_i32_0 : i32, i32
  }
  func.func @transform_8(%arg0: i32) -> (i32, i32) {
    %c0_i32 = arith.constant 0 : i32
    %c0_i32_0 = arith.constant 0 : i32
    return %c0_i32, %arg0 : i32, i32
  }
}

</mosaic_0001>

<sc_bundles>
// kernel: kernel.13.cloned.1.call-start
scs
__scs_entry_jumppad:
0x0: {  	(pc) =	sbr.rel $0x88, $3  }
0x1: {  	(tag) =	ssettag $0x0;
	lr =	simm.s32 $0x1  }
0x2: {  	[smem:$0x3F98] =	sst lr;
	_ =	strace $0xD0000000  }
0x3: {  	_ = 	snop  }
0x4: {  	_ = 	snop  }
0x5: {  	_ = 	snop  }
0x6: {  	_ = 	snop  }
0x7: {  	_ = 	snop  }
__scs_overlays_trampoline_lowered:
0x8: {  	[smem:$0x3FA7] =	sst s0  }
0x9: {  	[smem:$0x3FA8] =	sst s1  }
0xa: {  	[smem:$0x3FA9] =	sst s2  }
0xb: {  	[smem:$0x3FAA] =	sst s3  }
0xc: {  	[smem:$0x3FAB] =	sst s4  }
0xd: {  	[smem:$0x3FAC] =	sst s5  }
0xe: {  	[smem:$0x3FAD] =	sst s6  }
0xf: {  	[smem:$0x3FAE] =	sst s7  }
0x10: {  	[smem:$0x3FAF] =	sst s8  }
0x11: {  	[smem:$0x3FB0] =	sst s9;
	s0 =	simm.s32 @!p0 $0x0  }
0x12: {  	s1 =	sld [smem:$0x3F96];
	s0 =	simm.s32 @p0 $0x1  }
0x13: {  	[smem:$0x3FB1] =	sst s0;
	s0 =	simm.s32 @!p1 $0x0  }
0x14: {  	s2 =	sld [smem:$0x3F95];
	s0 =	simm.s32 @p1 $0x1  }
0x15: {  	[smem:$0x3FB2] =	sst s0;
	s0 =	simm.s32 @!p2 $0x0  }
0x16: {  	s3 =	sld [smem:$0x3FDB];
	s0 =	simm.s32 @p2 $0x1  }
0x17: {  	s4 =	simm.s32 $0x1BF5;
	[smem:$0x3FB4] =	sst s0  }
0x18: {  	s0 =	sld [smem:$0x3F97];
	_ =	swait.ge [sflag:s4], $0x0  }
0x19: {  	s7 =	sld [smem:$0x3F98]  }
0x1a: {  	s8 =	sadd.s32 $0xFFFFE003, lr  }
0x1b: {  	s9 =	sadd.s32 $0xFFFFFEF7, lr;
	s5 =	simm.s32 $0xFFFFFFFF;
	p2 =	slt.u32 s8, $0xFFFFF086  }
0x1c: {  	p1 =	slt.u32 s9, $0xF7A;
	s5 =	simm.s32 @!p2 $0x0  }
0x1d: {  	s5 =	simm.s32 @p1 $0x1;
	p0 =	seq.s32 s7, s2  }
0x1e: {  	s7 =	smul.u32 @!p0 $0xF7A, s2;
	p2 =	seq.s32 @!p0 s5, $0x0  }
0x1f: {  	s9 =	smul.u32 $0xF7A, s1;
	s8 =	simm.s32 @!p0 $0x1BF5;
	p2 =	por !p2, p0  }
0x20: {  	[sflag:s8] =	ssyncset.s32 @!p0 $0xFFFFF086;
	s6 =	sadd.s32 @!p0 s3, s7;
	s7 =	simm.s32 @!p0 $0x108  }
0x21: {  	s3 =	sadd.s32 s3, s9;
	s6 =	sadd.s32 @!p0 $0x88, s6;
	s7 =	simm.s32 @p2 $0x1082  }
0x22: {  	[simem:s7], [sflag:s8] =	dma.local @!p0 [hbm:s6], $0xF7A  }
0x23: {  	s9 =	sor.u32 $0xD0000000, s2;
	s6 =	simm.s32 $0x108;
	_ =	swait.ge @!p0 [sflag:s8], $0x0  }
0x24: {  	s3 =	sadd.s32 $0x88, s3;
	s6 =	simm.s32 @!p1 $0x1082;
	[sflag:s4] =	ssyncset.s32 $0xFFFFF086  }
0x25: {  	[simem:s6], [sflag:s4] =	dma.local [hbm:s3], $0xF7A  }
0x26: {  	[smem:$0x3F98] =	sst s1;
	(tag) =	ssettag s2;
	_ =	strace s9  }
0x27: {  	s1 =	sld [smem:$0x3FA8]  }
0x28: {  	s2 =	sld [smem:$0x3FA9]  }
0x29: {  	s4 =	sld [smem:$0x3FAB]  }
0x2a: {  	p0 =	seq.s32 s5, $0x0;
	s5 =	sld [smem:$0x3FAC]  }
0x2b: {  	s6 =	sld [smem:$0x3FAD]  }
0x2c: {  	s7 =	sld [smem:$0x3FAE]  }
0x2d: {  	s3 =	simm.s32 $0x108;
	s8 =	sld [smem:$0x3FAF]  }
0x2e: {  	s3 =	simm.s32 @!p0 $0x1082;
	s9 =	sld [smem:$0x3FB0]  }
0x2f: {  	lr =	sadd.s32 s0, s3;
	s0 =	sld [smem:$0x3FA7]  }
0x30: {  	s3 =	sld [smem:$0x3FAA]  }
0x31: {  	[smem:$0x3FB3] =	sst s10  }
0x32: {  	s10 =	sld [smem:$0x3FB1];
	_ =	sdelay $0x3  }
0x33: {  	p0 =	seq.s32 s10, $0x1;
	s10 =	sld [smem:$0x3FB3];
	_ =	sdelay $0x3  }
0x34: {  	[smem:$0x3FB3] =	sst s10  }
0x35: {  	s10 =	sld [smem:$0x3FB2];
	_ =	sdelay $0x3  }
0x36: {  	p1 =	seq.s32 s10, $0x1;
	s10 =	sld [smem:$0x3FB3];
	_ =	sdelay $0x3  }
0x37: {  	[smem:$0x3FB3] =	sst s10  }
0x38: {  	s10 =	sld [smem:$0x3FB4]  }
0x39: {  	_ = 	snop;
	(pc) =	sbr.ind lr, $3  }
0x3a: {  	_ = 	snop  }
0x3b: {  	_ = 	snop  }
0x3c: {  	p2 =	seq.s32 s10, $0x1;
	s10 =	sld [smem:$0x3FB3]  }
0x3d: {  	_ =	shalt  }
0x3e: {  	_ =	shalt  }
0x3f: {  	_ =	shalt  }
0x40: {  	_ =	shalt  }
0x41: {  	_ =	shalt  }
0x42: {  	_ =	shalt  }
0x43: {  	_ =	shalt  }
0x44: {  	_ =	shalt  }
0x45: {  	_ =	shalt  }
0x46: {  	_ =	shalt  }
0x47: {  	_ =	shalt  }
0x48: {  	_ =	shalt  }
0x49: {  	_ =	shalt  }
0x4a: {  	_ =	shalt  }
0x4b: {  	_ =	shalt  }
0x4c: {  	_ =	shalt  }
0x4d: {  	_ =	shalt  }
0x4e: {  	_ =	shalt  }
0x4f: {  	_ =	shalt  }
0x50: {  	_ =	shalt  }
0x51: {  	_ =	shalt  }
0x52: {  	_ =	shalt  }
0x53: {  	_ =	shalt  }
0x54: {  	_ =	shalt  }
0x55: {  	_ =	shalt  }
0x56: {  	_ =	shalt  }
0x57: {  	_ =	shalt  }
0x58: {  	_ =	shalt  }
0x59: {  	_ =	shalt  }
0x5a: {  	_ =	shalt  }
0x5b: {  	_ =	shalt  }
0x5c: {  	_ =	shalt  }
0x5d: {  	_ =	shalt  }
0x5e: {  	_ =	shalt  }
0x5f: {  	_ =	shalt  }
0x60: {  	_ =	shalt  }
0x61: {  	_ =	shalt  }
0x62: {  	_ =	shalt  }
0x63: {  	_ =	shalt  }
0x64: {  	_ =	shalt  }
0x65: {  	_ =	shalt  }
0x66: {  	_ =	shalt  }
0x67: {  	_ =	shalt  }
0x68: {  	_ =	shalt  }
0x69: {  	_ =	shalt  }
0x6a: {  	_ =	shalt  }
0x6b: {  	_ =	shalt  }
0x6c: {  	_ =	shalt  }
0x6d: {  	_ =	shalt  }
0x6e: {  	_ =	shalt  }
0x6f: {  	_ =	shalt  }
0x70: {  	_ =	shalt  }
0x71: {  	_ =	shalt  }
0x72: {  	_ =	shalt  }
0x73: {  	_ =	shalt  }
0x74: {  	_ =	shalt  }
0x75: {  	_ =	shalt  }
0x76: {  	_ =	shalt  }
0x77: {  	_ =	shalt  }
0x78: {  	_ =	shalt  }
0x79: {  	_ =	shalt  }
0x7a: {  	_ =	shalt  }
0x7b: {  	_ =	shalt  }
0x7c: {  	_ =	shalt  }
0x7d: {  	_ =	shalt  }
0x7e: {  	_ =	shalt  }
0x7f: {  	_ =	shalt  }
0x80: {  	_ =	shalt  }
0x81: {  	_ =	shalt  }
0x82: {  	_ =	shalt  }
0x83: {  	_ =	shalt  }
0x84: {  	_ =	shalt  }
0x85: {  	_ =	shalt  }
0x86: {  	_ =	shalt  }
0x87: {  	_ =	shalt  }
.Lfunc_end0:
.L_simem_size_0:
called_computation_lowered:
.L_overlay_start_0:
0x88: {  	s2 =	sld [smem:$0x3FD9]  }
0x89: {  	s3 =	sld [smem:$0x3FFE];
	_ =	sdelay $0x1  }
0x8a: {  	s1 =	srdreg.scid  }
0x8b: {  	s0 =	sand.u32 $0x1, s1  }
0x8c: {  	s17 =	sshll.u32 s0, $0xA;
	s2 =	sadd.s32 s3, s2  }
0x8d: {  	s2 =	sadd.s32 s2, s17  }
0x8e: {  	[smem:$0x3FBF] =	sst s2  }
0x8f: {  	_ = 	snop  }
0x90: {  	s18 =	sld [smem:$0x3FD0];
	(tm) =	ssettm $0x1  }
0x91: {  	s19 =	sld [smem:$0x3FFB];
	_ =	sdelay $0x3  }
0x92: {  	_ =	strace s19  }
0x93: {  	s2 =	sld [smem:$0x3FFC];
	_ =	sdelay $0x3  }
0x94: {  	_ =	strace s2  }
0x95: {  	s2 =	sld [smem:$0x3FFD];
	_ =	sdelay $0x3  }
0x96: {  	_ =	strace s2  }
0x97: {  	_ =	strace $0x8FFFFFFF  }
0x98: {  	s20 =	sld [smem:$0x3FDB];
	_ =	sdelay $0x1  }
0x99: {  	s4 =	simm.s32 $_scs_section_size  }
0x9a: {  	s5 =	simm.s32 $_size__tile_overlayer_lowered;
	s6 =	simm.s32 $_tile_overlayer_lowered  }
0x9b: {  	s7 =	simm.s32 $0x1BFF;
	s21 =	sshll.u32 s6, $0x1;
	s4 =	sadd.s32 s4, s20  }
0x9c: {  	s22 =	simm.s32 $0x0;
	s5 =	sshll.u32 s5, $0x1;
	s6 =	sadd.s32 s21, s4  }
0x9d: {  	[timem:s22], [sflag:s7] =	dma.local [hbm:s6], s5  }
0x9e: {  	_ =	swait.ge [sflag:s7], s5  }
0x9f: {  	s5 =	ssub.s32 $0x0, s5;
	[sflag:s7] =	ssyncset.done $0x0  }
0xa0: {  	[sflag:s7] =	ssyncadd.s32 s5;
	_ =	sdelay $0x1  }
0xa1: {  	s23 =	simm.s32 $0x1B8B  }
0xa2: {  	_ =	swait.ge [sflag:s23], $0x1  }
0xa3: {  	[sflag:s23] =	ssyncset.done $0x0  }
0xa4: {  	[sflag:s23] =	ssyncadd.s32 $0xFFFFFFFF  }
0xa5: {  	s5 =	sld [smem:$0x0]  }
0xa6: {  	s6 =	sand.u32 $0xFFFFFFFE, s1  }
0xa7: {  	p0 =	sne.s32 s1, s6  }
0xa8: {  	s6 =	sshll.u32 @p0 s6, $0xE  }
0xa9: {  	s6 =	sadd.s32 @p0 $0x11B8D, s6;
	s7 =	sshll.u32 @p0 s5, $0x11  }
0xaa: {  	s6 =	sor.u32 @p0 s7, s6  }
0xab: {  	[sflag:s6] =	ssyncadd.remote.s32 @p0 $0x1;
	_ =	sdelay $0x1  }
0xac: {  	s6 =	simm.s32 @p0 $0x1B8D  }
0xad: {  	_ =	swait.eq @p0 [sflag:s6], $0x1  }
0xae: {  	[sflag:s6] =	ssyncadd.s32 @p0 $0xFFFFFFFF  }
0xaf: {  	s7 =	sshll.u32 @!p0 s1, $0xE  }
0xb0: {  	s7 =	sor.u32 @!p0 $0x4000, s7;
	s6 =	simm.s32 @!p0 $0x1B8D  }
0xb1: {  	s5 =	sshll.u32 @!p0 s5, $0x11;
	s7 =	sadd.s32 @!p0 $0x11B8D, s7;
	_ =	swait.eq @!p0 [sflag:s6], $0x1  }
0xb2: {  	s5 =	sor.u32 @!p0 s5, s7;
	[sflag:s6] =	ssyncadd.s32 @!p0 $0xFFFFFFFF  }
0xb3: {  	s25 =	simm.s32 $0x1B8E;
	s24 =	sld [smem:$0x3FFE];
	[sflag:s5] =	ssyncadd.remote.s32 @!p0 $0x1  }
0xb4: {  	s26 =	simm.s32 $execute0_lowered;
	[smem:$0x3FD2] =	sst s25  }
0xb5: {  	s6 =	sshll.u32 s26, $0x1;
	_ =	strace $0x80000052;
	[dreg:$0x1] =	wrdreg $0xFFFFFFFF  }
0xb6: {  	s28 =	simm.s32 $_size_execute0_lowered;
	s4 =	sadd.s32 s4, s6;
	[dreg:$0x0] =	wrdreg $0x0  }
0xb7: {  	s6 =	sshll.u32 s28, $0x1;
	[dreg:$0x2] =	wrdreg s4  }
0xb8: {  	[dreg:$0x3] =	wrdreg s6  }
0xb9: {  	[dreg:$0x4] =	wrdreg $0xC0  }
0xba: {  	_ =	task [dreg:s22], $0x5FFFF  }
0xbb: {  	[dreg:$0x1] =	wrdreg $0xFFFFFFFF  }
0xbc: {  	[dreg:$0x0] =	wrdreg $0x60  }
0xbd: {  	[dreg:$0x2] =	wrdreg s18  }
0xbe: {  	[dreg:$0x3] =	wrdreg s24  }
0xbf: {  	[dreg:$0x4] =	wrdreg $0x9  }
0xc0: {  	_ =	task.clear_ibuf [dreg:s22], $0x5FFFF;
	_ =	strace $0x90000052  }
0xc1: {  	s29 =	simm.s32 $0x9;
	_ =	strace $0x80000054  }
0xc2: {  	_ =	swait.ge [sflag:s29], $0x1  }
0xc3: {  	[sflag:s29] =	ssyncadd.s32 $0xFFFFFFFF  }
0xc4: {  	_ =	strace $0x90000054  }
0xc5: {  	_ =	sfence  }
0xc6: {  	s30 =	sld [smem:$0x0];
	_ =	sdelay $0x2  }
0xc7: {  	s31 =	sshll.u32 s1, $0xD;
	s1 =	sshrl.u32 s1, $0x2  }
0xc8: {  	s4 =	sand.u32 $0x4000, s31;
	s1 =	sadd.s32 s1, s30  }
0xc9: {  	s0 =	sor.u32 s4, s0;
	s1 =	sshll.u32 s1, $0x11  }
0xca: {  	s0 =	sor.u32 s1, s0  }
0xcb: {  	s0 =	sadd.s32 $0x8F2B, s0  }
0xcc: {  	[sflag:s0] =	ssyncadd.remote.s32 $0x1  }
0xcd: {  	_ =	sfence.sel $0xFFFF  }
0xce: {  	[dreg:$0x0] =	wrdreg $0xFFFFFFFF;
	(pc) =	sbr.abs _section_cstart, $3  }
0xcf: {  	[dreg:$0x1] =	wrdreg $0xFFFFFFFF  }
0xd0: {  	_ =	task.clear_ibuf [dreg:s22], $0x2FFFF;
	_ =	strace $0x9FFFFFFF  }
0xd1: {  	(tm) =	ssettm $0x7FFFFFFF  }
tec
execute0_lowered:
.L_overlay_start_1:
0x0: {  	(tag) =	ssettag $0x1  }
0x1: {  	s2 =	rddreg [dreg:$0x0]  }
0x2: {  	s0 =	srdreg.scid;
	s9 =	stileid.u32  }
0x3: {  	s1 =	rddreg [dreg:$0x1];
	s3 =	simm.s32 $0x0;
	s15 =	simm.s32 $0x5  }
0x4: {  	s16 =	simm.s32 $0x7D0;
	s17 =	simm.s32 $0x50;
	s18 =	simm.s32 $0xFA0  }
0x5: {  	s19 =	simm.s32 $0x23A0;
	s20 =	simm.s32 $0x37A0;
	s22 =	simm.s32 $0x4BA0  }
0x6: {  	s23 =	simm.s32 $0x1;
	s24 =	simm.s32 $0x40;
	s25 =	simm.s32 $0x80  }
0x7: {  	s26 =	simm.s32 $0x3;
	s0 =	sand.u32 $0x1, s0;
	s4 =	sshll.u32 s9, $0x1  }
0x8: {  	s28 =	simm.s32 $0x2;
	s12 =	smul.u32 $0xFA00, s9;
	s5 =	sor.u32 s0, s4  }
0x9: {  	s31 =	simm.s32 $0x4;
	[smem:$0x7FF] =	sst s3;
	s6 =	smul.u32 $0x7D0, s5  }
0xa: {  	_ =	strace $0x80000053;
	s7 =	ssub.s32 $0x2, s0;
	s8 =	smul.u32 $0x3E800, s5  }
0xb: {  	s4 =	sadd.s32 $0x1A00, s1;
	s0 =	smul.u32 $0x7D00, s0;
	s29 =	sshrl.u32 s7, $0x1  }
0xc: {  	s13 =	ssub.s32 s7, s29;
	s6 =	sshrl.u32 s6, $0x3;
	s30 =	sshrl.u32 s8, $0x3  }
0xd: {  	s13 =	smax.u32 s13, $0x1;
	s6 =	sadd.s32 s6, s1;
	s1 =	sadd.s32 $0x411400, s1  }
0xe: {  	s5 =	sadd.s32 $0x40F400, s6;
	s6 =	sadd.s32 $0x40D400, s6;
	s7 =	sadd.s32 s1, s30  }
0xf: {  	s1 =	sadd.s32 s12, s1;
	s8 =	sadd.s32 $0x8, s7;
	s9 =	sadd.s32 $0x500, s7  }
0x10: {  	s10 =	sadd.s32 $0x508, s7;
	s11 =	sadd.s32 $0x7800, s7;
	s0 =	sadd.s32 s0, s1  }
0x11: {  	s12 =	sadd.s32 $0x7808, s7;
	s1 =	simm.s32 $0x0;
	s14 =	sadd.s32 $0xA00, s0  }
.LBB2_1:
0x12: {  	[tilespmem:s3], [sflag:$0x5] =	stream.linear.gather [hbm4b:s5+s3], $0x7D0, $0x38;
	[tilespmem:$0x5FA0] =	vst v63  }
0x13: {  	_ =	swait.ge [sflag:s15], $0x7D0  }
0x14: {  	[sflag:s15] =	ssyncset.done $0x0  }
0x15: {  	[sflag:s15] =	ssyncadd.s32 $0xFFFFF830  }
0x16: {  	[tilespmem:s16], [sflag:$0x5] =	stream.linear.gather [hbm4b:s6+s3], $0x7D0, $0x38;
	[tilespmem:$0x5FA0] =	vst v63  }
0x17: {  	_ =	swait.ge [sflag:s15], $0x7D0  }
0x18: {  	[sflag:s15] =	ssyncset.done $0x0  }
0x19: {  	[sflag:s15] =	ssyncadd.s32 $0xFFFFF830  }
0x1a: {  	[tilespmem:s18], [sflag:$0x1] =	stream.indirect.gather [hbm4b:s2+s17], $0x40, s3, s17, $0xb8;
	[tilespmem:$0x5FA0] =	vst v63  }
0x1b: {  	_ = 	snop  }
0x1c: {  	[tilespmem:s19], [sflag:$0x1] =	stream.indirect.gather [hbm4b:s4+s17], $0x40, s16, s17, $0xb8;
	[tilespmem:$0x5FA0] =	vst v63  }
0x1d: {  	_ = 	snop  }
0x1e: {  	[tilespmem:s20], [sflag:$0x3] =	stream.indirect.gather [hbm4b:s2+s17], $0x40, s17, s17, $0xb8;
	[tilespmem:$0x5FA0] =	vst v63  }
0x1f: {  	s0 =	simm.s32 $0x820  }
0x20: {  	[tilespmem:s22], [sflag:$0x3] =	stream.indirect.gather [hbm4b:s4+s17], $0x40, s0, s17, $0xb8;
	[tilespmem:$0x5FA0] =	vst v63  }
0x21: {  	_ =	swait.ge [sflag:s23], $0x1400  }
0x22: {  	[sflag:s23] =	ssyncset.done $0x0  }
0x23: {  	[sflag:s23] =	ssyncadd.s32 $0xFFFFEC00  }
0x24: {  	_ =	swait.ge [sflag:s23], $0x1400  }
0x25: {  	[sflag:s23] =	ssyncset.done $0x0  }
0x26: {  	[sflag:s23] =	ssyncadd.s32 $0xFFFFEC00  }
0x27: {  	[hbm4b:s7+s24] =	stream.strided.scatter [tilespmem:s18], [sflag:$0x2], $0x1400, s25, s24, $0x38;
	[tilespmem:$0x5FA0] =	vst v63  }
0x28: {  	_ = 	snop  }
0x29: {  	[hbm4b:s8+s24] =	stream.strided.scatter [tilespmem:s19], [sflag:$0x2], $0x1400, s25, s24, $0x38;
	[tilespmem:$0x5FA0] =	vst v63  }
0x2a: {  	_ =	swait.ge [sflag:s26], $0x1400  }
0x2b: {  	[sflag:s26] =	ssyncset.done $0x0  }
0x2c: {  	[sflag:s26] =	ssyncadd.s32 $0xFFFFEC00  }
0x2d: {  	_ =	swait.ge [sflag:s26], $0x1400  }
0x2e: {  	[sflag:s26] =	ssyncset.done $0x0  }
0x2f: {  	[sflag:s26] =	ssyncadd.s32 $0xFFFFEC00  }
0x30: {  	[hbm4b:s9+s24] =	stream.strided.scatter [tilespmem:s20], [sflag:$0x4], $0x1400, s25, s24, $0x38;
	[tilespmem:$0x5FA0] =	vst v63  }
0x31: {  	_ = 	snop  }
0x32: {  	[hbm4b:s10+s24] =	stream.strided.scatter [tilespmem:s22], [sflag:$0x4], $0x1400, s25, s24, $0x38;
	[tilespmem:$0x5FA0] =	vst v63  }
0x33: {  	_ =	swait.ge [sflag:s28], $0x1400  }
0x34: {  	[sflag:s28] =	ssyncset.done $0x0  }
0x35: {  	[sflag:s28] =	ssyncadd.s32 $0xFFFFEC00  }
0x36: {  	_ =	swait.ge [sflag:s28], $0x1400  }
0x37: {  	[sflag:s28] =	ssyncset.done $0x0  }
0x38: {  	s21 =	simm.s32 $0xA0;
	[sflag:s28] =	ssyncadd.s32 $0xFFFFEC00  }
0x39: {  	[tilespmem:s18], [sflag:$0x1] =	stream.indirect.gather [hbm4b:s2+s17], $0x40, s21, s17, $0xb8;
	[tilespmem:$0x5FA0] =	vst v63  }
0x3a: {  	s30 =	simm.s32 $0x870  }
0x3b: {  	[tilespmem:s19], [sflag:$0x1] =	stream.indirect.gather [hbm4b:s4+s17], $0x40, s30, s17, $0xb8;
	[tilespmem:$0x5FA0] =	vst v63  }
0x3c: {  	_ =	swait.ge [sflag:s31], $0x1400  }
0x3d: {  	[sflag:s31] =	ssyncset.done $0x0  }
0x3e: {  	[sflag:s31] =	ssyncadd.s32 $0xFFFFEC00  }
0x3f: {  	_ =	swait.ge [sflag:s31], $0x1400  }
0x40: {  	[sflag:s31] =	ssyncset.done $0x0  }
0x41: {  	s21 =	simm.s32 $0xF0;
	[sflag:s31] =	ssyncadd.s32 $0xFFFFEC00  }
0x42: {  	[tilespmem:s20], [sflag:$0x3] =	stream.indirect.gather [hbm4b:s2+s17], $0x40, s21, s17, $0xb8;
	[tilespmem:$0x5FA0] =	vst v63  }
0x43: {  	s30 =	simm.s32 $0x8C0  }
0x44: {  	[tilespmem:s22], [sflag:$0x3] =	stream.indirect.gather [hbm4b:s4+s17], $0x40, s30, s17, $0xb8;
	[tilespmem:$0x5FA0] =	vst v63  }
0x45: {  	_ =	swait.ge [sflag:s23], $0x1400  }
0x46: {  	[sflag:s23] =	ssyncset.done $0x0  }
0x47: {  	[sflag:s23] =	ssyncadd.s32 $0xFFFFEC00  }
0x48: {  	_ =	swait.ge [sflag:s23], $0x1400  }
0x49: {  	[sflag:s23] =	ssyncset.done $0x0  }
0x4a: {  	[sflag:s23] =	ssyncadd.s32 $0xFFFFEC00  }
0x4b: {  	[hbm4b:s14+s24] =	stream.strided.scatter [tilespmem:s18], [sflag:$0x2], $0x1400, s25, s24, $0x38;
	[tilespmem:$0x5FA0] =	vst v63  }
0x4c: {  	s21 =	sadd.s32 $0x8, s14  }
0x4d: {  	[hbm4b:s21+s24] =	stream.strided.scatter [tilespmem:s19], [sflag:$0x2], $0x1400, s25, s24, $0x38;
	[tilespmem:$0x5FA0] =	vst v63  }
0x4e: {  	_ =	swait.ge [sflag:s26], $0x1400  }
0x4f: {  	[sflag:s26] =	ssyncset.done $0x0  }
0x50: {  	[sflag:s26] =	ssyncadd.s32 $0xFFFFEC00  }
0x51: {  	_ =	swait.ge [sflag:s26], $0x1400  }
0x52: {  	[sflag:s26] =	ssyncset.done $0x0  }
0x53: {  	s30 =	sadd.s32 $0x500, s14;
	[sflag:s26] =	ssyncadd.s32 $0xFFFFEC00  }
0x54: {  	[hbm4b:s30+s24] =	stream.strided.scatter [tilespmem:s20], [sflag:$0x4], $0x1400, s25, s24, $0x38;
	[tilespmem:$0x5FA0] =	vst v63  }
0x55: {  	s21 =	sadd.s32 $0x508, s14  }
0x56: {  	[hbm4b:s21+s24] =	stream.strided.scatter [tilespmem:s22], [sflag:$0x4], $0x1400, s25, s24, $0x38;
	[tilespmem:$0x5FA0] =	vst v63  }
0x57: {  	_ =	swait.ge [sflag:s28], $0x1400  }
0x58: {  	[sflag:s28] =	ssyncset.done $0x0  }
0x59: {  	[sflag:s28] =	ssyncadd.s32 $0xFFFFEC00  }
0x5a: {  	_ =	swait.ge [sflag:s28], $0x1400  }
0x5b: {  	s29 =	simm.s32 $0x910;
	s0 =	simm.s32 $0x280;
	[sflag:s28] =	ssyncset.done $0x0  }
0x5c: {  	s30 =	simm.s32 $0x140;
	s21 =	sadd.s32 $0xA00, s14;
	[sflag:s28] =	ssyncadd.s32 $0xFFFFEC00  }
0x5d: {  	[tilespmem:s18], [sflag:$0x1] =	stream.indirect.gather [hbm4b:s2+s17], $0x40, s30, s17, $0xb8;
	[tilespmem:$0x5FA0] =	vst v63  }
.LBB2_2:
0x5e: {  	[tilespmem:s19], [sflag:$0x1] =	stream.indirect.gather [hbm4b:s4+s17], $0x40, s29, s17, $0xb8;
	[tilespmem:$0x5FA0] =	vst v63  }
0x5f: {  	s29 =	smov.u32 s0  }
0x60: {  	p0 =	sne.s32 s0, $0x1900;
	s0 =	sadd.s32 $0x280, s0;
	_ =	swait.ge [sflag:s31], $0x1400  }
0x61: {  	[sflag:s31] =	ssyncset.done $0x0  }
0x62: {  	[sflag:s31] =	ssyncadd.s32 $0xFFFFEC00  }
0x63: {  	_ =	swait.ge [sflag:s31], $0x1400  }
0x64: {  	s29 =	sshra.s32 s29, $0x2;
	[sflag:s31] =	ssyncset.done $0x0  }
0x65: {  	s30 =	sadd.s32 $0xF0, s29;
	[sflag:s31] =	ssyncadd.s32 $0xFFFFEC00  }
0x66: {  	[tilespmem:s20], [sflag:$0x3] =	stream.indirect.gather [hbm4b:s2+s17], $0x40, s30, s17, $0xb8;
	[tilespmem:$0x5FA0] =	vst v63  }
0x67: {  	s30 =	sadd.s32 $0x8C0, s29  }
0x68: {  	[tilespmem:s22], [sflag:$0x3] =	stream.indirect.gather [hbm4b:s4+s17], $0x40, s30, s17, $0xb8;
	[tilespmem:$0x5FA0] =	vst v63  }
0x69: {  	_ =	swait.ge [sflag:s23], $0x1400  }
0x6a: {  	[sflag:s23] =	ssyncset.done $0x0  }
0x6b: {  	[sflag:s23] =	ssyncadd.s32 $0xFFFFEC00  }
0x6c: {  	_ =	swait.ge [sflag:s23], $0x1400  }
0x6d: {  	[sflag:s23] =	ssyncset.done $0x0  }
0x6e: {  	[sflag:s23] =	ssyncadd.s32 $0xFFFFEC00  }
0x6f: {  	[hbm4b:s21+s24] =	stream.strided.scatter [tilespmem:s18], [sflag:$0x2], $0x1400, s25, s24, $0x38;
	[tilespmem:$0x5FA0] =	vst v63  }
0x70: {  	s30 =	sadd.s32 $0x8, s21  }
0x71: {  	[hbm4b:s30+s24] =	stream.strided.scatter [tilespmem:s19], [sflag:$0x2], $0x1400, s25, s24, $0x38;
	[tilespmem:$0x5FA0] =	vst v63  }
0x72: {  	_ =	swait.ge [sflag:s26], $0x1400  }
0x73: {  	[sflag:s26] =	ssyncset.done $0x0  }
0x74: {  	[sflag:s26] =	ssyncadd.s32 $0xFFFFEC00  }
0x75: {  	_ =	swait.ge [sflag:s26], $0x1400  }
0x76: {  	[sflag:s26] =	ssyncset.done $0x0  }
0x77: {  	s30 =	sadd.s32 $0x500, s21;
	[sflag:s26] =	ssyncadd.s32 $0xFFFFEC00  }
0x78: {  	[hbm4b:s30+s24] =	stream.strided.scatter [tilespmem:s20], [sflag:$0x4], $0x1400, s25, s24, $0x38;
	[tilespmem:$0x5FA0] =	vst v63  }
0x79: {  	s30 =	sadd.s32 $0x508, s21  }
0x7a: {  	[hbm4b:s30+s24] =	stream.strided.scatter [tilespmem:s22], [sflag:$0x4], $0x1400, s25, s24, $0x38;
	[tilespmem:$0x5FA0] =	vst v63  }
0x7b: {  	_ =	swait.ge [sflag:s28], $0x1400  }
0x7c: {  	[sflag:s28] =	ssyncset.done $0x0  }
0x7d: {  	[sflag:s28] =	ssyncadd.s32 $0xFFFFEC00  }
.Ltmp0:
0x7e: {  	_ =	swait.ge [sflag:s28], $0x1400;
	(pc) =	sbr.rel @p0 .LBB2_2-.Ltmp0, $4  }
0x7f: {  	[sflag:s28] =	ssyncset.done $0x0  }
0x80: {  	s30 =	sadd.s32 $0x140, s29;
	[sflag:s28] =	ssyncadd.s32 $0xFFFFEC00  }
0x81: {  	[tilespmem:s18], [sflag:$0x1] =	stream.indirect.gather [hbm4b:s2+s17], $0x40, s30, s17, $0xb8;
	[tilespmem:$0x5FA0] =	vst v63  }
0x82: {  	s21 =	sadd.s32 $0xA00, s21;
	s29 =	sadd.s32 $0x910, s29  }
0x83: {  	[tilespmem:s19], [sflag:$0x1] =	stream.indirect.gather [hbm4b:s4+s17], $0x40, s29, s17, $0xb8;
	[tilespmem:$0x5FA0] =	vst v63  }
0x84: {  	_ =	swait.ge [sflag:s23], $0x1400  }
0x85: {  	[sflag:s23] =	ssyncset.done $0x0  }
0x86: {  	[sflag:s23] =	ssyncadd.s32 $0xFFFFEC00  }
0x87: {  	_ =	swait.ge [sflag:s23], $0x1400  }
0x88: {  	[sflag:s23] =	ssyncset.done $0x0  }
0x89: {  	[sflag:s23] =	ssyncadd.s32 $0xFFFFEC00  }
0x8a: {  	[hbm4b:s11+s24] =	stream.strided.scatter [tilespmem:s18], [sflag:$0x2], $0x1400, s25, s24, $0x38;
	[tilespmem:$0x5FA0] =	vst v63  }
0x8b: {  	_ = 	snop  }
0x8c: {  	[hbm4b:s12+s24] =	stream.strided.scatter [tilespmem:s19], [sflag:$0x2], $0x1400, s25, s24, $0x38;
	[tilespmem:$0x5FA0] =	vst v63  }
0x8d: {  	_ =	swait.ge [sflag:s28], $0x1400  }
0x8e: {  	[sflag:s28] =	ssyncset.done $0x0  }
0x8f: {  	[sflag:s28] =	ssyncadd.s32 $0xFFFFEC00  }
0x90: {  	_ =	swait.ge [sflag:s28], $0x1400  }
0x91: {  	[sflag:s28] =	ssyncset.done $0x0  }
0x92: {  	s1 =	sadd.s32 $0x1, s1;
	[sflag:s28] =	ssyncadd.s32 $0xFFFFEC00  }
0x93: {  	p0 =	sne.s32 s1, s13;
	_ =	swait.ge [sflag:s31], $0x1400  }
.Ltmp1:
0x94: {  	[sflag:s31] =	ssyncset.done $0x0;
	(pc) =	sbr.rel @p0 .LBB2_1-.Ltmp1, $4  }
0x95: {  	[sflag:s31] =	ssyncadd.s32 $0xFFFFEC00  }
0x96: {  	_ =	swait.ge [sflag:s31], $0x1400  }
0x97: {  	[sflag:s31] =	ssyncset.done $0x0  }
0x98: {  	[sflag:s31] =	ssyncadd.s32 $0xFFFFEC00  }
0x99: {  	_ =	sfence.sel $0x180000  }
0x9a: {  	[bflag:$0x0] =	sbarrier.arrive $0xFFFF  }
0x9b: {  	_ =	strace $0x90000053  }
0x9c: {  	s0 =	stileid.u32;
	[bflag:$0x2] =	sbarrier.arrive $0xFFFF  }
0x9d: {  	p0 =	sne.s32 s0, $0x0;
	s0 =	rddreg [dreg:$0x2]  }
0x9e: {  	s0 =	sadd.s32 @!p0 $0x100000, s0  }
0x9f: {  	[sflag:s0] =	ssyncadd.tile.s32 @!p0 $0x1;
	_ =	shalt  }
.Lfunc_end2:
_tile_overlayer_lowered:
.L_overlay_start_2:
0xa0: {  	(tag) =	ssettag $0x2  }
0xa1: {  	s0 =	rddreg [dreg:$0x0];
	s2 =	stileid.u32  }
0xa2: {  	s1 =	rddreg [dreg:$0x1];
	p0 =	sne.s32 s2, $0x0  }
0xa3: {  	s3 =	rddreg [dreg:$0x2];
	[bflag:$0x3] =	sbarrier.arrive $0xFFFF;
	s2 =	simm.s32 @!p0 $0x1C05  }
0xa4: {  	[timem:s3], [sflag:s2] =	dma.local @!p0 [hbm:s0], s1  }
0xa5: {  	s0 =	simm.s32 @!p0 $0x5  }
0xa6: {  	_ =	swait.ge @!p0 [sflag:s0], s1  }
0xa7: {  	s1 =	ssub.s32 @!p0 $0x0, s1;
	[sflag:s0] =	ssyncset.done @!p0 $0x0  }
0xa8: {  	[sflag:s0] =	ssyncadd.s32 @!p0 s1  }
0xa9: {  	[bflag:$0x3] =	sbarrier.arrive $0xFFFF  }
0xaa: {  	_ =	shalt  }

// kernel: kernel.16.cloned.1.call-start
scs
__scs_entry_jumppad:
0x0: {  	(pc) =	sbr.rel $0x88, $3  }
0x1: {  	(tag) =	ssettag $0x0;
	lr =	simm.s32 $0x1  }
0x2: {  	[smem:$0x3F98] =	sst lr;
	_ =	strace $0xD0000000  }
0x3: {  	_ = 	snop  }
0x4: {  	_ = 	snop  }
0x5: {  	_ = 	snop  }
0x6: {  	_ = 	snop  }
0x7: {  	_ = 	snop  }
__scs_overlays_trampoline_lowered:
0x8: {  	[smem:$0x3FA7] =	sst s0  }
0x9: {  	[smem:$0x3FA8] =	sst s1  }
0xa: {  	[smem:$0x3FA9] =	sst s2  }
0xb: {  	[smem:$0x3FAA] =	sst s3  }
0xc: {  	[smem:$0x3FAB] =	sst s4  }
0xd: {  	[smem:$0x3FAC] =	sst s5  }
0xe: {  	[smem:$0x3FAD] =	sst s6  }
0xf: {  	[smem:$0x3FAE] =	sst s7  }
0x10: {  	[smem:$0x3FAF] =	sst s8  }
0x11: {  	[smem:$0x3FB0] =	sst s9;
	s0 =	simm.s32 @!p0 $0x0  }
0x12: {  	s1 =	sld [smem:$0x3F96];
	s0 =	simm.s32 @p0 $0x1  }
0x13: {  	[smem:$0x3FB1] =	sst s0;
	s0 =	simm.s32 @!p1 $0x0  }
0x14: {  	s2 =	sld [smem:$0x3F95];
	s0 =	simm.s32 @p1 $0x1  }
0x15: {  	[smem:$0x3FB2] =	sst s0;
	s0 =	simm.s32 @!p2 $0x0  }
0x16: {  	s3 =	sld [smem:$0x3FDB];
	s0 =	simm.s32 @p2 $0x1  }
0x17: {  	s4 =	simm.s32 $0x1BF5;
	[smem:$0x3FB4] =	sst s0  }
0x18: {  	s0 =	sld [smem:$0x3F97];
	_ =	swait.ge [sflag:s4], $0x0  }
0x19: {  	s7 =	sld [smem:$0x3F98]  }
0x1a: {  	s8 =	sadd.s32 $0xFFFFE003, lr  }
0x1b: {  	s9 =	sadd.s32 $0xFFFFFEF7, lr;
	s5 =	simm.s32 $0xFFFFFFFF;
	p2 =	slt.u32 s8, $0xFFFFF086  }
0x1c: {  	p1 =	slt.u32 s9, $0xF7A;
	s5 =	simm.s32 @!p2 $0x0  }
0x1d: {  	s5 =	simm.s32 @p1 $0x1;
	p0 =	seq.s32 s7, s2  }
0x1e: {  	s7 =	smul.u32 @!p0 $0xF7A, s2;
	p2 =	seq.s32 @!p0 s5, $0x0  }
0x1f: {  	s9 =	smul.u32 $0xF7A, s1;
	s8 =	simm.s32 @!p0 $0x1BF5;
	p2 =	por !p2, p0  }
0x20: {  	[sflag:s8] =	ssyncset.s32 @!p0 $0xFFFFF086;
	s6 =	sadd.s32 @!p0 s3, s7;
	s7 =	simm.s32 @!p0 $0x108  }
0x21: {  	s3 =	sadd.s32 s3, s9;
	s6 =	sadd.s32 @!p0 $0x88, s6;
	s7 =	simm.s32 @p2 $0x1082  }
0x22: {  	[simem:s7], [sflag:s8] =	dma.local @!p0 [hbm:s6], $0xF7A  }
0x23: {  	s9 =	sor.u32 $0xD0000000, s2;
	s6 =	simm.s32 $0x108;
	_ =	swait.ge @!p0 [sflag:s8], $0x0  }
0x24: {  	s3 =	sadd.s32 $0x88, s3;
	s6 =	simm.s32 @!p1 $0x1082;
	[sflag:s4] =	ssyncset.s32 $0xFFFFF086  }
0x25: {  	[simem:s6], [sflag:s4] =	dma.local [hbm:s3], $0xF7A  }
0x26: {  	[smem:$0x3F98] =	sst s1;
	(tag) =	ssettag s2;
	_ =	strace s9  }
0x27: {  	s1 =	sld [smem:$0x3FA8]  }
0x28: {  	s2 =	sld [smem:$0x3FA9]  }
0x29: {  	s4 =	sld [smem:$0x3FAB]  }
0x2a: {  	p0 =	seq.s32 s5, $0x0;
	s5 =	sld [smem:$0x3FAC]  }
0x2b: {  	s6 =	sld [smem:$0x3FAD]  }
0x2c: {  	s7 =	sld [smem:$0x3FAE]  }
0x2d: {  	s3 =	simm.s32 $0x108;
	s8 =	sld [smem:$0x3FAF]  }
0x2e: {  	s3 =	simm.s32 @!p0 $0x1082;
	s9 =	sld [smem:$0x3FB0]  }
0x2f: {  	lr =	sadd.s32 s0, s3;
	s0 =	sld [smem:$0x3FA7]  }
0x30: {  	s3 =	sld [smem:$0x3FAA]  }
0x31: {  	[smem:$0x3FB3] =	sst s10  }
0x32: {  	s10 =	sld [smem:$0x3FB1];
	_ =	sdelay $0x3  }
0x33: {  	p0 =	seq.s32 s10, $0x1;
	s10 =	sld [smem:$0x3FB3];
	_ =	sdelay $0x3  }
0x34: {  	[smem:$0x3FB3] =	sst s10  }
0x35: {  	s10 =	sld [smem:$0x3FB2];
	_ =	sdelay $0x3  }
0x36: {  	p1 =	seq.s32 s10, $0x1;
	s10 =	sld [smem:$0x3FB3];
	_ =	sdelay $0x3  }
0x37: {  	[smem:$0x3FB3] =	sst s10  }
0x38: {  	s10 =	sld [smem:$0x3FB4]  }
0x39: {  	_ = 	snop;
	(pc) =	sbr.ind lr, $3  }
0x3a: {  	_ = 	snop  }
0x3b: {  	_ = 	snop  }
0x3c: {  	p2 =	seq.s32 s10, $0x1;
	s10 =	sld [smem:$0x3FB3]  }
0x3d: {  	_ =	shalt  }
0x3e: {  	_ =	shalt  }
0x3f: {  	_ =	shalt  }
0x40: {  	_ =	shalt  }
0x41: {  	_ =	shalt  }
0x42: {  	_ =	shalt  }
0x43: {  	_ =	shalt  }
0x44: {  	_ =	shalt  }
0x45: {  	_ =	shalt  }
0x46: {  	_ =	shalt  }
0x47: {  	_ =	shalt  }
0x48: {  	_ =	shalt  }
0x49: {  	_ =	shalt  }
0x4a: {  	_ =	shalt  }
0x4b: {  	_ =	shalt  }
0x4c: {  	_ =	shalt  }
0x4d: {  	_ =	shalt  }
0x4e: {  	_ =	shalt  }
0x4f: {  	_ =	shalt  }
0x50: {  	_ =	shalt  }
0x51: {  	_ =	shalt  }
0x52: {  	_ =	shalt  }
0x53: {  	_ =	shalt  }
0x54: {  	_ =	shalt  }
0x55: {  	_ =	shalt  }
0x56: {  	_ =	shalt  }
0x57: {  	_ =	shalt  }
0x58: {  	_ =	shalt  }
0x59: {  	_ =	shalt  }
0x5a: {  	_ =	shalt  }
0x5b: {  	_ =	shalt  }
0x5c: {  	_ =	shalt  }
0x5d: {  	_ =	shalt  }
0x5e: {  	_ =	shalt  }
0x5f: {  	_ =	shalt  }
0x60: {  	_ =	shalt  }
0x61: {  	_ =	shalt  }
0x62: {  	_ =	shalt  }
0x63: {  	_ =	shalt  }
0x64: {  	_ =	shalt  }
0x65: {  	_ =	shalt  }
0x66: {  	_ =	shalt  }
0x67: {  	_ =	shalt  }
0x68: {  	_ =	shalt  }
0x69: {  	_ =	shalt  }
0x6a: {  	_ =	shalt  }
0x6b: {  	_ =	shalt  }
0x6c: {  	_ =	shalt  }
0x6d: {  	_ =	shalt  }
0x6e: {  	_ =	shalt  }
0x6f: {  	_ =	shalt  }
0x70: {  	_ =	shalt  }
0x71: {  	_ =	shalt  }
0x72: {  	_ =	shalt  }
0x73: {  	_ =	shalt  }
0x74: {  	_ =	shalt  }
0x75: {  	_ =	shalt  }
0x76: {  	_ =	shalt  }
0x77: {  	_ =	shalt  }
0x78: {  	_ =	shalt  }
0x79: {  	_ =	shalt  }
0x7a: {  	_ =	shalt  }
0x7b: {  	_ =	shalt  }
0x7c: {  	_ =	shalt  }
0x7d: {  	_ =	shalt  }
0x7e: {  	_ =	shalt  }
0x7f: {  	_ =	shalt  }
0x80: {  	_ =	shalt  }
0x81: {  	_ =	shalt  }
0x82: {  	_ =	shalt  }
0x83: {  	_ =	shalt  }
0x84: {  	_ =	shalt  }
0x85: {  	_ =	shalt  }
0x86: {  	_ =	shalt  }
0x87: {  	_ =	shalt  }
.Lfunc_end0:
.L_simem_size_0:
called_computation.1_lowered:
.L_overlay_start_0:
0x88: {  	s2 =	sld [smem:$0x3FD9]  }
0x89: {  	s3 =	sld [smem:$0x3FFE];
	_ =	sdelay $0x1  }
0x8a: {  	s1 =	srdreg.scid  }
0x8b: {  	s0 =	sand.u32 $0x1, s1  }
0x8c: {  	s17 =	sshll.u32 s0, $0xA;
	s2 =	sadd.s32 s3, s2  }
0x8d: {  	s2 =	sadd.s32 s2, s17  }
0x8e: {  	[smem:$0x3FBF] =	sst s2  }
0x8f: {  	_ = 	snop  }
0x90: {  	s18 =	sld [smem:$0x3FD0];
	(tm) =	ssettm $0x1  }
0x91: {  	s19 =	sld [smem:$0x3FFB];
	_ =	sdelay $0x3  }
0x92: {  	_ =	strace s19  }
0x93: {  	s2 =	sld [smem:$0x3FFC];
	_ =	sdelay $0x3  }
0x94: {  	_ =	strace s2  }
0x95: {  	s2 =	sld [smem:$0x3FFD];
	_ =	sdelay $0x3  }
0x96: {  	_ =	strace s2  }
0x97: {  	_ =	strace $0x8FFFFFFF  }
0x98: {  	s20 =	sld [smem:$0x3FDB];
	_ =	sdelay $0x1  }
0x99: {  	s4 =	simm.s32 $_scs_section_size  }
0x9a: {  	s5 =	simm.s32 $_size__tile_overlayer_lowered;
	s6 =	simm.s32 $_tile_overlayer_lowered  }
0x9b: {  	s7 =	simm.s32 $0x1BFF;
	s21 =	sshll.u32 s6, $0x1;
	s4 =	sadd.s32 s4, s20  }
0x9c: {  	s22 =	simm.s32 $0x0;
	s5 =	sshll.u32 s5, $0x1;
	s6 =	sadd.s32 s21, s4  }
0x9d: {  	[timem:s22], [sflag:s7] =	dma.local [hbm:s6], s5  }
0x9e: {  	_ =	swait.ge [sflag:s7], s5  }
0x9f: {  	s5 =	ssub.s32 $0x0, s5;
	[sflag:s7] =	ssyncset.done $0x0  }
0xa0: {  	[sflag:s7] =	ssyncadd.s32 s5;
	_ =	sdelay $0x1  }
0xa1: {  	s23 =	simm.s32 $0x1B8B  }
0xa2: {  	_ =	swait.ge [sflag:s23], $0x1  }
0xa3: {  	[sflag:s23] =	ssyncset.done $0x0  }
0xa4: {  	[sflag:s23] =	ssyncadd.s32 $0xFFFFFFFF  }
0xa5: {  	s5 =	sld [smem:$0x0]  }
0xa6: {  	s6 =	sand.u32 $0xFFFFFFFE, s1  }
0xa7: {  	p0 =	sne.s32 s1, s6  }
0xa8: {  	s6 =	sshll.u32 @p0 s6, $0xE  }
0xa9: {  	s6 =	sadd.s32 @p0 $0x11B8D, s6;
	s7 =	sshll.u32 @p0 s5, $0x11  }
0xaa: {  	s6 =	sor.u32 @p0 s7, s6  }
0xab: {  	[sflag:s6] =	ssyncadd.remote.s32 @p0 $0x1;
	_ =	sdelay $0x1  }
0xac: {  	s6 =	simm.s32 @p0 $0x1B8D  }
0xad: {  	_ =	swait.eq @p0 [sflag:s6], $0x1  }
0xae: {  	[sflag:s6] =	ssyncadd.s32 @p0 $0xFFFFFFFF  }
0xaf: {  	s7 =	sshll.u32 @!p0 s1, $0xE  }
0xb0: {  	s7 =	sor.u32 @!p0 $0x4000, s7;
	s6 =	simm.s32 @!p0 $0x1B8D  }
0xb1: {  	s5 =	sshll.u32 @!p0 s5, $0x11;
	s7 =	sadd.s32 @!p0 $0x11B8D, s7;
	_ =	swait.eq @!p0 [sflag:s6], $0x1  }
0xb2: {  	s5 =	sor.u32 @!p0 s5, s7;
	[sflag:s6] =	ssyncadd.s32 @!p0 $0xFFFFFFFF  }
0xb3: {  	s25 =	simm.s32 $0x1B8E;
	s24 =	sld [smem:$0x3FFE];
	[sflag:s5] =	ssyncadd.remote.s32 @!p0 $0x1  }
0xb4: {  	s26 =	simm.s32 $execute0_lowered;
	[smem:$0x3FD2] =	sst s25  }
0xb5: {  	s6 =	sshll.u32 s26, $0x1;
	_ =	strace $0x8000004F;
	[dreg:$0x1] =	wrdreg $0xFFFFFFFF  }
0xb6: {  	s28 =	simm.s32 $_size_execute0_lowered;
	s4 =	sadd.s32 s4, s6;
	[dreg:$0x0] =	wrdreg $0x0  }
0xb7: {  	s6 =	sshll.u32 s28, $0x1;
	[dreg:$0x2] =	wrdreg s4  }
0xb8: {  	[dreg:$0x3] =	wrdreg s6  }
0xb9: {  	[dreg:$0x4] =	wrdreg $0xC0  }
0xba: {  	_ =	task [dreg:s22], $0x5FFFF  }
0xbb: {  	[dreg:$0x1] =	wrdreg $0xFFFFFFFF  }
0xbc: {  	[dreg:$0x0] =	wrdreg $0x60  }
0xbd: {  	[dreg:$0x2] =	wrdreg s18  }
0xbe: {  	[dreg:$0x3] =	wrdreg s24  }
0xbf: {  	[dreg:$0x4] =	wrdreg $0xA  }
0xc0: {  	_ =	task.clear_ibuf [dreg:s22], $0x5FFFF;
	_ =	strace $0x9000004F  }
0xc1: {  	s29 =	simm.s32 $0xA;
	_ =	strace $0x80000051  }
0xc2: {  	_ =	swait.ge [sflag:s29], $0x1  }
0xc3: {  	[sflag:s29] =	ssyncadd.s32 $0xFFFFFFFF  }
0xc4: {  	_ =	strace $0x90000051  }
0xc5: {  	_ =	sfence  }
0xc6: {  	s30 =	sld [smem:$0x0];
	_ =	sdelay $0x2  }
0xc7: {  	s31 =	sshll.u32 s1, $0xD;
	s1 =	sshrl.u32 s1, $0x2  }
0xc8: {  	s4 =	sand.u32 $0x4000, s31;
	s1 =	sadd.s32 s1, s30  }
0xc9: {  	s0 =	sor.u32 s4, s0;
	s1 =	sshll.u32 s1, $0x11  }
0xca: {  	s0 =	sor.u32 s1, s0  }
0xcb: {  	s0 =	sadd.s32 $0x8F2B, s0  }
0xcc: {  	[sflag:s0] =	ssyncadd.remote.s32 $0x1  }
0xcd: {  	_ =	sfence.sel $0xFFFF  }
0xce: {  	[dreg:$0x0] =	wrdreg $0xFFFFFFFF;
	(pc) =	sbr.abs _section_cstart, $3  }
0xcf: {  	[dreg:$0x1] =	wrdreg $0xFFFFFFFF  }
0xd0: {  	_ =	task.clear_ibuf [dreg:s22], $0x2FFFF;
	_ =	strace $0x9FFFFFFF  }
0xd1: {  	(tm) =	ssettm $0x7FFFFFFF  }
tec
execute0_lowered:
.L_overlay_start_1:
0x0: {  	(tag) =	ssettag $0x1  }
0x1: {  	s2 =	rddreg [dreg:$0x0]  }
0x2: {  	s0 =	srdreg.scid;
	s9 =	stileid.u32  }
0x3: {  	s1 =	rddreg [dreg:$0x1];
	s3 =	simm.s32 $0x0;
	s15 =	simm.s32 $0x5  }
0x4: {  	s16 =	simm.s32 $0x7D0;
	s17 =	simm.s32 $0x50;
	s18 =	simm.s32 $0xFA0  }
0x5: {  	s19 =	simm.s32 $0x23A0;
	s20 =	simm.s32 $0x37A0;
	s22 =	simm.s32 $0x4BA0  }
0x6: {  	s23 =	simm.s32 $0x1;
	s24 =	simm.s32 $0x40;
	s25 =	simm.s32 $0x80  }
0x7: {  	s26 =	simm.s32 $0x3;
	s0 =	sand.u32 $0x1, s0;
	s4 =	sshll.u32 s9, $0x1  }
0x8: {  	s28 =	simm.s32 $0x2;
	s12 =	smul.u32 $0xFA00, s9;
	s5 =	sor.u32 s0, s4  }
0x9: {  	s31 =	simm.s32 $0x4;
	[smem:$0x7FF] =	sst s3;
	s6 =	smul.u32 $0x7D0, s5  }
0xa: {  	_ =	strace $0x80000050;
	s7 =	ssub.s32 $0x2, s0;
	s8 =	smul.u32 $0x3E800, s5  }
0xb: {  	s4 =	sadd.s32 $0x1A00, s1;
	s0 =	smul.u32 $0x7D00, s0;
	s29 =	sshrl.u32 s7, $0x1  }
0xc: {  	s13 =	ssub.s32 s7, s29;
	s6 =	sshrl.u32 s6, $0x3;
	s30 =	sshrl.u32 s8, $0x3  }
0xd: {  	s13 =	smax.u32 s13, $0x1;
	s6 =	sadd.s32 s6, s1;
	s1 =	sadd.s32 $0x313400, s1  }
0xe: {  	s5 =	sadd.s32 $0x23400, s6;
	s6 =	sadd.s32 $0x21400, s6;
	s7 =	sadd.s32 s1, s30  }
0xf: {  	s1 =	sadd.s32 s12, s1;
	s8 =	sadd.s32 $0x8, s7;
	s9 =	sadd.s32 $0x500, s7  }
0x10: {  	s10 =	sadd.s32 $0x508, s7;
	s11 =	sadd.s32 $0x7800, s7;
	s0 =	sadd.s32 s0, s1  }
0x11: {  	s12 =	sadd.s32 $0x7808, s7;
	s1 =	simm.s32 $0x0;
	s14 =	sadd.s32 $0xA00, s0  }
.LBB2_1:
0x12: {  	[tilespmem:s3], [sflag:$0x5] =	stream.linear.gather [hbm4b:s5+s3], $0x7D0, $0x38;
	[tilespmem:$0x5FA0] =	vst v63  }
0x13: {  	_ =	swait.ge [sflag:s15], $0x7D0  }
0x14: {  	[sflag:s15] =	ssyncset.done $0x0  }
0x15: {  	[sflag:s15] =	ssyncadd.s32 $0xFFFFF830  }
0x16: {  	[tilespmem:s16], [sflag:$0x5] =	stream.linear.gather [hbm4b:s6+s3], $0x7D0, $0x38;
	[tilespmem:$0x5FA0] =	vst v63  }
0x17: {  	_ =	swait.ge [sflag:s15], $0x7D0  }
0x18: {  	[sflag:s15] =	ssyncset.done $0x0  }
0x19: {  	[sflag:s15] =	ssyncadd.s32 $0xFFFFF830  }
0x1a: {  	[tilespmem:s18], [sflag:$0x1] =	stream.indirect.gather [hbm4b:s2+s17], $0x40, s3, s17, $0xb8;
	[tilespmem:$0x5FA0] =	vst v63  }
0x1b: {  	_ = 	snop  }
0x1c: {  	[tilespmem:s19], [sflag:$0x1] =	stream.indirect.gather [hbm4b:s4+s17], $0x40, s16, s17, $0xb8;
	[tilespmem:$0x5FA0] =	vst v63  }
0x1d: {  	_ = 	snop  }
0x1e: {  	[tilespmem:s20], [sflag:$0x3] =	stream.indirect.gather [hbm4b:s2+s17], $0x40, s17, s17, $0xb8;
	[tilespmem:$0x5FA0] =	vst v63  }
0x1f: {  	s0 =	simm.s32 $0x820  }
0x20: {  	[tilespmem:s22], [sflag:$0x3] =	stream.indirect.gather [hbm4b:s4+s17], $0x40, s0, s17, $0xb8;
	[tilespmem:$0x5FA0] =	vst v63  }
0x21: {  	_ =	swait.ge [sflag:s23], $0x1400  }
0x22: {  	[sflag:s23] =	ssyncset.done $0x0  }
0x23: {  	[sflag:s23] =	ssyncadd.s32 $0xFFFFEC00  }
0x24: {  	_ =	swait.ge [sflag:s23], $0x1400  }
0x25: {  	[sflag:s23] =	ssyncset.done $0x0  }
0x26: {  	[sflag:s23] =	ssyncadd.s32 $0xFFFFEC00  }
0x27: {  	[hbm4b:s7+s24] =	stream.strided.scatter [tilespmem:s18], [sflag:$0x2], $0x1400, s25, s24, $0x38;
	[tilespmem:$0x5FA0] =	vst v63  }
0x28: {  	_ = 	snop  }
0x29: {  	[hbm4b:s8+s24] =	stream.strided.scatter [tilespmem:s19], [sflag:$0x2], $0x1400, s25, s24, $0x38;
	[tilespmem:$0x5FA0] =	vst v63  }
0x2a: {  	_ =	swait.ge [sflag:s26], $0x1400  }
0x2b: {  	[sflag:s26] =	ssyncset.done $0x0  }
0x2c: {  	[sflag:s26] =	ssyncadd.s32 $0xFFFFEC00  }
0x2d: {  	_ =	swait.ge [sflag:s26], $0x1400  }
0x2e: {  	[sflag:s26] =	ssyncset.done $0x0  }
0x2f: {  	[sflag:s26] =	ssyncadd.s32 $0xFFFFEC00  }
0x30: {  	[hbm4b:s9+s24] =	stream.strided.scatter [tilespmem:s20], [sflag:$0x4], $0x1400, s25, s24, $0x38;
	[tilespmem:$0x5FA0] =	vst v63  }
0x31: {  	_ = 	snop  }
0x32: {  	[hbm4b:s10+s24] =	stream.strided.scatter [tilespmem:s22], [sflag:$0x4], $0x1400, s25, s24, $0x38;
	[tilespmem:$0x5FA0] =	vst v63  }
0x33: {  	_ =	swait.ge [sflag:s28], $0x1400  }
0x34: {  	[sflag:s28] =	ssyncset.done $0x0  }
0x35: {  	[sflag:s28] =	ssyncadd.s32 $0xFFFFEC00  }
0x36: {  	_ =	swait.ge [sflag:s28], $0x1400  }
0x37: {  	[sflag:s28] =	ssyncset.done $0x0  }
0x38: {  	s21 =	simm.s32 $0xA0;
	[sflag:s28] =	ssyncadd.s32 $0xFFFFEC00  }
0x39: {  	[tilespmem:s18], [sflag:$0x1] =	stream.indirect.gather [hbm4b:s2+s17], $0x40, s21, s17, $0xb8;
	[tilespmem:$0x5FA0] =	vst v63  }
0x3a: {  	s30 =	simm.s32 $0x870  }
0x3b: {  	[tilespmem:s19], [sflag:$0x1] =	stream.indirect.gather [hbm4b:s4+s17], $0x40, s30, s17, $0xb8;
	[tilespmem:$0x5FA0] =	vst v63  }
0x3c: {  	_ =	swait.ge [sflag:s31], $0x1400  }
0x3d: {  	[sflag:s31] =	ssyncset.done $0x0  }
0x3e: {  	[sflag:s31] =	ssyncadd.s32 $0xFFFFEC00  }
0x3f: {  	_ =	swait.ge [sflag:s31], $0x1400  }
0x40: {  	[sflag:s31] =	ssyncset.done $0x0  }
0x41: {  	s21 =	simm.s32 $0xF0;
	[sflag:s31] =	ssyncadd.s32 $0xFFFFEC00  }
0x42: {  	[tilespmem:s20], [sflag:$0x3] =	stream.indirect.gather [hbm4b:s2+s17], $0x40, s21, s17, $0xb8;
	[tilespmem:$0x5FA0] =	vst v63  }
0x43: {  	s30 =	simm.s32 $0x8C0  }
0x44: {  	[tilespmem:s22], [sflag:$0x3] =	stream.indirect.gather [hbm4b:s4+s17], $0x40, s30, s17, $0xb8;
	[tilespmem:$0x5FA0] =	vst v63  }
0x45: {  	_ =	swait.ge [sflag:s23], $0x1400  }
0x46: {  	[sflag:s23] =	ssyncset.done $0x0  }
0x47: {  	[sflag:s23] =	ssyncadd.s32 $0xFFFFEC00  }
0x48: {  	_ =	swait.ge [sflag:s23], $0x1400  }
0x49: {  	[sflag:s23] =	ssyncset.done $0x0  }
0x4a: {  	[sflag:s23] =	ssyncadd.s32 $0xFFFFEC00  }
0x4b: {  	[hbm4b:s14+s24] =	stream.strided.scatter [tilespmem:s18], [sflag:$0x2], $0x1400, s25, s24, $0x38;
	[tilespmem:$0x5FA0] =	vst v63  }
0x4c: {  	s21 =	sadd.s32 $0x8, s14  }
0x4d: {  	[hbm4b:s21+s24] =	stream.strided.scatter [tilespmem:s19], [sflag:$0x2], $0x1400, s25, s24, $0x38;
	[tilespmem:$0x5FA0] =	vst v63  }
0x4e: {  	_ =	swait.ge [sflag:s26], $0x1400  }
0x4f: {  	[sflag:s26] =	ssyncset.done $0x0  }
0x50: {  	[sflag:s26] =	ssyncadd.s32 $0xFFFFEC00  }
0x51: {  	_ =	swait.ge [sflag:s26], $0x1400  }
0x52: {  	[sflag:s26] =	ssyncset.done $0x0  }
0x53: {  	s30 =	sadd.s32 $0x500, s14;
	[sflag:s26] =	ssyncadd.s32 $0xFFFFEC00  }
0x54: {  	[hbm4b:s30+s24] =	stream.strided.scatter [tilespmem:s20], [sflag:$0x4], $0x1400, s25, s24, $0x38;
	[tilespmem:$0x5FA0] =	vst v63  }
0x55: {  	s21 =	sadd.s32 $0x508, s14  }
0x56: {  	[hbm4b:s21+s24] =	stream.strided.scatter [tilespmem:s22], [sflag:$0x4], $0x1400, s25, s24, $0x38;
	[tilespmem:$0x5FA0] =	vst v63  }
0x57: {  	_ =	swait.ge [sflag:s28], $0x1400  }
0x58: {  	[sflag:s28] =	ssyncset.done $0x0  }
0x59: {  	[sflag:s28] =	ssyncadd.s32 $0xFFFFEC00  }
0x5a: {  	_ =	swait.ge [sflag:s28], $0x1400  }
0x5b: {  	s29 =	simm.s32 $0x910;
	s0 =	simm.s32 $0x280;
	[sflag:s28] =	ssyncset.done $0x0  }
0x5c: {  	s30 =	simm.s32 $0x140;
	s21 =	sadd.s32 $0xA00, s14;
	[sflag:s28] =	ssyncadd.s32 $0xFFFFEC00  }
0x5d: {  	[tilespmem:s18], [sflag:$0x1] =	stream.indirect.gather [hbm4b:s2+s17], $0x40, s30, s17, $0xb8;
	[tilespmem:$0x5FA0] =	vst v63  }
.LBB2_2:
0x5e: {  	[tilespmem:s19], [sflag:$0x1] =	stream.indirect.gather [hbm4b:s4+s17], $0x40, s29, s17, $0xb8;
	[tilespmem:$0x5FA0] =	vst v63  }
0x5f: {  	s29 =	smov.u32 s0  }
0x60: {  	p0 =	sne.s32 s0, $0x1900;
	s0 =	sadd.s32 $0x280, s0;
	_ =	swait.ge [sflag:s31], $0x1400  }
0x61: {  	[sflag:s31] =	ssyncset.done $0x0  }
0x62: {  	[sflag:s31] =	ssyncadd.s32 $0xFFFFEC00  }
0x63: {  	_ =	swait.ge [sflag:s31], $0x1400  }
0x64: {  	s29 =	sshra.s32 s29, $0x2;
	[sflag:s31] =	ssyncset.done $0x0  }
0x65: {  	s30 =	sadd.s32 $0xF0, s29;
	[sflag:s31] =	ssyncadd.s32 $0xFFFFEC00  }
0x66: {  	[tilespmem:s20], [sflag:$0x3] =	stream.indirect.gather [hbm4b:s2+s17], $0x40, s30, s17, $0xb8;
	[tilespmem:$0x5FA0] =	vst v63  }
0x67: {  	s30 =	sadd.s32 $0x8C0, s29  }
0x68: {  	[tilespmem:s22], [sflag:$0x3] =	stream.indirect.gather [hbm4b:s4+s17], $0x40, s30, s17, $0xb8;
	[tilespmem:$0x5FA0] =	vst v63  }
0x69: {  	_ =	swait.ge [sflag:s23], $0x1400  }
0x6a: {  	[sflag:s23] =	ssyncset.done $0x0  }
0x6b: {  	[sflag:s23] =	ssyncadd.s32 $0xFFFFEC00  }
0x6c: {  	_ =	swait.ge [sflag:s23], $0x1400  }
0x6d: {  	[sflag:s23] =	ssyncset.done $0x0  }
0x6e: {  	[sflag:s23] =	ssyncadd.s32 $0xFFFFEC00  }
0x6f: {  	[hbm4b:s21+s24] =	stream.strided.scatter [tilespmem:s18], [sflag:$0x2], $0x1400, s25, s24, $0x38;
	[tilespmem:$0x5FA0] =	vst v63  }
0x70: {  	s30 =	sadd.s32 $0x8, s21  }
0x71: {  	[hbm4b:s30+s24] =	stream.strided.scatter [tilespmem:s19], [sflag:$0x2], $0x1400, s25, s24, $0x38;
	[tilespmem:$0x5FA0] =	vst v63  }
0x72: {  	_ =	swait.ge [sflag:s26], $0x1400  }
0x73: {  	[sflag:s26] =	ssyncset.done $0x0  }
0x74: {  	[sflag:s26] =	ssyncadd.s32 $0xFFFFEC00  }
0x75: {  	_ =	swait.ge [sflag:s26], $0x1400  }
0x76: {  	[sflag:s26] =	ssyncset.done $0x0  }
0x77: {  	s30 =	sadd.s32 $0x500, s21;
	[sflag:s26] =	ssyncadd.s32 $0xFFFFEC00  }
0x78: {  	[hbm4b:s30+s24] =	stream.strided.scatter [tilespmem:s20], [sflag:$0x4], $0x1400, s25, s24, $0x38;
	[tilespmem:$0x5FA0] =	vst v63  }
0x79: {  	s30 =	sadd.s32 $0x508, s21  }
0x7a: {  	[hbm4b:s30+s24] =	stream.strided.scatter [tilespmem:s22], [sflag:$0x4], $0x1400, s25, s24, $0x38;
	[tilespmem:$0x5FA0] =	vst v63  }
0x7b: {  	_ =	swait.ge [sflag:s28], $0x1400  }
0x7c: {  	[sflag:s28] =	ssyncset.done $0x0  }
0x7d: {  	[sflag:s28] =	ssyncadd.s32 $0xFFFFEC00  }
.Ltmp0:
0x7e: {  	_ =	swait.ge [sflag:s28], $0x1400;
	(pc) =	sbr.rel @p0 .LBB2_2-.Ltmp0, $4  }
0x7f: {  	[sflag:s28] =	ssyncset.done $0x0  }
0x80: {  	s30 =	sadd.s32 $0x140, s29;
	[sflag:s28] =	ssyncadd.s32 $0xFFFFEC00  }
0x81: {  	[tilespmem:s18], [sflag:$0x1] =	stream.indirect.gather [hbm4b:s2+s17], $0x40, s30, s17, $0xb8;
	[tilespmem:$0x5FA0] =	vst v63  }
0x82: {  	s21 =	sadd.s32 $0xA00, s21;
	s29 =	sadd.s32 $0x910, s29  }
0x83: {  	[tilespmem:s19], [sflag:$0x1] =	stream.indirect.gather [hbm4b:s4+s17], $0x40, s29, s17, $0xb8;
	[tilespmem:$0x5FA0] =	vst v63  }
0x84: {  	_ =	swait.ge [sflag:s23], $0x1400  }
0x85: {  	[sflag:s23] =	ssyncset.done $0x0  }
0x86: {  	[sflag:s23] =	ssyncadd.s32 $0xFFFFEC00  }
0x87: {  	_ =	swait.ge [sflag:s23], $0x1400  }
0x88: {  	[sflag:s23] =	ssyncset.done $0x0  }
0x89: {  	[sflag:s23] =	ssyncadd.s32 $0xFFFFEC00  }
0x8a: {  	[hbm4b:s11+s24] =	stream.strided.scatter [tilespmem:s18], [sflag:$0x2], $0x1400, s25, s24, $0x38;
	[tilespmem:$0x5FA0] =	vst v63  }
0x8b: {  	_ = 	snop  }
0x8c: {  	[hbm4b:s12+s24] =	stream.strided.scatter [tilespmem:s19], [sflag:$0x2], $0x1400, s25, s24, $0x38;
	[tilespmem:$0x5FA0] =	vst v63  }
0x8d: {  	_ =	swait.ge [sflag:s28], $0x1400  }
0x8e: {  	[sflag:s28] =	ssyncset.done $0x0  }
0x8f: {  	[sflag:s28] =	ssyncadd.s32 $0xFFFFEC00  }
0x90: {  	_ =	swait.ge [sflag:s28], $0x1400  }
0x91: {  	[sflag:s28] =	ssyncset.done $0x0  }
0x92: {  	s1 =	sadd.s32 $0x1, s1;
	[sflag:s28] =	ssyncadd.s32 $0xFFFFEC00  }
0x93: {  	p0 =	sne.s32 s1, s13;
	_ =	swait.ge [sflag:s31], $0x1400  }
.Ltmp1:
0x94: {  	[sflag:s31] =	ssyncset.done $0x0;
	(pc) =	sbr.rel @p0 .LBB2_1-.Ltmp1, $4  }
0x95: {  	[sflag:s31] =	ssyncadd.s32 $0xFFFFEC00  }
0x96: {  	_ =	swait.ge [sflag:s31], $0x1400  }
0x97: {  	[sflag:s31] =	ssyncset.done $0x0  }
0x98: {  	[sflag:s31] =	ssyncadd.s32 $0xFFFFEC00  }
0x99: {  	_ =	sfence.sel $0x180000  }
0x9a: {  	[bflag:$0x0] =	sbarrier.arrive $0xFFFF  }
0x9b: {  	_ =	strace $0x90000050  }
0x9c: {  	s0 =	stileid.u32;
	[bflag:$0x2] =	sbarrier.arrive $0xFFFF  }
0x9d: {  	p0 =	sne.s32 s0, $0x0;
	s0 =	rddreg [dreg:$0x2]  }
0x9e: {  	s0 =	sadd.s32 @!p0 $0x100000, s0  }
0x9f: {  	[sflag:s0] =	ssyncadd.tile.s32 @!p0 $0x1;
	_ =	shalt  }
.Lfunc_end2:
_tile_overlayer_lowered:
.L_overlay_start_2:
0xa0: {  	(tag) =	ssettag $0x2  }
0xa1: {  	s0 =	rddreg [dreg:$0x0];
	s2 =	stileid.u32  }
0xa2: {  	s1 =	rddreg [dreg:$0x1];
	p0 =	sne.s32 s2, $0x0  }
0xa3: {  	s3 =	rddreg [dreg:$0x2];
	[bflag:$0x3] =	sbarrier.arrive $0xFFFF;
	s2 =	simm.s32 @!p0 $0x1C05  }
0xa4: {  	[timem:s3], [sflag:s2] =	dma.local @!p0 [hbm:s0], s1  }
0xa5: {  	s0 =	simm.s32 @!p0 $0x5  }
0xa6: {  	_ =	swait.ge @!p0 [sflag:s0], s1  }
0xa7: {  	s1 =	ssub.s32 @!p0 $0x0, s1;
	[sflag:s0] =	ssyncset.done @!p0 $0x0  }
0xa8: {  	[sflag:s0] =	ssyncadd.s32 @!p0 s1  }
0xa9: {  	[bflag:$0x3] =	sbarrier.arrive $0xFFFF  }
0xaa: {  	_ =	shalt  }

// kernel: kernel.19.cloned.1.call-start
scs
__scs_entry_jumppad:
0x0: {  	(pc) =	sbr.rel $0x88, $3  }
0x1: {  	(tag) =	ssettag $0x0;
	lr =	simm.s32 $0x1  }
0x2: {  	[smem:$0x3F98] =	sst lr;
	_ =	strace $0xD0000000  }
0x3: {  	_ = 	snop  }
0x4: {  	_ = 	snop  }
0x5: {  	_ = 	snop  }
0x6: {  	_ = 	snop  }
0x7: {  	_ = 	snop  }
__scs_overlays_trampoline_lowered:
0x8: {  	[smem:$0x3FA7] =	sst s0  }
0x9: {  	[smem:$0x3FA8] =	sst s1  }
0xa: {  	[smem:$0x3FA9] =	sst s2  }
0xb: {  	[smem:$0x3FAA] =	sst s3  }
0xc: {  	[smem:$0x3FAB] =	sst s4  }
0xd: {  	[smem:$0x3FAC] =	sst s5  }
0xe: {  	[smem:$0x3FAD] =	sst s6  }
0xf: {  	[smem:$0x3FAE] =	sst s7  }
0x10: {  	[smem:$0x3FAF] =	sst s8  }
0x11: {  	[smem:$0x3FB0] =	sst s9;
	s0 =	simm.s32 @!p0 $0x0  }
0x12: {  	s1 =	sld [smem:$0x3F96];
	s0 =	simm.s32 @p0 $0x1  }
0x13: {  	[smem:$0x3FB1] =	sst s0;
	s0 =	simm.s32 @!p1 $0x0  }
0x14: {  	s2 =	sld [smem:$0x3F95];
	s0 =	simm.s32 @p1 $0x1  }
0x15: {  	[smem:$0x3FB2] =	sst s0;
	s0 =	simm.s32 @!p2 $0x0  }
0x16: {  	s3 =	sld [smem:$0x3FDB];
	s0 =	simm.s32 @p2 $0x1  }
0x17: {  	s4 =	simm.s32 $0x1BF5;
	[smem:$0x3FB4] =	sst s0  }
0x18: {  	s0 =	sld [smem:$0x3F97];
	_ =	swait.ge [sflag:s4], $0x0  }
0x19: {  	s7 =	sld [smem:$0x3F98]  }
0x1a: {  	s8 =	sadd.s32 $0xFFFFE003, lr  }
0x1b: {  	s9 =	sadd.s32 $0xFFFFFEF7, lr;
	s5 =	simm.s32 $0xFFFFFFFF;
	p2 =	slt.u32 s8, $0xFFFFF086  }
0x1c: {  	p1 =	slt.u32 s9, $0xF7A;
	s5 =	simm.s32 @!p2 $0x0  }
0x1d: {  	s5 =	simm.s32 @p1 $0x1;
	p0 =	seq.s32 s7, s2  }
0x1e: {  	s7 =	smul.u32 @!p0 $0xF7A, s2;
	p2 =	seq.s32 @!p0 s5, $0x0  }
0x1f: {  	s9 =	smul.u32 $0xF7A, s1;
	s8 =	simm.s32 @!p0 $0x1BF5;
	p2 =	por !p2, p0  }
0x20: {  	[sflag:s8] =	ssyncset.s32 @!p0 $0xFFFFF086;
	s6 =	sadd.s32 @!p0 s3, s7;
	s7 =	simm.s32 @!p0 $0x108  }
0x21: {  	s3 =	sadd.s32 s3, s9;
	s6 =	sadd.s32 @!p0 $0x88, s6;
	s7 =	simm.s32 @p2 $0x1082  }
0x22: {  	[simem:s7], [sflag:s8] =	dma.local @!p0 [hbm:s6], $0xF7A  }
0x23: {  	s9 =	sor.u32 $0xD0000000, s2;
	s6 =	simm.s32 $0x108;
	_ =	swait.ge @!p0 [sflag:s8], $0x0  }
0x24: {  	s3 =	sadd.s32 $0x88, s3;
	s6 =	simm.s32 @!p1 $0x1082;
	[sflag:s4] =	ssyncset.s32 $0xFFFFF086  }
0x25: {  	[simem:s6], [sflag:s4] =	dma.local [hbm:s3], $0xF7A  }
0x26: {  	[smem:$0x3F98] =	sst s1;
	(tag) =	ssettag s2;
	_ =	strace s9  }
0x27: {  	s1 =	sld [smem:$0x3FA8]  }
0x28: {  	s2 =	sld [smem:$0x3FA9]  }
0x29: {  	s4 =	sld [smem:$0x3FAB]  }
0x2a: {  	p0 =	seq.s32 s5, $0x0;
	s5 =	sld [smem:$0x3FAC]  }
0x2b: {  	s6 =	sld [smem:$0x3FAD]  }
0x2c: {  	s7 =	sld [smem:$0x3FAE]  }
0x2d: {  	s3 =	simm.s32 $0x108;
	s8 =	sld [smem:$0x3FAF]  }
0x2e: {  	s3 =	simm.s32 @!p0 $0x1082;
	s9 =	sld [smem:$0x3FB0]  }
0x2f: {  	lr =	sadd.s32 s0, s3;
	s0 =	sld [smem:$0x3FA7]  }
0x30: {  	s3 =	sld [smem:$0x3FAA]  }
0x31: {  	[smem:$0x3FB3] =	sst s10  }
0x32: {  	s10 =	sld [smem:$0x3FB1];
	_ =	sdelay $0x3  }
0x33: {  	p0 =	seq.s32 s10, $0x1;
	s10 =	sld [smem:$0x3FB3];
	_ =	sdelay $0x3  }
0x34: {  	[smem:$0x3FB3] =	sst s10  }
0x35: {  	s10 =	sld [smem:$0x3FB2];
	_ =	sdelay $0x3  }
0x36: {  	p1 =	seq.s32 s10, $0x1;
	s10 =	sld [smem:$0x3FB3];
	_ =	sdelay $0x3  }
0x37: {  	[smem:$0x3FB3] =	sst s10  }
0x38: {  	s10 =	sld [smem:$0x3FB4]  }
0x39: {  	_ = 	snop;
	(pc) =	sbr.ind lr, $3  }
0x3a: {  	_ = 	snop  }
0x3b: {  	_ = 	snop  }
0x3c: {  	p2 =	seq.s32 s10, $0x1;
	s10 =	sld [smem:$0x3FB3]  }
0x3d: {  	_ =	shalt  }
0x3e: {  	_ =	shalt  }
0x3f: {  	_ =	shalt  }
0x40: {  	_ =	shalt  }
0x41: {  	_ =	shalt  }
0x42: {  	_ =	shalt  }
0x43: {  	_ =	shalt  }
0x44: {  	_ =	shalt  }
0x45: {  	_ =	shalt  }
0x46: {  	_ =	shalt  }
0x47: {  	_ =	shalt  }
0x48: {  	_ =	shalt  }
0x49: {  	_ =	shalt  }
0x4a: {  	_ =	shalt  }
0x4b: {  	_ =	shalt  }
0x4c: {  	_ =	shalt  }
0x4d: {  	_ =	shalt  }
0x4e: {  	_ =	shalt  }
0x4f: {  	_ =	shalt  }
0x50: {  	_ =	shalt  }
0x51: {  	_ =	shalt  }
0x52: {  	_ =	shalt  }
0x53: {  	_ =	shalt  }
0x54: {  	_ =	shalt  }
0x55: {  	_ =	shalt  }
0x56: {  	_ =	shalt  }
0x57: {  	_ =	shalt  }
0x58: {  	_ =	shalt  }
0x59: {  	_ =	shalt  }
0x5a: {  	_ =	shalt  }
0x5b: {  	_ =	shalt  }
0x5c: {  	_ =	shalt  }
0x5d: {  	_ =	shalt  }
0x5e: {  	_ =	shalt  }
0x5f: {  	_ =	shalt  }
0x60: {  	_ =	shalt  }
0x61: {  	_ =	shalt  }
0x62: {  	_ =	shalt  }
0x63: {  	_ =	shalt  }
0x64: {  	_ =	shalt  }
0x65: {  	_ =	shalt  }
0x66: {  	_ =	shalt  }
0x67: {  	_ =	shalt  }
0x68: {  	_ =	shalt  }
0x69: {  	_ =	shalt  }
0x6a: {  	_ =	shalt  }
0x6b: {  	_ =	shalt  }
0x6c: {  	_ =	shalt  }
0x6d: {  	_ =	shalt  }
0x6e: {  	_ =	shalt  }
0x6f: {  	_ =	shalt  }
0x70: {  	_ =	shalt  }
0x71: {  	_ =	shalt  }
0x72: {  	_ =	shalt  }
0x73: {  	_ =	shalt  }
0x74: {  	_ =	shalt  }
0x75: {  	_ =	shalt  }
0x76: {  	_ =	shalt  }
0x77: {  	_ =	shalt  }
0x78: {  	_ =	shalt  }
0x79: {  	_ =	shalt  }
0x7a: {  	_ =	shalt  }
0x7b: {  	_ =	shalt  }
0x7c: {  	_ =	shalt  }
0x7d: {  	_ =	shalt  }
0x7e: {  	_ =	shalt  }
0x7f: {  	_ =	shalt  }
0x80: {  	_ =	shalt  }
0x81: {  	_ =	shalt  }
0x82: {  	_ =	shalt  }
0x83: {  	_ =	shalt  }
0x84: {  	_ =	shalt  }
0x85: {  	_ =	shalt  }
0x86: {  	_ =	shalt  }
0x87: {  	_ =	shalt  }
.Lfunc_end0:
.L_simem_size_0:
called_computation.2_lowered:
.L_overlay_start_0:
0x88: {  	s2 =	sld [smem:$0x3FD9]  }
0x89: {  	s3 =	sld [smem:$0x3FFE];
	_ =	sdelay $0x1  }
0x8a: {  	s1 =	srdreg.scid  }
0x8b: {  	s0 =	sand.u32 $0x1, s1  }
0x8c: {  	s17 =	sshll.u32 s0, $0xA;
	s2 =	sadd.s32 s3, s2  }
0x8d: {  	s2 =	sadd.s32 s2, s17  }
0x8e: {  	[smem:$0x3FBF] =	sst s2  }
0x8f: {  	_ = 	snop  }
0x90: {  	s18 =	sld [smem:$0x3FD0];
	(tm) =	ssettm $0x1  }
0x91: {  	s19 =	sld [smem:$0x3FFB];
	_ =	sdelay $0x3  }
0x92: {  	_ =	strace s19  }
0x93: {  	s2 =	sld [smem:$0x3FFC];
	_ =	sdelay $0x3  }
0x94: {  	_ =	strace s2  }
0x95: {  	s2 =	sld [smem:$0x3FFD];
	_ =	sdelay $0x3  }
0x96: {  	_ =	strace s2  }
0x97: {  	_ =	strace $0x8FFFFFFF  }
0x98: {  	s20 =	sld [smem:$0x3FDB];
	_ =	sdelay $0x1  }
0x99: {  	s4 =	simm.s32 $_scs_section_size  }
0x9a: {  	s5 =	simm.s32 $_size__tile_overlayer_lowered;
	s6 =	simm.s32 $_tile_overlayer_lowered  }
0x9b: {  	s7 =	simm.s32 $0x1BFF;
	s21 =	sshll.u32 s6, $0x1;
	s4 =	sadd.s32 s4, s20  }
0x9c: {  	s22 =	simm.s32 $0x0;
	s5 =	sshll.u32 s5, $0x1;
	s6 =	sadd.s32 s21, s4  }
0x9d: {  	[timem:s22], [sflag:s7] =	dma.local [hbm:s6], s5  }
0x9e: {  	_ =	swait.ge [sflag:s7], s5  }
0x9f: {  	s5 =	ssub.s32 $0x0, s5;
	[sflag:s7] =	ssyncset.done $0x0  }
0xa0: {  	[sflag:s7] =	ssyncadd.s32 s5;
	_ =	sdelay $0x1  }
0xa1: {  	s23 =	simm.s32 $0x1B8B  }
0xa2: {  	_ =	swait.ge [sflag:s23], $0x1  }
0xa3: {  	[sflag:s23] =	ssyncset.done $0x0  }
0xa4: {  	[sflag:s23] =	ssyncadd.s32 $0xFFFFFFFF  }
0xa5: {  	s5 =	sld [smem:$0x0]  }
0xa6: {  	s6 =	sand.u32 $0xFFFFFFFE, s1  }
0xa7: {  	p0 =	sne.s32 s1, s6  }
0xa8: {  	s6 =	sshll.u32 @p0 s6, $0xE  }
0xa9: {  	s6 =	sadd.s32 @p0 $0x11B8D, s6;
	s7 =	sshll.u32 @p0 s5, $0x11  }
0xaa: {  	s6 =	sor.u32 @p0 s7, s6  }
0xab: {  	[sflag:s6] =	ssyncadd.remote.s32 @p0 $0x1;
	_ =	sdelay $0x1  }
0xac: {  	s6 =	simm.s32 @p0 $0x1B8D  }
0xad: {  	_ =	swait.eq @p0 [sflag:s6], $0x1  }
0xae: {  	[sflag:s6] =	ssyncadd.s32 @p0 $0xFFFFFFFF  }
0xaf: {  	s7 =	sshll.u32 @!p0 s1, $0xE  }
0xb0: {  	s7 =	sor.u32 @!p0 $0x4000, s7;
	s6 =	simm.s32 @!p0 $0x1B8D  }
0xb1: {  	s5 =	sshll.u32 @!p0 s5, $0x11;
	s7 =	sadd.s32 @!p0 $0x11B8D, s7;
	_ =	swait.eq @!p0 [sflag:s6], $0x1  }
0xb2: {  	s5 =	sor.u32 @!p0 s5, s7;
	[sflag:s6] =	ssyncadd.s32 @!p0 $0xFFFFFFFF  }
0xb3: {  	s25 =	simm.s32 $0x1B8E;
	s24 =	sld [smem:$0x3FFE];
	[sflag:s5] =	ssyncadd.remote.s32 @!p0 $0x1  }
0xb4: {  	s26 =	simm.s32 $execute0_lowered;
	[smem:$0x3FD2] =	sst s25  }
0xb5: {  	s6 =	sshll.u32 s26, $0x1;
	_ =	strace $0x8000004C;
	[dreg:$0x1] =	wrdreg $0xFFFFFFFF  }
0xb6: {  	s28 =	simm.s32 $_size_execute0_lowered;
	s4 =	sadd.s32 s4, s6;
	[dreg:$0x0] =	wrdreg $0x0  }
0xb7: {  	s6 =	sshll.u32 s28, $0x1;
	[dreg:$0x2] =	wrdreg s4  }
0xb8: {  	[dreg:$0x3] =	wrdreg s6  }
0xb9: {  	[dreg:$0x4] =	wrdreg $0xC0  }
0xba: {  	_ =	task [dreg:s22], $0x5FFFF  }
0xbb: {  	[dreg:$0x1] =	wrdreg $0xFFFFFFFF  }
0xbc: {  	[dreg:$0x0] =	wrdreg $0x60  }
0xbd: {  	[dreg:$0x2] =	wrdreg s18  }
0xbe: {  	[dreg:$0x3] =	wrdreg s24  }
0xbf: {  	[dreg:$0x4] =	wrdreg $0xB  }
0xc0: {  	_ =	task.clear_ibuf [dreg:s22], $0x5FFFF;
	_ =	strace $0x9000004C  }
0xc1: {  	s29 =	simm.s32 $0xB;
	_ =	strace $0x8000004E  }
0xc2: {  	_ =	swait.ge [sflag:s29], $0x1  }
0xc3: {  	[sflag:s29] =	ssyncadd.s32 $0xFFFFFFFF  }
0xc4: {  	_ =	strace $0x9000004E  }
0xc5: {  	_ =	sfence  }
0xc6: {  	s30 =	sld [smem:$0x0];
	_ =	sdelay $0x2  }
0xc7: {  	s31 =	sshll.u32 s1, $0xD;
	s1 =	sshrl.u32 s1, $0x2  }
0xc8: {  	s4 =	sand.u32 $0x4000, s31;
	s1 =	sadd.s32 s1, s30  }
0xc9: {  	s0 =	sor.u32 s4, s0;
	s1 =	sshll.u32 s1, $0x11  }
0xca: {  	s0 =	sor.u32 s1, s0  }
0xcb: {  	s0 =	sadd.s32 $0x8F2B, s0  }
0xcc: {  	[sflag:s0] =	ssyncadd.remote.s32 $0x1  }
0xcd: {  	_ =	sfence.sel $0xFFFF  }
0xce: {  	[dreg:$0x0] =	wrdreg $0xFFFFFFFF;
	(pc) =	sbr.abs _section_cstart, $3  }
0xcf: {  	[dreg:$0x1] =	wrdreg $0xFFFFFFFF  }
0xd0: {  	_ =	task.clear_ibuf [dreg:s22], $0x2FFFF;
	_ =	strace $0x9FFFFFFF  }
0xd1: {  	(tm) =	ssettm $0x7FFFFFFF  }
tec
execute0_lowered:
.L_overlay_start_1:
0x0: {  	(tag) =	ssettag $0x1  }
0x1: {  	s2 =	rddreg [dreg:$0x0]  }
0x2: {  	s0 =	srdreg.scid;
	s9 =	stileid.u32  }
0x3: {  	s1 =	rddreg [dreg:$0x1];
	s3 =	simm.s32 $0x0;
	s15 =	simm.s32 $0x5  }
0x4: {  	s16 =	simm.s32 $0x7D0;
	s17 =	simm.s32 $0x50;
	s18 =	simm.s32 $0xFA0  }
0x5: {  	s19 =	simm.s32 $0x23A0;
	s20 =	simm.s32 $0x37A0;
	s22 =	simm.s32 $0x4BA0  }
0x6: {  	s23 =	simm.s32 $0x1;
	s24 =	simm.s32 $0x40;
	s25 =	simm.s32 $0x80  }
0x7: {  	s26 =	simm.s32 $0x3;
	s0 =	sand.u32 $0x1, s0;
	s4 =	sshll.u32 s9, $0x1  }
0x8: {  	s28 =	simm.s32 $0x2;
	s12 =	smul.u32 $0xFA00, s9;
	s5 =	sor.u32 s0, s4  }
0x9: {  	s31 =	simm.s32 $0x4;
	[smem:$0x7FF] =	sst s3;
	s6 =	smul.u32 $0x7D0, s5  }
0xa: {  	_ =	strace $0x8000004D;
	s7 =	ssub.s32 $0x2, s0;
	s8 =	smul.u32 $0x3E800, s5  }
0xb: {  	s4 =	sadd.s32 $0x1A00, s1;
	s0 =	smul.u32 $0x7D00, s0;
	s29 =	sshrl.u32 s7, $0x1  }
0xc: {  	s13 =	ssub.s32 s7, s29;
	s6 =	sshrl.u32 s6, $0x3;
	s30 =	sshrl.u32 s8, $0x3  }
0xd: {  	s13 =	smax.u32 s13, $0x1;
	s6 =	sadd.s32 s6, s1;
	s1 =	sadd.s32 $0x219400, s1  }
0xe: {  	s5 =	sadd.s32 $0x1F400, s6;
	s6 =	sadd.s32 $0x1D400, s6;
	s7 =	sadd.s32 s1, s30  }
0xf: {  	s1 =	sadd.s32 s12, s1;
	s8 =	sadd.s32 $0x8, s7;
	s9 =	sadd.s32 $0x500, s7  }
0x10: {  	s10 =	sadd.s32 $0x508, s7;
	s11 =	sadd.s32 $0x7800, s7;
	s0 =	sadd.s32 s0, s1  }
0x11: {  	s12 =	sadd.s32 $0x7808, s7;
	s1 =	simm.s32 $0x0;
	s14 =	sadd.s32 $0xA00, s0  }
.LBB2_1:
0x12: {  	[tilespmem:s3], [sflag:$0x5] =	stream.linear.gather [hbm4b:s5+s3], $0x7D0, $0x38;
	[tilespmem:$0x5FA0] =	vst v63  }
0x13: {  	_ =	swait.ge [sflag:s15], $0x7D0  }
0x14: {  	[sflag:s15] =	ssyncset.done $0x0  }
0x15: {  	[sflag:s15] =	ssyncadd.s32 $0xFFFFF830  }
0x16: {  	[tilespmem:s16], [sflag:$0x5] =	stream.linear.gather [hbm4b:s6+s3], $0x7D0, $0x38;
	[tilespmem:$0x5FA0] =	vst v63  }
0x17: {  	_ =	swait.ge [sflag:s15], $0x7D0  }
0x18: {  	[sflag:s15] =	ssyncset.done $0x0  }
0x19: {  	[sflag:s15] =	ssyncadd.s32 $0xFFFFF830  }
0x1a: {  	[tilespmem:s18], [sflag:$0x1] =	stream.indirect.gather [hbm4b:s2+s17], $0x40, s3, s17, $0xb8;
	[tilespmem:$0x5FA0] =	vst v63  }
0x1b: {  	_ = 	snop  }
0x1c: {  	[tilespmem:s19], [sflag:$0x1] =	stream.indirect.gather [hbm4b:s4+s17], $0x40, s16, s17, $0xb8;
	[tilespmem:$0x5FA0] =	vst v63  }
0x1d: {  	_ = 	snop  }
0x1e: {  	[tilespmem:s20], [sflag:$0x3] =	stream.indirect.gather [hbm4b:s2+s17], $0x40, s17, s17, $0xb8;
	[tilespmem:$0x5FA0] =	vst v63  }
0x1f: {  	s0 =	simm.s32 $0x820  }
0x20: {  	[tilespmem:s22], [sflag:$0x3] =	stream.indirect.gather [hbm4b:s4+s17], $0x40, s0, s17, $0xb8;
	[tilespmem:$0x5FA0] =	vst v63  }
0x21: {  	_ =	swait.ge [sflag:s23], $0x1400  }
0x22: {  	[sflag:s23] =	ssyncset.done $0x0  }
0x23: {  	[sflag:s23] =	ssyncadd.s32 $0xFFFFEC00  }
0x24: {  	_ =	swait.ge [sflag:s23], $0x1400  }
0x25: {  	[sflag:s23] =	ssyncset.done $0x0  }
0x26: {  	[sflag:s23] =	ssyncadd.s32 $0xFFFFEC00  }
0x27: {  	[hbm4b:s7+s24] =	stream.strided.scatter [tilespmem:s18], [sflag:$0x2], $0x1400, s25, s24, $0x38;
	[tilespmem:$0x5FA0] =	vst v63  }
0x28: {  	_ = 	snop  }
0x29: {  	[hbm4b:s8+s24] =	stream.strided.scatter [tilespmem:s19], [sflag:$0x2], $0x1400, s25, s24, $0x38;
	[tilespmem:$0x5FA0] =	vst v63  }
0x2a: {  	_ =	swait.ge [sflag:s26], $0x1400  }
0x2b: {  	[sflag:s26] =	ssyncset.done $0x0  }
0x2c: {  	[sflag:s26] =	ssyncadd.s32 $0xFFFFEC00  }
0x2d: {  	_ =	swait.ge [sflag:s26], $0x1400  }
0x2e: {  	[sflag:s26] =	ssyncset.done $0x0  }
0x2f: {  	[sflag:s26] =	ssyncadd.s32 $0xFFFFEC00  }
0x30: {  	[hbm4b:s9+s24] =	stream.strided.scatter [tilespmem:s20], [sflag:$0x4], $0x1400, s25, s24, $0x38;
	[tilespmem:$0x5FA0] =	vst v63  }
0x31: {  	_ = 	snop  }
0x32: {  	[hbm4b:s10+s24] =	stream.strided.scatter [tilespmem:s22], [sflag:$0x4], $0x1400, s25, s24, $0x38;
	[tilespmem:$0x5FA0] =	vst v63  }
0x33: {  	_ =	swait.ge [sflag:s28], $0x1400  }
0x34: {  	[sflag:s28] =	ssyncset.done $0x0  }
0x35: {  	[sflag:s28] =	ssyncadd.s32 $0xFFFFEC00  }
0x36: {  	_ =	swait.ge [sflag:s28], $0x1400  }
0x37: {  	[sflag:s28] =	ssyncset.done $0x0  }
0x38: {  	s21 =	simm.s32 $0xA0;
	[sflag:s28] =	ssyncadd.s32 $0xFFFFEC00  }
0x39: {  	[tilespmem:s18], [sflag:$0x1] =	stream.indirect.gather [hbm4b:s2+s17], $0x40, s21, s17, $0xb8;
	[tilespmem:$0x5FA0] =	vst v63  }
0x3a: {  	s30 =	simm.s32 $0x870  }
0x3b: {  	[tilespmem:s19], [sflag:$0x1] =	stream.indirect.gather [hbm4b:s4+s17], $0x40, s30, s17, $0xb8;
	[tilespmem:$0x5FA0] =	vst v63  }
0x3c: {  	_ =	swait.ge [sflag:s31], $0x1400  }
0x3d: {  	[sflag:s31] =	ssyncset.done $0x0  }
0x3e: {  	[sflag:s31] =	ssyncadd.s32 $0xFFFFEC00  }
0x3f: {  	_ =	swait.ge [sflag:s31], $0x1400  }
0x40: {  	[sflag:s31] =	ssyncset.done $0x0  }
0x41: {  	s21 =	simm.s32 $0xF0;
	[sflag:s31] =	ssyncadd.s32 $0xFFFFEC00  }
0x42: {  	[tilespmem:s20], [sflag:$0x3] =	stream.indirect.gather [hbm4b:s2+s17], $0x40, s21, s17, $0xb8;
	[tilespmem:$0x5FA0] =	vst v63  }
0x43: {  	s30 =	simm.s32 $0x8C0  }
0x44: {  	[tilespmem:s22], [sflag:$0x3] =	stream.indirect.gather [hbm4b:s4+s17], $0x40, s30, s17, $0xb8;
	[tilespmem:$0x5FA0] =	vst v63  }
0x45: {  	_ =	swait.ge [sflag:s23], $0x1400  }
0x46: {  	[sflag:s23] =	ssyncset.done $0x0  }
0x47: {  	[sflag:s23] =	ssyncadd.s32 $0xFFFFEC00  }
0x48: {  	_ =	swait.ge [sflag:s23], $0x1400  }
0x49: {  	[sflag:s23] =	ssyncset.done $0x0  }
0x4a: {  	[sflag:s23] =	ssyncadd.s32 $0xFFFFEC00  }
0x4b: {  	[hbm4b:s14+s24] =	stream.strided.scatter [tilespmem:s18], [sflag:$0x2], $0x1400, s25, s24, $0x38;
	[tilespmem:$0x5FA0] =	vst v63  }
0x4c: {  	s21 =	sadd.s32 $0x8, s14  }
0x4d: {  	[hbm4b:s21+s24] =	stream.strided.scatter [tilespmem:s19], [sflag:$0x2], $0x1400, s25, s24, $0x38;
	[tilespmem:$0x5FA0] =	vst v63  }
0x4e: {  	_ =	swait.ge [sflag:s26], $0x1400  }
0x4f: {  	[sflag:s26] =	ssyncset.done $0x0  }
0x50: {  	[sflag:s26] =	ssyncadd.s32 $0xFFFFEC00  }
0x51: {  	_ =	swait.ge [sflag:s26], $0x1400  }
0x52: {  	[sflag:s26] =	ssyncset.done $0x0  }
0x53: {  	s30 =	sadd.s32 $0x500, s14;
	[sflag:s26] =	ssyncadd.s32 $0xFFFFEC00  }
0x54: {  	[hbm4b:s30+s24] =	stream.strided.scatter [tilespmem:s20], [sflag:$0x4], $0x1400, s25, s24, $0x38;
	[tilespmem:$0x5FA0] =	vst v63  }
0x55: {  	s21 =	sadd.s32 $0x508, s14  }
0x56: {  	[hbm4b:s21+s24] =	stream.strided.scatter [tilespmem:s22], [sflag:$0x4], $0x1400, s25, s24, $0x38;
	[tilespmem:$0x5FA0] =	vst v63  }
0x57: {  	_ =	swait.ge [sflag:s28], $0x1400  }
0x58: {  	[sflag:s28] =	ssyncset.done $0x0  }
0x59: {  	[sflag:s28] =	ssyncadd.s32 $0xFFFFEC00  }
0x5a: {  	_ =	swait.ge [sflag:s28], $0x1400  }
0x5b: {  	s29 =	simm.s32 $0x910;
	s0 =	simm.s32 $0x280;
	[sflag:s28] =	ssyncset.done $0x0  }
0x5c: {  	s30 =	simm.s32 $0x140;
	s21 =	sadd.s32 $0xA00, s14;
	[sflag:s28] =	ssyncadd.s32 $0xFFFFEC00  }
0x5d: {  	[tilespmem:s18], [sflag:$0x1] =	stream.indirect.gather [hbm4b:s2+s17], $0x40, s30, s17, $0xb8;
	[tilespmem:$0x5FA0] =	vst v63  }
.LBB2_2:
0x5e: {  	[tilespmem:s19], [sflag:$0x1] =	stream.indirect.gather [hbm4b:s4+s17], $0x40, s29, s17, $0xb8;
	[tilespmem:$0x5FA0] =	vst v63  }
0x5f: {  	s29 =	smov.u32 s0  }
0x60: {  	p0 =	sne.s32 s0, $0x1900;
	s0 =	sadd.s32 $0x280, s0;
	_ =	swait.ge [sflag:s31], $0x1400  }
0x61: {  	[sflag:s31] =	ssyncset.done $0x0  }
0x62: {  	[sflag:s31] =	ssyncadd.s32 $0xFFFFEC00  }
0x63: {  	_ =	swait.ge [sflag:s31], $0x1400  }
0x64: {  	s29 =	sshra.s32 s29, $0x2;
	[sflag:s31] =	ssyncset.done $0x0  }
0x65: {  	s30 =	sadd.s32 $0xF0, s29;
	[sflag:s31] =	ssyncadd.s32 $0xFFFFEC00  }
0x66: {  	[tilespmem:s20], [sflag:$0x3] =	stream.indirect.gather [hbm4b:s2+s17], $0x40, s30, s17, $0xb8;
	[tilespmem:$0x5FA0] =	vst v63  }
0x67: {  	s30 =	sadd.s32 $0x8C0, s29  }
0x68: {  	[tilespmem:s22], [sflag:$0x3] =	stream.indirect.gather [hbm4b:s4+s17], $0x40, s30, s17, $0xb8;
	[tilespmem:$0x5FA0] =	vst v63  }
0x69: {  	_ =	swait.ge [sflag:s23], $0x1400  }
0x6a: {  	[sflag:s23] =	ssyncset.done $0x0  }
0x6b: {  	[sflag:s23] =	ssyncadd.s32 $0xFFFFEC00  }
0x6c: {  	_ =	swait.ge [sflag:s23], $0x1400  }
0x6d: {  	[sflag:s23] =	ssyncset.done $0x0  }
0x6e: {  	[sflag:s23] =	ssyncadd.s32 $0xFFFFEC00  }
0x6f: {  	[hbm4b:s21+s24] =	stream.strided.scatter [tilespmem:s18], [sflag:$0x2], $0x1400, s25, s24, $0x38;
	[tilespmem:$0x5FA0] =	vst v63  }
0x70: {  	s30 =	sadd.s32 $0x8, s21  }
0x71: {  	[hbm4b:s30+s24] =	stream.strided.scatter [tilespmem:s19], [sflag:$0x2], $0x1400, s25, s24, $0x38;
	[tilespmem:$0x5FA0] =	vst v63  }
0x72: {  	_ =	swait.ge [sflag:s26], $0x1400  }
0x73: {  	[sflag:s26] =	ssyncset.done $0x0  }
0x74: {  	[sflag:s26] =	ssyncadd.s32 $0xFFFFEC00  }
0x75: {  	_ =	swait.ge [sflag:s26], $0x1400  }
0x76: {  	[sflag:s26] =	ssyncset.done $0x0  }
0x77: {  	s30 =	sadd.s32 $0x500, s21;
	[sflag:s26] =	ssyncadd.s32 $0xFFFFEC00  }
0x78: {  	[hbm4b:s30+s24] =	stream.strided.scatter [tilespmem:s20], [sflag:$0x4], $0x1400, s25, s24, $0x38;
	[tilespmem:$0x5FA0] =	vst v63  }
0x79: {  	s30 =	sadd.s32 $0x508, s21  }
0x7a: {  	[hbm4b:s30+s24] =	stream.strided.scatter [tilespmem:s22], [sflag:$0x4], $0x1400, s25, s24, $0x38;
	[tilespmem:$0x5FA0] =	vst v63  }
0x7b: {  	_ =	swait.ge [sflag:s28], $0x1400  }
0x7c: {  	[sflag:s28] =	ssyncset.done $0x0  }
0x7d: {  	[sflag:s28] =	ssyncadd.s32 $0xFFFFEC00  }
.Ltmp0:
0x7e: {  	_ =	swait.ge [sflag:s28], $0x1400;
	(pc) =	sbr.rel @p0 .LBB2_2-.Ltmp0, $4  }
0x7f: {  	[sflag:s28] =	ssyncset.done $0x0  }
0x80: {  	s30 =	sadd.s32 $0x140, s29;
	[sflag:s28] =	ssyncadd.s32 $0xFFFFEC00  }
0x81: {  	[tilespmem:s18], [sflag:$0x1] =	stream.indirect.gather [hbm4b:s2+s17], $0x40, s30, s17, $0xb8;
	[tilespmem:$0x5FA0] =	vst v63  }
0x82: {  	s21 =	sadd.s32 $0xA00, s21;
	s29 =	sadd.s32 $0x910, s29  }
0x83: {  	[tilespmem:s19], [sflag:$0x1] =	stream.indirect.gather [hbm4b:s4+s17], $0x40, s29, s17, $0xb8;
	[tilespmem:$0x5FA0] =	vst v63  }
0x84: {  	_ =	swait.ge [sflag:s23], $0x1400  }
0x85: {  	[sflag:s23] =	ssyncset.done $0x0  }
0x86: {  	[sflag:s23] =	ssyncadd.s32 $0xFFFFEC00  }
0x87: {  	_ =	swait.ge [sflag:s23], $0x1400  }
0x88: {  	[sflag:s23] =	ssyncset.done $0x0  }
0x89: {  	[sflag:s23] =	ssyncadd.s32 $0xFFFFEC00  }
0x8a: {  	[hbm4b:s11+s24] =	stream.strided.scatter [tilespmem:s18], [sflag:$0x2], $0x1400, s25, s24, $0x38;
	[tilespmem:$0x5FA0] =	vst v63  }
0x8b: {  	_ = 	snop  }
0x8c: {  	[hbm4b:s12+s24] =	stream.strided.scatter [tilespmem:s19], [sflag:$0x2], $0x1400, s25, s24, $0x38;
	[tilespmem:$0x5FA0] =	vst v63  }
0x8d: {  	_ =	swait.ge [sflag:s28], $0x1400  }
0x8e: {  	[sflag:s28] =	ssyncset.done $0x0  }
0x8f: {  	[sflag:s28] =	ssyncadd.s32 $0xFFFFEC00  }
0x90: {  	_ =	swait.ge [sflag:s28], $0x1400  }
0x91: {  	[sflag:s28] =	ssyncset.done $0x0  }
0x92: {  	s1 =	sadd.s32 $0x1, s1;
	[sflag:s28] =	ssyncadd.s32 $0xFFFFEC00  }
0x93: {  	p0 =	sne.s32 s1, s13;
	_ =	swait.ge [sflag:s31], $0x1400  }
.Ltmp1:
0x94: {  	[sflag:s31] =	ssyncset.done $0x0;
	(pc) =	sbr.rel @p0 .LBB2_1-.Ltmp1, $4  }
0x95: {  	[sflag:s31] =	ssyncadd.s32 $0xFFFFEC00  }
0x96: {  	_ =	swait.ge [sflag:s31], $0x1400  }
0x97: {  	[sflag:s31] =	ssyncset.done $0x0  }
0x98: {  	[sflag:s31] =	ssyncadd.s32 $0xFFFFEC00  }
0x99: {  	_ =	sfence.sel $0x180000  }
0x9a: {  	[bflag:$0x0] =	sbarrier.arrive $0xFFFF  }
0x9b: {  	_ =	strace $0x9000004D  }
0x9c: {  	s0 =	stileid.u32;
	[bflag:$0x2] =	sbarrier.arrive $0xFFFF  }
0x9d: {  	p0 =	sne.s32 s0, $0x0;
	s0 =	rddreg [dreg:$0x2]  }
0x9e: {  	s0 =	sadd.s32 @!p0 $0x100000, s0  }
0x9f: {  	[sflag:s0] =	ssyncadd.tile.s32 @!p0 $0x1;
	_ =	shalt  }
.Lfunc_end2:
_tile_overlayer_lowered:
.L_overlay_start_2:
0xa0: {  	(tag) =	ssettag $0x2  }
0xa1: {  	s0 =	rddreg [dreg:$0x0];
	s2 =	stileid.u32  }
0xa2: {  	s1 =	rddreg [dreg:$0x1];
	p0 =	sne.s32 s2, $0x0  }
0xa3: {  	s3 =	rddreg [dreg:$0x2];
	[bflag:$0x3] =	sbarrier.arrive $0xFFFF;
	s2 =	simm.s32 @!p0 $0x1C05  }
0xa4: {  	[timem:s3], [sflag:s2] =	dma.local @!p0 [hbm:s0], s1  }
0xa5: {  	s0 =	simm.s32 @!p0 $0x5  }
0xa6: {  	_ =	swait.ge @!p0 [sflag:s0], s1  }
0xa7: {  	s1 =	ssub.s32 @!p0 $0x0, s1;
	[sflag:s0] =	ssyncset.done @!p0 $0x0  }
0xa8: {  	[sflag:s0] =	ssyncadd.s32 @!p0 s1  }
0xa9: {  	[bflag:$0x3] =	sbarrier.arrive $0xFFFF  }
0xaa: {  	_ =	shalt  }

// kernel: kernel.22.cloned.1.call-start
scs
__scs_entry_jumppad:
0x0: {  	(pc) =	sbr.rel $0x88, $3  }
0x1: {  	(tag) =	ssettag $0x0;
	lr =	simm.s32 $0x1  }
0x2: {  	[smem:$0x3F98] =	sst lr;
	_ =	strace $0xD0000000  }
0x3: {  	_ = 	snop  }
0x4: {  	_ = 	snop  }
0x5: {  	_ = 	snop  }
0x6: {  	_ = 	snop  }
0x7: {  	_ = 	snop  }
__scs_overlays_trampoline_lowered:
0x8: {  	[smem:$0x3FA7] =	sst s0  }
0x9: {  	[smem:$0x3FA8] =	sst s1  }
0xa: {  	[smem:$0x3FA9] =	sst s2  }
0xb: {  	[smem:$0x3FAA] =	sst s3  }
0xc: {  	[smem:$0x3FAB] =	sst s4  }
0xd: {  	[smem:$0x3FAC] =	sst s5  }
0xe: {  	[smem:$0x3FAD] =	sst s6  }
0xf: {  	[smem:$0x3FAE] =	sst s7  }
0x10: {  	[smem:$0x3FAF] =	sst s8  }
0x11: {  	[smem:$0x3FB0] =	sst s9;
	s0 =	simm.s32 @!p0 $0x0  }
0x12: {  	s1 =	sld [smem:$0x3F96];
	s0 =	simm.s32 @p0 $0x1  }
0x13: {  	[smem:$0x3FB1] =	sst s0;
	s0 =	simm.s32 @!p1 $0x0  }
0x14: {  	s2 =	sld [smem:$0x3F95];
	s0 =	simm.s32 @p1 $0x1  }
0x15: {  	[smem:$0x3FB2] =	sst s0;
	s0 =	simm.s32 @!p2 $0x0  }
0x16: {  	s3 =	sld [smem:$0x3FDB];
	s0 =	simm.s32 @p2 $0x1  }
0x17: {  	s4 =	simm.s32 $0x1BF5;
	[smem:$0x3FB4] =	sst s0  }
0x18: {  	s0 =	sld [smem:$0x3F97];
	_ =	swait.ge [sflag:s4], $0x0  }
0x19: {  	s7 =	sld [smem:$0x3F98]  }
0x1a: {  	s8 =	sadd.s32 $0xFFFFE003, lr  }
0x1b: {  	s9 =	sadd.s32 $0xFFFFFEF7, lr;
	s5 =	simm.s32 $0xFFFFFFFF;
	p2 =	slt.u32 s8, $0xFFFFF086  }
0x1c: {  	p1 =	slt.u32 s9, $0xF7A;
	s5 =	simm.s32 @!p2 $0x0  }
0x1d: {  	s5 =	simm.s32 @p1 $0x1;
	p0 =	seq.s32 s7, s2  }
0x1e: {  	s7 =	smul.u32 @!p0 $0xF7A, s2;
	p2 =	seq.s32 @!p0 s5, $0x0  }
0x1f: {  	s9 =	smul.u32 $0xF7A, s1;
	s8 =	simm.s32 @!p0 $0x1BF5;
	p2 =	por !p2, p0  }
0x20: {  	[sflag:s8] =	ssyncset.s32 @!p0 $0xFFFFF086;
	s6 =	sadd.s32 @!p0 s3, s7;
	s7 =	simm.s32 @!p0 $0x108  }
0x21: {  	s3 =	sadd.s32 s3, s9;
	s6 =	sadd.s32 @!p0 $0x88, s6;
	s7 =	simm.s32 @p2 $0x1082  }
0x22: {  	[simem:s7], [sflag:s8] =	dma.local @!p0 [hbm:s6], $0xF7A  }
0x23: {  	s9 =	sor.u32 $0xD0000000, s2;
	s6 =	simm.s32 $0x108;
	_ =	swait.ge @!p0 [sflag:s8], $0x0  }
0x24: {  	s3 =	sadd.s32 $0x88, s3;
	s6 =	simm.s32 @!p1 $0x1082;
	[sflag:s4] =	ssyncset.s32 $0xFFFFF086  }
0x25: {  	[simem:s6], [sflag:s4] =	dma.local [hbm:s3], $0xF7A  }
0x26: {  	[smem:$0x3F98] =	sst s1;
	(tag) =	ssettag s2;
	_ =	strace s9  }
0x27: {  	s1 =	sld [smem:$0x3FA8]  }
0x28: {  	s2 =	sld [smem:$0x3FA9]  }
0x29: {  	s4 =	sld [smem:$0x3FAB]  }
0x2a: {  	p0 =	seq.s32 s5, $0x0;
	s5 =	sld [smem:$0x3FAC]  }
0x2b: {  	s6 =	sld [smem:$0x3FAD]  }
0x2c: {  	s7 =	sld [smem:$0x3FAE]  }
0x2d: {  	s3 =	simm.s32 $0x108;
	s8 =	sld [smem:$0x3FAF]  }
0x2e: {  	s3 =	simm.s32 @!p0 $0x1082;
	s9 =	sld [smem:$0x3FB0]  }
0x2f: {  	lr =	sadd.s32 s0, s3;
	s0 =	sld [smem:$0x3FA7]  }
0x30: {  	s3 =	sld [smem:$0x3FAA]  }
0x31: {  	[smem:$0x3FB3] =	sst s10  }
0x32: {  	s10 =	sld [smem:$0x3FB1];
	_ =	sdelay $0x3  }
0x33: {  	p0 =	seq.s32 s10, $0x1;
	s10 =	sld [smem:$0x3FB3];
	_ =	sdelay $0x3  }
0x34: {  	[smem:$0x3FB3] =	sst s10  }
0x35: {  	s10 =	sld [smem:$0x3FB2];
	_ =	sdelay $0x3  }
0x36: {  	p1 =	seq.s32 s10, $0x1;
	s10 =	sld [smem:$0x3FB3];
	_ =	sdelay $0x3  }
0x37: {  	[smem:$0x3FB3] =	sst s10  }
0x38: {  	s10 =	sld [smem:$0x3FB4]  }
0x39: {  	_ = 	snop;
	(pc) =	sbr.ind lr, $3  }
0x3a: {  	_ = 	snop  }
0x3b: {  	_ = 	snop  }
0x3c: {  	p2 =	seq.s32 s10, $0x1;
	s10 =	sld [smem:$0x3FB3]  }
0x3d: {  	_ =	shalt  }
0x3e: {  	_ =	shalt  }
0x3f: {  	_ =	shalt  }
0x40: {  	_ =	shalt  }
0x41: {  	_ =	shalt  }
0x42: {  	_ =	shalt  }
0x43: {  	_ =	shalt  }
0x44: {  	_ =	shalt  }
0x45: {  	_ =	shalt  }
0x46: {  	_ =	shalt  }
0x47: {  	_ =	shalt  }
0x48: {  	_ =	shalt  }
0x49: {  	_ =	shalt  }
0x4a: {  	_ =	shalt  }
0x4b: {  	_ =	shalt  }
0x4c: {  	_ =	shalt  }
0x4d: {  	_ =	shalt  }
0x4e: {  	_ =	shalt  }
0x4f: {  	_ =	shalt  }
0x50: {  	_ =	shalt  }
0x51: {  	_ =	shalt  }
0x52: {  	_ =	shalt  }
0x53: {  	_ =	shalt  }
0x54: {  	_ =	shalt  }
0x55: {  	_ =	shalt  }
0x56: {  	_ =	shalt  }
0x57: {  	_ =	shalt  }
0x58: {  	_ =	shalt  }
0x59: {  	_ =	shalt  }
0x5a: {  	_ =	shalt  }
0x5b: {  	_ =	shalt  }
0x5c: {  	_ =	shalt  }
0x5d: {  	_ =	shalt  }
0x5e: {  	_ =	shalt  }
0x5f: {  	_ =	shalt  }
0x60: {  	_ =	shalt  }
0x61: {  	_ =	shalt  }
0x62: {  	_ =	shalt  }
0x63: {  	_ =	shalt  }
0x64: {  	_ =	shalt  }
0x65: {  	_ =	shalt  }
0x66: {  	_ =	shalt  }
0x67: {  	_ =	shalt  }
0x68: {  	_ =	shalt  }
0x69: {  	_ =	shalt  }
0x6a: {  	_ =	shalt  }
0x6b: {  	_ =	shalt  }
0x6c: {  	_ =	shalt  }
0x6d: {  	_ =	shalt  }
0x6e: {  	_ =	shalt  }
0x6f: {  	_ =	shalt  }
0x70: {  	_ =	shalt  }
0x71: {  	_ =	shalt  }
0x72: {  	_ =	shalt  }
0x73: {  	_ =	shalt  }
0x74: {  	_ =	shalt  }
0x75: {  	_ =	shalt  }
0x76: {  	_ =	shalt  }
0x77: {  	_ =	shalt  }
0x78: {  	_ =	shalt  }
0x79: {  	_ =	shalt  }
0x7a: {  	_ =	shalt  }
0x7b: {  	_ =	shalt  }
0x7c: {  	_ =	shalt  }
0x7d: {  	_ =	shalt  }
0x7e: {  	_ =	shalt  }
0x7f: {  	_ =	shalt  }
0x80: {  	_ =	shalt  }
0x81: {  	_ =	shalt  }
0x82: {  	_ =	shalt  }
0x83: {  	_ =	shalt  }
0x84: {  	_ =	shalt  }
0x85: {  	_ =	shalt  }
0x86: {  	_ =	shalt  }
0x87: {  	_ =	shalt  }
.Lfunc_end0:
.L_simem_size_0:
called_computation.3_lowered:
.L_overlay_start_0:
0x88: {  	s2 =	sld [smem:$0x3FD9]  }
0x89: {  	s3 =	sld [smem:$0x3FFE];
	_ =	sdelay $0x1  }
0x8a: {  	s1 =	srdreg.scid  }
0x8b: {  	s0 =	sand.u32 $0x1, s1  }
0x8c: {  	s17 =	sshll.u32 s0, $0xA;
	s2 =	sadd.s32 s3, s2  }
0x8d: {  	s2 =	sadd.s32 s2, s17  }
0x8e: {  	[smem:$0x3FBF] =	sst s2  }
0x8f: {  	_ = 	snop  }
0x90: {  	s18 =	sld [smem:$0x3FD0];
	(tm) =	ssettm $0x1  }
0x91: {  	s19 =	sld [smem:$0x3FFB];
	_ =	sdelay $0x3  }
0x92: {  	_ =	strace s19  }
0x93: {  	s2 =	sld [smem:$0x3FFC];
	_ =	sdelay $0x3  }
0x94: {  	_ =	strace s2  }
0x95: {  	s2 =	sld [smem:$0x3FFD];
	_ =	sdelay $0x3  }
0x96: {  	_ =	strace s2  }
0x97: {  	_ =	strace $0x8FFFFFFF  }
0x98: {  	s20 =	sld [smem:$0x3FDB];
	_ =	sdelay $0x1  }
0x99: {  	s4 =	simm.s32 $_scs_section_size  }
0x9a: {  	s5 =	simm.s32 $_size__tile_overlayer_lowered;
	s6 =	simm.s32 $_tile_overlayer_lowered  }
0x9b: {  	s7 =	simm.s32 $0x1BFF;
	s21 =	sshll.u32 s6, $0x1;
	s4 =	sadd.s32 s4, s20  }
0x9c: {  	s22 =	simm.s32 $0x0;
	s5 =	sshll.u32 s5, $0x1;
	s6 =	sadd.s32 s21, s4  }
0x9d: {  	[timem:s22], [sflag:s7] =	dma.local [hbm:s6], s5  }
0x9e: {  	_ =	swait.ge [sflag:s7], s5  }
0x9f: {  	s5 =	ssub.s32 $0x0, s5;
	[sflag:s7] =	ssyncset.done $0x0  }
0xa0: {  	[sflag:s7] =	ssyncadd.s32 s5;
	_ =	sdelay $0x1  }
0xa1: {  	s23 =	simm.s32 $0x1B8B  }
0xa2: {  	_ =	swait.ge [sflag:s23], $0x1  }
0xa3: {  	[sflag:s23] =	ssyncset.done $0x0  }
0xa4: {  	[sflag:s23] =	ssyncadd.s32 $0xFFFFFFFF  }
0xa5: {  	s5 =	sld [smem:$0x0]  }
0xa6: {  	s6 =	sand.u32 $0xFFFFFFFE, s1  }
0xa7: {  	p0 =	sne.s32 s1, s6  }
0xa8: {  	s6 =	sshll.u32 @p0 s6, $0xE  }
0xa9: {  	s6 =	sadd.s32 @p0 $0x11B8D, s6;
	s7 =	sshll.u32 @p0 s5, $0x11  }
0xaa: {  	s6 =	sor.u32 @p0 s7, s6  }
0xab: {  	[sflag:s6] =	ssyncadd.remote.s32 @p0 $0x1;
	_ =	sdelay $0x1  }
0xac: {  	s6 =	simm.s32 @p0 $0x1B8D  }
0xad: {  	_ =	swait.eq @p0 [sflag:s6], $0x1  }
0xae: {  	[sflag:s6] =	ssyncadd.s32 @p0 $0xFFFFFFFF  }
0xaf: {  	s7 =	sshll.u32 @!p0 s1, $0xE  }
0xb0: {  	s7 =	sor.u32 @!p0 $0x4000, s7;
	s6 =	simm.s32 @!p0 $0x1B8D  }
0xb1: {  	s5 =	sshll.u32 @!p0 s5, $0x11;
	s7 =	sadd.s32 @!p0 $0x11B8D, s7;
	_ =	swait.eq @!p0 [sflag:s6], $0x1  }
0xb2: {  	s5 =	sor.u32 @!p0 s5, s7;
	[sflag:s6] =	ssyncadd.s32 @!p0 $0xFFFFFFFF  }
0xb3: {  	s25 =	simm.s32 $0x1B8E;
	s24 =	sld [smem:$0x3FFE];
	[sflag:s5] =	ssyncadd.remote.s32 @!p0 $0x1  }
0xb4: {  	s26 =	simm.s32 $execute0_lowered;
	[smem:$0x3FD2] =	sst s25  }
0xb5: {  	s6 =	sshll.u32 s26, $0x1;
	_ =	strace $0x80000049;
	[dreg:$0x1] =	wrdreg $0xFFFFFFFF  }
0xb6: {  	s28 =	simm.s32 $_size_execute0_lowered;
	s4 =	sadd.s32 s4, s6;
	[dreg:$0x0] =	wrdreg $0x0  }
0xb7: {  	s6 =	sshll.u32 s28, $0x1;
	[dreg:$0x2] =	wrdreg s4  }
0xb8: {  	[dreg:$0x3] =	wrdreg s6  }
0xb9: {  	[dreg:$0x4] =	wrdreg $0xC0  }
0xba: {  	_ =	task [dreg:s22], $0x5FFFF  }
0xbb: {  	[dreg:$0x1] =	wrdreg $0xFFFFFFFF  }
0xbc: {  	[dreg:$0x0] =	wrdreg $0x60  }
0xbd: {  	[dreg:$0x2] =	wrdreg s18  }
0xbe: {  	[dreg:$0x3] =	wrdreg s24  }
0xbf: {  	[dreg:$0x4] =	wrdreg $0xC  }
0xc0: {  	_ =	task.clear_ibuf [dreg:s22], $0x5FFFF;
	_ =	strace $0x90000049  }
0xc1: {  	s29 =	simm.s32 $0xC;
	_ =	strace $0x8000004B  }
0xc2: {  	_ =	swait.ge [sflag:s29], $0x1  }
0xc3: {  	[sflag:s29] =	ssyncadd.s32 $0xFFFFFFFF  }
0xc4: {  	_ =	strace $0x9000004B  }
0xc5: {  	_ =	sfence  }
0xc6: {  	s30 =	sld [smem:$0x0];
	_ =	sdelay $0x2  }
0xc7: {  	s31 =	sshll.u32 s1, $0xD;
	s1 =	sshrl.u32 s1, $0x2  }
0xc8: {  	s4 =	sand.u32 $0x4000, s31;
	s1 =	sadd.s32 s1, s30  }
0xc9: {  	s0 =	sor.u32 s4, s0;
	s1 =	sshll.u32 s1, $0x11  }
0xca: {  	s0 =	sor.u32 s1, s0  }
0xcb: {  	s0 =	sadd.s32 $0x8F2B, s0  }
0xcc: {  	[sflag:s0] =	ssyncadd.remote.s32 $0x1  }
0xcd: {  	_ =	sfence.sel $0xFFFF  }
0xce: {  	[dreg:$0x0] =	wrdreg $0xFFFFFFFF;
	(pc) =	sbr.abs _section_cstart, $3  }
0xcf: {  	[dreg:$0x1] =	wrdreg $0xFFFFFFFF  }
0xd0: {  	_ =	task.clear_ibuf [dreg:s22], $0x2FFFF;
	_ =	strace $0x9FFFFFFF  }
0xd1: {  	(tm) =	ssettm $0x7FFFFFFF  }
tec
execute0_lowered:
.L_overlay_start_1:
0x0: {  	(tag) =	ssettag $0x1  }
0x1: {  	s2 =	rddreg [dreg:$0x0]  }
0x2: {  	s0 =	srdreg.scid;
	s9 =	stileid.u32  }
0x3: {  	s1 =	rddreg [dreg:$0x1];
	s3 =	simm.s32 $0x0;
	s15 =	simm.s32 $0x5  }
0x4: {  	s16 =	simm.s32 $0x7D0;
	s17 =	simm.s32 $0x50;
	s18 =	simm.s32 $0xFA0  }
0x5: {  	s19 =	simm.s32 $0x23A0;
	s20 =	simm.s32 $0x37A0;
	s22 =	simm.s32 $0x4BA0  }
0x6: {  	s23 =	simm.s32 $0x1;
	s24 =	simm.s32 $0x40;
	s25 =	simm.s32 $0x80  }
0x7: {  	s26 =	simm.s32 $0x3;
	s0 =	sand.u32 $0x1, s0;
	s4 =	sshll.u32 s9, $0x1  }
0x8: {  	s28 =	simm.s32 $0x2;
	s12 =	smul.u32 $0xFA00, s9;
	s5 =	sor.u32 s0, s4  }
0x9: {  	s31 =	simm.s32 $0x4;
	[smem:$0x7FF] =	sst s3;
	s6 =	smul.u32 $0x7D0, s5  }
0xa: {  	_ =	strace $0x8000004A;
	s7 =	ssub.s32 $0x2, s0;
	s8 =	smul.u32 $0x3E800, s5  }
0xb: {  	s4 =	sadd.s32 $0x1A00, s1;
	s0 =	smul.u32 $0x7D00, s0;
	s29 =	sshrl.u32 s7, $0x1  }
0xc: {  	s13 =	ssub.s32 s7, s29;
	s6 =	sshrl.u32 s6, $0x3;
	s30 =	sshrl.u32 s8, $0x3  }
0xd: {  	s13 =	smax.u32 s13, $0x1;
	s6 =	sadd.s32 s6, s1;
	s1 =	sadd.s32 $0x11F400, s1  }
0xe: {  	s5 =	sadd.s32 $0x1B400, s6;
	s6 =	sadd.s32 $0x19400, s6;
	s7 =	sadd.s32 s1, s30  }
0xf: {  	s1 =	sadd.s32 s12, s1;
	s8 =	sadd.s32 $0x8, s7;
	s9 =	sadd.s32 $0x500, s7  }
0x10: {  	s10 =	sadd.s32 $0x508, s7;
	s11 =	sadd.s32 $0x7800, s7;
	s0 =	sadd.s32 s0, s1  }
0x11: {  	s12 =	sadd.s32 $0x7808, s7;
	s1 =	simm.s32 $0x0;
	s14 =	sadd.s32 $0xA00, s0  }
.LBB2_1:
0x12: {  	[tilespmem:s3], [sflag:$0x5] =	stream.linear.gather [hbm4b:s5+s3], $0x7D0, $0x38;
	[tilespmem:$0x5FA0] =	vst v63  }
0x13: {  	_ =	swait.ge [sflag:s15], $0x7D0  }
0x14: {  	[sflag:s15] =	ssyncset.done $0x0  }
0x15: {  	[sflag:s15] =	ssyncadd.s32 $0xFFFFF830  }
0x16: {  	[tilespmem:s16], [sflag:$0x5] =	stream.linear.gather [hbm4b:s6+s3], $0x7D0, $0x38;
	[tilespmem:$0x5FA0] =	vst v63  }
0x17: {  	_ =	swait.ge [sflag:s15], $0x7D0  }
0x18: {  	[sflag:s15] =	ssyncset.done $0x0  }
0x19: {  	[sflag:s15] =	ssyncadd.s32 $0xFFFFF830  }
0x1a: {  	[tilespmem:s18], [sflag:$0x1] =	stream.indirect.gather [hbm4b:s2+s17], $0x40, s3, s17, $0xb8;
	[tilespmem:$0x5FA0] =	vst v63  }
0x1b: {  	_ = 	snop  }
0x1c: {  	[tilespmem:s19], [sflag:$0x1] =	stream.indirect.gather [hbm4b:s4+s17], $0x40, s16, s17, $0xb8;
	[tilespmem:$0x5FA0] =	vst v63  }
0x1d: {  	_ = 	snop  }
0x1e: {  	[tilespmem:s20], [sflag:$0x3] =	stream.indirect.gather [hbm4b:s2+s17], $0x40, s17, s17, $0xb8;
	[tilespmem:$0x5FA0] =	vst v63  }
0x1f: {  	s0 =	simm.s32 $0x820  }
0x20: {  	[tilespmem:s22], [sflag:$0x3] =	stream.indirect.gather [hbm4b:s4+s17], $0x40, s0, s17, $0xb8;
	[tilespmem:$0x5FA0] =	vst v63  }
0x21: {  	_ =	swait.ge [sflag:s23], $0x1400  }
0x22: {  	[sflag:s23] =	ssyncset.done $0x0  }
0x23: {  	[sflag:s23] =	ssyncadd.s32 $0xFFFFEC00  }
0x24: {  	_ =	swait.ge [sflag:s23], $0x1400  }
0x25: {  	[sflag:s23] =	ssyncset.done $0x0  }
0x26: {  	[sflag:s23] =	ssyncadd.s32 $0xFFFFEC00  }
0x27: {  	[hbm4b:s7+s24] =	stream.strided.scatter [tilespmem:s18], [sflag:$0x2], $0x1400, s25, s24, $0x38;
	[tilespmem:$0x5FA0] =	vst v63  }
0x28: {  	_ = 	snop  }
0x29: {  	[hbm4b:s8+s24] =	stream.strided.scatter [tilespmem:s19], [sflag:$0x2], $0x1400, s25, s24, $0x38;
	[tilespmem:$0x5FA0] =	vst v63  }
0x2a: {  	_ =	swait.ge [sflag:s26], $0x1400  }
0x2b: {  	[sflag:s26] =	ssyncset.done $0x0  }
0x2c: {  	[sflag:s26] =	ssyncadd.s32 $0xFFFFEC00  }
0x2d: {  	_ =	swait.ge [sflag:s26], $0x1400  }
0x2e: {  	[sflag:s26] =	ssyncset.done $0x0  }
0x2f: {  	[sflag:s26] =	ssyncadd.s32 $0xFFFFEC00  }
0x30: {  	[hbm4b:s9+s24] =	stream.strided.scatter [tilespmem:s20], [sflag:$0x4], $0x1400, s25, s24, $0x38;
	[tilespmem:$0x5FA0] =	vst v63  }
0x31: {  	_ = 	snop  }
0x32: {  	[hbm4b:s10+s24] =	stream.strided.scatter [tilespmem:s22], [sflag:$0x4], $0x1400, s25, s24, $0x38;
	[tilespmem:$0x5FA0] =	vst v63  }
0x33: {  	_ =	swait.ge [sflag:s28], $0x1400  }
0x34: {  	[sflag:s28] =	ssyncset.done $0x0  }
0x35: {  	[sflag:s28] =	ssyncadd.s32 $0xFFFFEC00  }
0x36: {  	_ =	swait.ge [sflag:s28], $0x1400  }
0x37: {  	[sflag:s28] =	ssyncset.done $0x0  }
0x38: {  	s21 =	simm.s32 $0xA0;
	[sflag:s28] =	ssyncadd.s32 $0xFFFFEC00  }
0x39: {  	[tilespmem:s18], [sflag:$0x1] =	stream.indirect.gather [hbm4b:s2+s17], $0x40, s21, s17, $0xb8;
	[tilespmem:$0x5FA0] =	vst v63  }
0x3a: {  	s30 =	simm.s32 $0x870  }
0x3b: {  	[tilespmem:s19], [sflag:$0x1] =	stream.indirect.gather [hbm4b:s4+s17], $0x40, s30, s17, $0xb8;
	[tilespmem:$0x5FA0] =	vst v63  }
0x3c: {  	_ =	swait.ge [sflag:s31], $0x1400  }
0x3d: {  	[sflag:s31] =	ssyncset.done $0x0  }
0x3e: {  	[sflag:s31] =	ssyncadd.s32 $0xFFFFEC00  }
0x3f: {  	_ =	swait.ge [sflag:s31], $0x1400  }
0x40: {  	[sflag:s31] =	ssyncset.done $0x0  }
0x41: {  	s21 =	simm.s32 $0xF0;
	[sflag:s31] =	ssyncadd.s32 $0xFFFFEC00  }
0x42: {  	[tilespmem:s20], [sflag:$0x3] =	stream.indirect.gather [hbm4b:s2+s17], $0x40, s21, s17, $0xb8;
	[tilespmem:$0x5FA0] =	vst v63  }
0x43: {  	s30 =	simm.s32 $0x8C0  }
0x44: {  	[tilespmem:s22], [sflag:$0x3] =	stream.indirect.gather [hbm4b:s4+s17], $0x40, s30, s17, $0xb8;
	[tilespmem:$0x5FA0] =	vst v63  }
0x45: {  	_ =	swait.ge [sflag:s23], $0x1400  }
0x46: {  	[sflag:s23] =	ssyncset.done $0x0  }
0x47: {  	[sflag:s23] =	ssyncadd.s32 $0xFFFFEC00  }
0x48: {  	_ =	swait.ge [sflag:s23], $0x1400  }
0x49: {  	[sflag:s23] =	ssyncset.done $0x0  }
0x4a: {  	[sflag:s23] =	ssyncadd.s32 $0xFFFFEC00  }
0x4b: {  	[hbm4b:s14+s24] =	stream.strided.scatter [tilespmem:s18], [sflag:$0x2], $0x1400, s25, s24, $0x38;
	[tilespmem:$0x5FA0] =	vst v63  }
0x4c: {  	s21 =	sadd.s32 $0x8, s14  }
0x4d: {  	[hbm4b:s21+s24] =	stream.strided.scatter [tilespmem:s19], [sflag:$0x2], $0x1400, s25, s24, $0x38;
	[tilespmem:$0x5FA0] =	vst v63  }
0x4e: {  	_ =	swait.ge [sflag:s26], $0x1400  }
0x4f: {  	[sflag:s26] =	ssyncset.done $0x0  }
0x50: {  	[sflag:s26] =	ssyncadd.s32 $0xFFFFEC00  }
0x51: {  	_ =	swait.ge [sflag:s26], $0x1400  }
0x52: {  	[sflag:s26] =	ssyncset.done $0x0  }
0x53: {  	s30 =	sadd.s32 $0x500, s14;
	[sflag:s26] =	ssyncadd.s32 $0xFFFFEC00  }
0x54: {  	[hbm4b:s30+s24] =	stream.strided.scatter [tilespmem:s20], [sflag:$0x4], $0x1400, s25, s24, $0x38;
	[tilespmem:$0x5FA0] =	vst v63  }
0x55: {  	s21 =	sadd.s32 $0x508, s14  }
0x56: {  	[hbm4b:s21+s24] =	stream.strided.scatter [tilespmem:s22], [sflag:$0x4], $0x1400, s25, s24, $0x38;
	[tilespmem:$0x5FA0] =	vst v63  }
0x57: {  	_ =	swait.ge [sflag:s28], $0x1400  }
0x58: {  	[sflag:s28] =	ssyncset.done $0x0  }
0x59: {  	[sflag:s28] =	ssyncadd.s32 $0xFFFFEC00  }
0x5a: {  	_ =	swait.ge [sflag:s28], $0x1400  }
0x5b: {  	s29 =	simm.s32 $0x910;
	s0 =	simm.s32 $0x280;
	[sflag:s28] =	ssyncset.done $0x0  }
0x5c: {  	s30 =	simm.s32 $0x140;
	s21 =	sadd.s32 $0xA00, s14;
	[sflag:s28] =	ssyncadd.s32 $0xFFFFEC00  }
0x5d: {  	[tilespmem:s18], [sflag:$0x1] =	stream.indirect.gather [hbm4b:s2+s17], $0x40, s30, s17, $0xb8;
	[tilespmem:$0x5FA0] =	vst v63  }
.LBB2_2:
0x5e: {  	[tilespmem:s19], [sflag:$0x1] =	stream.indirect.gather [hbm4b:s4+s17], $0x40, s29, s17, $0xb8;
	[tilespmem:$0x5FA0] =	vst v63  }
0x5f: {  	s29 =	smov.u32 s0  }
0x60: {  	p0 =	sne.s32 s0, $0x1900;
	s0 =	sadd.s32 $0x280, s0;
	_ =	swait.ge [sflag:s31], $0x1400  }
0x61: {  	[sflag:s31] =	ssyncset.done $0x0  }
0x62: {  	[sflag:s31] =	ssyncadd.s32 $0xFFFFEC00  }
0x63: {  	_ =	swait.ge [sflag:s31], $0x1400  }
0x64: {  	s29 =	sshra.s32 s29, $0x2;
	[sflag:s31] =	ssyncset.done $0x0  }
0x65: {  	s30 =	sadd.s32 $0xF0, s29;
	[sflag:s31] =	ssyncadd.s32 $0xFFFFEC00  }
0x66: {  	[tilespmem:s20], [sflag:$0x3] =	stream.indirect.gather [hbm4b:s2+s17], $0x40, s30, s17, $0xb8;
	[tilespmem:$0x5FA0] =	vst v63  }
0x67: {  	s30 =	sadd.s32 $0x8C0, s29  }
0x68: {  	[tilespmem:s22], [sflag:$0x3] =	stream.indirect.gather [hbm4b:s4+s17], $0x40, s30, s17, $0xb8;
	[tilespmem:$0x5FA0] =	vst v63  }
0x69: {  	_ =	swait.ge [sflag:s23], $0x1400  }
0x6a: {  	[sflag:s23] =	ssyncset.done $0x0  }
0x6b: {  	[sflag:s23] =	ssyncadd.s32 $0xFFFFEC00  }
0x6c: {  	_ =	swait.ge [sflag:s23], $0x1400  }
0x6d: {  	[sflag:s23] =	ssyncset.done $0x0  }
0x6e: {  	[sflag:s23] =	ssyncadd.s32 $0xFFFFEC00  }
0x6f: {  	[hbm4b:s21+s24] =	stream.strided.scatter [tilespmem:s18], [sflag:$0x2], $0x1400, s25, s24, $0x38;
	[tilespmem:$0x5FA0] =	vst v63  }
0x70: {  	s30 =	sadd.s32 $0x8, s21  }
0x71: {  	[hbm4b:s30+s24] =	stream.strided.scatter [tilespmem:s19], [sflag:$0x2], $0x1400, s25, s24, $0x38;
	[tilespmem:$0x5FA0] =	vst v63  }
0x72: {  	_ =	swait.ge [sflag:s26], $0x1400  }
0x73: {  	[sflag:s26] =	ssyncset.done $0x0  }
0x74: {  	[sflag:s26] =	ssyncadd.s32 $0xFFFFEC00  }
0x75: {  	_ =	swait.ge [sflag:s26], $0x1400  }
0x76: {  	[sflag:s26] =	ssyncset.done $0x0  }
0x77: {  	s30 =	sadd.s32 $0x500, s21;
	[sflag:s26] =	ssyncadd.s32 $0xFFFFEC00  }
0x78: {  	[hbm4b:s30+s24] =	stream.strided.scatter [tilespmem:s20], [sflag:$0x4], $0x1400, s25, s24, $0x38;
	[tilespmem:$0x5FA0] =	vst v63  }
0x79: {  	s30 =	sadd.s32 $0x508, s21  }
0x7a: {  	[hbm4b:s30+s24] =	stream.strided.scatter [tilespmem:s22], [sflag:$0x4], $0x1400, s25, s24, $0x38;
	[tilespmem:$0x5FA0] =	vst v63  }
0x7b: {  	_ =	swait.ge [sflag:s28], $0x1400  }
0x7c: {  	[sflag:s28] =	ssyncset.done $0x0  }
0x7d: {  	[sflag:s28] =	ssyncadd.s32 $0xFFFFEC00  }
.Ltmp0:
0x7e: {  	_ =	swait.ge [sflag:s28], $0x1400;
	(pc) =	sbr.rel @p0 .LBB2_2-.Ltmp0, $4  }
0x7f: {  	[sflag:s28] =	ssyncset.done $0x0  }
0x80: {  	s30 =	sadd.s32 $0x140, s29;
	[sflag:s28] =	ssyncadd.s32 $0xFFFFEC00  }
0x81: {  	[tilespmem:s18], [sflag:$0x1] =	stream.indirect.gather [hbm4b:s2+s17], $0x40, s30, s17, $0xb8;
	[tilespmem:$0x5FA0] =	vst v63  }
0x82: {  	s21 =	sadd.s32 $0xA00, s21;
	s29 =	sadd.s32 $0x910, s29  }
0x83: {  	[tilespmem:s19], [sflag:$0x1] =	stream.indirect.gather [hbm4b:s4+s17], $0x40, s29, s17, $0xb8;
	[tilespmem:$0x5FA0] =	vst v63  }
0x84: {  	_ =	swait.ge [sflag:s23], $0x1400  }
0x85: {  	[sflag:s23] =	ssyncset.done $0x0  }
0x86: {  	[sflag:s23] =	ssyncadd.s32 $0xFFFFEC00  }
0x87: {  	_ =	swait.ge [sflag:s23], $0x1400  }
0x88: {  	[sflag:s23] =	ssyncset.done $0x0  }
0x89: {  	[sflag:s23] =	ssyncadd.s32 $0xFFFFEC00  }
0x8a: {  	[hbm4b:s11+s24] =	stream.strided.scatter [tilespmem:s18], [sflag:$0x2], $0x1400, s25, s24, $0x38;
	[tilespmem:$0x5FA0] =	vst v63  }
0x8b: {  	_ = 	snop  }
0x8c: {  	[hbm4b:s12+s24] =	stream.strided.scatter [tilespmem:s19], [sflag:$0x2], $0x1400, s25, s24, $0x38;
	[tilespmem:$0x5FA0] =	vst v63  }
0x8d: {  	_ =	swait.ge [sflag:s28], $0x1400  }
0x8e: {  	[sflag:s28] =	ssyncset.done $0x0  }
0x8f: {  	[sflag:s28] =	ssyncadd.s32 $0xFFFFEC00  }
0x90: {  	_ =	swait.ge [sflag:s28], $0x1400  }
0x91: {  	[sflag:s28] =	ssyncset.done $0x0  }
0x92: {  	s1 =	sadd.s32 $0x1, s1;
	[sflag:s28] =	ssyncadd.s32 $0xFFFFEC00  }
0x93: {  	p0 =	sne.s32 s1, s13;
	_ =	swait.ge [sflag:s31], $0x1400  }
.Ltmp1:
0x94: {  	[sflag:s31] =	ssyncset.done $0x0;
	(pc) =	sbr.rel @p0 .LBB2_1-.Ltmp1, $4  }
0x95: {  	[sflag:s31] =	ssyncadd.s32 $0xFFFFEC00  }
0x96: {  	_ =	swait.ge [sflag:s31], $0x1400  }
0x97: {  	[sflag:s31] =	ssyncset.done $0x0  }
0x98: {  	[sflag:s31] =	ssyncadd.s32 $0xFFFFEC00  }
0x99: {  	_ =	sfence.sel $0x180000  }
0x9a: {  	[bflag:$0x0] =	sbarrier.arrive $0xFFFF  }
0x9b: {  	_ =	strace $0x9000004A  }
0x9c: {  	s0 =	stileid.u32;
	[bflag:$0x2] =	sbarrier.arrive $0xFFFF  }
0x9d: {  	p0 =	sne.s32 s0, $0x0;
	s0 =	rddreg [dreg:$0x2]  }
0x9e: {  	s0 =	sadd.s32 @!p0 $0x100000, s0  }
0x9f: {  	[sflag:s0] =	ssyncadd.tile.s32 @!p0 $0x1;
	_ =	shalt  }
.Lfunc_end2:
_tile_overlayer_lowered:
.L_overlay_start_2:
0xa0: {  	(tag) =	ssettag $0x2  }
0xa1: {  	s0 =	rddreg [dreg:$0x0];
	s2 =	stileid.u32  }
0xa2: {  	s1 =	rddreg [dreg:$0x1];
	p0 =	sne.s32 s2, $0x0  }
0xa3: {  	s3 =	rddreg [dreg:$0x2];
	[bflag:$0x3] =	sbarrier.arrive $0xFFFF;
	s2 =	simm.s32 @!p0 $0x1C05  }
0xa4: {  	[timem:s3], [sflag:s2] =	dma.local @!p0 [hbm:s0], s1  }
0xa5: {  	s0 =	simm.s32 @!p0 $0x5  }
0xa6: {  	_ =	swait.ge @!p0 [sflag:s0], s1  }
0xa7: {  	s1 =	ssub.s32 @!p0 $0x0, s1;
	[sflag:s0] =	ssyncset.done @!p0 $0x0  }
0xa8: {  	[sflag:s0] =	ssyncadd.s32 @!p0 s1  }
0xa9: {  	[bflag:$0x3] =	sbarrier.arrive $0xFFFF  }
0xaa: {  	_ =	shalt  }

// kernel: kernel.25.cloned.1.call-start
scs
__scs_entry_jumppad:
0x0: {  	(pc) =	sbr.rel $0x88, $3  }
0x1: {  	(tag) =	ssettag $0x0;
	lr =	simm.s32 $0x1  }
0x2: {  	[smem:$0x3F98] =	sst lr;
	_ =	strace $0xD0000000  }
0x3: {  	_ = 	snop  }
0x4: {  	_ = 	snop  }
0x5: {  	_ = 	snop  }
0x6: {  	_ = 	snop  }
0x7: {  	_ = 	snop  }
__scs_overlays_trampoline_lowered:
0x8: {  	[smem:$0x3FA7] =	sst s0  }
0x9: {  	[smem:$0x3FA8] =	sst s1  }
0xa: {  	[smem:$0x3FA9] =	sst s2  }
0xb: {  	[smem:$0x3FAA] =	sst s3  }
0xc: {  	[smem:$0x3FAB] =	sst s4  }
0xd: {  	[smem:$0x3FAC] =	sst s5  }
0xe: {  	[smem:$0x3FAD] =	sst s6  }
0xf: {  	[smem:$0x3FAE] =	sst s7  }
0x10: {  	[smem:$0x3FAF] =	sst s8  }
0x11: {  	[smem:$0x3FB0] =	sst s9;
	s0 =	simm.s32 @!p0 $0x0  }
0x12: {  	s1 =	sld [smem:$0x3F96];
	s0 =	simm.s32 @p0 $0x1  }
0x13: {  	[smem:$0x3FB1] =	sst s0;
	s0 =	simm.s32 @!p1 $0x0  }
0x14: {  	s2 =	sld [smem:$0x3F95];
	s0 =	simm.s32 @p1 $0x1  }
0x15: {  	[smem:$0x3FB2] =	sst s0;
	s0 =	simm.s32 @!p2 $0x0  }
0x16: {  	s3 =	sld [smem:$0x3FDB];
	s0 =	simm.s32 @p2 $0x1  }
0x17: {  	s4 =	simm.s32 $0x1BF5;
	[smem:$0x3FB4] =	sst s0  }
0x18: {  	s0 =	sld [smem:$0x3F97];
	_ =	swait.ge [sflag:s4], $0x0  }
0x19: {  	s7 =	sld [smem:$0x3F98]  }
0x1a: {  	s8 =	sadd.s32 $0xFFFFE003, lr  }
0x1b: {  	s9 =	sadd.s32 $0xFFFFFEF7, lr;
	s5 =	simm.s32 $0xFFFFFFFF;
	p2 =	slt.u32 s8, $0xFFFFF086  }
0x1c: {  	p1 =	slt.u32 s9, $0xF7A;
	s5 =	simm.s32 @!p2 $0x0  }
0x1d: {  	s5 =	simm.s32 @p1 $0x1;
	p0 =	seq.s32 s7, s2  }
0x1e: {  	s7 =	smul.u32 @!p0 $0xF7A, s2;
	p2 =	seq.s32 @!p0 s5, $0x0  }
0x1f: {  	s9 =	smul.u32 $0xF7A, s1;
	s8 =	simm.s32 @!p0 $0x1BF5;
	p2 =	por !p2, p0  }
0x20: {  	[sflag:s8] =	ssyncset.s32 @!p0 $0xFFFFF086;
	s6 =	sadd.s32 @!p0 s3, s7;
	s7 =	simm.s32 @!p0 $0x108  }
0x21: {  	s3 =	sadd.s32 s3, s9;
	s6 =	sadd.s32 @!p0 $0x88, s6;
	s7 =	simm.s32 @p2 $0x1082  }
0x22: {  	[simem:s7], [sflag:s8] =	dma.local @!p0 [hbm:s6], $0xF7A  }
0x23: {  	s9 =	sor.u32 $0xD0000000, s2;
	s6 =	simm.s32 $0x108;
	_ =	swait.ge @!p0 [sflag:s8], $0x0  }
0x24: {  	s3 =	sadd.s32 $0x88, s3;
	s6 =	simm.s32 @!p1 $0x1082;
	[sflag:s4] =	ssyncset.s32 $0xFFFFF086  }
0x25: {  	[simem:s6], [sflag:s4] =	dma.local [hbm:s3], $0xF7A  }
0x26: {  	[smem:$0x3F98] =	sst s1;
	(tag) =	ssettag s2;
	_ =	strace s9  }
0x27: {  	s1 =	sld [smem:$0x3FA8]  }
0x28: {  	s2 =	sld [smem:$0x3FA9]  }
0x29: {  	s4 =	sld [smem:$0x3FAB]  }
0x2a: {  	p0 =	seq.s32 s5, $0x0;
	s5 =	sld [smem:$0x3FAC]  }
0x2b: {  	s6 =	sld [smem:$0x3FAD]  }
0x2c: {  	s7 =	sld [smem:$0x3FAE]  }
0x2d: {  	s3 =	simm.s32 $0x108;
	s8 =	sld [smem:$0x3FAF]  }
0x2e: {  	s3 =	simm.s32 @!p0 $0x1082;
	s9 =	sld [smem:$0x3FB0]  }
0x2f: {  	lr =	sadd.s32 s0, s3;
	s0 =	sld [smem:$0x3FA7]  }
0x30: {  	s3 =	sld [smem:$0x3FAA]  }
0x31: {  	[smem:$0x3FB3] =	sst s10  }
0x32: {  	s10 =	sld [smem:$0x3FB1];
	_ =	sdelay $0x3  }
0x33: {  	p0 =	seq.s32 s10, $0x1;
	s10 =	sld [smem:$0x3FB3];
	_ =	sdelay $0x3  }
0x34: {  	[smem:$0x3FB3] =	sst s10  }
0x35: {  	s10 =	sld [smem:$0x3FB2];
	_ =	sdelay $0x3  }
0x36: {  	p1 =	seq.s32 s10, $0x1;
	s10 =	sld [smem:$0x3FB3];
	_ =	sdelay $0x3  }
0x37: {  	[smem:$0x3FB3] =	sst s10  }
0x38: {  	s10 =	sld [smem:$0x3FB4]  }
0x39: {  	_ = 	snop;
	(pc) =	sbr.ind lr, $3  }
0x3a: {  	_ = 	snop  }
0x3b: {  	_ = 	snop  }
0x3c: {  	p2 =	seq.s32 s10, $0x1;
	s10 =	sld [smem:$0x3FB3]  }
0x3d: {  	_ =	shalt  }
0x3e: {  	_ =	shalt  }
0x3f: {  	_ =	shalt  }
0x40: {  	_ =	shalt  }
0x41: {  	_ =	shalt  }
0x42: {  	_ =	shalt  }
0x43: {  	_ =	shalt  }
0x44: {  	_ =	shalt  }
0x45: {  	_ =	shalt  }
0x46: {  	_ =	shalt  }
0x47: {  	_ =	shalt  }
0x48: {  	_ =	shalt  }
0x49: {  	_ =	shalt  }
0x4a: {  	_ =	shalt  }
0x4b: {  	_ =	shalt  }
0x4c: {  	_ =	shalt  }
0x4d: {  	_ =	shalt  }
0x4e: {  	_ =	shalt  }
0x4f: {  	_ =	shalt  }
0x50: {  	_ =	shalt  }
0x51: {  	_ =	shalt  }
0x52: {  	_ =	shalt  }
0x53: {  	_ =	shalt  }
0x54: {  	_ =	shalt  }
0x55: {  	_ =	shalt  }
0x56: {  	_ =	shalt  }
0x57: {  	_ =	shalt  }
0x58: {  	_ =	shalt  }
0x59: {  	_ =	shalt  }
0x5a: {  	_ =	shalt  }
0x5b: {  	_ =	shalt  }
0x5c: {  	_ =	shalt  }
0x5d: {  	_ =	shalt  }
0x5e: {  	_ =	shalt  }
0x5f: {  	_ =	shalt  }
0x60: {  	_ =	shalt  }
0x61: {  	_ =	shalt  }
0x62: {  	_ =	shalt  }
0x63: {  	_ =	shalt  }
0x64: {  	_ =	shalt  }
0x65: {  	_ =	shalt  }
0x66: {  	_ =	shalt  }
0x67: {  	_ =	shalt  }
0x68: {  	_ =	shalt  }
0x69: {  	_ =	shalt  }
0x6a: {  	_ =	shalt  }
0x6b: {  	_ =	shalt  }
0x6c: {  	_ =	shalt  }
0x6d: {  	_ =	shalt  }
0x6e: {  	_ =	shalt  }
0x6f: {  	_ =	shalt  }
0x70: {  	_ =	shalt  }
0x71: {  	_ =	shalt  }
0x72: {  	_ =	shalt  }
0x73: {  	_ =	shalt  }
0x74: {  	_ =	shalt  }
0x75: {  	_ =	shalt  }
0x76: {  	_ =	shalt  }
0x77: {  	_ =	shalt  }
0x78: {  	_ =	shalt  }
0x79: {  	_ =	shalt  }
0x7a: {  	_ =	shalt  }
0x7b: {  	_ =	shalt  }
0x7c: {  	_ =	shalt  }
0x7d: {  	_ =	shalt  }
0x7e: {  	_ =	shalt  }
0x7f: {  	_ =	shalt  }
0x80: {  	_ =	shalt  }
0x81: {  	_ =	shalt  }
0x82: {  	_ =	shalt  }
0x83: {  	_ =	shalt  }
0x84: {  	_ =	shalt  }
0x85: {  	_ =	shalt  }
0x86: {  	_ =	shalt  }
0x87: {  	_ =	shalt  }
.Lfunc_end0:
.L_simem_size_0:
called_computation.4_lowered:
.L_overlay_start_0:
0x88: {  	s2 =	sld [smem:$0x3FD9]  }
0x89: {  	s3 =	sld [smem:$0x3FFE];
	_ =	sdelay $0x1  }
0x8a: {  	s1 =	srdreg.scid  }
0x8b: {  	s0 =	sand.u32 $0x1, s1  }
0x8c: {  	s17 =	sshll.u32 s0, $0xA;
	s2 =	sadd.s32 s3, s2  }
0x8d: {  	s2 =	sadd.s32 s2, s17  }
0x8e: {  	[smem:$0x3FBF] =	sst s2  }
0x8f: {  	_ = 	snop  }
0x90: {  	s2 =	sld [smem:$0x3FD0];
	(tm) =	ssettm $0x1  }
0x91: {  	s18 =	sld [smem:$0x3FFB];
	_ =	sdelay $0x3  }
0x92: {  	_ =	strace s18  }
0x93: {  	s3 =	sld [smem:$0x3FFC];
	_ =	sdelay $0x3  }
0x94: {  	_ =	strace s3  }
0x95: {  	s3 =	sld [smem:$0x3FFD];
	_ =	sdelay $0x3  }
0x96: {  	_ =	strace s3  }
0x97: {  	_ =	strace $0x8FFFFFFF  }
0x98: {  	s19 =	sld [smem:$0x3FDB];
	_ =	sdelay $0x1  }
0x99: {  	s4 =	simm.s32 $_scs_section_size  }
0x9a: {  	s5 =	simm.s32 $_size__tile_overlayer_lowered;
	s6 =	simm.s32 $_tile_overlayer_lowered  }
0x9b: {  	s22 =	simm.s32 $0x1BFF;
	s21 =	sshll.u32 s6, $0x1;
	s3 =	sadd.s32 s4, s19  }
0x9c: {  	s7 =	simm.s32 $0x0;
	s20 =	sshll.u32 s5, $0x1;
	s5 =	sadd.s32 s21, s3  }
0x9d: {  	[timem:s7], [sflag:s22] =	dma.local [hbm:s5], s20  }
0x9e: {  	_ =	swait.ge [sflag:s22], s20  }
0x9f: {  	s4 =	ssub.s32 $0x0, s20;
	[sflag:s22] =	ssyncset.done $0x0  }
0xa0: {  	[sflag:s22] =	ssyncadd.s32 s4;
	_ =	sdelay $0x1  }
0xa1: {  	s23 =	simm.s32 $0x1B8B  }
0xa2: {  	_ =	swait.ge [sflag:s23], $0x1  }
0xa3: {  	[sflag:s23] =	ssyncset.done $0x0  }
0xa4: {  	s25 =	simm.s32 $0x1B8E;
	s24 =	sld [smem:$0x3FFE];
	[sflag:s23] =	ssyncadd.s32 $0xFFFFFFFF  }
0xa5: {  	s26 =	simm.s32 $execute0_lowered;
	[smem:$0x3FD2] =	sst s25  }
0xa6: {  	s5 =	sshll.u32 s26, $0x1;
	_ =	strace $0x80000046;
	[dreg:$0x1] =	wrdreg $0xFFFFFFFF  }
0xa7: {  	s28 =	simm.s32 $_size_execute0_lowered;
	s3 =	sadd.s32 s3, s5;
	[dreg:$0x0] =	wrdreg $0x0  }
0xa8: {  	s5 =	sshll.u32 s28, $0x1;
	[dreg:$0x2] =	wrdreg s3  }
0xa9: {  	[dreg:$0x3] =	wrdreg s5  }
0xaa: {  	[dreg:$0x4] =	wrdreg $0xC0  }
0xab: {  	_ =	task [dreg:s7], $0x5FFFF  }
0xac: {  	[dreg:$0x1] =	wrdreg $0xFFFFFFFF  }
0xad: {  	[dreg:$0x0] =	wrdreg $0x60  }
0xae: {  	[dreg:$0x2] =	wrdreg s2  }
0xaf: {  	[dreg:$0x3] =	wrdreg s24  }
0xb0: {  	[dreg:$0x4] =	wrdreg $0xD  }
0xb1: {  	_ =	task.clear_ibuf [dreg:s7], $0x5FFFF;
	_ =	strace $0x90000046  }
0xb2: {  	s29 =	simm.s32 $0xD;
	_ =	strace $0x80000048  }
0xb3: {  	_ =	swait.ge [sflag:s29], $0x1  }
0xb4: {  	[sflag:s29] =	ssyncadd.s32 $0xFFFFFFFF  }
0xb5: {  	_ =	strace $0x90000048  }
0xb6: {  	_ =	sfence  }
0xb7: {  	s30 =	sld [smem:$0x0];
	_ =	sdelay $0x2  }
0xb8: {  	s31 =	sshll.u32 s1, $0xD;
	s1 =	sshrl.u32 s1, $0x2  }
0xb9: {  	s3 =	sand.u32 $0x4000, s31;
	s1 =	sadd.s32 s1, s30  }
0xba: {  	s0 =	sor.u32 s3, s0;
	s1 =	sshll.u32 s1, $0x11  }
0xbb: {  	s0 =	sor.u32 s1, s0  }
0xbc: {  	s0 =	sadd.s32 $0x8F2B, s0  }
0xbd: {  	[sflag:s0] =	ssyncadd.remote.s32 $0x1  }
0xbe: {  	_ =	sfence.sel $0xFFFF  }
0xbf: {  	[dreg:$0x0] =	wrdreg $0xFFFFFFFF;
	(pc) =	sbr.abs _section_cstart, $3  }
0xc0: {  	[dreg:$0x1] =	wrdreg $0xFFFFFFFF  }
0xc1: {  	_ =	task.clear_ibuf [dreg:s7], $0x2FFFF;
	_ =	strace $0x9FFFFFFF  }
0xc2: {  	(tm) =	ssettm $0x7FFFFFFF  }
0xc3: {  	_ =	shalt  }
tec
execute0_lowered:
.L_overlay_start_1:
0x0: {  	(tag) =	ssettag $0x1  }
0x1: {  	s2 =	rddreg [dreg:$0x0]  }
0x2: {  	s0 =	srdreg.scid;
	s9 =	stileid.u32  }
0x3: {  	s1 =	rddreg [dreg:$0x1];
	s3 =	simm.s32 $0x0;
	s15 =	simm.s32 $0x5  }
0x4: {  	s16 =	simm.s32 $0x7D0;
	s17 =	simm.s32 $0x50;
	s18 =	simm.s32 $0xFA0  }
0x5: {  	s19 =	simm.s32 $0x23A0;
	s20 =	simm.s32 $0x37A0;
	s22 =	simm.s32 $0x4BA0  }
0x6: {  	s23 =	simm.s32 $0x1;
	s24 =	simm.s32 $0x40;
	s25 =	simm.s32 $0x80  }
0x7: {  	s26 =	simm.s32 $0x3;
	s0 =	sand.u32 $0x1, s0;
	s4 =	sshll.u32 s9, $0x1  }
0x8: {  	s28 =	simm.s32 $0x2;
	s12 =	smul.u32 $0xFA00, s9;
	s5 =	sor.u32 s0, s4  }
0x9: {  	s31 =	simm.s32 $0x4;
	[smem:$0x7FF] =	sst s3;
	s6 =	smul.u32 $0x7D0, s5  }
0xa: {  	_ =	strace $0x80000047;
	s7 =	ssub.s32 $0x2, s0;
	s8 =	smul.u32 $0x3E800, s5  }
0xb: {  	s4 =	sadd.s32 $0x1A00, s1;
	s0 =	smul.u32 $0x7D00, s0;
	s29 =	sshrl.u32 s7, $0x1  }
0xc: {  	s13 =	ssub.s32 s7, s29;
	s6 =	sshrl.u32 s6, $0x3;
	s30 =	sshrl.u32 s8, $0x3  }
0xd: {  	s13 =	smax.u32 s13, $0x1;
	s6 =	sadd.s32 s6, s1;
	s1 =	sadd.s32 $0x25400, s1  }
0xe: {  	s5 =	sadd.s32 $0x17400, s6;
	s6 =	sadd.s32 $0x15400, s6;
	s7 =	sadd.s32 s1, s30  }
0xf: {  	s1 =	sadd.s32 s12, s1;
	s8 =	sadd.s32 $0x8, s7;
	s9 =	sadd.s32 $0x500, s7  }
0x10: {  	s10 =	sadd.s32 $0x508, s7;
	s11 =	sadd.s32 $0x7800, s7;
	s0 =	sadd.s32 s0, s1  }
0x11: {  	s12 =	sadd.s32 $0x7808, s7;
	s1 =	simm.s32 $0x0;
	s14 =	sadd.s32 $0xA00, s0  }
.LBB2_1:
0x12: {  	[tilespmem:s3], [sflag:$0x5] =	stream.linear.gather [hbm4b:s5+s3], $0x7D0, $0x38;
	[tilespmem:$0x5FA0] =	vst v63  }
0x13: {  	_ =	swait.ge [sflag:s15], $0x7D0  }
0x14: {  	[sflag:s15] =	ssyncset.done $0x0  }
0x15: {  	[sflag:s15] =	ssyncadd.s32 $0xFFFFF830  }
0x16: {  	[tilespmem:s16], [sflag:$0x5] =	stream.linear.gather [hbm4b:s6+s3], $0x7D0, $0x38;
	[tilespmem:$0x5FA0] =	vst v63  }
0x17: {  	_ =	swait.ge [sflag:s15], $0x7D0  }
0x18: {  	[sflag:s15] =	ssyncset.done $0x0  }
0x19: {  	[sflag:s15] =	ssyncadd.s32 $0xFFFFF830  }
0x1a: {  	[tilespmem:s18], [sflag:$0x1] =	stream.indirect.gather [hbm4b:s2+s17], $0x40, s3, s17, $0xb8;
	[tilespmem:$0x5FA0] =	vst v63  }
0x1b: {  	_ = 	snop  }
0x1c: {  	[tilespmem:s19], [sflag:$0x1] =	stream.indirect.gather [hbm4b:s4+s17], $0x40, s16, s17, $0xb8;
	[tilespmem:$0x5FA0] =	vst v63  }
0x1d: {  	_ = 	snop  }
0x1e: {  	[tilespmem:s20], [sflag:$0x3] =	stream.indirect.gather [hbm4b:s2+s17], $0x40, s17, s17, $0xb8;
	[tilespmem:$0x5FA0] =	vst v63  }
0x1f: {  	s0 =	simm.s32 $0x820  }
0x20: {  	[tilespmem:s22], [sflag:$0x3] =	stream.indirect.gather [hbm4b:s4+s17], $0x40, s0, s17, $0xb8;
	[tilespmem:$0x5FA0] =	vst v63  }
0x21: {  	_ =	swait.ge [sflag:s23], $0x1400  }
0x22: {  	[sflag:s23] =	ssyncset.done $0x0  }
0x23: {  	[sflag:s23] =	ssyncadd.s32 $0xFFFFEC00  }
0x24: {  	_ =	swait.ge [sflag:s23], $0x1400  }
0x25: {  	[sflag:s23] =	ssyncset.done $0x0  }
0x26: {  	[sflag:s23] =	ssyncadd.s32 $0xFFFFEC00  }
0x27: {  	[hbm4b:s7+s24] =	stream.strided.scatter [tilespmem:s18], [sflag:$0x2], $0x1400, s25, s24, $0x38;
	[tilespmem:$0x5FA0] =	vst v63  }
0x28: {  	_ = 	snop  }
0x29: {  	[hbm4b:s8+s24] =	stream.strided.scatter [tilespmem:s19], [sflag:$0x2], $0x1400, s25, s24, $0x38;
	[tilespmem:$0x5FA0] =	vst v63  }
0x2a: {  	_ =	swait.ge [sflag:s26], $0x1400  }
0x2b: {  	[sflag:s26] =	ssyncset.done $0x0  }
0x2c: {  	[sflag:s26] =	ssyncadd.s32 $0xFFFFEC00  }
0x2d: {  	_ =	swait.ge [sflag:s26], $0x1400  }
0x2e: {  	[sflag:s26] =	ssyncset.done $0x0  }
0x2f: {  	[sflag:s26] =	ssyncadd.s32 $0xFFFFEC00  }
0x30: {  	[hbm4b:s9+s24] =	stream.strided.scatter [tilespmem:s20], [sflag:$0x4], $0x1400, s25, s24, $0x38;
	[tilespmem:$0x5FA0] =	vst v63  }
0x31: {  	_ = 	snop  }
0x32: {  	[hbm4b:s10+s24] =	stream.strided.scatter [tilespmem:s22], [sflag:$0x4], $0x1400, s25, s24, $0x38;
	[tilespmem:$0x5FA0] =	vst v63  }
0x33: {  	_ =	swait.ge [sflag:s28], $0x1400  }
0x34: {  	[sflag:s28] =	ssyncset.done $0x0  }
0x35: {  	[sflag:s28] =	ssyncadd.s32 $0xFFFFEC00  }
0x36: {  	_ =	swait.ge [sflag:s28], $0x1400  }
0x37: {  	[sflag:s28] =	ssyncset.done $0x0  }
0x38: {  	s21 =	simm.s32 $0xA0;
	[sflag:s28] =	ssyncadd.s32 $0xFFFFEC00  }
0x39: {  	[tilespmem:s18], [sflag:$0x1] =	stream.indirect.gather [hbm4b:s2+s17], $0x40, s21, s17, $0xb8;
	[tilespmem:$0x5FA0] =	vst v63  }
0x3a: {  	s30 =	simm.s32 $0x870  }
0x3b: {  	[tilespmem:s19], [sflag:$0x1] =	stream.indirect.gather [hbm4b:s4+s17], $0x40, s30, s17, $0xb8;
	[tilespmem:$0x5FA0] =	vst v63  }
0x3c: {  	_ =	swait.ge [sflag:s31], $0x1400  }
0x3d: {  	[sflag:s31] =	ssyncset.done $0x0  }
0x3e: {  	[sflag:s31] =	ssyncadd.s32 $0xFFFFEC00  }
0x3f: {  	_ =	swait.ge [sflag:s31], $0x1400  }
0x40: {  	[sflag:s31] =	ssyncset.done $0x0  }
0x41: {  	s21 =	simm.s32 $0xF0;
	[sflag:s31] =	ssyncadd.s32 $0xFFFFEC00  }
0x42: {  	[tilespmem:s20], [sflag:$0x3] =	stream.indirect.gather [hbm4b:s2+s17], $0x40, s21, s17, $0xb8;
	[tilespmem:$0x5FA0] =	vst v63  }
0x43: {  	s30 =	simm.s32 $0x8C0  }
0x44: {  	[tilespmem:s22], [sflag:$0x3] =	stream.indirect.gather [hbm4b:s4+s17], $0x40, s30, s17, $0xb8;
	[tilespmem:$0x5FA0] =	vst v63  }
0x45: {  	_ =	swait.ge [sflag:s23], $0x1400  }
0x46: {  	[sflag:s23] =	ssyncset.done $0x0  }
0x47: {  	[sflag:s23] =	ssyncadd.s32 $0xFFFFEC00  }
0x48: {  	_ =	swait.ge [sflag:s23], $0x1400  }
0x49: {  	[sflag:s23] =	ssyncset.done $0x0  }
0x4a: {  	[sflag:s23] =	ssyncadd.s32 $0xFFFFEC00  }
0x4b: {  	[hbm4b:s14+s24] =	stream.strided.scatter [tilespmem:s18], [sflag:$0x2], $0x1400, s25, s24, $0x38;
	[tilespmem:$0x5FA0] =	vst v63  }
0x4c: {  	s21 =	sadd.s32 $0x8, s14  }
0x4d: {  	[hbm4b:s21+s24] =	stream.strided.scatter [tilespmem:s19], [sflag:$0x2], $0x1400, s25, s24, $0x38;
	[tilespmem:$0x5FA0] =	vst v63  }
0x4e: {  	_ =	swait.ge [sflag:s26], $0x1400  }
0x4f: {  	[sflag:s26] =	ssyncset.done $0x0  }
0x50: {  	[sflag:s26] =	ssyncadd.s32 $0xFFFFEC00  }
0x51: {  	_ =	swait.ge [sflag:s26], $0x1400  }
0x52: {  	[sflag:s26] =	ssyncset.done $0x0  }
0x53: {  	s30 =	sadd.s32 $0x500, s14;
	[sflag:s26] =	ssyncadd.s32 $0xFFFFEC00  }
0x54: {  	[hbm4b:s30+s24] =	stream.strided.scatter [tilespmem:s20], [sflag:$0x4], $0x1400, s25, s24, $0x38;
	[tilespmem:$0x5FA0] =	vst v63  }
0x55: {  	s21 =	sadd.s32 $0x508, s14  }
0x56: {  	[hbm4b:s21+s24] =	stream.strided.scatter [tilespmem:s22], [sflag:$0x4], $0x1400, s25, s24, $0x38;
	[tilespmem:$0x5FA0] =	vst v63  }
0x57: {  	_ =	swait.ge [sflag:s28], $0x1400  }
0x58: {  	[sflag:s28] =	ssyncset.done $0x0  }
0x59: {  	[sflag:s28] =	ssyncadd.s32 $0xFFFFEC00  }
0x5a: {  	_ =	swait.ge [sflag:s28], $0x1400  }
0x5b: {  	s29 =	simm.s32 $0x910;
	s0 =	simm.s32 $0x280;
	[sflag:s28] =	ssyncset.done $0x0  }
0x5c: {  	s30 =	simm.s32 $0x140;
	s21 =	sadd.s32 $0xA00, s14;
	[sflag:s28] =	ssyncadd.s32 $0xFFFFEC00  }
0x5d: {  	[tilespmem:s18], [sflag:$0x1] =	stream.indirect.gather [hbm4b:s2+s17], $0x40, s30, s17, $0xb8;
	[tilespmem:$0x5FA0] =	vst v63  }
.LBB2_2:
0x5e: {  	[tilespmem:s19], [sflag:$0x1] =	stream.indirect.gather [hbm4b:s4+s17], $0x40, s29, s17, $0xb8;
	[tilespmem:$0x5FA0] =	vst v63  }
0x5f: {  	s29 =	smov.u32 s0  }
0x60: {  	p0 =	sne.s32 s0, $0x1900;
	s0 =	sadd.s32 $0x280, s0;
	_ =	swait.ge [sflag:s31], $0x1400  }
0x61: {  	[sflag:s31] =	ssyncset.done $0x0  }
0x62: {  	[sflag:s31] =	ssyncadd.s32 $0xFFFFEC00  }
0x63: {  	_ =	swait.ge [sflag:s31], $0x1400  }
0x64: {  	s29 =	sshra.s32 s29, $0x2;
	[sflag:s31] =	ssyncset.done $0x0  }
0x65: {  	s30 =	sadd.s32 $0xF0, s29;
	[sflag:s31] =	ssyncadd.s32 $0xFFFFEC00  }
0x66: {  	[tilespmem:s20], [sflag:$0x3] =	stream.indirect.gather [hbm4b:s2+s17], $0x40, s30, s17, $0xb8;
	[tilespmem:$0x5FA0] =	vst v63  }
0x67: {  	s30 =	sadd.s32 $0x8C0, s29  }
0x68: {  	[tilespmem:s22], [sflag:$0x3] =	stream.indirect.gather [hbm4b:s4+s17], $0x40, s30, s17, $0xb8;
	[tilespmem:$0x5FA0] =	vst v63  }
0x69: {  	_ =	swait.ge [sflag:s23], $0x1400  }
0x6a: {  	[sflag:s23] =	ssyncset.done $0x0  }
0x6b: {  	[sflag:s23] =	ssyncadd.s32 $0xFFFFEC00  }
0x6c: {  	_ =	swait.ge [sflag:s23], $0x1400  }
0x6d: {  	[sflag:s23] =	ssyncset.done $0x0  }
0x6e: {  	[sflag:s23] =	ssyncadd.s32 $0xFFFFEC00  }
0x6f: {  	[hbm4b:s21+s24] =	stream.strided.scatter [tilespmem:s18], [sflag:$0x2], $0x1400, s25, s24, $0x38;
	[tilespmem:$0x5FA0] =	vst v63  }
0x70: {  	s30 =	sadd.s32 $0x8, s21  }
0x71: {  	[hbm4b:s30+s24] =	stream.strided.scatter [tilespmem:s19], [sflag:$0x2], $0x1400, s25, s24, $0x38;
	[tilespmem:$0x5FA0] =	vst v63  }
0x72: {  	_ =	swait.ge [sflag:s26], $0x1400  }
0x73: {  	[sflag:s26] =	ssyncset.done $0x0  }
0x74: {  	[sflag:s26] =	ssyncadd.s32 $0xFFFFEC00  }
0x75: {  	_ =	swait.ge [sflag:s26], $0x1400  }
0x76: {  	[sflag:s26] =	ssyncset.done $0x0  }
0x77: {  	s30 =	sadd.s32 $0x500, s21;
	[sflag:s26] =	ssyncadd.s32 $0xFFFFEC00  }
0x78: {  	[hbm4b:s30+s24] =	stream.strided.scatter [tilespmem:s20], [sflag:$0x4], $0x1400, s25, s24, $0x38;
	[tilespmem:$0x5FA0] =	vst v63  }
0x79: {  	s30 =	sadd.s32 $0x508, s21  }
0x7a: {  	[hbm4b:s30+s24] =	stream.strided.scatter [tilespmem:s22], [sflag:$0x4], $0x1400, s25, s24, $0x38;
	[tilespmem:$0x5FA0] =	vst v63  }
0x7b: {  	_ =	swait.ge [sflag:s28], $0x1400  }
0x7c: {  	[sflag:s28] =	ssyncset.done $0x0  }
0x7d: {  	[sflag:s28] =	ssyncadd.s32 $0xFFFFEC00  }
.Ltmp0:
0x7e: {  	_ =	swait.ge [sflag:s28], $0x1400;
	(pc) =	sbr.rel @p0 .LBB2_2-.Ltmp0, $4  }
0x7f: {  	[sflag:s28] =	ssyncset.done $0x0  }
0x80: {  	s30 =	sadd.s32 $0x140, s29;
	[sflag:s28] =	ssyncadd.s32 $0xFFFFEC00  }
0x81: {  	[tilespmem:s18], [sflag:$0x1] =	stream.indirect.gather [hbm4b:s2+s17], $0x40, s30, s17, $0xb8;
	[tilespmem:$0x5FA0] =	vst v63  }
0x82: {  	s21 =	sadd.s32 $0xA00, s21;
	s29 =	sadd.s32 $0x910, s29  }
0x83: {  	[tilespmem:s19], [sflag:$0x1] =	stream.indirect.gather [hbm4b:s4+s17], $0x40, s29, s17, $0xb8;
	[tilespmem:$0x5FA0] =	vst v63  }
0x84: {  	_ =	swait.ge [sflag:s23], $0x1400  }
0x85: {  	[sflag:s23] =	ssyncset.done $0x0  }
0x86: {  	[sflag:s23] =	ssyncadd.s32 $0xFFFFEC00  }
0x87: {  	_ =	swait.ge [sflag:s23], $0x1400  }
0x88: {  	[sflag:s23] =	ssyncset.done $0x0  }
0x89: {  	[sflag:s23] =	ssyncadd.s32 $0xFFFFEC00  }
0x8a: {  	[hbm4b:s11+s24] =	stream.strided.scatter [tilespmem:s18], [sflag:$0x2], $0x1400, s25, s24, $0x38;
	[tilespmem:$0x5FA0] =	vst v63  }
0x8b: {  	_ = 	snop  }
0x8c: {  	[hbm4b:s12+s24] =	stream.strided.scatter [tilespmem:s19], [sflag:$0x2], $0x1400, s25, s24, $0x38;
	[tilespmem:$0x5FA0] =	vst v63  }
0x8d: {  	_ =	swait.ge [sflag:s28], $0x1400  }
0x8e: {  	[sflag:s28] =	ssyncset.done $0x0  }
0x8f: {  	[sflag:s28] =	ssyncadd.s32 $0xFFFFEC00  }
0x90: {  	_ =	swait.ge [sflag:s28], $0x1400  }
0x91: {  	[sflag:s28] =	ssyncset.done $0x0  }
0x92: {  	s1 =	sadd.s32 $0x1, s1;
	[sflag:s28] =	ssyncadd.s32 $0xFFFFEC00  }
0x93: {  	p0 =	sne.s32 s1, s13;
	_ =	swait.ge [sflag:s31], $0x1400  }
.Ltmp1:
0x94: {  	[sflag:s31] =	ssyncset.done $0x0;
	(pc) =	sbr.rel @p0 .LBB2_1-.Ltmp1, $4  }
0x95: {  	[sflag:s31] =	ssyncadd.s32 $0xFFFFEC00  }
0x96: {  	_ =	swait.ge [sflag:s31], $0x1400  }
0x97: {  	[sflag:s31] =	ssyncset.done $0x0  }
0x98: {  	[sflag:s31] =	ssyncadd.s32 $0xFFFFEC00  }
0x99: {  	_ =	sfence.sel $0x180000  }
0x9a: {  	[bflag:$0x0] =	sbarrier.arrive $0xFFFF  }
0x9b: {  	_ =	strace $0x90000047  }
0x9c: {  	s0 =	stileid.u32;
	[bflag:$0x2] =	sbarrier.arrive $0xFFFF  }
0x9d: {  	p0 =	sne.s32 s0, $0x0;
	s0 =	rddreg [dreg:$0x2]  }
0x9e: {  	s0 =	sadd.s32 @!p0 $0x100000, s0  }
0x9f: {  	[sflag:s0] =	ssyncadd.tile.s32 @!p0 $0x1;
	_ =	shalt  }
.Lfunc_end2:
_tile_overlayer_lowered:
.L_overlay_start_2:
0xa0: {  	(tag) =	ssettag $0x2  }
0xa1: {  	s0 =	rddreg [dreg:$0x0];
	s2 =	stileid.u32  }
0xa2: {  	s1 =	rddreg [dreg:$0x1];
	p0 =	sne.s32 s2, $0x0  }
0xa3: {  	s3 =	rddreg [dreg:$0x2];
	[bflag:$0x3] =	sbarrier.arrive $0xFFFF;
	s2 =	simm.s32 @!p0 $0x1C05  }
0xa4: {  	[timem:s3], [sflag:s2] =	dma.local @!p0 [hbm:s0], s1  }
0xa5: {  	s0 =	simm.s32 @!p0 $0x5  }
0xa6: {  	_ =	swait.ge @!p0 [sflag:s0], s1  }
0xa7: {  	s1 =	ssub.s32 @!p0 $0x0, s1;
	[sflag:s0] =	ssyncset.done @!p0 $0x0  }
0xa8: {  	[sflag:s0] =	ssyncadd.s32 @!p0 s1  }
0xa9: {  	[bflag:$0x3] =	sbarrier.arrive $0xFFFF  }
0xaa: {  	_ =	shalt  }

</sc_bundles>
